<compile_context>
chip_gen: v7x
topology: tpu7x:2x2x1
jax: 0.10.2.dev20260603
libtpu: 0.0.44.dev20260713+nightly
codegen_flags: <defaults>
</compile_context>

<pallas_src>
import functools

import jax
import jax.numpy as jnp
from jax import lax
from jax.experimental import pallas as pl
from jax.experimental.pallas import tpu as pltpu
from jax.experimental.pallas import tpu_sc as plsc

N = 10000
D = 128
E = 320000
NC = 2
NS = 16
NW = NC * NS
CHUNK = 128
NCHUNK = E // CHUNK
CPW = 80
PADC = NW * CPW
PAD_E = PADC * CHUNK - E
RT_MAIN = 640
RT_LAST = N - 15 * RT_MAIN
ZROWS = 32
HALF = CPW // 2
TRASH = 256


def _make_segment_sum():
  mesh = plsc.VectorSubcoreMesh(
      core_axis_name="c", subcore_axis_name="s",
      num_cores=NC, num_subcores=NS)

  @functools.partial(
      pl.kernel,
      out_type=jax.ShapeDtypeStruct((NC, N, D), jnp.float32),
      mesh=mesh,
      scratch_types=[
          pltpu.VMEM((HALF, CHUNK), jnp.int32),
          pltpu.VMEM((HALF, CHUNK), jnp.int32),
          pltpu.VMEM((2, CHUNK, D), jnp.float32),
          pltpu.VMEM((ZROWS, D), jnp.float32),
          pltpu.VMEM_SHARED((N + TRASH, D), jnp.float32),
          pltpu.SemaphoreType.DMA,
          pltpu.SemaphoreType.DMA,
      ],
  )
  def segsum(h_hbm, src_hbm, dst_hbm, out_hbm,
             sidx, didx, rows, zbuf, acc, gsem0, gsem1):
    c = lax.axis_index("c")
    s = lax.axis_index("s")
    wid = s * NC + c
    gsem = (gsem0, gsem1)

    zv = jnp.zeros((16,), jnp.float32)

    @pl.loop(0, ZROWS)
    def _(r):
      @pl.loop(0, D // 16)
      def _(j):
        zbuf[r, pl.ds(j * 16, 16)] = zv

    base = s * RT_MAIN

    @pl.when(s < NS - 1)
    def _():
      for j in range(RT_MAIN // ZROWS):
        pltpu.sync_copy(zbuf, acc.at[pl.ds(base + j * ZROWS, ZROWS)])

    @pl.when(s == NS - 1)
    def _():
      zlast = N + TRASH - 15 * RT_MAIN
      for j in range(zlast // ZROWS):
        pltpu.sync_copy(zbuf, acc.at[pl.ds(base + j * ZROWS, ZROWS)])
      rem = zlast % ZROWS
      if rem:
        pltpu.sync_copy(zbuf.at[pl.ds(0, rem)],
                        acc.at[pl.ds(base + zlast - rem, rem)])

    plsc.subcore_barrier()

    c0 = wid * CPW

    def start(t, b):
      pltpu.async_copy(h_hbm.at[sidx.at[t]], rows.at[b], gsem[b])

    def consume(t, b):
      pltpu.make_async_copy(h_hbm.at[sidx.at[t]], rows.at[b], gsem[b]).wait()
      pltpu.sync_copy(rows.at[b], acc.at[didx.at[t]], add=True)

    for h0 in (0, HALF):
      pltpu.sync_copy(src_hbm.at[pl.ds(c0 + h0, HALF)], sidx)
      pltpu.sync_copy(dst_hbm.at[pl.ds(c0 + h0, HALF)], didx)
      start(0, 0)

      @pl.loop(0, HALF, step=2)
      def _(t):
        start(t + 1, 1)
        consume(t, 0)

        @pl.when(t + 2 < HALF)
        def _():
          start(t + 2, 0)

        consume(t + 1, 1)

    plsc.subcore_barrier()

    @pl.when(s < NS - 1)
    def _():
      sl = pl.ds(base, RT_MAIN)
      pltpu.sync_copy(acc.at[sl], out_hbm.at[c, sl])

    @pl.when(s == NS - 1)
    def _():
      sl = pl.ds(base, RT_LAST)
      pltpu.sync_copy(acc.at[sl], out_hbm.at[c, sl])

  return segsum


@functools.lru_cache(maxsize=1)
def _segment_sum_fn():
  return _make_segment_sum()


def _pad_edges(src, dst):
  ar = jnp.arange(PAD_E, dtype=jnp.int32)
  zpad = ar % N
  tpad = N + (ar % TRASH)
  srcp = jnp.concatenate([src, zpad]).reshape(PADC, CHUNK)
  dstp = jnp.concatenate([dst, tpad]).reshape(PADC, CHUNK)
  return srcp, dstp


def _segment_sum(h, src, dst):
  return _segment_sum_fn()(h, src, dst)


def _ln(t, g, b):
  m = jnp.mean(t, axis=-1, keepdims=True)
  v = jnp.mean((t - m) ** 2, axis=-1, keepdims=True)
  return (t - m) * lax.rsqrt(v + 1e-5) * g + b


def _dense_body(parts_ref, x_ref, norm_ref, w1_ref, b1_ref, g1_ref, be1_ref,
                w2_ref, b2_ref, g2_ref, be2_ref, out_ref, *, final):
  x = x_ref[...]
  agg = parts_ref[0] + parts_ref[1]
  hm = (agg - x) * norm_ref[...]
  t = (jnp.dot(hm, w1_ref[0:D, :], preferred_element_type=jnp.float32)
       + jnp.dot(x, w1_ref[D:2 * D, :], preferred_element_type=jnp.float32)
       + b1_ref[...])
  t = jnp.maximum(_ln(t, g1_ref[...], be1_ref[...]), 0.0)
  t = jnp.dot(t, w2_ref[...], preferred_element_type=jnp.float32) + b2_ref[...]
  if not final:
    t = jnp.maximum(_ln(t, g2_ref[...], be2_ref[...]), 0.0)
  out_ref[...] = t


def _dense(parts, x, norm, w1, b1, g1, be1, w2, b2, g2, be2, *, final):
  R = 1000
  grid = (N // R,)
  row = lambda i: (i, 0)
  full = lambda i: (0, 0)
  return pl.pallas_call(
      functools.partial(_dense_body, final=final),
      grid=grid,
      in_specs=[
          pl.BlockSpec((NC, R, D), lambda i: (0, i, 0)),
          pl.BlockSpec((R, D), row),
          pl.BlockSpec((R, 1), row),
          pl.BlockSpec((2 * D, D), full),
          pl.BlockSpec((1, D), full),
          pl.BlockSpec((1, D), full),
          pl.BlockSpec((1, D), full),
          pl.BlockSpec((D, D), full),
          pl.BlockSpec((1, D), full),
          pl.BlockSpec((1, D), full),
          pl.BlockSpec((1, D), full),
      ],
      out_specs=pl.BlockSpec((R, D), row),
      out_shape=jax.ShapeDtypeStruct((N, D), jnp.float32),
  )(parts, x, norm, w1, b1, g1, be1, w2, b2, g2, be2)


def kernel(x, edge_index, norm,
           W1_0, b1_0, g1_0, be1_0, W2_0, b2_0, g2_0, be2_0,
           W1_1, b1_1, g1_1, be1_1, W2_1, b2_1):
  src = edge_index[0].astype(jnp.int32)
  dst = edge_index[1].astype(jnp.int32)
  src, dst = _pad_edges(src, dst)
  r2 = lambda v: v.reshape(1, D)

  parts = _segment_sum(x, src, dst)
  h = _dense(parts, x, norm, W1_0, r2(b1_0), r2(g1_0), r2(be1_0),
             W2_0, r2(b2_0), r2(g2_0), r2(be2_0), final=False)
  parts = _segment_sum(h, src, dst)
  out = _dense(parts, h, norm, W1_1, r2(b1_1), r2(g1_1), r2(be1_1),
               W2_1, r2(b2_1), r2(g1_1), r2(be1_1), final=True)
  return out

# --- scband reference (transcript-rebuilt; emitter-appended) ---
"""Pipeline reference for scband-graph-sage-11811160064206 (READ-ONLY COPY).

The authoritative reference and input builder live on the scoring server;
editing this copy changes nothing except your own understanding.
"""

import jax, jax.numpy as jnp
import numpy as np

N = 10000
E = 320000
IN_FEATS = 128
HIDDEN = 128
N_CLASSES = 128


def _linear_init(key, fin, fout):
    k1, k2 = jax.random.split(key)
    lim = 1.0 / np.sqrt(fin)
    W = jax.random.uniform(k1, (fin, fout), jnp.float32, -lim, lim)
    b = jax.random.uniform(k2, (fout,), jnp.float32, -lim, lim)
    return W, b


def setup_inputs(seed: int = 0) -> dict:
    key = jax.random.key(seed)
    ks = jax.random.split(key, 8)
    inp = {}
    inp["x"] = jax.random.normal(ks[0], (N, IN_FEATS), dtype=jnp.float32)
    inp["edge_index"] = jax.random.randint(ks[1], (2, E), 0, N)
    inp["norm"] = jax.random.uniform(ks[2], (N, 1), dtype=jnp.float32)
    # Layer 0: GraphSAGELayer(2*in_feats -> hidden -> hidden), LN after each dense
    W1_0, b1_0 = _linear_init(ks[3], 2 * IN_FEATS, HIDDEN)
    W2_0, b2_0 = _linear_init(ks[4], HIDDEN, HIDDEN)
    inp["W1_0"], inp["b1_0"] = W1_0, b1_0
    inp["g1_0"] = jnp.ones((HIDDEN,), jnp.float32)
    inp["be1_0"] = jnp.zeros((HIDDEN,), jnp.float32)
    inp["W2_0"], inp["b2_0"] = W2_0, b2_0
    inp["g2_0"] = jnp.ones((HIDDEN,), jnp.float32)
    inp["be2_0"] = jnp.zeros((HIDDEN,), jnp.float32)
    # Layer 1 (last): GraphSAGELayer(2*hidden -> hidden -> n_classes), no final LN/relu
    W1_1, b1_1 = _linear_init(ks[5], 2 * HIDDEN, HIDDEN)
    W2_1, b2_1 = _linear_init(ks[6], HIDDEN, N_CLASSES)
    inp["W1_1"], inp["b1_1"] = W1_1, b1_1
    inp["g1_1"] = jnp.ones((HIDDEN,), jnp.float32)
    inp["be1_1"] = jnp.zeros((HIDDEN,), jnp.float32)
    inp["W2_1"], inp["b2_1"] = W2_1, b2_1
    return inp


def _layer_norm(h, g, b):
    m = jnp.mean(h, axis=-1, keepdims=True)
    v = jnp.mean((h - m) ** 2, axis=-1, keepdims=True)
    return (h - m) / jnp.sqrt(v + 1e-5) * g + b


def reference(x, edge_index, norm,
              W1_0, b1_0, g1_0, be1_0, W2_0, b2_0, g2_0, be2_0,
              W1_1, b1_1, g1_1, be1_1, W2_1, b2_1):
    src = edge_index[0]
    dst = edge_index[1]
    h = x
    # ---- NodeUpdate layer 0 (inference path) ----
    agg = jax.ops.segment_sum(h[src], dst, num_segments=N)
    self_h = h
    hm = (agg - self_h) * norm
    hc = jnp.concatenate([hm, self_h], axis=1)
    h = jnp.maximum(_layer_norm(hc @ W1_0 + b1_0, g1_0, be1_0), 0.0)
    h = jnp.maximum(_layer_norm(h @ W2_0 + b2_0, g2_0, be2_0), 0.0)
    # ---- NodeUpdate layer 1 (last, inference path) ----
    agg = jax.ops.segment_sum(h[src], dst, num_segments=N)
    self_h = h
    hm = (agg - self_h) * norm
    hc = jnp.concatenate([hm, self_h], axis=1)
    h = jnp.maximum(_layer_norm(hc @ W1_1 + b1_1, g1_1, be1_1), 0.0)
    h = h @ W2_1 + b2_1
    return h

if __name__ == "__main__":
    import jax
    _d = setup_inputs()
    print(jax.jit(kernel)(*tuple(_d.values())))

</pallas_src>

<mosaic_0001>
#map = affine_map<(d0, d1) -> (0, 0)>
#map1 = affine_map<(d0, d1) -> (0, 0, 0)>
module attributes {stable_mosaic.version = 14 : i64} {
  func.func @segsum(%arg0: i32, %arg1: i32, %arg2: memref<10000x128xf32, #tpu.memory_space<hbm>>, %arg3: memref<2560x128xi32, #tpu.memory_space<hbm>>, %arg4: memref<2560x128xi32, #tpu.memory_space<hbm>>, %arg5: memref<2x10000x128xf32, #tpu.memory_space<hbm>>, %arg6: memref<40x128xi32, #tpu.memory_space<vmem>>, %arg7: memref<40x128xi32, #tpu.memory_space<vmem>>, %arg8: memref<2x128x128xf32, #tpu.memory_space<vmem>>, %arg9: memref<32x128xf32, #tpu.memory_space<vmem>>, %arg10: memref<10256x128xf32, #tpu.memory_space<vmem_shared>>, %arg11: memref<!tpu.dma_semaphore, #tpu.memory_space<semaphore_mem>>, %arg12: memref<!tpu.dma_semaphore, #tpu.memory_space<semaphore_mem>>) attributes {dimension_semantics = [#tpu.dimension_semantics<core_parallel>, #tpu.dimension_semantics<subcore_parallel>], iteration_bounds = array<i64: 2, 16>, scalar_prefetch = 0 : i64, scratch_operands = 7 : i64, tpu.core_type = #tpu.core_type<sc_vector_subcore>, window_params = [{transform_indices = #map}, {transform_indices = #map}, {transform_indices = #map}, {transform_indices = #map1}]} {
    %mul3A = arith.constant 2 : i32
    %mul3A_0 = arith.muli %arg1, %mul3A : i32
    %add3A = arith.addi %mul3A_0, %arg0 : i32
    %broadcast_in_dim3A = arith.constant 0.000000e+00 : f32
    %broadcast_in_dim3A_1 = vector.broadcast %broadcast_in_dim3A : f32 to vector<16xf32>
    %scan3A = arith.constant 0 : i32
    %scan3A_2 = arith.constant 32 : i32
    %scan3A_3 = arith.addi %scan3A, %scan3A_2 : i32
    %scan3A_4 = arith.constant 1 : i32
    scf.for %scan3A_68 = %scan3A to %scan3A_3 step %scan3A_4  : i32 {
      %mul3A_69 = arith.constant 1 : i32
      %mul3A_70 = arith.muli %scan3A_68, %mul3A_69 : i32
      %add3A_71 = arith.constant 0 : i32
      %add3A_72 = arith.addi %add3A_71, %mul3A_70 : i32
      %scan3A_73 = arith.constant 0 : i32
      %scan3A_74 = arith.constant 8 : i32
      %scan3A_75 = arith.addi %scan3A_73, %scan3A_74 : i32
      %scan3A_76 = arith.constant 1 : i32
      scf.for %scan3A_78 = %scan3A_73 to %scan3A_75 step %scan3A_76  : i32 {
        %mul3A_79 = arith.constant 1 : i32
        %mul3A_80 = arith.muli %scan3A_78, %mul3A_79 : i32
        %add3A_81 = arith.constant 0 : i32
        %add3A_82 = arith.addi %add3A_81, %mul3A_80 : i32
        %mul3A_83 = arith.constant 16 : i32
        %mul3A_84 = arith.muli %add3A_82, %mul3A_83 : i32
        %swap3A = arith.index_cast %add3A_72 : i32 to index
        %swap3A_85 = arith.index_cast %mul3A_84 : i32 to index
        %swap3A_86 = tpu.vector_load %arg9[%swap3A, %swap3A_85] {strides = array<i32>} : memref<32x128xf32, #tpu.memory_space<vmem>>, vector<1x16xf32>,
        %swap3A_87 = vector.shape_cast %swap3A_86 : vector<1x16xf32> to vector<16xf32>
        %swap3A_88 = vector.shape_cast %broadcast_in_dim3A_1 : vector<16xf32> to vector<1x16xf32>
        tpu.vector_store %arg9[%swap3A, %swap3A_85], %swap3A_88 {strides = array<i32>} : memref<32x128xf32, #tpu.memory_space<vmem>>, vector<1x16xf32>,
      }
      %scan3A_77 = arith.constant 8 : i32
    }
    %scan3A_5 = arith.constant 32 : i32
    %mul3A_6 = arith.constant 640 : i32
    %mul3A_7 = arith.muli %arg1, %mul3A_6 : i32
    %lt3A = arith.constant 15 : i32
    %lt3A_8 = arith.cmpi slt, %arg1, %lt3A : i32
    %convert_element_type3A = arith.extui %lt3A_8 : i1 to i32
    %cond3A = arith.constant 0 : i32
    %cond3A_9 = arith.cmpi ne, %convert_element_type3A, %cond3A : i32
    scf.if %cond3A_9 {
      %add3A_68 = arith.constant 0 : i32
      %add3A_69 = arith.addi %mul3A_7, %add3A_68 : i32
      "tpu.region"() ({
        %run_scoped3A = tpu.sem_alloc : memref<!tpu.dma_semaphore, #tpu.memory_space<semaphore_mem>>
        %dma_start3A_108 = arith.constant 0 : i32
        %dma_start3A_109 = tpu.memref_slice %arg10[%add3A_69, %dma_start3A_108] : memref<10256x128xf32, #tpu.memory_space<vmem_shared>> -> memref<32x128xf32, #tpu.memory_space<vmem_shared>>
        %dma_start3A_110 = arith.constant 0 : i32
        %dma_start3A_111 = tpu.memref_slice %arg10[%add3A_69, %dma_start3A_110] : memref<10256x128xf32, #tpu.memory_space<vmem_shared>> -> memref<32x128xf32, #tpu.memory_space<vmem_shared>>
        tpu.enqueue_dma source(%arg9 : memref<32x128xf32, #tpu.memory_space<vmem>>) target(%dma_start3A_111 : memref<32x128xf32, #tpu.memory_space<vmem_shared>>) target_semaphore(%run_scoped3A : memref<!tpu.dma_semaphore, #tpu.memory_space<semaphore_mem>>)
        %dma_wait3A = arith.constant 0 : i32
        %dma_wait3A_112 = tpu.memref_slice %arg10[%add3A_69, %dma_wait3A] : memref<10256x128xf32, #tpu.memory_space<vmem_shared>> -> memref<32x128xf32, #tpu.memory_space<vmem_shared>>
        %dma_wait3A_113 = arith.constant 0 : i32
        %dma_wait3A_114 = tpu.memref_slice %arg10[%add3A_69, %dma_wait3A_113] : memref<10256x128xf32, #tpu.memory_space<vmem_shared>> -> memref<32x128xf32, #tpu.memory_space<vmem_shared>>
        tpu.wait_dma2 semaphore(%run_scoped3A : memref<!tpu.dma_semaphore, #tpu.memory_space<semaphore_mem>>) src(%arg9 : memref<32x128xf32, #tpu.memory_space<vmem>>) dst(%dma_wait3A_114 : memref<32x128xf32, #tpu.memory_space<vmem_shared>>)
        tpu.yield
      }) : () -> ()
      %add3A_70 = arith.constant 32 : i32
      %add3A_71 = arith.addi %mul3A_7, %add3A_70 : i32
      "tpu.region"() ({
        %run_scoped3A = tpu.sem_alloc : memref<!tpu.dma_semaphore, #tpu.memory_space<semaphore_mem>>
        %dma_start3A_108 = arith.constant 0 : i32
        %dma_start3A_109 = tpu.memref_slice %arg10[%add3A_71, %dma_start3A_108] : memref<10256x128xf32, #tpu.memory_space<vmem_shared>> -> memref<32x128xf32, #tpu.memory_space<vmem_shared>>
        %dma_start3A_110 = arith.constant 0 : i32
        %dma_start3A_111 = tpu.memref_slice %arg10[%add3A_71, %dma_start3A_110] : memref<10256x128xf32, #tpu.memory_space<vmem_shared>> -> memref<32x128xf32, #tpu.memory_space<vmem_shared>>
        tpu.enqueue_dma source(%arg9 : memref<32x128xf32, #tpu.memory_space<vmem>>) target(%dma_start3A_111 : memref<32x128xf32, #tpu.memory_space<vmem_shared>>) target_semaphore(%run_scoped3A : memref<!tpu.dma_semaphore, #tpu.memory_space<semaphore_mem>>)
        %dma_wait3A = arith.constant 0 : i32
        %dma_wait3A_112 = tpu.memref_slice %arg10[%add3A_71, %dma_wait3A] : memref<10256x128xf32, #tpu.memory_space<vmem_shared>> -> memref<32x128xf32, #tpu.memory_space<vmem_shared>>
        %dma_wait3A_113 = arith.constant 0 : i32
        %dma_wait3A_114 = tpu.memref_slice %arg10[%add3A_71, %dma_wait3A_113] : memref<10256x128xf32, #tpu.memory_space<vmem_shared>> -> memref<32x128xf32, #tpu.memory_space<vmem_shared>>
        tpu.wait_dma2 semaphore(%run_scoped3A : memref<!tpu.dma_semaphore, #tpu.memory_space<semaphore_mem>>) src(%arg9 : memref<32x128xf32, #tpu.memory_space<vmem>>) dst(%dma_wait3A_114 : memref<32x128xf32, #tpu.memory_space<vmem_shared>>)
        tpu.yield
      }) : () -> ()
      %add3A_72 = arith.constant 64 : i32
      %add3A_73 = arith.addi %mul3A_7, %add3A_72 : i32
      "tpu.region"() ({
        %run_scoped3A = tpu.sem_alloc : memref<!tpu.dma_semaphore, #tpu.memory_space<semaphore_mem>>
        %dma_start3A_108 = arith.constant 0 : i32
        %dma_start3A_109 = tpu.memref_slice %arg10[%add3A_73, %dma_start3A_108] : memref<10256x128xf32, #tpu.memory_space<vmem_shared>> -> memref<32x128xf32, #tpu.memory_space<vmem_shared>>
        %dma_start3A_110 = arith.constant 0 : i32
        %dma_start3A_111 = tpu.memref_slice %arg10[%add3A_73, %dma_start3A_110] : memref<10256x128xf32, #tpu.memory_space<vmem_shared>> -> memref<32x128xf32, #tpu.memory_space<vmem_shared>>
        tpu.enqueue_dma source(%arg9 : memref<32x128xf32, #tpu.memory_space<vmem>>) target(%dma_start3A_111 : memref<32x128xf32, #tpu.memory_space<vmem_shared>>) target_semaphore(%run_scoped3A : memref<!tpu.dma_semaphore, #tpu.memory_space<semaphore_mem>>)
        %dma_wait3A = arith.constant 0 : i32
        %dma_wait3A_112 = tpu.memref_slice %arg10[%add3A_73, %dma_wait3A] : memref<10256x128xf32, #tpu.memory_space<vmem_shared>> -> memref<32x128xf32, #tpu.memory_space<vmem_shared>>
        %dma_wait3A_113 = arith.constant 0 : i32
        %dma_wait3A_114 = tpu.memref_slice %arg10[%add3A_73, %dma_wait3A_113] : memref<10256x128xf32, #tpu.memory_space<vmem_shared>> -> memref<32x128xf32, #tpu.memory_space<vmem_shared>>
        tpu.wait_dma2 semaphore(%run_scoped3A : memref<!tpu.dma_semaphore, #tpu.memory_space<semaphore_mem>>) src(%arg9 : memref<32x128xf32, #tpu.memory_space<vmem>>) dst(%dma_wait3A_114 : memref<32x128xf32, #tpu.memory_space<vmem_shared>>)
        tpu.yield
      }) : () -> ()
      %add3A_74 = arith.constant 96 : i32
      %add3A_75 = arith.addi %mul3A_7, %add3A_74 : i32
      "tpu.region"() ({
        %run_scoped3A = tpu.sem_alloc : memref<!tpu.dma_semaphore, #tpu.memory_space<semaphore_mem>>
        %dma_start3A_108 = arith.constant 0 : i32
        %dma_start3A_109 = tpu.memref_slice %arg10[%add3A_75, %dma_start3A_108] : memref<10256x128xf32, #tpu.memory_space<vmem_shared>> -> memref<32x128xf32, #tpu.memory_space<vmem_shared>>
        %dma_start3A_110 = arith.constant 0 : i32
        %dma_start3A_111 = tpu.memref_slice %arg10[%add3A_75, %dma_start3A_110] : memref<10256x128xf32, #tpu.memory_space<vmem_shared>> -> memref<32x128xf32, #tpu.memory_space<vmem_shared>>
        tpu.enqueue_dma source(%arg9 : memref<32x128xf32, #tpu.memory_space<vmem>>) target(%dma_start3A_111 : memref<32x128xf32, #tpu.memory_space<vmem_shared>>) target_semaphore(%run_scoped3A : memref<!tpu.dma_semaphore, #tpu.memory_space<semaphore_mem>>)
        %dma_wait3A = arith.constant 0 : i32
        %dma_wait3A_112 = tpu.memref_slice %arg10[%add3A_75, %dma_wait3A] : memref<10256x128xf32, #tpu.memory_space<vmem_shared>> -> memref<32x128xf32, #tpu.memory_space<vmem_shared>>
        %dma_wait3A_113 = arith.constant 0 : i32
        %dma_wait3A_114 = tpu.memref_slice %arg10[%add3A_75, %dma_wait3A_113] : memref<10256x128xf32, #tpu.memory_space<vmem_shared>> -> memref<32x128xf32, #tpu.memory_space<vmem_shared>>
        tpu.wait_dma2 semaphore(%run_scoped3A : memref<!tpu.dma_semaphore, #tpu.memory_space<semaphore_mem>>) src(%arg9 : memref<32x128xf32, #tpu.memory_space<vmem>>) dst(%dma_wait3A_114 : memref<32x128xf32, #tpu.memory_space<vmem_shared>>)
        tpu.yield
      }) : () -> ()
      %add3A_76 = arith.constant 128 : i32
      %add3A_77 = arith.addi %mul3A_7, %add3A_76 : i32
      "tpu.region"() ({
        %run_scoped3A = tpu.sem_alloc : memref<!tpu.dma_semaphore, #tpu.memory_space<semaphore_mem>>
        %dma_start3A_108 = arith.constant 0 : i32
        %dma_start3A_109 = tpu.memref_slice %arg10[%add3A_77, %dma_start3A_108] : memref<10256x128xf32, #tpu.memory_space<vmem_shared>> -> memref<32x128xf32, #tpu.memory_space<vmem_shared>>
        %dma_start3A_110 = arith.constant 0 : i32
        %dma_start3A_111 = tpu.memref_slice %arg10[%add3A_77, %dma_start3A_110] : memref<10256x128xf32, #tpu.memory_space<vmem_shared>> -> memref<32x128xf32, #tpu.memory_space<vmem_shared>>
        tpu.enqueue_dma source(%arg9 : memref<32x128xf32, #tpu.memory_space<vmem>>) target(%dma_start3A_111 : memref<32x128xf32, #tpu.memory_space<vmem_shared>>) target_semaphore(%run_scoped3A : memref<!tpu.dma_semaphore, #tpu.memory_space<semaphore_mem>>)
        %dma_wait3A = arith.constant 0 : i32
        %dma_wait3A_112 = tpu.memref_slice %arg10[%add3A_77, %dma_wait3A] : memref<10256x128xf32, #tpu.memory_space<vmem_shared>> -> memref<32x128xf32, #tpu.memory_space<vmem_shared>>
        %dma_wait3A_113 = arith.constant 0 : i32
        %dma_wait3A_114 = tpu.memref_slice %arg10[%add3A_77, %dma_wait3A_113] : memref<10256x128xf32, #tpu.memory_space<vmem_shared>> -> memref<32x128xf32, #tpu.memory_space<vmem_shared>>
        tpu.wait_dma2 semaphore(%run_scoped3A : memref<!tpu.dma_semaphore, #tpu.memory_space<semaphore_mem>>) src(%arg9 : memref<32x128xf32, #tpu.memory_space<vmem>>) dst(%dma_wait3A_114 : memref<32x128xf32, #tpu.memory_space<vmem_shared>>)
        tpu.yield
      }) : () -> ()
      %add3A_78 = arith.constant 160 : i32
      %add3A_79 = arith.addi %mul3A_7, %add3A_78 : i32
      "tpu.region"() ({
        %run_scoped3A = tpu.sem_alloc : memref<!tpu.dma_semaphore, #tpu.memory_space<semaphore_mem>>
        %dma_start3A_108 = arith.constant 0 : i32
        %dma_start3A_109 = tpu.memref_slice %arg10[%add3A_79, %dma_start3A_108] : memref<10256x128xf32, #tpu.memory_space<vmem_shared>> -> memref<32x128xf32, #tpu.memory_space<vmem_shared>>
        %dma_start3A_110 = arith.constant 0 : i32
        %dma_start3A_111 = tpu.memref_slice %arg10[%add3A_79, %dma_start3A_110] : memref<10256x128xf32, #tpu.memory_space<vmem_shared>> -> memref<32x128xf32, #tpu.memory_space<vmem_shared>>
        tpu.enqueue_dma source(%arg9 : memref<32x128xf32, #tpu.memory_space<vmem>>) target(%dma_start3A_111 : memref<32x128xf32, #tpu.memory_space<vmem_shared>>) target_semaphore(%run_scoped3A : memref<!tpu.dma_semaphore, #tpu.memory_space<semaphore_mem>>)
        %dma_wait3A = arith.constant 0 : i32
        %dma_wait3A_112 = tpu.memref_slice %arg10[%add3A_79, %dma_wait3A] : memref<10256x128xf32, #tpu.memory_space<vmem_shared>> -> memref<32x128xf32, #tpu.memory_space<vmem_shared>>
        %dma_wait3A_113 = arith.constant 0 : i32
        %dma_wait3A_114 = tpu.memref_slice %arg10[%add3A_79, %dma_wait3A_113] : memref<10256x128xf32, #tpu.memory_space<vmem_shared>> -> memref<32x128xf32, #tpu.memory_space<vmem_shared>>
        tpu.wait_dma2 semaphore(%run_scoped3A : memref<!tpu.dma_semaphore, #tpu.memory_space<semaphore_mem>>) src(%arg9 : memref<32x128xf32, #tpu.memory_space<vmem>>) dst(%dma_wait3A_114 : memref<32x128xf32, #tpu.memory_space<vmem_shared>>)
        tpu.yield
      }) : () -> ()
      %add3A_80 = arith.constant 192 : i32
      %add3A_81 = arith.addi %mul3A_7, %add3A_80 : i32
      "tpu.region"() ({
        %run_scoped3A = tpu.sem_alloc : memref<!tpu.dma_semaphore, #tpu.memory_space<semaphore_mem>>
        %dma_start3A_108 = arith.constant 0 : i32
        %dma_start3A_109 = tpu.memref_slice %arg10[%add3A_81, %dma_start3A_108] : memref<10256x128xf32, #tpu.memory_space<vmem_shared>> -> memref<32x128xf32, #tpu.memory_space<vmem_shared>>
        %dma_start3A_110 = arith.constant 0 : i32
        %dma_start3A_111 = tpu.memref_slice %arg10[%add3A_81, %dma_start3A_110] : memref<10256x128xf32, #tpu.memory_space<vmem_shared>> -> memref<32x128xf32, #tpu.memory_space<vmem_shared>>
        tpu.enqueue_dma source(%arg9 : memref<32x128xf32, #tpu.memory_space<vmem>>) target(%dma_start3A_111 : memref<32x128xf32, #tpu.memory_space<vmem_shared>>) target_semaphore(%run_scoped3A : memref<!tpu.dma_semaphore, #tpu.memory_space<semaphore_mem>>)
        %dma_wait3A = arith.constant 0 : i32
        %dma_wait3A_112 = tpu.memref_slice %arg10[%add3A_81, %dma_wait3A] : memref<10256x128xf32, #tpu.memory_space<vmem_shared>> -> memref<32x128xf32, #tpu.memory_space<vmem_shared>>
        %dma_wait3A_113 = arith.constant 0 : i32
        %dma_wait3A_114 = tpu.memref_slice %arg10[%add3A_81, %dma_wait3A_113] : memref<10256x128xf32, #tpu.memory_space<vmem_shared>> -> memref<32x128xf32, #tpu.memory_space<vmem_shared>>
        tpu.wait_dma2 semaphore(%run_scoped3A : memref<!tpu.dma_semaphore, #tpu.memory_space<semaphore_mem>>) src(%arg9 : memref<32x128xf32, #tpu.memory_space<vmem>>) dst(%dma_wait3A_114 : memref<32x128xf32, #tpu.memory_space<vmem_shared>>)
        tpu.yield
      }) : () -> ()
      %add3A_82 = arith.constant 224 : i32
      %add3A_83 = arith.addi %mul3A_7, %add3A_82 : i32
      "tpu.region"() ({
        %run_scoped3A = tpu.sem_alloc : memref<!tpu.dma_semaphore, #tpu.memory_space<semaphore_mem>>
        %dma_start3A_108 = arith.constant 0 : i32
        %dma_start3A_109 = tpu.memref_slice %arg10[%add3A_83, %dma_start3A_108] : memref<10256x128xf32, #tpu.memory_space<vmem_shared>> -> memref<32x128xf32, #tpu.memory_space<vmem_shared>>
        %dma_start3A_110 = arith.constant 0 : i32
        %dma_start3A_111 = tpu.memref_slice %arg10[%add3A_83, %dma_start3A_110] : memref<10256x128xf32, #tpu.memory_space<vmem_shared>> -> memref<32x128xf32, #tpu.memory_space<vmem_shared>>
        tpu.enqueue_dma source(%arg9 : memref<32x128xf32, #tpu.memory_space<vmem>>) target(%dma_start3A_111 : memref<32x128xf32, #tpu.memory_space<vmem_shared>>) target_semaphore(%run_scoped3A : memref<!tpu.dma_semaphore, #tpu.memory_space<semaphore_mem>>)
        %dma_wait3A = arith.constant 0 : i32
        %dma_wait3A_112 = tpu.memref_slice %arg10[%add3A_83, %dma_wait3A] : memref<10256x128xf32, #tpu.memory_space<vmem_shared>> -> memref<32x128xf32, #tpu.memory_space<vmem_shared>>
        %dma_wait3A_113 = arith.constant 0 : i32
        %dma_wait3A_114 = tpu.memref_slice %arg10[%add3A_83, %dma_wait3A_113] : memref<10256x128xf32, #tpu.memory_space<vmem_shared>> -> memref<32x128xf32, #tpu.memory_space<vmem_shared>>
        tpu.wait_dma2 semaphore(%run_scoped3A : memref<!tpu.dma_semaphore, #tpu.memory_space<semaphore_mem>>) src(%arg9 : memref<32x128xf32, #tpu.memory_space<vmem>>) dst(%dma_wait3A_114 : memref<32x128xf32, #tpu.memory_space<vmem_shared>>)
        tpu.yield
      }) : () -> ()
      %add3A_84 = arith.constant 256 : i32
      %add3A_85 = arith.addi %mul3A_7, %add3A_84 : i32
      "tpu.region"() ({
        %run_scoped3A = tpu.sem_alloc : memref<!tpu.dma_semaphore, #tpu.memory_space<semaphore_mem>>
        %dma_start3A_108 = arith.constant 0 : i32
        %dma_start3A_109 = tpu.memref_slice %arg10[%add3A_85, %dma_start3A_108] : memref<10256x128xf32, #tpu.memory_space<vmem_shared>> -> memref<32x128xf32, #tpu.memory_space<vmem_shared>>
        %dma_start3A_110 = arith.constant 0 : i32
        %dma_start3A_111 = tpu.memref_slice %arg10[%add3A_85, %dma_start3A_110] : memref<10256x128xf32, #tpu.memory_space<vmem_shared>> -> memref<32x128xf32, #tpu.memory_space<vmem_shared>>
        tpu.enqueue_dma source(%arg9 : memref<32x128xf32, #tpu.memory_space<vmem>>) target(%dma_start3A_111 : memref<32x128xf32, #tpu.memory_space<vmem_shared>>) target_semaphore(%run_scoped3A : memref<!tpu.dma_semaphore, #tpu.memory_space<semaphore_mem>>)
        %dma_wait3A = arith.constant 0 : i32
        %dma_wait3A_112 = tpu.memref_slice %arg10[%add3A_85, %dma_wait3A] : memref<10256x128xf32, #tpu.memory_space<vmem_shared>> -> memref<32x128xf32, #tpu.memory_space<vmem_shared>>
        %dma_wait3A_113 = arith.constant 0 : i32
        %dma_wait3A_114 = tpu.memref_slice %arg10[%add3A_85, %dma_wait3A_113] : memref<10256x128xf32, #tpu.memory_space<vmem_shared>> -> memref<32x128xf32, #tpu.memory_space<vmem_shared>>
        tpu.wait_dma2 semaphore(%run_scoped3A : memref<!tpu.dma_semaphore, #tpu.memory_space<semaphore_mem>>) src(%arg9 : memref<32x128xf32, #tpu.memory_space<vmem>>) dst(%dma_wait3A_114 : memref<32x128xf32, #tpu.memory_space<vmem_shared>>)
        tpu.yield
      }) : () -> ()
      %add3A_86 = arith.constant 288 : i32
      %add3A_87 = arith.addi %mul3A_7, %add3A_86 : i32
      "tpu.region"() ({
        %run_scoped3A = tpu.sem_alloc : memref<!tpu.dma_semaphore, #tpu.memory_space<semaphore_mem>>
        %dma_start3A_108 = arith.constant 0 : i32
        %dma_start3A_109 = tpu.memref_slice %arg10[%add3A_87, %dma_start3A_108] : memref<10256x128xf32, #tpu.memory_space<vmem_shared>> -> memref<32x128xf32, #tpu.memory_space<vmem_shared>>
        %dma_start3A_110 = arith.constant 0 : i32
        %dma_start3A_111 = tpu.memref_slice %arg10[%add3A_87, %dma_start3A_110] : memref<10256x128xf32, #tpu.memory_space<vmem_shared>> -> memref<32x128xf32, #tpu.memory_space<vmem_shared>>
        tpu.enqueue_dma source(%arg9 : memref<32x128xf32, #tpu.memory_space<vmem>>) target(%dma_start3A_111 : memref<32x128xf32, #tpu.memory_space<vmem_shared>>) target_semaphore(%run_scoped3A : memref<!tpu.dma_semaphore, #tpu.memory_space<semaphore_mem>>)
        %dma_wait3A = arith.constant 0 : i32
        %dma_wait3A_112 = tpu.memref_slice %arg10[%add3A_87, %dma_wait3A] : memref<10256x128xf32, #tpu.memory_space<vmem_shared>> -> memref<32x128xf32, #tpu.memory_space<vmem_shared>>
        %dma_wait3A_113 = arith.constant 0 : i32
        %dma_wait3A_114 = tpu.memref_slice %arg10[%add3A_87, %dma_wait3A_113] : memref<10256x128xf32, #tpu.memory_space<vmem_shared>> -> memref<32x128xf32, #tpu.memory_space<vmem_shared>>
        tpu.wait_dma2 semaphore(%run_scoped3A : memref<!tpu.dma_semaphore, #tpu.memory_space<semaphore_mem>>) src(%arg9 : memref<32x128xf32, #tpu.memory_space<vmem>>) dst(%dma_wait3A_114 : memref<32x128xf32, #tpu.memory_space<vmem_shared>>)
        tpu.yield
      }) : () -> ()
      %add3A_88 = arith.constant 320 : i32
      %add3A_89 = arith.addi %mul3A_7, %add3A_88 : i32
      "tpu.region"() ({
        %run_scoped3A = tpu.sem_alloc : memref<!tpu.dma_semaphore, #tpu.memory_space<semaphore_mem>>
        %dma_start3A_108 = arith.constant 0 : i32
        %dma_start3A_109 = tpu.memref_slice %arg10[%add3A_89, %dma_start3A_108] : memref<10256x128xf32, #tpu.memory_space<vmem_shared>> -> memref<32x128xf32, #tpu.memory_space<vmem_shared>>
        %dma_start3A_110 = arith.constant 0 : i32
        %dma_start3A_111 = tpu.memref_slice %arg10[%add3A_89, %dma_start3A_110] : memref<10256x128xf32, #tpu.memory_space<vmem_shared>> -> memref<32x128xf32, #tpu.memory_space<vmem_shared>>
        tpu.enqueue_dma source(%arg9 : memref<32x128xf32, #tpu.memory_space<vmem>>) target(%dma_start3A_111 : memref<32x128xf32, #tpu.memory_space<vmem_shared>>) target_semaphore(%run_scoped3A : memref<!tpu.dma_semaphore, #tpu.memory_space<semaphore_mem>>)
        %dma_wait3A = arith.constant 0 : i32
        %dma_wait3A_112 = tpu.memref_slice %arg10[%add3A_89, %dma_wait3A] : memref<10256x128xf32, #tpu.memory_space<vmem_shared>> -> memref<32x128xf32, #tpu.memory_space<vmem_shared>>
        %dma_wait3A_113 = arith.constant 0 : i32
        %dma_wait3A_114 = tpu.memref_slice %arg10[%add3A_89, %dma_wait3A_113] : memref<10256x128xf32, #tpu.memory_space<vmem_shared>> -> memref<32x128xf32, #tpu.memory_space<vmem_shared>>
        tpu.wait_dma2 semaphore(%run_scoped3A : memref<!tpu.dma_semaphore, #tpu.memory_space<semaphore_mem>>) src(%arg9 : memref<32x128xf32, #tpu.memory_space<vmem>>) dst(%dma_wait3A_114 : memref<32x128xf32, #tpu.memory_space<vmem_shared>>)
        tpu.yield
      }) : () -> ()
      %add3A_90 = arith.constant 352 : i32
      %add3A_91 = arith.addi %mul3A_7, %add3A_90 : i32
      "tpu.region"() ({
        %run_scoped3A = tpu.sem_alloc : memref<!tpu.dma_semaphore, #tpu.memory_space<semaphore_mem>>
        %dma_start3A_108 = arith.constant 0 : i32
        %dma_start3A_109 = tpu.memref_slice %arg10[%add3A_91, %dma_start3A_108] : memref<10256x128xf32, #tpu.memory_space<vmem_shared>> -> memref<32x128xf32, #tpu.memory_space<vmem_shared>>
        %dma_start3A_110 = arith.constant 0 : i32
        %dma_start3A_111 = tpu.memref_slice %arg10[%add3A_91, %dma_start3A_110] : memref<10256x128xf32, #tpu.memory_space<vmem_shared>> -> memref<32x128xf32, #tpu.memory_space<vmem_shared>>
        tpu.enqueue_dma source(%arg9 : memref<32x128xf32, #tpu.memory_space<vmem>>) target(%dma_start3A_111 : memref<32x128xf32, #tpu.memory_space<vmem_shared>>) target_semaphore(%run_scoped3A : memref<!tpu.dma_semaphore, #tpu.memory_space<semaphore_mem>>)
        %dma_wait3A = arith.constant 0 : i32
        %dma_wait3A_112 = tpu.memref_slice %arg10[%add3A_91, %dma_wait3A] : memref<10256x128xf32, #tpu.memory_space<vmem_shared>> -> memref<32x128xf32, #tpu.memory_space<vmem_shared>>
        %dma_wait3A_113 = arith.constant 0 : i32
        %dma_wait3A_114 = tpu.memref_slice %arg10[%add3A_91, %dma_wait3A_113] : memref<10256x128xf32, #tpu.memory_space<vmem_shared>> -> memref<32x128xf32, #tpu.memory_space<vmem_shared>>
        tpu.wait_dma2 semaphore(%run_scoped3A : memref<!tpu.dma_semaphore, #tpu.memory_space<semaphore_mem>>) src(%arg9 : memref<32x128xf32, #tpu.memory_space<vmem>>) dst(%dma_wait3A_114 : memref<32x128xf32, #tpu.memory_space<vmem_shared>>)
        tpu.yield
      }) : () -> ()
      %add3A_92 = arith.constant 384 : i32
      %add3A_93 = arith.addi %mul3A_7, %add3A_92 : i32
      "tpu.region"() ({
        %run_scoped3A = tpu.sem_alloc : memref<!tpu.dma_semaphore, #tpu.memory_space<semaphore_mem>>
        %dma_start3A_108 = arith.constant 0 : i32
        %dma_start3A_109 = tpu.memref_slice %arg10[%add3A_93, %dma_start3A_108] : memref<10256x128xf32, #tpu.memory_space<vmem_shared>> -> memref<32x128xf32, #tpu.memory_space<vmem_shared>>
        %dma_start3A_110 = arith.constant 0 : i32
        %dma_start3A_111 = tpu.memref_slice %arg10[%add3A_93, %dma_start3A_110] : memref<10256x128xf32, #tpu.memory_space<vmem_shared>> -> memref<32x128xf32, #tpu.memory_space<vmem_shared>>
        tpu.enqueue_dma source(%arg9 : memref<32x128xf32, #tpu.memory_space<vmem>>) target(%dma_start3A_111 : memref<32x128xf32, #tpu.memory_space<vmem_shared>>) target_semaphore(%run_scoped3A : memref<!tpu.dma_semaphore, #tpu.memory_space<semaphore_mem>>)
        %dma_wait3A = arith.constant 0 : i32
        %dma_wait3A_112 = tpu.memref_slice %arg10[%add3A_93, %dma_wait3A] : memref<10256x128xf32, #tpu.memory_space<vmem_shared>> -> memref<32x128xf32, #tpu.memory_space<vmem_shared>>
        %dma_wait3A_113 = arith.constant 0 : i32
        %dma_wait3A_114 = tpu.memref_slice %arg10[%add3A_93, %dma_wait3A_113] : memref<10256x128xf32, #tpu.memory_space<vmem_shared>> -> memref<32x128xf32, #tpu.memory_space<vmem_shared>>
        tpu.wait_dma2 semaphore(%run_scoped3A : memref<!tpu.dma_semaphore, #tpu.memory_space<semaphore_mem>>) src(%arg9 : memref<32x128xf32, #tpu.memory_space<vmem>>) dst(%dma_wait3A_114 : memref<32x128xf32, #tpu.memory_space<vmem_shared>>)
        tpu.yield
      }) : () -> ()
      %add3A_94 = arith.constant 416 : i32
      %add3A_95 = arith.addi %mul3A_7, %add3A_94 : i32
      "tpu.region"() ({
        %run_scoped3A = tpu.sem_alloc : memref<!tpu.dma_semaphore, #tpu.memory_space<semaphore_mem>>
        %dma_start3A_108 = arith.constant 0 : i32
        %dma_start3A_109 = tpu.memref_slice %arg10[%add3A_95, %dma_start3A_108] : memref<10256x128xf32, #tpu.memory_space<vmem_shared>> -> memref<32x128xf32, #tpu.memory_space<vmem_shared>>
        %dma_start3A_110 = arith.constant 0 : i32
        %dma_start3A_111 = tpu.memref_slice %arg10[%add3A_95, %dma_start3A_110] : memref<10256x128xf32, #tpu.memory_space<vmem_shared>> -> memref<32x128xf32, #tpu.memory_space<vmem_shared>>
        tpu.enqueue_dma source(%arg9 : memref<32x128xf32, #tpu.memory_space<vmem>>) target(%dma_start3A_111 : memref<32x128xf32, #tpu.memory_space<vmem_shared>>) target_semaphore(%run_scoped3A : memref<!tpu.dma_semaphore, #tpu.memory_space<semaphore_mem>>)
        %dma_wait3A = arith.constant 0 : i32
        %dma_wait3A_112 = tpu.memref_slice %arg10[%add3A_95, %dma_wait3A] : memref<10256x128xf32, #tpu.memory_space<vmem_shared>> -> memref<32x128xf32, #tpu.memory_space<vmem_shared>>
        %dma_wait3A_113 = arith.constant 0 : i32
        %dma_wait3A_114 = tpu.memref_slice %arg10[%add3A_95, %dma_wait3A_113] : memref<10256x128xf32, #tpu.memory_space<vmem_shared>> -> memref<32x128xf32, #tpu.memory_space<vmem_shared>>
        tpu.wait_dma2 semaphore(%run_scoped3A : memref<!tpu.dma_semaphore, #tpu.memory_space<semaphore_mem>>) src(%arg9 : memref<32x128xf32, #tpu.memory_space<vmem>>) dst(%dma_wait3A_114 : memref<32x128xf32, #tpu.memory_space<vmem_shared>>)
        tpu.yield
      }) : () -> ()
      %add3A_96 = arith.constant 448 : i32
      %add3A_97 = arith.addi %mul3A_7, %add3A_96 : i32
      "tpu.region"() ({
        %run_scoped3A = tpu.sem_alloc : memref<!tpu.dma_semaphore, #tpu.memory_space<semaphore_mem>>
        %dma_start3A_108 = arith.constant 0 : i32
        %dma_start3A_109 = tpu.memref_slice %arg10[%add3A_97, %dma_start3A_108] : memref<10256x128xf32, #tpu.memory_space<vmem_shared>> -> memref<32x128xf32, #tpu.memory_space<vmem_shared>>
        %dma_start3A_110 = arith.constant 0 : i32
        %dma_start3A_111 = tpu.memref_slice %arg10[%add3A_97, %dma_start3A_110] : memref<10256x128xf32, #tpu.memory_space<vmem_shared>> -> memref<32x128xf32, #tpu.memory_space<vmem_shared>>
        tpu.enqueue_dma source(%arg9 : memref<32x128xf32, #tpu.memory_space<vmem>>) target(%dma_start3A_111 : memref<32x128xf32, #tpu.memory_space<vmem_shared>>) target_semaphore(%run_scoped3A : memref<!tpu.dma_semaphore, #tpu.memory_space<semaphore_mem>>)
        %dma_wait3A = arith.constant 0 : i32
        %dma_wait3A_112 = tpu.memref_slice %arg10[%add3A_97, %dma_wait3A] : memref<10256x128xf32, #tpu.memory_space<vmem_shared>> -> memref<32x128xf32, #tpu.memory_space<vmem_shared>>
        %dma_wait3A_113 = arith.constant 0 : i32
        %dma_wait3A_114 = tpu.memref_slice %arg10[%add3A_97, %dma_wait3A_113] : memref<10256x128xf32, #tpu.memory_space<vmem_shared>> -> memref<32x128xf32, #tpu.memory_space<vmem_shared>>
        tpu.wait_dma2 semaphore(%run_scoped3A : memref<!tpu.dma_semaphore, #tpu.memory_space<semaphore_mem>>) src(%arg9 : memref<32x128xf32, #tpu.memory_space<vmem>>) dst(%dma_wait3A_114 : memref<32x128xf32, #tpu.memory_space<vmem_shared>>)
        tpu.yield
      }) : () -> ()
      %add3A_98 = arith.constant 480 : i32
      %add3A_99 = arith.addi %mul3A_7, %add3A_98 : i32
      "tpu.region"() ({
        %run_scoped3A = tpu.sem_alloc : memref<!tpu.dma_semaphore, #tpu.memory_space<semaphore_mem>>
        %dma_start3A_108 = arith.constant 0 : i32
        %dma_start3A_109 = tpu.memref_slice %arg10[%add3A_99, %dma_start3A_108] : memref<10256x128xf32, #tpu.memory_space<vmem_shared>> -> memref<32x128xf32, #tpu.memory_space<vmem_shared>>
        %dma_start3A_110 = arith.constant 0 : i32
        %dma_start3A_111 = tpu.memref_slice %arg10[%add3A_99, %dma_start3A_110] : memref<10256x128xf32, #tpu.memory_space<vmem_shared>> -> memref<32x128xf32, #tpu.memory_space<vmem_shared>>
        tpu.enqueue_dma source(%arg9 : memref<32x128xf32, #tpu.memory_space<vmem>>) target(%dma_start3A_111 : memref<32x128xf32, #tpu.memory_space<vmem_shared>>) target_semaphore(%run_scoped3A : memref<!tpu.dma_semaphore, #tpu.memory_space<semaphore_mem>>)
        %dma_wait3A = arith.constant 0 : i32
        %dma_wait3A_112 = tpu.memref_slice %arg10[%add3A_99, %dma_wait3A] : memref<10256x128xf32, #tpu.memory_space<vmem_shared>> -> memref<32x128xf32, #tpu.memory_space<vmem_shared>>
        %dma_wait3A_113 = arith.constant 0 : i32
        %dma_wait3A_114 = tpu.memref_slice %arg10[%add3A_99, %dma_wait3A_113] : memref<10256x128xf32, #tpu.memory_space<vmem_shared>> -> memref<32x128xf32, #tpu.memory_space<vmem_shared>>
        tpu.wait_dma2 semaphore(%run_scoped3A : memref<!tpu.dma_semaphore, #tpu.memory_space<semaphore_mem>>) src(%arg9 : memref<32x128xf32, #tpu.memory_space<vmem>>) dst(%dma_wait3A_114 : memref<32x128xf32, #tpu.memory_space<vmem_shared>>)
        tpu.yield
      }) : () -> ()
      %add3A_100 = arith.constant 512 : i32
      %add3A_101 = arith.addi %mul3A_7, %add3A_100 : i32
      "tpu.region"() ({
        %run_scoped3A = tpu.sem_alloc : memref<!tpu.dma_semaphore, #tpu.memory_space<semaphore_mem>>
        %dma_start3A_108 = arith.constant 0 : i32
        %dma_start3A_109 = tpu.memref_slice %arg10[%add3A_101, %dma_start3A_108] : memref<10256x128xf32, #tpu.memory_space<vmem_shared>> -> memref<32x128xf32, #tpu.memory_space<vmem_shared>>
        %dma_start3A_110 = arith.constant 0 : i32
        %dma_start3A_111 = tpu.memref_slice %arg10[%add3A_101, %dma_start3A_110] : memref<10256x128xf32, #tpu.memory_space<vmem_shared>> -> memref<32x128xf32, #tpu.memory_space<vmem_shared>>
        tpu.enqueue_dma source(%arg9 : memref<32x128xf32, #tpu.memory_space<vmem>>) target(%dma_start3A_111 : memref<32x128xf32, #tpu.memory_space<vmem_shared>>) target_semaphore(%run_scoped3A : memref<!tpu.dma_semaphore, #tpu.memory_space<semaphore_mem>>)
        %dma_wait3A = arith.constant 0 : i32
        %dma_wait3A_112 = tpu.memref_slice %arg10[%add3A_101, %dma_wait3A] : memref<10256x128xf32, #tpu.memory_space<vmem_shared>> -> memref<32x128xf32, #tpu.memory_space<vmem_shared>>
        %dma_wait3A_113 = arith.constant 0 : i32
        %dma_wait3A_114 = tpu.memref_slice %arg10[%add3A_101, %dma_wait3A_113] : memref<10256x128xf32, #tpu.memory_space<vmem_shared>> -> memref<32x128xf32, #tpu.memory_space<vmem_shared>>
        tpu.wait_dma2 semaphore(%run_scoped3A : memref<!tpu.dma_semaphore, #tpu.memory_space<semaphore_mem>>) src(%arg9 : memref<32x128xf32, #tpu.memory_space<vmem>>) dst(%dma_wait3A_114 : memref<32x128xf32, #tpu.memory_space<vmem_shared>>)
        tpu.yield
      }) : () -> ()
      %add3A_102 = arith.constant 544 : i32
      %add3A_103 = arith.addi %mul3A_7, %add3A_102 : i32
      "tpu.region"() ({
        %run_scoped3A = tpu.sem_alloc : memref<!tpu.dma_semaphore, #tpu.memory_space<semaphore_mem>>
        %dma_start3A_108 = arith.constant 0 : i32
        %dma_start3A_109 = tpu.memref_slice %arg10[%add3A_103, %dma_start3A_108] : memref<10256x128xf32, #tpu.memory_space<vmem_shared>> -> memref<32x128xf32, #tpu.memory_space<vmem_shared>>
        %dma_start3A_110 = arith.constant 0 : i32
        %dma_start3A_111 = tpu.memref_slice %arg10[%add3A_103, %dma_start3A_110] : memref<10256x128xf32, #tpu.memory_space<vmem_shared>> -> memref<32x128xf32, #tpu.memory_space<vmem_shared>>
        tpu.enqueue_dma source(%arg9 : memref<32x128xf32, #tpu.memory_space<vmem>>) target(%dma_start3A_111 : memref<32x128xf32, #tpu.memory_space<vmem_shared>>) target_semaphore(%run_scoped3A : memref<!tpu.dma_semaphore, #tpu.memory_space<semaphore_mem>>)
        %dma_wait3A = arith.constant 0 : i32
        %dma_wait3A_112 = tpu.memref_slice %arg10[%add3A_103, %dma_wait3A] : memref<10256x128xf32, #tpu.memory_space<vmem_shared>> -> memref<32x128xf32, #tpu.memory_space<vmem_shared>>
        %dma_wait3A_113 = arith.constant 0 : i32
        %dma_wait3A_114 = tpu.memref_slice %arg10[%add3A_103, %dma_wait3A_113] : memref<10256x128xf32, #tpu.memory_space<vmem_shared>> -> memref<32x128xf32, #tpu.memory_space<vmem_shared>>
        tpu.wait_dma2 semaphore(%run_scoped3A : memref<!tpu.dma_semaphore, #tpu.memory_space<semaphore_mem>>) src(%arg9 : memref<32x128xf32, #tpu.memory_space<vmem>>) dst(%dma_wait3A_114 : memref<32x128xf32, #tpu.memory_space<vmem_shared>>)
        tpu.yield
      }) : () -> ()
      %add3A_104 = arith.constant 576 : i32
      %add3A_105 = arith.addi %mul3A_7, %add3A_104 : i32
      "tpu.region"() ({
        %run_scoped3A = tpu.sem_alloc : memref<!tpu.dma_semaphore, #tpu.memory_space<semaphore_mem>>
        %dma_start3A_108 = arith.constant 0 : i32
        %dma_start3A_109 = tpu.memref_slice %arg10[%add3A_105, %dma_start3A_108] : memref<10256x128xf32, #tpu.memory_space<vmem_shared>> -> memref<32x128xf32, #tpu.memory_space<vmem_shared>>
        %dma_start3A_110 = arith.constant 0 : i32
        %dma_start3A_111 = tpu.memref_slice %arg10[%add3A_105, %dma_start3A_110] : memref<10256x128xf32, #tpu.memory_space<vmem_shared>> -> memref<32x128xf32, #tpu.memory_space<vmem_shared>>
        tpu.enqueue_dma source(%arg9 : memref<32x128xf32, #tpu.memory_space<vmem>>) target(%dma_start3A_111 : memref<32x128xf32, #tpu.memory_space<vmem_shared>>) target_semaphore(%run_scoped3A : memref<!tpu.dma_semaphore, #tpu.memory_space<semaphore_mem>>)
        %dma_wait3A = arith.constant 0 : i32
        %dma_wait3A_112 = tpu.memref_slice %arg10[%add3A_105, %dma_wait3A] : memref<10256x128xf32, #tpu.memory_space<vmem_shared>> -> memref<32x128xf32, #tpu.memory_space<vmem_shared>>
        %dma_wait3A_113 = arith.constant 0 : i32
        %dma_wait3A_114 = tpu.memref_slice %arg10[%add3A_105, %dma_wait3A_113] : memref<10256x128xf32, #tpu.memory_space<vmem_shared>> -> memref<32x128xf32, #tpu.memory_space<vmem_shared>>
        tpu.wait_dma2 semaphore(%run_scoped3A : memref<!tpu.dma_semaphore, #tpu.memory_space<semaphore_mem>>) src(%arg9 : memref<32x128xf32, #tpu.memory_space<vmem>>) dst(%dma_wait3A_114 : memref<32x128xf32, #tpu.memory_space<vmem_shared>>)
        tpu.yield
      }) : () -> ()
      %add3A_106 = arith.constant 608 : i32
      %add3A_107 = arith.addi %mul3A_7, %add3A_106 : i32
      "tpu.region"() ({
        %run_scoped3A = tpu.sem_alloc : memref<!tpu.dma_semaphore, #tpu.memory_space<semaphore_mem>>
        %dma_start3A_108 = arith.constant 0 : i32
        %dma_start3A_109 = tpu.memref_slice %arg10[%add3A_107, %dma_start3A_108] : memref<10256x128xf32, #tpu.memory_space<vmem_shared>> -> memref<32x128xf32, #tpu.memory_space<vmem_shared>>
        %dma_start3A_110 = arith.constant 0 : i32
        %dma_start3A_111 = tpu.memref_slice %arg10[%add3A_107, %dma_start3A_110] : memref<10256x128xf32, #tpu.memory_space<vmem_shared>> -> memref<32x128xf32, #tpu.memory_space<vmem_shared>>
        tpu.enqueue_dma source(%arg9 : memref<32x128xf32, #tpu.memory_space<vmem>>) target(%dma_start3A_111 : memref<32x128xf32, #tpu.memory_space<vmem_shared>>) target_semaphore(%run_scoped3A : memref<!tpu.dma_semaphore, #tpu.memory_space<semaphore_mem>>)
        %dma_wait3A = arith.constant 0 : i32
        %dma_wait3A_112 = tpu.memref_slice %arg10[%add3A_107, %dma_wait3A] : memref<10256x128xf32, #tpu.memory_space<vmem_shared>> -> memref<32x128xf32, #tpu.memory_space<vmem_shared>>
        %dma_wait3A_113 = arith.constant 0 : i32
        %dma_wait3A_114 = tpu.memref_slice %arg10[%add3A_107, %dma_wait3A_113] : memref<10256x128xf32, #tpu.memory_space<vmem_shared>> -> memref<32x128xf32, #tpu.memory_space<vmem_shared>>
        tpu.wait_dma2 semaphore(%run_scoped3A : memref<!tpu.dma_semaphore, #tpu.memory_space<semaphore_mem>>) src(%arg9 : memref<32x128xf32, #tpu.memory_space<vmem>>) dst(%dma_wait3A_114 : memref<32x128xf32, #tpu.memory_space<vmem_shared>>)
        tpu.yield
      }) : () -> ()
    } else {
    }
    %eq3A = arith.constant 15 : i32
    %eq3A_10 = arith.cmpi eq, %arg1, %eq3A : i32
    %convert_element_type3A_11 = arith.extui %eq3A_10 : i1 to i32
    %cond3A_12 = arith.constant 0 : i32
    %cond3A_13 = arith.cmpi ne, %convert_element_type3A_11, %cond3A_12 : i32
    scf.if %cond3A_13 {
      %add3A_68 = arith.constant 0 : i32
      %add3A_69 = arith.addi %mul3A_7, %add3A_68 : i32
      "tpu.region"() ({
        %run_scoped3A = tpu.sem_alloc : memref<!tpu.dma_semaphore, #tpu.memory_space<semaphore_mem>>
        %dma_start3A_111 = arith.constant 0 : i32
        %dma_start3A_112 = tpu.memref_slice %arg10[%add3A_69, %dma_start3A_111] : memref<10256x128xf32, #tpu.memory_space<vmem_shared>> -> memref<32x128xf32, #tpu.memory_space<vmem_shared>>
        %dma_start3A_113 = arith.constant 0 : i32
        %dma_start3A_114 = tpu.memref_slice %arg10[%add3A_69, %dma_start3A_113] : memref<10256x128xf32, #tpu.memory_space<vmem_shared>> -> memref<32x128xf32, #tpu.memory_space<vmem_shared>>
        tpu.enqueue_dma source(%arg9 : memref<32x128xf32, #tpu.memory_space<vmem>>) target(%dma_start3A_114 : memref<32x128xf32, #tpu.memory_space<vmem_shared>>) target_semaphore(%run_scoped3A : memref<!tpu.dma_semaphore, #tpu.memory_space<semaphore_mem>>)
        %dma_wait3A = arith.constant 0 : i32
        %dma_wait3A_115 = tpu.memref_slice %arg10[%add3A_69, %dma_wait3A] : memref<10256x128xf32, #tpu.memory_space<vmem_shared>> -> memref<32x128xf32, #tpu.memory_space<vmem_shared>>
        %dma_wait3A_116 = arith.constant 0 : i32
        %dma_wait3A_117 = tpu.memref_slice %arg10[%add3A_69, %dma_wait3A_116] : memref<10256x128xf32, #tpu.memory_space<vmem_shared>> -> memref<32x128xf32, #tpu.memory_space<vmem_shared>>
        tpu.wait_dma2 semaphore(%run_scoped3A : memref<!tpu.dma_semaphore, #tpu.memory_space<semaphore_mem>>) src(%arg9 : memref<32x128xf32, #tpu.memory_space<vmem>>) dst(%dma_wait3A_117 : memref<32x128xf32, #tpu.memory_space<vmem_shared>>)
        tpu.yield
      }) : () -> ()
      %add3A_70 = arith.constant 32 : i32
      %add3A_71 = arith.addi %mul3A_7, %add3A_70 : i32
      "tpu.region"() ({
        %run_scoped3A = tpu.sem_alloc : memref<!tpu.dma_semaphore, #tpu.memory_space<semaphore_mem>>
        %dma_start3A_111 = arith.constant 0 : i32
        %dma_start3A_112 = tpu.memref_slice %arg10[%add3A_71, %dma_start3A_111] : memref<10256x128xf32, #tpu.memory_space<vmem_shared>> -> memref<32x128xf32, #tpu.memory_space<vmem_shared>>
        %dma_start3A_113 = arith.constant 0 : i32
        %dma_start3A_114 = tpu.memref_slice %arg10[%add3A_71, %dma_start3A_113] : memref<10256x128xf32, #tpu.memory_space<vmem_shared>> -> memref<32x128xf32, #tpu.memory_space<vmem_shared>>
        tpu.enqueue_dma source(%arg9 : memref<32x128xf32, #tpu.memory_space<vmem>>) target(%dma_start3A_114 : memref<32x128xf32, #tpu.memory_space<vmem_shared>>) target_semaphore(%run_scoped3A : memref<!tpu.dma_semaphore, #tpu.memory_space<semaphore_mem>>)
        %dma_wait3A = arith.constant 0 : i32
        %dma_wait3A_115 = tpu.memref_slice %arg10[%add3A_71, %dma_wait3A] : memref<10256x128xf32, #tpu.memory_space<vmem_shared>> -> memref<32x128xf32, #tpu.memory_space<vmem_shared>>
        %dma_wait3A_116 = arith.constant 0 : i32
        %dma_wait3A_117 = tpu.memref_slice %arg10[%add3A_71, %dma_wait3A_116] : memref<10256x128xf32, #tpu.memory_space<vmem_shared>> -> memref<32x128xf32, #tpu.memory_space<vmem_shared>>
        tpu.wait_dma2 semaphore(%run_scoped3A : memref<!tpu.dma_semaphore, #tpu.memory_space<semaphore_mem>>) src(%arg9 : memref<32x128xf32, #tpu.memory_space<vmem>>) dst(%dma_wait3A_117 : memref<32x128xf32, #tpu.memory_space<vmem_shared>>)
        tpu.yield
      }) : () -> ()
      %add3A_72 = arith.constant 64 : i32
      %add3A_73 = arith.addi %mul3A_7, %add3A_72 : i32
      "tpu.region"() ({
        %run_scoped3A = tpu.sem_alloc : memref<!tpu.dma_semaphore, #tpu.memory_space<semaphore_mem>>
        %dma_start3A_111 = arith.constant 0 : i32
        %dma_start3A_112 = tpu.memref_slice %arg10[%add3A_73, %dma_start3A_111] : memref<10256x128xf32, #tpu.memory_space<vmem_shared>> -> memref<32x128xf32, #tpu.memory_space<vmem_shared>>
        %dma_start3A_113 = arith.constant 0 : i32
        %dma_start3A_114 = tpu.memref_slice %arg10[%add3A_73, %dma_start3A_113] : memref<10256x128xf32, #tpu.memory_space<vmem_shared>> -> memref<32x128xf32, #tpu.memory_space<vmem_shared>>
        tpu.enqueue_dma source(%arg9 : memref<32x128xf32, #tpu.memory_space<vmem>>) target(%dma_start3A_114 : memref<32x128xf32, #tpu.memory_space<vmem_shared>>) target_semaphore(%run_scoped3A : memref<!tpu.dma_semaphore, #tpu.memory_space<semaphore_mem>>)
        %dma_wait3A = arith.constant 0 : i32
        %dma_wait3A_115 = tpu.memref_slice %arg10[%add3A_73, %dma_wait3A] : memref<10256x128xf32, #tpu.memory_space<vmem_shared>> -> memref<32x128xf32, #tpu.memory_space<vmem_shared>>
        %dma_wait3A_116 = arith.constant 0 : i32
        %dma_wait3A_117 = tpu.memref_slice %arg10[%add3A_73, %dma_wait3A_116] : memref<10256x128xf32, #tpu.memory_space<vmem_shared>> -> memref<32x128xf32, #tpu.memory_space<vmem_shared>>
        tpu.wait_dma2 semaphore(%run_scoped3A : memref<!tpu.dma_semaphore, #tpu.memory_space<semaphore_mem>>) src(%arg9 : memref<32x128xf32, #tpu.memory_space<vmem>>) dst(%dma_wait3A_117 : memref<32x128xf32, #tpu.memory_space<vmem_shared>>)
        tpu.yield
      }) : () -> ()
      %add3A_74 = arith.constant 96 : i32
      %add3A_75 = arith.addi %mul3A_7, %add3A_74 : i32
      "tpu.region"() ({
        %run_scoped3A = tpu.sem_alloc : memref<!tpu.dma_semaphore, #tpu.memory_space<semaphore_mem>>
        %dma_start3A_111 = arith.constant 0 : i32
        %dma_start3A_112 = tpu.memref_slice %arg10[%add3A_75, %dma_start3A_111] : memref<10256x128xf32, #tpu.memory_space<vmem_shared>> -> memref<32x128xf32, #tpu.memory_space<vmem_shared>>
        %dma_start3A_113 = arith.constant 0 : i32
        %dma_start3A_114 = tpu.memref_slice %arg10[%add3A_75, %dma_start3A_113] : memref<10256x128xf32, #tpu.memory_space<vmem_shared>> -> memref<32x128xf32, #tpu.memory_space<vmem_shared>>
        tpu.enqueue_dma source(%arg9 : memref<32x128xf32, #tpu.memory_space<vmem>>) target(%dma_start3A_114 : memref<32x128xf32, #tpu.memory_space<vmem_shared>>) target_semaphore(%run_scoped3A : memref<!tpu.dma_semaphore, #tpu.memory_space<semaphore_mem>>)
        %dma_wait3A = arith.constant 0 : i32
        %dma_wait3A_115 = tpu.memref_slice %arg10[%add3A_75, %dma_wait3A] : memref<10256x128xf32, #tpu.memory_space<vmem_shared>> -> memref<32x128xf32, #tpu.memory_space<vmem_shared>>
        %dma_wait3A_116 = arith.constant 0 : i32
        %dma_wait3A_117 = tpu.memref_slice %arg10[%add3A_75, %dma_wait3A_116] : memref<10256x128xf32, #tpu.memory_space<vmem_shared>> -> memref<32x128xf32, #tpu.memory_space<vmem_shared>>
        tpu.wait_dma2 semaphore(%run_scoped3A : memref<!tpu.dma_semaphore, #tpu.memory_space<semaphore_mem>>) src(%arg9 : memref<32x128xf32, #tpu.memory_space<vmem>>) dst(%dma_wait3A_117 : memref<32x128xf32, #tpu.memory_space<vmem_shared>>)
        tpu.yield
      }) : () -> ()
      %add3A_76 = arith.constant 128 : i32
      %add3A_77 = arith.addi %mul3A_7, %add3A_76 : i32
      "tpu.region"() ({
        %run_scoped3A = tpu.sem_alloc : memref<!tpu.dma_semaphore, #tpu.memory_space<semaphore_mem>>
        %dma_start3A_111 = arith.constant 0 : i32
        %dma_start3A_112 = tpu.memref_slice %arg10[%add3A_77, %dma_start3A_111] : memref<10256x128xf32, #tpu.memory_space<vmem_shared>> -> memref<32x128xf32, #tpu.memory_space<vmem_shared>>
        %dma_start3A_113 = arith.constant 0 : i32
        %dma_start3A_114 = tpu.memref_slice %arg10[%add3A_77, %dma_start3A_113] : memref<10256x128xf32, #tpu.memory_space<vmem_shared>> -> memref<32x128xf32, #tpu.memory_space<vmem_shared>>
        tpu.enqueue_dma source(%arg9 : memref<32x128xf32, #tpu.memory_space<vmem>>) target(%dma_start3A_114 : memref<32x128xf32, #tpu.memory_space<vmem_shared>>) target_semaphore(%run_scoped3A : memref<!tpu.dma_semaphore, #tpu.memory_space<semaphore_mem>>)
        %dma_wait3A = arith.constant 0 : i32
        %dma_wait3A_115 = tpu.memref_slice %arg10[%add3A_77, %dma_wait3A] : memref<10256x128xf32, #tpu.memory_space<vmem_shared>> -> memref<32x128xf32, #tpu.memory_space<vmem_shared>>
        %dma_wait3A_116 = arith.constant 0 : i32
        %dma_wait3A_117 = tpu.memref_slice %arg10[%add3A_77, %dma_wait3A_116] : memref<10256x128xf32, #tpu.memory_space<vmem_shared>> -> memref<32x128xf32, #tpu.memory_space<vmem_shared>>
        tpu.wait_dma2 semaphore(%run_scoped3A : memref<!tpu.dma_semaphore, #tpu.memory_space<semaphore_mem>>) src(%arg9 : memref<32x128xf32, #tpu.memory_space<vmem>>) dst(%dma_wait3A_117 : memref<32x128xf32, #tpu.memory_space<vmem_shared>>)
        tpu.yield
      }) : () -> ()
      %add3A_78 = arith.constant 160 : i32
      %add3A_79 = arith.addi %mul3A_7, %add3A_78 : i32
      "tpu.region"() ({
        %run_scoped3A = tpu.sem_alloc : memref<!tpu.dma_semaphore, #tpu.memory_space<semaphore_mem>>
        %dma_start3A_111 = arith.constant 0 : i32
        %dma_start3A_112 = tpu.memref_slice %arg10[%add3A_79, %dma_start3A_111] : memref<10256x128xf32, #tpu.memory_space<vmem_shared>> -> memref<32x128xf32, #tpu.memory_space<vmem_shared>>
        %dma_start3A_113 = arith.constant 0 : i32
        %dma_start3A_114 = tpu.memref_slice %arg10[%add3A_79, %dma_start3A_113] : memref<10256x128xf32, #tpu.memory_space<vmem_shared>> -> memref<32x128xf32, #tpu.memory_space<vmem_shared>>
        tpu.enqueue_dma source(%arg9 : memref<32x128xf32, #tpu.memory_space<vmem>>) target(%dma_start3A_114 : memref<32x128xf32, #tpu.memory_space<vmem_shared>>) target_semaphore(%run_scoped3A : memref<!tpu.dma_semaphore, #tpu.memory_space<semaphore_mem>>)
        %dma_wait3A = arith.constant 0 : i32
        %dma_wait3A_115 = tpu.memref_slice %arg10[%add3A_79, %dma_wait3A] : memref<10256x128xf32, #tpu.memory_space<vmem_shared>> -> memref<32x128xf32, #tpu.memory_space<vmem_shared>>
        %dma_wait3A_116 = arith.constant 0 : i32
        %dma_wait3A_117 = tpu.memref_slice %arg10[%add3A_79, %dma_wait3A_116] : memref<10256x128xf32, #tpu.memory_space<vmem_shared>> -> memref<32x128xf32, #tpu.memory_space<vmem_shared>>
        tpu.wait_dma2 semaphore(%run_scoped3A : memref<!tpu.dma_semaphore, #tpu.memory_space<semaphore_mem>>) src(%arg9 : memref<32x128xf32, #tpu.memory_space<vmem>>) dst(%dma_wait3A_117 : memref<32x128xf32, #tpu.memory_space<vmem_shared>>)
        tpu.yield
      }) : () -> ()
      %add3A_80 = arith.constant 192 : i32
      %add3A_81 = arith.addi %mul3A_7, %add3A_80 : i32
      "tpu.region"() ({
        %run_scoped3A = tpu.sem_alloc : memref<!tpu.dma_semaphore, #tpu.memory_space<semaphore_mem>>
        %dma_start3A_111 = arith.constant 0 : i32
        %dma_start3A_112 = tpu.memref_slice %arg10[%add3A_81, %dma_start3A_111] : memref<10256x128xf32, #tpu.memory_space<vmem_shared>> -> memref<32x128xf32, #tpu.memory_space<vmem_shared>>
        %dma_start3A_113 = arith.constant 0 : i32
        %dma_start3A_114 = tpu.memref_slice %arg10[%add3A_81, %dma_start3A_113] : memref<10256x128xf32, #tpu.memory_space<vmem_shared>> -> memref<32x128xf32, #tpu.memory_space<vmem_shared>>
        tpu.enqueue_dma source(%arg9 : memref<32x128xf32, #tpu.memory_space<vmem>>) target(%dma_start3A_114 : memref<32x128xf32, #tpu.memory_space<vmem_shared>>) target_semaphore(%run_scoped3A : memref<!tpu.dma_semaphore, #tpu.memory_space<semaphore_mem>>)
        %dma_wait3A = arith.constant 0 : i32
        %dma_wait3A_115 = tpu.memref_slice %arg10[%add3A_81, %dma_wait3A] : memref<10256x128xf32, #tpu.memory_space<vmem_shared>> -> memref<32x128xf32, #tpu.memory_space<vmem_shared>>
        %dma_wait3A_116 = arith.constant 0 : i32
        %dma_wait3A_117 = tpu.memref_slice %arg10[%add3A_81, %dma_wait3A_116] : memref<10256x128xf32, #tpu.memory_space<vmem_shared>> -> memref<32x128xf32, #tpu.memory_space<vmem_shared>>
        tpu.wait_dma2 semaphore(%run_scoped3A : memref<!tpu.dma_semaphore, #tpu.memory_space<semaphore_mem>>) src(%arg9 : memref<32x128xf32, #tpu.memory_space<vmem>>) dst(%dma_wait3A_117 : memref<32x128xf32, #tpu.memory_space<vmem_shared>>)
        tpu.yield
      }) : () -> ()
      %add3A_82 = arith.constant 224 : i32
      %add3A_83 = arith.addi %mul3A_7, %add3A_82 : i32
      "tpu.region"() ({
        %run_scoped3A = tpu.sem_alloc : memref<!tpu.dma_semaphore, #tpu.memory_space<semaphore_mem>>
        %dma_start3A_111 = arith.constant 0 : i32
        %dma_start3A_112 = tpu.memref_slice %arg10[%add3A_83, %dma_start3A_111] : memref<10256x128xf32, #tpu.memory_space<vmem_shared>> -> memref<32x128xf32, #tpu.memory_space<vmem_shared>>
        %dma_start3A_113 = arith.constant 0 : i32
        %dma_start3A_114 = tpu.memref_slice %arg10[%add3A_83, %dma_start3A_113] : memref<10256x128xf32, #tpu.memory_space<vmem_shared>> -> memref<32x128xf32, #tpu.memory_space<vmem_shared>>
        tpu.enqueue_dma source(%arg9 : memref<32x128xf32, #tpu.memory_space<vmem>>) target(%dma_start3A_114 : memref<32x128xf32, #tpu.memory_space<vmem_shared>>) target_semaphore(%run_scoped3A : memref<!tpu.dma_semaphore, #tpu.memory_space<semaphore_mem>>)
        %dma_wait3A = arith.constant 0 : i32
        %dma_wait3A_115 = tpu.memref_slice %arg10[%add3A_83, %dma_wait3A] : memref<10256x128xf32, #tpu.memory_space<vmem_shared>> -> memref<32x128xf32, #tpu.memory_space<vmem_shared>>
        %dma_wait3A_116 = arith.constant 0 : i32
        %dma_wait3A_117 = tpu.memref_slice %arg10[%add3A_83, %dma_wait3A_116] : memref<10256x128xf32, #tpu.memory_space<vmem_shared>> -> memref<32x128xf32, #tpu.memory_space<vmem_shared>>
        tpu.wait_dma2 semaphore(%run_scoped3A : memref<!tpu.dma_semaphore, #tpu.memory_space<semaphore_mem>>) src(%arg9 : memref<32x128xf32, #tpu.memory_space<vmem>>) dst(%dma_wait3A_117 : memref<32x128xf32, #tpu.memory_space<vmem_shared>>)
        tpu.yield
      }) : () -> ()
      %add3A_84 = arith.constant 256 : i32
      %add3A_85 = arith.addi %mul3A_7, %add3A_84 : i32
      "tpu.region"() ({
        %run_scoped3A = tpu.sem_alloc : memref<!tpu.dma_semaphore, #tpu.memory_space<semaphore_mem>>
        %dma_start3A_111 = arith.constant 0 : i32
        %dma_start3A_112 = tpu.memref_slice %arg10[%add3A_85, %dma_start3A_111] : memref<10256x128xf32, #tpu.memory_space<vmem_shared>> -> memref<32x128xf32, #tpu.memory_space<vmem_shared>>
        %dma_start3A_113 = arith.constant 0 : i32
        %dma_start3A_114 = tpu.memref_slice %arg10[%add3A_85, %dma_start3A_113] : memref<10256x128xf32, #tpu.memory_space<vmem_shared>> -> memref<32x128xf32, #tpu.memory_space<vmem_shared>>
        tpu.enqueue_dma source(%arg9 : memref<32x128xf32, #tpu.memory_space<vmem>>) target(%dma_start3A_114 : memref<32x128xf32, #tpu.memory_space<vmem_shared>>) target_semaphore(%run_scoped3A : memref<!tpu.dma_semaphore, #tpu.memory_space<semaphore_mem>>)
        %dma_wait3A = arith.constant 0 : i32
        %dma_wait3A_115 = tpu.memref_slice %arg10[%add3A_85, %dma_wait3A] : memref<10256x128xf32, #tpu.memory_space<vmem_shared>> -> memref<32x128xf32, #tpu.memory_space<vmem_shared>>
        %dma_wait3A_116 = arith.constant 0 : i32
        %dma_wait3A_117 = tpu.memref_slice %arg10[%add3A_85, %dma_wait3A_116] : memref<10256x128xf32, #tpu.memory_space<vmem_shared>> -> memref<32x128xf32, #tpu.memory_space<vmem_shared>>
        tpu.wait_dma2 semaphore(%run_scoped3A : memref<!tpu.dma_semaphore, #tpu.memory_space<semaphore_mem>>) src(%arg9 : memref<32x128xf32, #tpu.memory_space<vmem>>) dst(%dma_wait3A_117 : memref<32x128xf32, #tpu.memory_space<vmem_shared>>)
        tpu.yield
      }) : () -> ()
      %add3A_86 = arith.constant 288 : i32
      %add3A_87 = arith.addi %mul3A_7, %add3A_86 : i32
      "tpu.region"() ({
        %run_scoped3A = tpu.sem_alloc : memref<!tpu.dma_semaphore, #tpu.memory_space<semaphore_mem>>
        %dma_start3A_111 = arith.constant 0 : i32
        %dma_start3A_112 = tpu.memref_slice %arg10[%add3A_87, %dma_start3A_111] : memref<10256x128xf32, #tpu.memory_space<vmem_shared>> -> memref<32x128xf32, #tpu.memory_space<vmem_shared>>
        %dma_start3A_113 = arith.constant 0 : i32
        %dma_start3A_114 = tpu.memref_slice %arg10[%add3A_87, %dma_start3A_113] : memref<10256x128xf32, #tpu.memory_space<vmem_shared>> -> memref<32x128xf32, #tpu.memory_space<vmem_shared>>
        tpu.enqueue_dma source(%arg9 : memref<32x128xf32, #tpu.memory_space<vmem>>) target(%dma_start3A_114 : memref<32x128xf32, #tpu.memory_space<vmem_shared>>) target_semaphore(%run_scoped3A : memref<!tpu.dma_semaphore, #tpu.memory_space<semaphore_mem>>)
        %dma_wait3A = arith.constant 0 : i32
        %dma_wait3A_115 = tpu.memref_slice %arg10[%add3A_87, %dma_wait3A] : memref<10256x128xf32, #tpu.memory_space<vmem_shared>> -> memref<32x128xf32, #tpu.memory_space<vmem_shared>>
        %dma_wait3A_116 = arith.constant 0 : i32
        %dma_wait3A_117 = tpu.memref_slice %arg10[%add3A_87, %dma_wait3A_116] : memref<10256x128xf32, #tpu.memory_space<vmem_shared>> -> memref<32x128xf32, #tpu.memory_space<vmem_shared>>
        tpu.wait_dma2 semaphore(%run_scoped3A : memref<!tpu.dma_semaphore, #tpu.memory_space<semaphore_mem>>) src(%arg9 : memref<32x128xf32, #tpu.memory_space<vmem>>) dst(%dma_wait3A_117 : memref<32x128xf32, #tpu.memory_space<vmem_shared>>)
        tpu.yield
      }) : () -> ()
      %add3A_88 = arith.constant 320 : i32
      %add3A_89 = arith.addi %mul3A_7, %add3A_88 : i32
      "tpu.region"() ({
        %run_scoped3A = tpu.sem_alloc : memref<!tpu.dma_semaphore, #tpu.memory_space<semaphore_mem>>
        %dma_start3A_111 = arith.constant 0 : i32
        %dma_start3A_112 = tpu.memref_slice %arg10[%add3A_89, %dma_start3A_111] : memref<10256x128xf32, #tpu.memory_space<vmem_shared>> -> memref<32x128xf32, #tpu.memory_space<vmem_shared>>
        %dma_start3A_113 = arith.constant 0 : i32
        %dma_start3A_114 = tpu.memref_slice %arg10[%add3A_89, %dma_start3A_113] : memref<10256x128xf32, #tpu.memory_space<vmem_shared>> -> memref<32x128xf32, #tpu.memory_space<vmem_shared>>
        tpu.enqueue_dma source(%arg9 : memref<32x128xf32, #tpu.memory_space<vmem>>) target(%dma_start3A_114 : memref<32x128xf32, #tpu.memory_space<vmem_shared>>) target_semaphore(%run_scoped3A : memref<!tpu.dma_semaphore, #tpu.memory_space<semaphore_mem>>)
        %dma_wait3A = arith.constant 0 : i32
        %dma_wait3A_115 = tpu.memref_slice %arg10[%add3A_89, %dma_wait3A] : memref<10256x128xf32, #tpu.memory_space<vmem_shared>> -> memref<32x128xf32, #tpu.memory_space<vmem_shared>>
        %dma_wait3A_116 = arith.constant 0 : i32
        %dma_wait3A_117 = tpu.memref_slice %arg10[%add3A_89, %dma_wait3A_116] : memref<10256x128xf32, #tpu.memory_space<vmem_shared>> -> memref<32x128xf32, #tpu.memory_space<vmem_shared>>
        tpu.wait_dma2 semaphore(%run_scoped3A : memref<!tpu.dma_semaphore, #tpu.memory_space<semaphore_mem>>) src(%arg9 : memref<32x128xf32, #tpu.memory_space<vmem>>) dst(%dma_wait3A_117 : memref<32x128xf32, #tpu.memory_space<vmem_shared>>)
        tpu.yield
      }) : () -> ()
      %add3A_90 = arith.constant 352 : i32
      %add3A_91 = arith.addi %mul3A_7, %add3A_90 : i32
      "tpu.region"() ({
        %run_scoped3A = tpu.sem_alloc : memref<!tpu.dma_semaphore, #tpu.memory_space<semaphore_mem>>
        %dma_start3A_111 = arith.constant 0 : i32
        %dma_start3A_112 = tpu.memref_slice %arg10[%add3A_91, %dma_start3A_111] : memref<10256x128xf32, #tpu.memory_space<vmem_shared>> -> memref<32x128xf32, #tpu.memory_space<vmem_shared>>
        %dma_start3A_113 = arith.constant 0 : i32
        %dma_start3A_114 = tpu.memref_slice %arg10[%add3A_91, %dma_start3A_113] : memref<10256x128xf32, #tpu.memory_space<vmem_shared>> -> memref<32x128xf32, #tpu.memory_space<vmem_shared>>
        tpu.enqueue_dma source(%arg9 : memref<32x128xf32, #tpu.memory_space<vmem>>) target(%dma_start3A_114 : memref<32x128xf32, #tpu.memory_space<vmem_shared>>) target_semaphore(%run_scoped3A : memref<!tpu.dma_semaphore, #tpu.memory_space<semaphore_mem>>)
        %dma_wait3A = arith.constant 0 : i32
        %dma_wait3A_115 = tpu.memref_slice %arg10[%add3A_91, %dma_wait3A] : memref<10256x128xf32, #tpu.memory_space<vmem_shared>> -> memref<32x128xf32, #tpu.memory_space<vmem_shared>>
        %dma_wait3A_116 = arith.constant 0 : i32
        %dma_wait3A_117 = tpu.memref_slice %arg10[%add3A_91, %dma_wait3A_116] : memref<10256x128xf32, #tpu.memory_space<vmem_shared>> -> memref<32x128xf32, #tpu.memory_space<vmem_shared>>
        tpu.wait_dma2 semaphore(%run_scoped3A : memref<!tpu.dma_semaphore, #tpu.memory_space<semaphore_mem>>) src(%arg9 : memref<32x128xf32, #tpu.memory_space<vmem>>) dst(%dma_wait3A_117 : memref<32x128xf32, #tpu.memory_space<vmem_shared>>)
        tpu.yield
      }) : () -> ()
      %add3A_92 = arith.constant 384 : i32
      %add3A_93 = arith.addi %mul3A_7, %add3A_92 : i32
      "tpu.region"() ({
        %run_scoped3A = tpu.sem_alloc : memref<!tpu.dma_semaphore, #tpu.memory_space<semaphore_mem>>
        %dma_start3A_111 = arith.constant 0 : i32
        %dma_start3A_112 = tpu.memref_slice %arg10[%add3A_93, %dma_start3A_111] : memref<10256x128xf32, #tpu.memory_space<vmem_shared>> -> memref<32x128xf32, #tpu.memory_space<vmem_shared>>
        %dma_start3A_113 = arith.constant 0 : i32
        %dma_start3A_114 = tpu.memref_slice %arg10[%add3A_93, %dma_start3A_113] : memref<10256x128xf32, #tpu.memory_space<vmem_shared>> -> memref<32x128xf32, #tpu.memory_space<vmem_shared>>
        tpu.enqueue_dma source(%arg9 : memref<32x128xf32, #tpu.memory_space<vmem>>) target(%dma_start3A_114 : memref<32x128xf32, #tpu.memory_space<vmem_shared>>) target_semaphore(%run_scoped3A : memref<!tpu.dma_semaphore, #tpu.memory_space<semaphore_mem>>)
        %dma_wait3A = arith.constant 0 : i32
        %dma_wait3A_115 = tpu.memref_slice %arg10[%add3A_93, %dma_wait3A] : memref<10256x128xf32, #tpu.memory_space<vmem_shared>> -> memref<32x128xf32, #tpu.memory_space<vmem_shared>>
        %dma_wait3A_116 = arith.constant 0 : i32
        %dma_wait3A_117 = tpu.memref_slice %arg10[%add3A_93, %dma_wait3A_116] : memref<10256x128xf32, #tpu.memory_space<vmem_shared>> -> memref<32x128xf32, #tpu.memory_space<vmem_shared>>
        tpu.wait_dma2 semaphore(%run_scoped3A : memref<!tpu.dma_semaphore, #tpu.memory_space<semaphore_mem>>) src(%arg9 : memref<32x128xf32, #tpu.memory_space<vmem>>) dst(%dma_wait3A_117 : memref<32x128xf32, #tpu.memory_space<vmem_shared>>)
        tpu.yield
      }) : () -> ()
      %add3A_94 = arith.constant 416 : i32
      %add3A_95 = arith.addi %mul3A_7, %add3A_94 : i32
      "tpu.region"() ({
        %run_scoped3A = tpu.sem_alloc : memref<!tpu.dma_semaphore, #tpu.memory_space<semaphore_mem>>
        %dma_start3A_111 = arith.constant 0 : i32
        %dma_start3A_112 = tpu.memref_slice %arg10[%add3A_95, %dma_start3A_111] : memref<10256x128xf32, #tpu.memory_space<vmem_shared>> -> memref<32x128xf32, #tpu.memory_space<vmem_shared>>
        %dma_start3A_113 = arith.constant 0 : i32
        %dma_start3A_114 = tpu.memref_slice %arg10[%add3A_95, %dma_start3A_113] : memref<10256x128xf32, #tpu.memory_space<vmem_shared>> -> memref<32x128xf32, #tpu.memory_space<vmem_shared>>
        tpu.enqueue_dma source(%arg9 : memref<32x128xf32, #tpu.memory_space<vmem>>) target(%dma_start3A_114 : memref<32x128xf32, #tpu.memory_space<vmem_shared>>) target_semaphore(%run_scoped3A : memref<!tpu.dma_semaphore, #tpu.memory_space<semaphore_mem>>)
        %dma_wait3A = arith.constant 0 : i32
        %dma_wait3A_115 = tpu.memref_slice %arg10[%add3A_95, %dma_wait3A] : memref<10256x128xf32, #tpu.memory_space<vmem_shared>> -> memref<32x128xf32, #tpu.memory_space<vmem_shared>>
        %dma_wait3A_116 = arith.constant 0 : i32
        %dma_wait3A_117 = tpu.memref_slice %arg10[%add3A_95, %dma_wait3A_116] : memref<10256x128xf32, #tpu.memory_space<vmem_shared>> -> memref<32x128xf32, #tpu.memory_space<vmem_shared>>
        tpu.wait_dma2 semaphore(%run_scoped3A : memref<!tpu.dma_semaphore, #tpu.memory_space<semaphore_mem>>) src(%arg9 : memref<32x128xf32, #tpu.memory_space<vmem>>) dst(%dma_wait3A_117 : memref<32x128xf32, #tpu.memory_space<vmem_shared>>)
        tpu.yield
      }) : () -> ()
      %add3A_96 = arith.constant 448 : i32
      %add3A_97 = arith.addi %mul3A_7, %add3A_96 : i32
      "tpu.region"() ({
        %run_scoped3A = tpu.sem_alloc : memref<!tpu.dma_semaphore, #tpu.memory_space<semaphore_mem>>
        %dma_start3A_111 = arith.constant 0 : i32
        %dma_start3A_112 = tpu.memref_slice %arg10[%add3A_97, %dma_start3A_111] : memref<10256x128xf32, #tpu.memory_space<vmem_shared>> -> memref<32x128xf32, #tpu.memory_space<vmem_shared>>
        %dma_start3A_113 = arith.constant 0 : i32
        %dma_start3A_114 = tpu.memref_slice %arg10[%add3A_97, %dma_start3A_113] : memref<10256x128xf32, #tpu.memory_space<vmem_shared>> -> memref<32x128xf32, #tpu.memory_space<vmem_shared>>
        tpu.enqueue_dma source(%arg9 : memref<32x128xf32, #tpu.memory_space<vmem>>) target(%dma_start3A_114 : memref<32x128xf32, #tpu.memory_space<vmem_shared>>) target_semaphore(%run_scoped3A : memref<!tpu.dma_semaphore, #tpu.memory_space<semaphore_mem>>)
        %dma_wait3A = arith.constant 0 : i32
        %dma_wait3A_115 = tpu.memref_slice %arg10[%add3A_97, %dma_wait3A] : memref<10256x128xf32, #tpu.memory_space<vmem_shared>> -> memref<32x128xf32, #tpu.memory_space<vmem_shared>>
        %dma_wait3A_116 = arith.constant 0 : i32
        %dma_wait3A_117 = tpu.memref_slice %arg10[%add3A_97, %dma_wait3A_116] : memref<10256x128xf32, #tpu.memory_space<vmem_shared>> -> memref<32x128xf32, #tpu.memory_space<vmem_shared>>
        tpu.wait_dma2 semaphore(%run_scoped3A : memref<!tpu.dma_semaphore, #tpu.memory_space<semaphore_mem>>) src(%arg9 : memref<32x128xf32, #tpu.memory_space<vmem>>) dst(%dma_wait3A_117 : memref<32x128xf32, #tpu.memory_space<vmem_shared>>)
        tpu.yield
      }) : () -> ()
      %add3A_98 = arith.constant 480 : i32
      %add3A_99 = arith.addi %mul3A_7, %add3A_98 : i32
      "tpu.region"() ({
        %run_scoped3A = tpu.sem_alloc : memref<!tpu.dma_semaphore, #tpu.memory_space<semaphore_mem>>
        %dma_start3A_111 = arith.constant 0 : i32
        %dma_start3A_112 = tpu.memref_slice %arg10[%add3A_99, %dma_start3A_111] : memref<10256x128xf32, #tpu.memory_space<vmem_shared>> -> memref<32x128xf32, #tpu.memory_space<vmem_shared>>
        %dma_start3A_113 = arith.constant 0 : i32
        %dma_start3A_114 = tpu.memref_slice %arg10[%add3A_99, %dma_start3A_113] : memref<10256x128xf32, #tpu.memory_space<vmem_shared>> -> memref<32x128xf32, #tpu.memory_space<vmem_shared>>
        tpu.enqueue_dma source(%arg9 : memref<32x128xf32, #tpu.memory_space<vmem>>) target(%dma_start3A_114 : memref<32x128xf32, #tpu.memory_space<vmem_shared>>) target_semaphore(%run_scoped3A : memref<!tpu.dma_semaphore, #tpu.memory_space<semaphore_mem>>)
        %dma_wait3A = arith.constant 0 : i32
        %dma_wait3A_115 = tpu.memref_slice %arg10[%add3A_99, %dma_wait3A] : memref<10256x128xf32, #tpu.memory_space<vmem_shared>> -> memref<32x128xf32, #tpu.memory_space<vmem_shared>>
        %dma_wait3A_116 = arith.constant 0 : i32
        %dma_wait3A_117 = tpu.memref_slice %arg10[%add3A_99, %dma_wait3A_116] : memref<10256x128xf32, #tpu.memory_space<vmem_shared>> -> memref<32x128xf32, #tpu.memory_space<vmem_shared>>
        tpu.wait_dma2 semaphore(%run_scoped3A : memref<!tpu.dma_semaphore, #tpu.memory_space<semaphore_mem>>) src(%arg9 : memref<32x128xf32, #tpu.memory_space<vmem>>) dst(%dma_wait3A_117 : memref<32x128xf32, #tpu.memory_space<vmem_shared>>)
        tpu.yield
      }) : () -> ()
      %add3A_100 = arith.constant 512 : i32
      %add3A_101 = arith.addi %mul3A_7, %add3A_100 : i32
      "tpu.region"() ({
        %run_scoped3A = tpu.sem_alloc : memref<!tpu.dma_semaphore, #tpu.memory_space<semaphore_mem>>
        %dma_start3A_111 = arith.constant 0 : i32
        %dma_start3A_112 = tpu.memref_slice %arg10[%add3A_101, %dma_start3A_111] : memref<10256x128xf32, #tpu.memory_space<vmem_shared>> -> memref<32x128xf32, #tpu.memory_space<vmem_shared>>
        %dma_start3A_113 = arith.constant 0 : i32
        %dma_start3A_114 = tpu.memref_slice %arg10[%add3A_101, %dma_start3A_113] : memref<10256x128xf32, #tpu.memory_space<vmem_shared>> -> memref<32x128xf32, #tpu.memory_space<vmem_shared>>
        tpu.enqueue_dma source(%arg9 : memref<32x128xf32, #tpu.memory_space<vmem>>) target(%dma_start3A_114 : memref<32x128xf32, #tpu.memory_space<vmem_shared>>) target_semaphore(%run_scoped3A : memref<!tpu.dma_semaphore, #tpu.memory_space<semaphore_mem>>)
        %dma_wait3A = arith.constant 0 : i32
        %dma_wait3A_115 = tpu.memref_slice %arg10[%add3A_101, %dma_wait3A] : memref<10256x128xf32, #tpu.memory_space<vmem_shared>> -> memref<32x128xf32, #tpu.memory_space<vmem_shared>>
        %dma_wait3A_116 = arith.constant 0 : i32
        %dma_wait3A_117 = tpu.memref_slice %arg10[%add3A_101, %dma_wait3A_116] : memref<10256x128xf32, #tpu.memory_space<vmem_shared>> -> memref<32x128xf32, #tpu.memory_space<vmem_shared>>
        tpu.wait_dma2 semaphore(%run_scoped3A : memref<!tpu.dma_semaphore, #tpu.memory_space<semaphore_mem>>) src(%arg9 : memref<32x128xf32, #tpu.memory_space<vmem>>) dst(%dma_wait3A_117 : memref<32x128xf32, #tpu.memory_space<vmem_shared>>)
        tpu.yield
      }) : () -> ()
      %add3A_102 = arith.constant 544 : i32
      %add3A_103 = arith.addi %mul3A_7, %add3A_102 : i32
      "tpu.region"() ({
        %run_scoped3A = tpu.sem_alloc : memref<!tpu.dma_semaphore, #tpu.memory_space<semaphore_mem>>
        %dma_start3A_111 = arith.constant 0 : i32
        %dma_start3A_112 = tpu.memref_slice %arg10[%add3A_103, %dma_start3A_111] : memref<10256x128xf32, #tpu.memory_space<vmem_shared>> -> memref<32x128xf32, #tpu.memory_space<vmem_shared>>
        %dma_start3A_113 = arith.constant 0 : i32
        %dma_start3A_114 = tpu.memref_slice %arg10[%add3A_103, %dma_start3A_113] : memref<10256x128xf32, #tpu.memory_space<vmem_shared>> -> memref<32x128xf32, #tpu.memory_space<vmem_shared>>
        tpu.enqueue_dma source(%arg9 : memref<32x128xf32, #tpu.memory_space<vmem>>) target(%dma_start3A_114 : memref<32x128xf32, #tpu.memory_space<vmem_shared>>) target_semaphore(%run_scoped3A : memref<!tpu.dma_semaphore, #tpu.memory_space<semaphore_mem>>)
        %dma_wait3A = arith.constant 0 : i32
        %dma_wait3A_115 = tpu.memref_slice %arg10[%add3A_103, %dma_wait3A] : memref<10256x128xf32, #tpu.memory_space<vmem_shared>> -> memref<32x128xf32, #tpu.memory_space<vmem_shared>>
        %dma_wait3A_116 = arith.constant 0 : i32
        %dma_wait3A_117 = tpu.memref_slice %arg10[%add3A_103, %dma_wait3A_116] : memref<10256x128xf32, #tpu.memory_space<vmem_shared>> -> memref<32x128xf32, #tpu.memory_space<vmem_shared>>
        tpu.wait_dma2 semaphore(%run_scoped3A : memref<!tpu.dma_semaphore, #tpu.memory_space<semaphore_mem>>) src(%arg9 : memref<32x128xf32, #tpu.memory_space<vmem>>) dst(%dma_wait3A_117 : memref<32x128xf32, #tpu.memory_space<vmem_shared>>)
        tpu.yield
      }) : () -> ()
      %add3A_104 = arith.constant 576 : i32
      %add3A_105 = arith.addi %mul3A_7, %add3A_104 : i32
      "tpu.region"() ({
        %run_scoped3A = tpu.sem_alloc : memref<!tpu.dma_semaphore, #tpu.memory_space<semaphore_mem>>
        %dma_start3A_111 = arith.constant 0 : i32
        %dma_start3A_112 = tpu.memref_slice %arg10[%add3A_105, %dma_start3A_111] : memref<10256x128xf32, #tpu.memory_space<vmem_shared>> -> memref<32x128xf32, #tpu.memory_space<vmem_shared>>
        %dma_start3A_113 = arith.constant 0 : i32
        %dma_start3A_114 = tpu.memref_slice %arg10[%add3A_105, %dma_start3A_113] : memref<10256x128xf32, #tpu.memory_space<vmem_shared>> -> memref<32x128xf32, #tpu.memory_space<vmem_shared>>
        tpu.enqueue_dma source(%arg9 : memref<32x128xf32, #tpu.memory_space<vmem>>) target(%dma_start3A_114 : memref<32x128xf32, #tpu.memory_space<vmem_shared>>) target_semaphore(%run_scoped3A : memref<!tpu.dma_semaphore, #tpu.memory_space<semaphore_mem>>)
        %dma_wait3A = arith.constant 0 : i32
        %dma_wait3A_115 = tpu.memref_slice %arg10[%add3A_105, %dma_wait3A] : memref<10256x128xf32, #tpu.memory_space<vmem_shared>> -> memref<32x128xf32, #tpu.memory_space<vmem_shared>>
        %dma_wait3A_116 = arith.constant 0 : i32
        %dma_wait3A_117 = tpu.memref_slice %arg10[%add3A_105, %dma_wait3A_116] : memref<10256x128xf32, #tpu.memory_space<vmem_shared>> -> memref<32x128xf32, #tpu.memory_space<vmem_shared>>
        tpu.wait_dma2 semaphore(%run_scoped3A : memref<!tpu.dma_semaphore, #tpu.memory_space<semaphore_mem>>) src(%arg9 : memref<32x128xf32, #tpu.memory_space<vmem>>) dst(%dma_wait3A_117 : memref<32x128xf32, #tpu.memory_space<vmem_shared>>)
        tpu.yield
      }) : () -> ()
      %add3A_106 = arith.constant 608 : i32
      %add3A_107 = arith.addi %mul3A_7, %add3A_106 : i32
      "tpu.region"() ({
        %run_scoped3A = tpu.sem_alloc : memref<!tpu.dma_semaphore, #tpu.memory_space<semaphore_mem>>
        %dma_start3A_111 = arith.constant 0 : i32
        %dma_start3A_112 = tpu.memref_slice %arg10[%add3A_107, %dma_start3A_111] : memref<10256x128xf32, #tpu.memory_space<vmem_shared>> -> memref<32x128xf32, #tpu.memory_space<vmem_shared>>
        %dma_start3A_113 = arith.constant 0 : i32
        %dma_start3A_114 = tpu.memref_slice %arg10[%add3A_107, %dma_start3A_113] : memref<10256x128xf32, #tpu.memory_space<vmem_shared>> -> memref<32x128xf32, #tpu.memory_space<vmem_shared>>
        tpu.enqueue_dma source(%arg9 : memref<32x128xf32, #tpu.memory_space<vmem>>) target(%dma_start3A_114 : memref<32x128xf32, #tpu.memory_space<vmem_shared>>) target_semaphore(%run_scoped3A : memref<!tpu.dma_semaphore, #tpu.memory_space<semaphore_mem>>)
        %dma_wait3A = arith.constant 0 : i32
        %dma_wait3A_115 = tpu.memref_slice %arg10[%add3A_107, %dma_wait3A] : memref<10256x128xf32, #tpu.memory_space<vmem_shared>> -> memref<32x128xf32, #tpu.memory_space<vmem_shared>>
        %dma_wait3A_116 = arith.constant 0 : i32
        %dma_wait3A_117 = tpu.memref_slice %arg10[%add3A_107, %dma_wait3A_116] : memref<10256x128xf32, #tpu.memory_space<vmem_shared>> -> memref<32x128xf32, #tpu.memory_space<vmem_shared>>
        tpu.wait_dma2 semaphore(%run_scoped3A : memref<!tpu.dma_semaphore, #tpu.memory_space<semaphore_mem>>) src(%arg9 : memref<32x128xf32, #tpu.memory_space<vmem>>) dst(%dma_wait3A_117 : memref<32x128xf32, #tpu.memory_space<vmem_shared>>)
        tpu.yield
      }) : () -> ()
      %add3A_108 = arith.constant 656 : i32
      %add3A_109 = arith.addi %mul3A_7, %add3A_108 : i32
      %sub3A = arith.constant 16 : i32
      %sub3A_110 = arith.subi %add3A_109, %sub3A : i32
      "tpu.region"() ({
        %run_scoped3A = tpu.sem_alloc : memref<!tpu.dma_semaphore, #tpu.memory_space<semaphore_mem>>
        %dma_start3A_111 = arith.constant 0 : i32
        %dma_start3A_112 = arith.constant 0 : i32
        %dma_start3A_113 = tpu.memref_slice %arg9[%dma_start3A_111, %dma_start3A_112] : memref<32x128xf32, #tpu.memory_space<vmem>> -> memref<16x128xf32, #tpu.memory_space<vmem>>
        %dma_start3A_114 = arith.constant 0 : i32
        %dma_start3A_115 = tpu.memref_slice %arg10[%sub3A_110, %dma_start3A_114] : memref<10256x128xf32, #tpu.memory_space<vmem_shared>> -> memref<16x128xf32, #tpu.memory_space<vmem_shared>>
        %dma_start3A_116 = arith.constant 0 : i32
        %dma_start3A_117 = tpu.memref_slice %arg10[%sub3A_110, %dma_start3A_116] : memref<10256x128xf32, #tpu.memory_space<vmem_shared>> -> memref<16x128xf32, #tpu.memory_space<vmem_shared>>
        %dma_start3A_118 = arith.constant 0 : i32
        %dma_start3A_119 = arith.constant 0 : i32
        %dma_start3A_120 = tpu.memref_slice %arg9[%dma_start3A_118, %dma_start3A_119] : memref<32x128xf32, #tpu.memory_space<vmem>> -> memref<16x128xf32, #tpu.memory_space<vmem>>
        tpu.enqueue_dma source(%dma_start3A_120 : memref<16x128xf32, #tpu.memory_space<vmem>>) target(%dma_start3A_117 : memref<16x128xf32, #tpu.memory_space<vmem_shared>>) target_semaphore(%run_scoped3A : memref<!tpu.dma_semaphore, #tpu.memory_space<semaphore_mem>>)
        %dma_wait3A = arith.constant 0 : i32
        %dma_wait3A_121 = arith.constant 0 : i32
        %dma_wait3A_122 = tpu.memref_slice %arg9[%dma_wait3A, %dma_wait3A_121] : memref<32x128xf32, #tpu.memory_space<vmem>> -> memref<16x128xf32, #tpu.memory_space<vmem>>
        %dma_wait3A_123 = arith.constant 0 : i32
        %dma_wait3A_124 = tpu.memref_slice %arg10[%sub3A_110, %dma_wait3A_123] : memref<10256x128xf32, #tpu.memory_space<vmem_shared>> -> memref<16x128xf32, #tpu.memory_space<vmem_shared>>
        %dma_wait3A_125 = arith.constant 0 : i32
        %dma_wait3A_126 = tpu.memref_slice %arg10[%sub3A_110, %dma_wait3A_125] : memref<10256x128xf32, #tpu.memory_space<vmem_shared>> -> memref<16x128xf32, #tpu.memory_space<vmem_shared>>
        %dma_wait3A_127 = arith.constant 0 : i32
        %dma_wait3A_128 = arith.constant 0 : i32
        %dma_wait3A_129 = tpu.memref_slice %arg9[%dma_wait3A_127, %dma_wait3A_128] : memref<32x128xf32, #tpu.memory_space<vmem>> -> memref<16x128xf32, #tpu.memory_space<vmem>>
        tpu.wait_dma2 semaphore(%run_scoped3A : memref<!tpu.dma_semaphore, #tpu.memory_space<semaphore_mem>>) src(%dma_wait3A_129 : memref<16x128xf32, #tpu.memory_space<vmem>>) dst(%dma_wait3A_126 : memref<16x128xf32, #tpu.memory_space<vmem_shared>>)
        tpu.yield
      }) : () -> ()
    } else {
    }
    %barrier3A = arith.constant 0 : index
    tpu.barrier barrier_id(%barrier3A)
    %mul3A_14 = arith.constant 80 : i32
    %mul3A_15 = arith.muli %add3A, %mul3A_14 : i32
    %add3A_16 = arith.constant 0 : i32
    %add3A_17 = arith.addi %mul3A_15, %add3A_16 : i32
    "tpu.region"() ({
      %run_scoped3A = tpu.sem_alloc : memref<!tpu.dma_semaphore, #tpu.memory_space<semaphore_mem>>
      %dma_start3A_68 = arith.constant 0 : i32
      %dma_start3A_69 = tpu.memref_slice %arg3[%add3A_17, %dma_start3A_68] : memref<2560x128xi32, #tpu.memory_space<hbm>> -> memref<40x128xi32, #tpu.memory_space<hbm>>
      %dma_start3A_70 = arith.constant 0 : i32
      %dma_start3A_71 = tpu.memref_slice %arg3[%add3A_17, %dma_start3A_70] : memref<2560x128xi32, #tpu.memory_space<hbm>> -> memref<40x128xi32, #tpu.memory_space<hbm>>
      tpu.enqueue_dma source(%dma_start3A_71 : memref<40x128xi32, #tpu.memory_space<hbm>>) target(%arg6 : memref<40x128xi32, #tpu.memory_space<vmem>>) target_semaphore(%run_scoped3A : memref<!tpu.dma_semaphore, #tpu.memory_space<semaphore_mem>>)
      %dma_wait3A = arith.constant 0 : i32
      %dma_wait3A_72 = tpu.memref_slice %arg3[%add3A_17, %dma_wait3A] : memref<2560x128xi32, #tpu.memory_space<hbm>> -> memref<40x128xi32, #tpu.memory_space<hbm>>
      %dma_wait3A_73 = arith.constant 0 : i32
      %dma_wait3A_74 = tpu.memref_slice %arg3[%add3A_17, %dma_wait3A_73] : memref<2560x128xi32, #tpu.memory_space<hbm>> -> memref<40x128xi32, #tpu.memory_space<hbm>>
      tpu.wait_dma2 semaphore(%run_scoped3A : memref<!tpu.dma_semaphore, #tpu.memory_space<semaphore_mem>>) src(%dma_wait3A_74 : memref<40x128xi32, #tpu.memory_space<hbm>>) dst(%arg6 : memref<40x128xi32, #tpu.memory_space<vmem>>)
      tpu.yield
    }) : () -> ()
    %add3A_18 = arith.constant 0 : i32
    %add3A_19 = arith.addi %mul3A_15, %add3A_18 : i32
    "tpu.region"() ({
      %run_scoped3A = tpu.sem_alloc : memref<!tpu.dma_semaphore, #tpu.memory_space<semaphore_mem>>
      %dma_start3A_68 = arith.constant 0 : i32
      %dma_start3A_69 = tpu.memref_slice %arg4[%add3A_19, %dma_start3A_68] : memref<2560x128xi32, #tpu.memory_space<hbm>> -> memref<40x128xi32, #tpu.memory_space<hbm>>
      %dma_start3A_70 = arith.constant 0 : i32
      %dma_start3A_71 = tpu.memref_slice %arg4[%add3A_19, %dma_start3A_70] : memref<2560x128xi32, #tpu.memory_space<hbm>> -> memref<40x128xi32, #tpu.memory_space<hbm>>
      tpu.enqueue_dma source(%dma_start3A_71 : memref<40x128xi32, #tpu.memory_space<hbm>>) target(%arg7 : memref<40x128xi32, #tpu.memory_space<vmem>>) target_semaphore(%run_scoped3A : memref<!tpu.dma_semaphore, #tpu.memory_space<semaphore_mem>>)
      %dma_wait3A = arith.constant 0 : i32
      %dma_wait3A_72 = tpu.memref_slice %arg4[%add3A_19, %dma_wait3A] : memref<2560x128xi32, #tpu.memory_space<hbm>> -> memref<40x128xi32, #tpu.memory_space<hbm>>
      %dma_wait3A_73 = arith.constant 0 : i32
      %dma_wait3A_74 = tpu.memref_slice %arg4[%add3A_19, %dma_wait3A_73] : memref<2560x128xi32, #tpu.memory_space<hbm>> -> memref<40x128xi32, #tpu.memory_space<hbm>>
      tpu.wait_dma2 semaphore(%run_scoped3A : memref<!tpu.dma_semaphore, #tpu.memory_space<semaphore_mem>>) src(%dma_wait3A_74 : memref<40x128xi32, #tpu.memory_space<hbm>>) dst(%arg7 : memref<40x128xi32, #tpu.memory_space<vmem>>)
      tpu.yield
    }) : () -> ()
    %dma_start3A = arith.constant 0 : i32
    %dma_start3A_20 = arith.constant 0 : i32
    %dma_start3A_21 = arith.constant 0 : i32
    %dma_start3A_22 = arith.constant 0 : i32
    %dma_start3A_23 = tpu.memref_slice %arg8[%dma_start3A_20, %dma_start3A_21, %dma_start3A_22] : memref<2x128x128xf32, #tpu.memory_space<vmem>> -> memref<1x128x128xf32, #tpu.memory_space<vmem>>
    %dma_start3A_24 = tpu.memref_squeeze %dma_start3A_23 : memref<1x128x128xf32, #tpu.memory_space<vmem>> -> memref<128x128xf32, #tpu.memory_space<vmem>>
    %dma_start3A_25 = arith.constant 0 : i32
    %dma_start3A_26 = tpu.memref_slice %arg6[%dma_start3A, %dma_start3A_25] : memref<40x128xi32, #tpu.memory_space<vmem>> -> memref<1x128xi32, #tpu.memory_space<vmem>>
    %dma_start3A_27 = tpu.memref_squeeze %dma_start3A_26 : memref<1x128xi32, #tpu.memory_space<vmem>> -> memref<128xi32, #tpu.memory_space<vmem>>
    %dma_start3A_28 = arith.constant 0 : i32
    %dma_start3A_29 = arith.constant 0 : i32
    %dma_start3A_30 = tpu.memref_slice %arg2[%dma_start3A_28, %dma_start3A_29] : memref<10000x128xf32, #tpu.memory_space<hbm>> -> memref<10000x128xf32, #tpu.memory_space<hbm>>
    tpu.enqueue_indirect_dma source(%dma_start3A_30 : memref<10000x128xf32, #tpu.memory_space<hbm>>) target(%dma_start3A_24 : memref<128x128xf32, #tpu.memory_space<vmem>>) offsets(%dma_start3A_27 : memref<128xi32, #tpu.memory_space<vmem>>) semaphore(%arg11 : memref<!tpu.dma_semaphore, #tpu.memory_space<semaphore_mem>>)
    %scan3A_31 = arith.constant 0 : i32
    %scan3A_32 = arith.constant 20 : i32
    %scan3A_33 = arith.addi %scan3A_31, %scan3A_32 : i32
    %scan3A_34 = arith.constant 1 : i32
    scf.for %scan3A_68 = %scan3A_31 to %scan3A_33 step %scan3A_34  : i32 {
      %mul3A_69 = arith.constant 2 : i32
      %mul3A_70 = arith.muli %scan3A_68, %mul3A_69 : i32
      %add3A_71 = arith.constant 0 : i32
      %add3A_72 = arith.addi %add3A_71, %mul3A_70 : i32
      %add3A_73 = arith.constant 1 : i32
      %add3A_74 = arith.addi %add3A_72, %add3A_73 : i32
      %dma_start3A_75 = arith.constant 1 : i32
      %dma_start3A_76 = arith.constant 0 : i32
      %dma_start3A_77 = arith.constant 0 : i32
      %dma_start3A_78 = tpu.memref_slice %arg8[%dma_start3A_75, %dma_start3A_76, %dma_start3A_77] : memref<2x128x128xf32, #tpu.memory_space<vmem>> -> memref<1x128x128xf32, #tpu.memory_space<vmem>>
      %dma_start3A_79 = tpu.memref_squeeze %dma_start3A_78 : memref<1x128x128xf32, #tpu.memory_space<vmem>> -> memref<128x128xf32, #tpu.memory_space<vmem>>
      %dma_start3A_80 = arith.constant 0 : i32
      %dma_start3A_81 = tpu.memref_slice %arg6[%add3A_74, %dma_start3A_80] : memref<40x128xi32, #tpu.memory_space<vmem>> -> memref<1x128xi32, #tpu.memory_space<vmem>>
      %dma_start3A_82 = tpu.memref_squeeze %dma_start3A_81 : memref<1x128xi32, #tpu.memory_space<vmem>> -> memref<128xi32, #tpu.memory_space<vmem>>
      %dma_start3A_83 = arith.constant 0 : i32
      %dma_start3A_84 = arith.constant 0 : i32
      %dma_start3A_85 = tpu.memref_slice %arg2[%dma_start3A_83, %dma_start3A_84] : memref<10000x128xf32, #tpu.memory_space<hbm>> -> memref<10000x128xf32, #tpu.memory_space<hbm>>
      tpu.enqueue_indirect_dma source(%dma_start3A_85 : memref<10000x128xf32, #tpu.memory_space<hbm>>) target(%dma_start3A_79 : memref<128x128xf32, #tpu.memory_space<vmem>>) offsets(%dma_start3A_82 : memref<128xi32, #tpu.memory_space<vmem>>) semaphore(%arg12 : memref<!tpu.dma_semaphore, #tpu.memory_space<semaphore_mem>>)
      %dma_wait3A = arith.constant 0 : i32
      %dma_wait3A_86 = arith.constant 0 : i32
      %dma_wait3A_87 = arith.constant 0 : i32
      %dma_wait3A_88 = tpu.memref_slice %arg8[%dma_wait3A, %dma_wait3A_86, %dma_wait3A_87] : memref<2x128x128xf32, #tpu.memory_space<vmem>> -> memref<1x128x128xf32, #tpu.memory_space<vmem>>
      %dma_wait3A_89 = tpu.memref_squeeze %dma_wait3A_88 : memref<1x128x128xf32, #tpu.memory_space<vmem>> -> memref<128x128xf32, #tpu.memory_space<vmem>>
      %dma_wait3A_90 = arith.constant 0 : i32
      %dma_wait3A_91 = tpu.memref_slice %arg6[%add3A_72, %dma_wait3A_90] : memref<40x128xi32, #tpu.memory_space<vmem>> -> memref<1x128xi32, #tpu.memory_space<vmem>>
      %dma_wait3A_92 = tpu.memref_squeeze %dma_wait3A_91 : memref<1x128xi32, #tpu.memory_space<vmem>> -> memref<128xi32, #tpu.memory_space<vmem>>
      %dma_wait3A_93 = arith.constant 0 : i32
      %dma_wait3A_94 = arith.constant 0 : i32
      %dma_wait3A_95 = tpu.memref_slice %arg2[%dma_wait3A_93, %dma_wait3A_94] : memref<10000x128xf32, #tpu.memory_space<hbm>> -> memref<10000x128xf32, #tpu.memory_space<hbm>>
      tpu.wait_indirect_dma semaphore(%arg11 : memref<!tpu.dma_semaphore, #tpu.memory_space<semaphore_mem>>) src(%dma_wait3A_95 : memref<10000x128xf32, #tpu.memory_space<hbm>>) dst(%dma_wait3A_89 : memref<128x128xf32, #tpu.memory_space<vmem>>)
      %run_scoped3A = arith.constant 0 : i32
      "tpu.region"() ({
        %run_scoped3A_117 = tpu.sem_alloc : memref<!tpu.dma_semaphore, #tpu.memory_space<semaphore_mem>>
        %dma_start3A_118 = arith.constant 0 : i32
        %dma_start3A_119 = arith.constant 0 : i32
        %dma_start3A_120 = tpu.memref_slice %arg8[%run_scoped3A, %dma_start3A_118, %dma_start3A_119] : memref<2x128x128xf32, #tpu.memory_space<vmem>> -> memref<1x128x128xf32, #tpu.memory_space<vmem>>
        %dma_start3A_121 = tpu.memref_squeeze %dma_start3A_120 : memref<1x128x128xf32, #tpu.memory_space<vmem>> -> memref<128x128xf32, #tpu.memory_space<vmem>>
        %dma_start3A_122 = arith.constant 0 : i32
        %dma_start3A_123 = tpu.memref_slice %arg7[%add3A_72, %dma_start3A_122] : memref<40x128xi32, #tpu.memory_space<vmem>> -> memref<1x128xi32, #tpu.memory_space<vmem>>
        %dma_start3A_124 = tpu.memref_squeeze %dma_start3A_123 : memref<1x128xi32, #tpu.memory_space<vmem>> -> memref<128xi32, #tpu.memory_space<vmem>>
        %dma_start3A_125 = arith.constant 0 : i32
        %dma_start3A_126 = arith.constant 0 : i32
        %dma_start3A_127 = tpu.memref_slice %arg10[%dma_start3A_125, %dma_start3A_126] : memref<10256x128xf32, #tpu.memory_space<vmem_shared>> -> memref<10256x128xf32, #tpu.memory_space<vmem_shared>>
        tpu.enqueue_indirect_dma source(%dma_start3A_121 : memref<128x128xf32, #tpu.memory_space<vmem>>) target(%dma_start3A_127 : memref<10256x128xf32, #tpu.memory_space<vmem_shared>>) offsets(%dma_start3A_124 : memref<128xi32, #tpu.memory_space<vmem>>) semaphore(%run_scoped3A_117 : memref<!tpu.dma_semaphore, #tpu.memory_space<semaphore_mem>>) {add = true}
        %dma_wait3A_128 = arith.constant 0 : i32
        %dma_wait3A_129 = arith.constant 0 : i32
        %dma_wait3A_130 = tpu.memref_slice %arg8[%run_scoped3A, %dma_wait3A_128, %dma_wait3A_129] : memref<2x128x128xf32, #tpu.memory_space<vmem>> -> memref<1x128x128xf32, #tpu.memory_space<vmem>>
        %dma_wait3A_131 = tpu.memref_squeeze %dma_wait3A_130 : memref<1x128x128xf32, #tpu.memory_space<vmem>> -> memref<128x128xf32, #tpu.memory_space<vmem>>
        %dma_wait3A_132 = arith.constant 0 : i32
        %dma_wait3A_133 = tpu.memref_slice %arg7[%add3A_72, %dma_wait3A_132] : memref<40x128xi32, #tpu.memory_space<vmem>> -> memref<1x128xi32, #tpu.memory_space<vmem>>
        %dma_wait3A_134 = tpu.memref_squeeze %dma_wait3A_133 : memref<1x128xi32, #tpu.memory_space<vmem>> -> memref<128xi32, #tpu.memory_space<vmem>>
        %dma_wait3A_135 = arith.constant 0 : i32
        %dma_wait3A_136 = arith.constant 0 : i32
        %dma_wait3A_137 = tpu.memref_slice %arg10[%dma_wait3A_135, %dma_wait3A_136] : memref<10256x128xf32, #tpu.memory_space<vmem_shared>> -> memref<10256x128xf32, #tpu.memory_space<vmem_shared>>
        tpu.wait_indirect_dma semaphore(%run_scoped3A_117 : memref<!tpu.dma_semaphore, #tpu.memory_space<semaphore_mem>>) src(%dma_wait3A_131 : memref<128x128xf32, #tpu.memory_space<vmem>>) dst(%dma_wait3A_137 : memref<10256x128xf32, #tpu.memory_space<vmem_shared>>)
        tpu.yield
      }) : () -> ()
      %add3A_96 = arith.constant 2 : i32
      %add3A_97 = arith.addi %add3A_72, %add3A_96 : i32
      %lt3A_98 = arith.constant 40 : i32
      %lt3A_99 = arith.cmpi slt, %add3A_97, %lt3A_98 : i32
      %convert_element_type3A_100 = arith.extui %lt3A_99 : i1 to i32
      %cond3A_101 = arith.constant 0 : i32
      %cond3A_102 = arith.cmpi ne, %convert_element_type3A_100, %cond3A_101 : i32
      scf.if %cond3A_102 {
        %add3A_117 = arith.constant 2 : i32
        %add3A_118 = arith.addi %add3A_72, %add3A_117 : i32
        %dma_start3A_119 = arith.constant 0 : i32
        %dma_start3A_120 = arith.constant 0 : i32
        %dma_start3A_121 = arith.constant 0 : i32
        %dma_start3A_122 = tpu.memref_slice %arg8[%dma_start3A_119, %dma_start3A_120, %dma_start3A_121] : memref<2x128x128xf32, #tpu.memory_space<vmem>> -> memref<1x128x128xf32, #tpu.memory_space<vmem>>
        %dma_start3A_123 = tpu.memref_squeeze %dma_start3A_122 : memref<1x128x128xf32, #tpu.memory_space<vmem>> -> memref<128x128xf32, #tpu.memory_space<vmem>>
        %dma_start3A_124 = arith.constant 0 : i32
        %dma_start3A_125 = tpu.memref_slice %arg6[%add3A_118, %dma_start3A_124] : memref<40x128xi32, #tpu.memory_space<vmem>> -> memref<1x128xi32, #tpu.memory_space<vmem>>
        %dma_start3A_126 = tpu.memref_squeeze %dma_start3A_125 : memref<1x128xi32, #tpu.memory_space<vmem>> -> memref<128xi32, #tpu.memory_space<vmem>>
        %dma_start3A_127 = arith.constant 0 : i32
        %dma_start3A_128 = arith.constant 0 : i32
        %dma_start3A_129 = tpu.memref_slice %arg2[%dma_start3A_127, %dma_start3A_128] : memref<10000x128xf32, #tpu.memory_space<hbm>> -> memref<10000x128xf32, #tpu.memory_space<hbm>>
        tpu.enqueue_indirect_dma source(%dma_start3A_129 : memref<10000x128xf32, #tpu.memory_space<hbm>>) target(%dma_start3A_123 : memref<128x128xf32, #tpu.memory_space<vmem>>) offsets(%dma_start3A_126 : memref<128xi32, #tpu.memory_space<vmem>>) semaphore(%arg11 : memref<!tpu.dma_semaphore, #tpu.memory_space<semaphore_mem>>)
      } else {
      }
      %add3A_103 = arith.constant 1 : i32
      %add3A_104 = arith.addi %add3A_72, %add3A_103 : i32
      %dma_wait3A_105 = arith.constant 1 : i32
      %dma_wait3A_106 = arith.constant 0 : i32
      %dma_wait3A_107 = arith.constant 0 : i32
      %dma_wait3A_108 = tpu.memref_slice %arg8[%dma_wait3A_105, %dma_wait3A_106, %dma_wait3A_107] : memref<2x128x128xf32, #tpu.memory_space<vmem>> -> memref<1x128x128xf32, #tpu.memory_space<vmem>>
      %dma_wait3A_109 = tpu.memref_squeeze %dma_wait3A_108 : memref<1x128x128xf32, #tpu.memory_space<vmem>> -> memref<128x128xf32, #tpu.memory_space<vmem>>
      %dma_wait3A_110 = arith.constant 0 : i32
      %dma_wait3A_111 = tpu.memref_slice %arg6[%add3A_104, %dma_wait3A_110] : memref<40x128xi32, #tpu.memory_space<vmem>> -> memref<1x128xi32, #tpu.memory_space<vmem>>
      %dma_wait3A_112 = tpu.memref_squeeze %dma_wait3A_111 : memref<1x128xi32, #tpu.memory_space<vmem>> -> memref<128xi32, #tpu.memory_space<vmem>>
      %dma_wait3A_113 = arith.constant 0 : i32
      %dma_wait3A_114 = arith.constant 0 : i32
      %dma_wait3A_115 = tpu.memref_slice %arg2[%dma_wait3A_113, %dma_wait3A_114] : memref<10000x128xf32, #tpu.memory_space<hbm>> -> memref<10000x128xf32, #tpu.memory_space<hbm>>
      tpu.wait_indirect_dma semaphore(%arg12 : memref<!tpu.dma_semaphore, #tpu.memory_space<semaphore_mem>>) src(%dma_wait3A_115 : memref<10000x128xf32, #tpu.memory_space<hbm>>) dst(%dma_wait3A_109 : memref<128x128xf32, #tpu.memory_space<vmem>>)
      %run_scoped3A_116 = arith.constant 1 : i32
      "tpu.region"() ({
        %run_scoped3A_117 = tpu.sem_alloc : memref<!tpu.dma_semaphore, #tpu.memory_space<semaphore_mem>>
        %dma_start3A_118 = arith.constant 0 : i32
        %dma_start3A_119 = arith.constant 0 : i32
        %dma_start3A_120 = tpu.memref_slice %arg8[%run_scoped3A_116, %dma_start3A_118, %dma_start3A_119] : memref<2x128x128xf32, #tpu.memory_space<vmem>> -> memref<1x128x128xf32, #tpu.memory_space<vmem>>
        %dma_start3A_121 = tpu.memref_squeeze %dma_start3A_120 : memref<1x128x128xf32, #tpu.memory_space<vmem>> -> memref<128x128xf32, #tpu.memory_space<vmem>>
        %dma_start3A_122 = arith.constant 0 : i32
        %dma_start3A_123 = tpu.memref_slice %arg7[%add3A_104, %dma_start3A_122] : memref<40x128xi32, #tpu.memory_space<vmem>> -> memref<1x128xi32, #tpu.memory_space<vmem>>
        %dma_start3A_124 = tpu.memref_squeeze %dma_start3A_123 : memref<1x128xi32, #tpu.memory_space<vmem>> -> memref<128xi32, #tpu.memory_space<vmem>>
        %dma_start3A_125 = arith.constant 0 : i32
        %dma_start3A_126 = arith.constant 0 : i32
        %dma_start3A_127 = tpu.memref_slice %arg10[%dma_start3A_125, %dma_start3A_126] : memref<10256x128xf32, #tpu.memory_space<vmem_shared>> -> memref<10256x128xf32, #tpu.memory_space<vmem_shared>>
        tpu.enqueue_indirect_dma source(%dma_start3A_121 : memref<128x128xf32, #tpu.memory_space<vmem>>) target(%dma_start3A_127 : memref<10256x128xf32, #tpu.memory_space<vmem_shared>>) offsets(%dma_start3A_124 : memref<128xi32, #tpu.memory_space<vmem>>) semaphore(%run_scoped3A_117 : memref<!tpu.dma_semaphore, #tpu.memory_space<semaphore_mem>>) {add = true}
        %dma_wait3A_128 = arith.constant 0 : i32
        %dma_wait3A_129 = arith.constant 0 : i32
        %dma_wait3A_130 = tpu.memref_slice %arg8[%run_scoped3A_116, %dma_wait3A_128, %dma_wait3A_129] : memref<2x128x128xf32, #tpu.memory_space<vmem>> -> memref<1x128x128xf32, #tpu.memory_space<vmem>>
        %dma_wait3A_131 = tpu.memref_squeeze %dma_wait3A_130 : memref<1x128x128xf32, #tpu.memory_space<vmem>> -> memref<128x128xf32, #tpu.memory_space<vmem>>
        %dma_wait3A_132 = arith.constant 0 : i32
        %dma_wait3A_133 = tpu.memref_slice %arg7[%add3A_104, %dma_wait3A_132] : memref<40x128xi32, #tpu.memory_space<vmem>> -> memref<1x128xi32, #tpu.memory_space<vmem>>
        %dma_wait3A_134 = tpu.memref_squeeze %dma_wait3A_133 : memref<1x128xi32, #tpu.memory_space<vmem>> -> memref<128xi32, #tpu.memory_space<vmem>>
        %dma_wait3A_135 = arith.constant 0 : i32
        %dma_wait3A_136 = arith.constant 0 : i32
        %dma_wait3A_137 = tpu.memref_slice %arg10[%dma_wait3A_135, %dma_wait3A_136] : memref<10256x128xf32, #tpu.memory_space<vmem_shared>> -> memref<10256x128xf32, #tpu.memory_space<vmem_shared>>
        tpu.wait_indirect_dma semaphore(%run_scoped3A_117 : memref<!tpu.dma_semaphore, #tpu.memory_space<semaphore_mem>>) src(%dma_wait3A_131 : memref<128x128xf32, #tpu.memory_space<vmem>>) dst(%dma_wait3A_137 : memref<10256x128xf32, #tpu.memory_space<vmem_shared>>)
        tpu.yield
      }) : () -> ()
    }
    %scan3A_35 = arith.constant 20 : i32
    %add3A_36 = arith.constant 40 : i32
    %add3A_37 = arith.addi %mul3A_15, %add3A_36 : i32
    "tpu.region"() ({
      %run_scoped3A = tpu.sem_alloc : memref<!tpu.dma_semaphore, #tpu.memory_space<semaphore_mem>>
      %dma_start3A_68 = arith.constant 0 : i32
      %dma_start3A_69 = tpu.memref_slice %arg3[%add3A_37, %dma_start3A_68] : memref<2560x128xi32, #tpu.memory_space<hbm>> -> memref<40x128xi32, #tpu.memory_space<hbm>>
      %dma_start3A_70 = arith.constant 0 : i32
      %dma_start3A_71 = tpu.memref_slice %arg3[%add3A_37, %dma_start3A_70] : memref<2560x128xi32, #tpu.memory_space<hbm>> -> memref<40x128xi32, #tpu.memory_space<hbm>>
      tpu.enqueue_dma source(%dma_start3A_71 : memref<40x128xi32, #tpu.memory_space<hbm>>) target(%arg6 : memref<40x128xi32, #tpu.memory_space<vmem>>) target_semaphore(%run_scoped3A : memref<!tpu.dma_semaphore, #tpu.memory_space<semaphore_mem>>)
      %dma_wait3A = arith.constant 0 : i32
      %dma_wait3A_72 = tpu.memref_slice %arg3[%add3A_37, %dma_wait3A] : memref<2560x128xi32, #tpu.memory_space<hbm>> -> memref<40x128xi32, #tpu.memory_space<hbm>>
      %dma_wait3A_73 = arith.constant 0 : i32
      %dma_wait3A_74 = tpu.memref_slice %arg3[%add3A_37, %dma_wait3A_73] : memref<2560x128xi32, #tpu.memory_space<hbm>> -> memref<40x128xi32, #tpu.memory_space<hbm>>
      tpu.wait_dma2 semaphore(%run_scoped3A : memref<!tpu.dma_semaphore, #tpu.memory_space<semaphore_mem>>) src(%dma_wait3A_74 : memref<40x128xi32, #tpu.memory_space<hbm>>) dst(%arg6 : memref<40x128xi32, #tpu.memory_space<vmem>>)
      tpu.yield
    }) : () -> ()
    %add3A_38 = arith.constant 40 : i32
    %add3A_39 = arith.addi %mul3A_15, %add3A_38 : i32
    "tpu.region"() ({
      %run_scoped3A = tpu.sem_alloc : memref<!tpu.dma_semaphore, #tpu.memory_space<semaphore_mem>>
      %dma_start3A_68 = arith.constant 0 : i32
      %dma_start3A_69 = tpu.memref_slice %arg4[%add3A_39, %dma_start3A_68] : memref<2560x128xi32, #tpu.memory_space<hbm>> -> memref<40x128xi32, #tpu.memory_space<hbm>>
      %dma_start3A_70 = arith.constant 0 : i32
      %dma_start3A_71 = tpu.memref_slice %arg4[%add3A_39, %dma_start3A_70] : memref<2560x128xi32, #tpu.memory_space<hbm>> -> memref<40x128xi32, #tpu.memory_space<hbm>>
      tpu.enqueue_dma source(%dma_start3A_71 : memref<40x128xi32, #tpu.memory_space<hbm>>) target(%arg7 : memref<40x128xi32, #tpu.memory_space<vmem>>) target_semaphore(%run_scoped3A : memref<!tpu.dma_semaphore, #tpu.memory_space<semaphore_mem>>)
      %dma_wait3A = arith.constant 0 : i32
      %dma_wait3A_72 = tpu.memref_slice %arg4[%add3A_39, %dma_wait3A] : memref<2560x128xi32, #tpu.memory_space<hbm>> -> memref<40x128xi32, #tpu.memory_space<hbm>>
      %dma_wait3A_73 = arith.constant 0 : i32
      %dma_wait3A_74 = tpu.memref_slice %arg4[%add3A_39, %dma_wait3A_73] : memref<2560x128xi32, #tpu.memory_space<hbm>> -> memref<40x128xi32, #tpu.memory_space<hbm>>
      tpu.wait_dma2 semaphore(%run_scoped3A : memref<!tpu.dma_semaphore, #tpu.memory_space<semaphore_mem>>) src(%dma_wait3A_74 : memref<40x128xi32, #tpu.memory_space<hbm>>) dst(%arg7 : memref<40x128xi32, #tpu.memory_space<vmem>>)
      tpu.yield
    }) : () -> ()
    %dma_start3A_40 = arith.constant 0 : i32
    %dma_start3A_41 = arith.constant 0 : i32
    %dma_start3A_42 = arith.constant 0 : i32
    %dma_start3A_43 = arith.constant 0 : i32
    %dma_start3A_44 = tpu.memref_slice %arg8[%dma_start3A_41, %dma_start3A_42, %dma_start3A_43] : memref<2x128x128xf32, #tpu.memory_space<vmem>> -> memref<1x128x128xf32, #tpu.memory_space<vmem>>
    %dma_start3A_45 = tpu.memref_squeeze %dma_start3A_44 : memref<1x128x128xf32, #tpu.memory_space<vmem>> -> memref<128x128xf32, #tpu.memory_space<vmem>>
    %dma_start3A_46 = arith.constant 0 : i32
    %dma_start3A_47 = tpu.memref_slice %arg6[%dma_start3A_40, %dma_start3A_46] : memref<40x128xi32, #tpu.memory_space<vmem>> -> memref<1x128xi32, #tpu.memory_space<vmem>>
    %dma_start3A_48 = tpu.memref_squeeze %dma_start3A_47 : memref<1x128xi32, #tpu.memory_space<vmem>> -> memref<128xi32, #tpu.memory_space<vmem>>
    %dma_start3A_49 = arith.constant 0 : i32
    %dma_start3A_50 = arith.constant 0 : i32
    %dma_start3A_51 = tpu.memref_slice %arg2[%dma_start3A_49, %dma_start3A_50] : memref<10000x128xf32, #tpu.memory_space<hbm>> -> memref<10000x128xf32, #tpu.memory_space<hbm>>
    tpu.enqueue_indirect_dma source(%dma_start3A_51 : memref<10000x128xf32, #tpu.memory_space<hbm>>) target(%dma_start3A_45 : memref<128x128xf32, #tpu.memory_space<vmem>>) offsets(%dma_start3A_48 : memref<128xi32, #tpu.memory_space<vmem>>) semaphore(%arg11 : memref<!tpu.dma_semaphore, #tpu.memory_space<semaphore_mem>>)
    %scan3A_52 = arith.constant 0 : i32
    %scan3A_53 = arith.constant 20 : i32
    %scan3A_54 = arith.addi %scan3A_52, %scan3A_53 : i32
    %scan3A_55 = arith.constant 1 : i32
    scf.for %scan3A_68 = %scan3A_52 to %scan3A_54 step %scan3A_55  : i32 {
      %mul3A_69 = arith.constant 2 : i32
      %mul3A_70 = arith.muli %scan3A_68, %mul3A_69 : i32
      %add3A_71 = arith.constant 0 : i32
      %add3A_72 = arith.addi %add3A_71, %mul3A_70 : i32
      %add3A_73 = arith.constant 1 : i32
      %add3A_74 = arith.addi %add3A_72, %add3A_73 : i32
      %dma_start3A_75 = arith.constant 1 : i32
      %dma_start3A_76 = arith.constant 0 : i32
      %dma_start3A_77 = arith.constant 0 : i32
      %dma_start3A_78 = tpu.memref_slice %arg8[%dma_start3A_75, %dma_start3A_76, %dma_start3A_77] : memref<2x128x128xf32, #tpu.memory_space<vmem>> -> memref<1x128x128xf32, #tpu.memory_space<vmem>>
      %dma_start3A_79 = tpu.memref_squeeze %dma_start3A_78 : memref<1x128x128xf32, #tpu.memory_space<vmem>> -> memref<128x128xf32, #tpu.memory_space<vmem>>
      %dma_start3A_80 = arith.constant 0 : i32
      %dma_start3A_81 = tpu.memref_slice %arg6[%add3A_74, %dma_start3A_80] : memref<40x128xi32, #tpu.memory_space<vmem>> -> memref<1x128xi32, #tpu.memory_space<vmem>>
      %dma_start3A_82 = tpu.memref_squeeze %dma_start3A_81 : memref<1x128xi32, #tpu.memory_space<vmem>> -> memref<128xi32, #tpu.memory_space<vmem>>
      %dma_start3A_83 = arith.constant 0 : i32
      %dma_start3A_84 = arith.constant 0 : i32
      %dma_start3A_85 = tpu.memref_slice %arg2[%dma_start3A_83, %dma_start3A_84] : memref<10000x128xf32, #tpu.memory_space<hbm>> -> memref<10000x128xf32, #tpu.memory_space<hbm>>
      tpu.enqueue_indirect_dma source(%dma_start3A_85 : memref<10000x128xf32, #tpu.memory_space<hbm>>) target(%dma_start3A_79 : memref<128x128xf32, #tpu.memory_space<vmem>>) offsets(%dma_start3A_82 : memref<128xi32, #tpu.memory_space<vmem>>) semaphore(%arg12 : memref<!tpu.dma_semaphore, #tpu.memory_space<semaphore_mem>>)
      %dma_wait3A = arith.constant 0 : i32
      %dma_wait3A_86 = arith.constant 0 : i32
      %dma_wait3A_87 = arith.constant 0 : i32
      %dma_wait3A_88 = tpu.memref_slice %arg8[%dma_wait3A, %dma_wait3A_86, %dma_wait3A_87] : memref<2x128x128xf32, #tpu.memory_space<vmem>> -> memref<1x128x128xf32, #tpu.memory_space<vmem>>
      %dma_wait3A_89 = tpu.memref_squeeze %dma_wait3A_88 : memref<1x128x128xf32, #tpu.memory_space<vmem>> -> memref<128x128xf32, #tpu.memory_space<vmem>>
      %dma_wait3A_90 = arith.constant 0 : i32
      %dma_wait3A_91 = tpu.memref_slice %arg6[%add3A_72, %dma_wait3A_90] : memref<40x128xi32, #tpu.memory_space<vmem>> -> memref<1x128xi32, #tpu.memory_space<vmem>>
      %dma_wait3A_92 = tpu.memref_squeeze %dma_wait3A_91 : memref<1x128xi32, #tpu.memory_space<vmem>> -> memref<128xi32, #tpu.memory_space<vmem>>
      %dma_wait3A_93 = arith.constant 0 : i32
      %dma_wait3A_94 = arith.constant 0 : i32
      %dma_wait3A_95 = tpu.memref_slice %arg2[%dma_wait3A_93, %dma_wait3A_94] : memref<10000x128xf32, #tpu.memory_space<hbm>> -> memref<10000x128xf32, #tpu.memory_space<hbm>>
      tpu.wait_indirect_dma semaphore(%arg11 : memref<!tpu.dma_semaphore, #tpu.memory_space<semaphore_mem>>) src(%dma_wait3A_95 : memref<10000x128xf32, #tpu.memory_space<hbm>>) dst(%dma_wait3A_89 : memref<128x128xf32, #tpu.memory_space<vmem>>)
      %run_scoped3A = arith.constant 0 : i32
      "tpu.region"() ({
        %run_scoped3A_117 = tpu.sem_alloc : memref<!tpu.dma_semaphore, #tpu.memory_space<semaphore_mem>>
        %dma_start3A_118 = arith.constant 0 : i32
        %dma_start3A_119 = arith.constant 0 : i32
        %dma_start3A_120 = tpu.memref_slice %arg8[%run_scoped3A, %dma_start3A_118, %dma_start3A_119] : memref<2x128x128xf32, #tpu.memory_space<vmem>> -> memref<1x128x128xf32, #tpu.memory_space<vmem>>
        %dma_start3A_121 = tpu.memref_squeeze %dma_start3A_120 : memref<1x128x128xf32, #tpu.memory_space<vmem>> -> memref<128x128xf32, #tpu.memory_space<vmem>>
        %dma_start3A_122 = arith.constant 0 : i32
        %dma_start3A_123 = tpu.memref_slice %arg7[%add3A_72, %dma_start3A_122] : memref<40x128xi32, #tpu.memory_space<vmem>> -> memref<1x128xi32, #tpu.memory_space<vmem>>
        %dma_start3A_124 = tpu.memref_squeeze %dma_start3A_123 : memref<1x128xi32, #tpu.memory_space<vmem>> -> memref<128xi32, #tpu.memory_space<vmem>>
        %dma_start3A_125 = arith.constant 0 : i32
        %dma_start3A_126 = arith.constant 0 : i32
        %dma_start3A_127 = tpu.memref_slice %arg10[%dma_start3A_125, %dma_start3A_126] : memref<10256x128xf32, #tpu.memory_space<vmem_shared>> -> memref<10256x128xf32, #tpu.memory_space<vmem_shared>>
        tpu.enqueue_indirect_dma source(%dma_start3A_121 : memref<128x128xf32, #tpu.memory_space<vmem>>) target(%dma_start3A_127 : memref<10256x128xf32, #tpu.memory_space<vmem_shared>>) offsets(%dma_start3A_124 : memref<128xi32, #tpu.memory_space<vmem>>) semaphore(%run_scoped3A_117 : memref<!tpu.dma_semaphore, #tpu.memory_space<semaphore_mem>>) {add = true}
        %dma_wait3A_128 = arith.constant 0 : i32
        %dma_wait3A_129 = arith.constant 0 : i32
        %dma_wait3A_130 = tpu.memref_slice %arg8[%run_scoped3A, %dma_wait3A_128, %dma_wait3A_129] : memref<2x128x128xf32, #tpu.memory_space<vmem>> -> memref<1x128x128xf32, #tpu.memory_space<vmem>>
        %dma_wait3A_131 = tpu.memref_squeeze %dma_wait3A_130 : memref<1x128x128xf32, #tpu.memory_space<vmem>> -> memref<128x128xf32, #tpu.memory_space<vmem>>
        %dma_wait3A_132 = arith.constant 0 : i32
        %dma_wait3A_133 = tpu.memref_slice %arg7[%add3A_72, %dma_wait3A_132] : memref<40x128xi32, #tpu.memory_space<vmem>> -> memref<1x128xi32, #tpu.memory_space<vmem>>
        %dma_wait3A_134 = tpu.memref_squeeze %dma_wait3A_133 : memref<1x128xi32, #tpu.memory_space<vmem>> -> memref<128xi32, #tpu.memory_space<vmem>>
        %dma_wait3A_135 = arith.constant 0 : i32
        %dma_wait3A_136 = arith.constant 0 : i32
        %dma_wait3A_137 = tpu.memref_slice %arg10[%dma_wait3A_135, %dma_wait3A_136] : memref<10256x128xf32, #tpu.memory_space<vmem_shared>> -> memref<10256x128xf32, #tpu.memory_space<vmem_shared>>
        tpu.wait_indirect_dma semaphore(%run_scoped3A_117 : memref<!tpu.dma_semaphore, #tpu.memory_space<semaphore_mem>>) src(%dma_wait3A_131 : memref<128x128xf32, #tpu.memory_space<vmem>>) dst(%dma_wait3A_137 : memref<10256x128xf32, #tpu.memory_space<vmem_shared>>)
        tpu.yield
      }) : () -> ()
      %add3A_96 = arith.constant 2 : i32
      %add3A_97 = arith.addi %add3A_72, %add3A_96 : i32
      %lt3A_98 = arith.constant 40 : i32
      %lt3A_99 = arith.cmpi slt, %add3A_97, %lt3A_98 : i32
      %convert_element_type3A_100 = arith.extui %lt3A_99 : i1 to i32
      %cond3A_101 = arith.constant 0 : i32
      %cond3A_102 = arith.cmpi ne, %convert_element_type3A_100, %cond3A_101 : i32
      scf.if %cond3A_102 {
        %add3A_117 = arith.constant 2 : i32
        %add3A_118 = arith.addi %add3A_72, %add3A_117 : i32
        %dma_start3A_119 = arith.constant 0 : i32
        %dma_start3A_120 = arith.constant 0 : i32
        %dma_start3A_121 = arith.constant 0 : i32
        %dma_start3A_122 = tpu.memref_slice %arg8[%dma_start3A_119, %dma_start3A_120, %dma_start3A_121] : memref<2x128x128xf32, #tpu.memory_space<vmem>> -> memref<1x128x128xf32, #tpu.memory_space<vmem>>
        %dma_start3A_123 = tpu.memref_squeeze %dma_start3A_122 : memref<1x128x128xf32, #tpu.memory_space<vmem>> -> memref<128x128xf32, #tpu.memory_space<vmem>>
        %dma_start3A_124 = arith.constant 0 : i32
        %dma_start3A_125 = tpu.memref_slice %arg6[%add3A_118, %dma_start3A_124] : memref<40x128xi32, #tpu.memory_space<vmem>> -> memref<1x128xi32, #tpu.memory_space<vmem>>
        %dma_start3A_126 = tpu.memref_squeeze %dma_start3A_125 : memref<1x128xi32, #tpu.memory_space<vmem>> -> memref<128xi32, #tpu.memory_space<vmem>>
        %dma_start3A_127 = arith.constant 0 : i32
        %dma_start3A_128 = arith.constant 0 : i32
        %dma_start3A_129 = tpu.memref_slice %arg2[%dma_start3A_127, %dma_start3A_128] : memref<10000x128xf32, #tpu.memory_space<hbm>> -> memref<10000x128xf32, #tpu.memory_space<hbm>>
        tpu.enqueue_indirect_dma source(%dma_start3A_129 : memref<10000x128xf32, #tpu.memory_space<hbm>>) target(%dma_start3A_123 : memref<128x128xf32, #tpu.memory_space<vmem>>) offsets(%dma_start3A_126 : memref<128xi32, #tpu.memory_space<vmem>>) semaphore(%arg11 : memref<!tpu.dma_semaphore, #tpu.memory_space<semaphore_mem>>)
      } else {
      }
      %add3A_103 = arith.constant 1 : i32
      %add3A_104 = arith.addi %add3A_72, %add3A_103 : i32
      %dma_wait3A_105 = arith.constant 1 : i32
      %dma_wait3A_106 = arith.constant 0 : i32
      %dma_wait3A_107 = arith.constant 0 : i32
      %dma_wait3A_108 = tpu.memref_slice %arg8[%dma_wait3A_105, %dma_wait3A_106, %dma_wait3A_107] : memref<2x128x128xf32, #tpu.memory_space<vmem>> -> memref<1x128x128xf32, #tpu.memory_space<vmem>>
      %dma_wait3A_109 = tpu.memref_squeeze %dma_wait3A_108 : memref<1x128x128xf32, #tpu.memory_space<vmem>> -> memref<128x128xf32, #tpu.memory_space<vmem>>
      %dma_wait3A_110 = arith.constant 0 : i32
      %dma_wait3A_111 = tpu.memref_slice %arg6[%add3A_104, %dma_wait3A_110] : memref<40x128xi32, #tpu.memory_space<vmem>> -> memref<1x128xi32, #tpu.memory_space<vmem>>
      %dma_wait3A_112 = tpu.memref_squeeze %dma_wait3A_111 : memref<1x128xi32, #tpu.memory_space<vmem>> -> memref<128xi32, #tpu.memory_space<vmem>>
      %dma_wait3A_113 = arith.constant 0 : i32
      %dma_wait3A_114 = arith.constant 0 : i32
      %dma_wait3A_115 = tpu.memref_slice %arg2[%dma_wait3A_113, %dma_wait3A_114] : memref<10000x128xf32, #tpu.memory_space<hbm>> -> memref<10000x128xf32, #tpu.memory_space<hbm>>
      tpu.wait_indirect_dma semaphore(%arg12 : memref<!tpu.dma_semaphore, #tpu.memory_space<semaphore_mem>>) src(%dma_wait3A_115 : memref<10000x128xf32, #tpu.memory_space<hbm>>) dst(%dma_wait3A_109 : memref<128x128xf32, #tpu.memory_space<vmem>>)
      %run_scoped3A_116 = arith.constant 1 : i32
      "tpu.region"() ({
        %run_scoped3A_117 = tpu.sem_alloc : memref<!tpu.dma_semaphore, #tpu.memory_space<semaphore_mem>>
        %dma_start3A_118 = arith.constant 0 : i32
        %dma_start3A_119 = arith.constant 0 : i32
        %dma_start3A_120 = tpu.memref_slice %arg8[%run_scoped3A_116, %dma_start3A_118, %dma_start3A_119] : memref<2x128x128xf32, #tpu.memory_space<vmem>> -> memref<1x128x128xf32, #tpu.memory_space<vmem>>
        %dma_start3A_121 = tpu.memref_squeeze %dma_start3A_120 : memref<1x128x128xf32, #tpu.memory_space<vmem>> -> memref<128x128xf32, #tpu.memory_space<vmem>>
        %dma_start3A_122 = arith.constant 0 : i32
        %dma_start3A_123 = tpu.memref_slice %arg7[%add3A_104, %dma_start3A_122] : memref<40x128xi32, #tpu.memory_space<vmem>> -> memref<1x128xi32, #tpu.memory_space<vmem>>
        %dma_start3A_124 = tpu.memref_squeeze %dma_start3A_123 : memref<1x128xi32, #tpu.memory_space<vmem>> -> memref<128xi32, #tpu.memory_space<vmem>>
        %dma_start3A_125 = arith.constant 0 : i32
        %dma_start3A_126 = arith.constant 0 : i32
        %dma_start3A_127 = tpu.memref_slice %arg10[%dma_start3A_125, %dma_start3A_126] : memref<10256x128xf32, #tpu.memory_space<vmem_shared>> -> memref<10256x128xf32, #tpu.memory_space<vmem_shared>>
        tpu.enqueue_indirect_dma source(%dma_start3A_121 : memref<128x128xf32, #tpu.memory_space<vmem>>) target(%dma_start3A_127 : memref<10256x128xf32, #tpu.memory_space<vmem_shared>>) offsets(%dma_start3A_124 : memref<128xi32, #tpu.memory_space<vmem>>) semaphore(%run_scoped3A_117 : memref<!tpu.dma_semaphore, #tpu.memory_space<semaphore_mem>>) {add = true}
        %dma_wait3A_128 = arith.constant 0 : i32
        %dma_wait3A_129 = arith.constant 0 : i32
        %dma_wait3A_130 = tpu.memref_slice %arg8[%run_scoped3A_116, %dma_wait3A_128, %dma_wait3A_129] : memref<2x128x128xf32, #tpu.memory_space<vmem>> -> memref<1x128x128xf32, #tpu.memory_space<vmem>>
        %dma_wait3A_131 = tpu.memref_squeeze %dma_wait3A_130 : memref<1x128x128xf32, #tpu.memory_space<vmem>> -> memref<128x128xf32, #tpu.memory_space<vmem>>
        %dma_wait3A_132 = arith.constant 0 : i32
        %dma_wait3A_133 = tpu.memref_slice %arg7[%add3A_104, %dma_wait3A_132] : memref<40x128xi32, #tpu.memory_space<vmem>> -> memref<1x128xi32, #tpu.memory_space<vmem>>
        %dma_wait3A_134 = tpu.memref_squeeze %dma_wait3A_133 : memref<1x128xi32, #tpu.memory_space<vmem>> -> memref<128xi32, #tpu.memory_space<vmem>>
        %dma_wait3A_135 = arith.constant 0 : i32
        %dma_wait3A_136 = arith.constant 0 : i32
        %dma_wait3A_137 = tpu.memref_slice %arg10[%dma_wait3A_135, %dma_wait3A_136] : memref<10256x128xf32, #tpu.memory_space<vmem_shared>> -> memref<10256x128xf32, #tpu.memory_space<vmem_shared>>
        tpu.wait_indirect_dma semaphore(%run_scoped3A_117 : memref<!tpu.dma_semaphore, #tpu.memory_space<semaphore_mem>>) src(%dma_wait3A_131 : memref<128x128xf32, #tpu.memory_space<vmem>>) dst(%dma_wait3A_137 : memref<10256x128xf32, #tpu.memory_space<vmem_shared>>)
        tpu.yield
      }) : () -> ()
    }
    %scan3A_56 = arith.constant 20 : i32
    %barrier3A_57 = arith.constant 0 : index
    tpu.barrier barrier_id(%barrier3A_57)
    %lt3A_58 = arith.constant 15 : i32
    %lt3A_59 = arith.cmpi slt, %arg1, %lt3A_58 : i32
    %convert_element_type3A_60 = arith.extui %lt3A_59 : i1 to i32
    %cond3A_61 = arith.constant 0 : i32
    %cond3A_62 = arith.cmpi ne, %convert_element_type3A_60, %cond3A_61 : i32
    scf.if %cond3A_62 {
      "tpu.region"() ({
        %run_scoped3A = tpu.sem_alloc : memref<!tpu.dma_semaphore, #tpu.memory_space<semaphore_mem>>
        %dma_start3A_68 = arith.constant 0 : i32
        %dma_start3A_69 = tpu.memref_slice %arg5[%arg0, %mul3A_7, %dma_start3A_68] : memref<2x10000x128xf32, #tpu.memory_space<hbm>> -> memref<1x640x128xf32, #tpu.memory_space<hbm>>
        %dma_start3A_70 = tpu.memref_squeeze %dma_start3A_69 : memref<1x640x128xf32, #tpu.memory_space<hbm>> -> memref<640x128xf32, #tpu.memory_space<hbm>>
        %dma_start3A_71 = arith.constant 0 : i32
        %dma_start3A_72 = tpu.memref_slice %arg10[%mul3A_7, %dma_start3A_71] : memref<10256x128xf32, #tpu.memory_space<vmem_shared>> -> memref<640x128xf32, #tpu.memory_space<vmem_shared>>
        tpu.enqueue_dma source(%dma_start3A_72 : memref<640x128xf32, #tpu.memory_space<vmem_shared>>) target(%dma_start3A_70 : memref<640x128xf32, #tpu.memory_space<hbm>>) target_semaphore(%run_scoped3A : memref<!tpu.dma_semaphore, #tpu.memory_space<semaphore_mem>>)
        %dma_wait3A = arith.constant 0 : i32
        %dma_wait3A_73 = tpu.memref_slice %arg5[%arg0, %mul3A_7, %dma_wait3A] : memref<2x10000x128xf32, #tpu.memory_space<hbm>> -> memref<1x640x128xf32, #tpu.memory_space<hbm>>
        %dma_wait3A_74 = tpu.memref_squeeze %dma_wait3A_73 : memref<1x640x128xf32, #tpu.memory_space<hbm>> -> memref<640x128xf32, #tpu.memory_space<hbm>>
        %dma_wait3A_75 = arith.constant 0 : i32
        %dma_wait3A_76 = tpu.memref_slice %arg10[%mul3A_7, %dma_wait3A_75] : memref<10256x128xf32, #tpu.memory_space<vmem_shared>> -> memref<640x128xf32, #tpu.memory_space<vmem_shared>>
        tpu.wait_dma2 semaphore(%run_scoped3A : memref<!tpu.dma_semaphore, #tpu.memory_space<semaphore_mem>>) src(%dma_wait3A_76 : memref<640x128xf32, #tpu.memory_space<vmem_shared>>) dst(%dma_wait3A_74 : memref<640x128xf32, #tpu.memory_space<hbm>>)
        tpu.yield
      }) : () -> ()
    } else {
    }
    %eq3A_63 = arith.constant 15 : i32
    %eq3A_64 = arith.cmpi eq, %arg1, %eq3A_63 : i32
    %convert_element_type3A_65 = arith.extui %eq3A_64 : i1 to i32
    %cond3A_66 = arith.constant 0 : i32
    %cond3A_67 = arith.cmpi ne, %convert_element_type3A_65, %cond3A_66 : i32
    scf.if %cond3A_67 {
      "tpu.region"() ({
        %run_scoped3A = tpu.sem_alloc : memref<!tpu.dma_semaphore, #tpu.memory_space<semaphore_mem>>
        %dma_start3A_68 = arith.constant 0 : i32
        %dma_start3A_69 = tpu.memref_slice %arg5[%arg0, %mul3A_7, %dma_start3A_68] : memref<2x10000x128xf32, #tpu.memory_space<hbm>> -> memref<1x400x128xf32, #tpu.memory_space<hbm>>
        %dma_start3A_70 = tpu.memref_squeeze %dma_start3A_69 : memref<1x400x128xf32, #tpu.memory_space<hbm>> -> memref<400x128xf32, #tpu.memory_space<hbm>>
        %dma_start3A_71 = arith.constant 0 : i32
        %dma_start3A_72 = tpu.memref_slice %arg10[%mul3A_7, %dma_start3A_71] : memref<10256x128xf32, #tpu.memory_space<vmem_shared>> -> memref<400x128xf32, #tpu.memory_space<vmem_shared>>
        tpu.enqueue_dma source(%dma_start3A_72 : memref<400x128xf32, #tpu.memory_space<vmem_shared>>) target(%dma_start3A_70 : memref<400x128xf32, #tpu.memory_space<hbm>>) target_semaphore(%run_scoped3A : memref<!tpu.dma_semaphore, #tpu.memory_space<semaphore_mem>>)
        %dma_wait3A = arith.constant 0 : i32
        %dma_wait3A_73 = tpu.memref_slice %arg5[%arg0, %mul3A_7, %dma_wait3A] : memref<2x10000x128xf32, #tpu.memory_space<hbm>> -> memref<1x400x128xf32, #tpu.memory_space<hbm>>
        %dma_wait3A_74 = tpu.memref_squeeze %dma_wait3A_73 : memref<1x400x128xf32, #tpu.memory_space<hbm>> -> memref<400x128xf32, #tpu.memory_space<hbm>>
        %dma_wait3A_75 = arith.constant 0 : i32
        %dma_wait3A_76 = tpu.memref_slice %arg10[%mul3A_7, %dma_wait3A_75] : memref<10256x128xf32, #tpu.memory_space<vmem_shared>> -> memref<400x128xf32, #tpu.memory_space<vmem_shared>>
        tpu.wait_dma2 semaphore(%run_scoped3A : memref<!tpu.dma_semaphore, #tpu.memory_space<semaphore_mem>>) src(%dma_wait3A_76 : memref<400x128xf32, #tpu.memory_space<vmem_shared>>) dst(%dma_wait3A_74 : memref<400x128xf32, #tpu.memory_space<hbm>>)
        tpu.yield
      }) : () -> ()
    } else {
    }
    return
  }
}

#map = affine_map<(d0, d1) -> (0, 0)>
#map1 = affine_map<(d0, d1) -> (0, 0, 0)>
module attributes {stable_mosaic.version = 14 : i64} {
  func.func @segsum(%arg0: i32, %arg1: i32, %arg2: memref<10000x128xf32, #tpu.memory_space<hbm>>, %arg3: memref<2560x128xi32, #tpu.memory_space<hbm>>, %arg4: memref<2560x128xi32, #tpu.memory_space<hbm>>, %arg5: memref<2x10000x128xf32, #tpu.memory_space<hbm>>, %arg6: memref<40x128xi32, #tpu.memory_space<vmem>>, %arg7: memref<40x128xi32, #tpu.memory_space<vmem>>, %arg8: memref<2x128x128xf32, #tpu.memory_space<vmem>>, %arg9: memref<32x128xf32, #tpu.memory_space<vmem>>, %arg10: memref<10256x128xf32, #tpu.memory_space<vmem_shared>>, %arg11: memref<!tpu.dma_semaphore, #tpu.memory_space<semaphore_mem>>, %arg12: memref<!tpu.dma_semaphore, #tpu.memory_space<semaphore_mem>>) attributes {dimension_semantics = [#tpu.dimension_semantics<core_parallel>, #tpu.dimension_semantics<subcore_parallel>], iteration_bounds = array<i64: 2, 16>, scalar_prefetch = 0 : i64, scratch_operands = 7 : i64, tpu.core_type = #tpu.core_type<sc_vector_subcore>, window_params = [{transform_indices = #map}, {transform_indices = #map}, {transform_indices = #map}, {transform_indices = #map1}]} {
    %mul3A = arith.constant 2 : i32
    %mul3A_0 = arith.muli %arg1, %mul3A : i32
    %add3A = arith.addi %mul3A_0, %arg0 : i32
    %broadcast_in_dim3A = arith.constant 0.000000e+00 : f32
    %broadcast_in_dim3A_1 = vector.broadcast %broadcast_in_dim3A : f32 to vector<16xf32>
    %scan3A = arith.constant 0 : i32
    %scan3A_2 = arith.constant 32 : i32
    %scan3A_3 = arith.addi %scan3A, %scan3A_2 : i32
    %scan3A_4 = arith.constant 1 : i32
    scf.for %scan3A_68 = %scan3A to %scan3A_3 step %scan3A_4  : i32 {
      %mul3A_69 = arith.constant 1 : i32
      %mul3A_70 = arith.muli %scan3A_68, %mul3A_69 : i32
      %add3A_71 = arith.constant 0 : i32
      %add3A_72 = arith.addi %add3A_71, %mul3A_70 : i32
      %scan3A_73 = arith.constant 0 : i32
      %scan3A_74 = arith.constant 8 : i32
      %scan3A_75 = arith.addi %scan3A_73, %scan3A_74 : i32
      %scan3A_76 = arith.constant 1 : i32
      scf.for %scan3A_78 = %scan3A_73 to %scan3A_75 step %scan3A_76  : i32 {
        %mul3A_79 = arith.constant 1 : i32
        %mul3A_80 = arith.muli %scan3A_78, %mul3A_79 : i32
        %add3A_81 = arith.constant 0 : i32
        %add3A_82 = arith.addi %add3A_81, %mul3A_80 : i32
        %mul3A_83 = arith.constant 16 : i32
        %mul3A_84 = arith.muli %add3A_82, %mul3A_83 : i32
        %swap3A = arith.index_cast %add3A_72 : i32 to index
        %swap3A_85 = arith.index_cast %mul3A_84 : i32 to index
        %swap3A_86 = tpu.vector_load %arg9[%swap3A, %swap3A_85] {strides = array<i32>} : memref<32x128xf32, #tpu.memory_space<vmem>>, vector<1x16xf32>,
        %swap3A_87 = vector.shape_cast %swap3A_86 : vector<1x16xf32> to vector<16xf32>
        %swap3A_88 = vector.shape_cast %broadcast_in_dim3A_1 : vector<16xf32> to vector<1x16xf32>
        tpu.vector_store %arg9[%swap3A, %swap3A_85], %swap3A_88 {strides = array<i32>} : memref<32x128xf32, #tpu.memory_space<vmem>>, vector<1x16xf32>,
      }
      %scan3A_77 = arith.constant 8 : i32
    }
    %scan3A_5 = arith.constant 32 : i32
    %mul3A_6 = arith.constant 640 : i32
    %mul3A_7 = arith.muli %arg1, %mul3A_6 : i32
    %lt3A = arith.constant 15 : i32
    %lt3A_8 = arith.cmpi slt, %arg1, %lt3A : i32
    %convert_element_type3A = arith.extui %lt3A_8 : i1 to i32
    %cond3A = arith.constant 0 : i32
    %cond3A_9 = arith.cmpi ne, %convert_element_type3A, %cond3A : i32
    scf.if %cond3A_9 {
      %add3A_68 = arith.constant 0 : i32
      %add3A_69 = arith.addi %mul3A_7, %add3A_68 : i32
      "tpu.region"() ({
        %run_scoped3A = tpu.sem_alloc : memref<!tpu.dma_semaphore, #tpu.memory_space<semaphore_mem>>
        %dma_start3A_108 = arith.constant 0 : i32
        %dma_start3A_109 = tpu.memref_slice %arg10[%add3A_69, %dma_start3A_108] : memref<10256x128xf32, #tpu.memory_space<vmem_shared>> -> memref<32x128xf32, #tpu.memory_space<vmem_shared>>
        %dma_start3A_110 = arith.constant 0 : i32
        %dma_start3A_111 = tpu.memref_slice %arg10[%add3A_69, %dma_start3A_110] : memref<10256x128xf32, #tpu.memory_space<vmem_shared>> -> memref<32x128xf32, #tpu.memory_space<vmem_shared>>
        tpu.enqueue_dma source(%arg9 : memref<32x128xf32, #tpu.memory_space<vmem>>) target(%dma_start3A_111 : memref<32x128xf32, #tpu.memory_space<vmem_shared>>) target_semaphore(%run_scoped3A : memref<!tpu.dma_semaphore, #tpu.memory_space<semaphore_mem>>)
        %dma_wait3A = arith.constant 0 : i32
        %dma_wait3A_112 = tpu.memref_slice %arg10[%add3A_69, %dma_wait3A] : memref<10256x128xf32, #tpu.memory_space<vmem_shared>> -> memref<32x128xf32, #tpu.memory_space<vmem_shared>>
        %dma_wait3A_113 = arith.constant 0 : i32
        %dma_wait3A_114 = tpu.memref_slice %arg10[%add3A_69, %dma_wait3A_113] : memref<10256x128xf32, #tpu.memory_space<vmem_shared>> -> memref<32x128xf32, #tpu.memory_space<vmem_shared>>
        tpu.wait_dma2 semaphore(%run_scoped3A : memref<!tpu.dma_semaphore, #tpu.memory_space<semaphore_mem>>) src(%arg9 : memref<32x128xf32, #tpu.memory_space<vmem>>) dst(%dma_wait3A_114 : memref<32x128xf32, #tpu.memory_space<vmem_shared>>)
        tpu.yield
      }) : () -> ()
      %add3A_70 = arith.constant 32 : i32
      %add3A_71 = arith.addi %mul3A_7, %add3A_70 : i32
      "tpu.region"() ({
        %run_scoped3A = tpu.sem_alloc : memref<!tpu.dma_semaphore, #tpu.memory_space<semaphore_mem>>
        %dma_start3A_108 = arith.constant 0 : i32
        %dma_start3A_109 = tpu.memref_slice %arg10[%add3A_71, %dma_start3A_108] : memref<10256x128xf32, #tpu.memory_space<vmem_shared>> -> memref<32x128xf32, #tpu.memory_space<vmem_shared>>
        %dma_start3A_110 = arith.constant 0 : i32
        %dma_start3A_111 = tpu.memref_slice %arg10[%add3A_71, %dma_start3A_110] : memref<10256x128xf32, #tpu.memory_space<vmem_shared>> -> memref<32x128xf32, #tpu.memory_space<vmem_shared>>
        tpu.enqueue_dma source(%arg9 : memref<32x128xf32, #tpu.memory_space<vmem>>) target(%dma_start3A_111 : memref<32x128xf32, #tpu.memory_space<vmem_shared>>) target_semaphore(%run_scoped3A : memref<!tpu.dma_semaphore, #tpu.memory_space<semaphore_mem>>)
        %dma_wait3A = arith.constant 0 : i32
        %dma_wait3A_112 = tpu.memref_slice %arg10[%add3A_71, %dma_wait3A] : memref<10256x128xf32, #tpu.memory_space<vmem_shared>> -> memref<32x128xf32, #tpu.memory_space<vmem_shared>>
        %dma_wait3A_113 = arith.constant 0 : i32
        %dma_wait3A_114 = tpu.memref_slice %arg10[%add3A_71, %dma_wait3A_113] : memref<10256x128xf32, #tpu.memory_space<vmem_shared>> -> memref<32x128xf32, #tpu.memory_space<vmem_shared>>
        tpu.wait_dma2 semaphore(%run_scoped3A : memref<!tpu.dma_semaphore, #tpu.memory_space<semaphore_mem>>) src(%arg9 : memref<32x128xf32, #tpu.memory_space<vmem>>) dst(%dma_wait3A_114 : memref<32x128xf32, #tpu.memory_space<vmem_shared>>)
        tpu.yield
      }) : () -> ()
      %add3A_72 = arith.constant 64 : i32
      %add3A_73 = arith.addi %mul3A_7, %add3A_72 : i32
      "tpu.region"() ({
        %run_scoped3A = tpu.sem_alloc : memref<!tpu.dma_semaphore, #tpu.memory_space<semaphore_mem>>
        %dma_start3A_108 = arith.constant 0 : i32
        %dma_start3A_109 = tpu.memref_slice %arg10[%add3A_73, %dma_start3A_108] : memref<10256x128xf32, #tpu.memory_space<vmem_shared>> -> memref<32x128xf32, #tpu.memory_space<vmem_shared>>
        %dma_start3A_110 = arith.constant 0 : i32
        %dma_start3A_111 = tpu.memref_slice %arg10[%add3A_73, %dma_start3A_110] : memref<10256x128xf32, #tpu.memory_space<vmem_shared>> -> memref<32x128xf32, #tpu.memory_space<vmem_shared>>
        tpu.enqueue_dma source(%arg9 : memref<32x128xf32, #tpu.memory_space<vmem>>) target(%dma_start3A_111 : memref<32x128xf32, #tpu.memory_space<vmem_shared>>) target_semaphore(%run_scoped3A : memref<!tpu.dma_semaphore, #tpu.memory_space<semaphore_mem>>)
        %dma_wait3A = arith.constant 0 : i32
        %dma_wait3A_112 = tpu.memref_slice %arg10[%add3A_73, %dma_wait3A] : memref<10256x128xf32, #tpu.memory_space<vmem_shared>> -> memref<32x128xf32, #tpu.memory_space<vmem_shared>>
        %dma_wait3A_113 = arith.constant 0 : i32
        %dma_wait3A_114 = tpu.memref_slice %arg10[%add3A_73, %dma_wait3A_113] : memref<10256x128xf32, #tpu.memory_space<vmem_shared>> -> memref<32x128xf32, #tpu.memory_space<vmem_shared>>
        tpu.wait_dma2 semaphore(%run_scoped3A : memref<!tpu.dma_semaphore, #tpu.memory_space<semaphore_mem>>) src(%arg9 : memref<32x128xf32, #tpu.memory_space<vmem>>) dst(%dma_wait3A_114 : memref<32x128xf32, #tpu.memory_space<vmem_shared>>)
        tpu.yield
      }) : () -> ()
      %add3A_74 = arith.constant 96 : i32
      %add3A_75 = arith.addi %mul3A_7, %add3A_74 : i32
      "tpu.region"() ({
        %run_scoped3A = tpu.sem_alloc : memref<!tpu.dma_semaphore, #tpu.memory_space<semaphore_mem>>
        %dma_start3A_108 = arith.constant 0 : i32
        %dma_start3A_109 = tpu.memref_slice %arg10[%add3A_75, %dma_start3A_108] : memref<10256x128xf32, #tpu.memory_space<vmem_shared>> -> memref<32x128xf32, #tpu.memory_space<vmem_shared>>
        %dma_start3A_110 = arith.constant 0 : i32
        %dma_start3A_111 = tpu.memref_slice %arg10[%add3A_75, %dma_start3A_110] : memref<10256x128xf32, #tpu.memory_space<vmem_shared>> -> memref<32x128xf32, #tpu.memory_space<vmem_shared>>
        tpu.enqueue_dma source(%arg9 : memref<32x128xf32, #tpu.memory_space<vmem>>) target(%dma_start3A_111 : memref<32x128xf32, #tpu.memory_space<vmem_shared>>) target_semaphore(%run_scoped3A : memref<!tpu.dma_semaphore, #tpu.memory_space<semaphore_mem>>)
        %dma_wait3A = arith.constant 0 : i32
        %dma_wait3A_112 = tpu.memref_slice %arg10[%add3A_75, %dma_wait3A] : memref<10256x128xf32, #tpu.memory_space<vmem_shared>> -> memref<32x128xf32, #tpu.memory_space<vmem_shared>>
        %dma_wait3A_113 = arith.constant 0 : i32
        %dma_wait3A_114 = tpu.memref_slice %arg10[%add3A_75, %dma_wait3A_113] : memref<10256x128xf32, #tpu.memory_space<vmem_shared>> -> memref<32x128xf32, #tpu.memory_space<vmem_shared>>
        tpu.wait_dma2 semaphore(%run_scoped3A : memref<!tpu.dma_semaphore, #tpu.memory_space<semaphore_mem>>) src(%arg9 : memref<32x128xf32, #tpu.memory_space<vmem>>) dst(%dma_wait3A_114 : memref<32x128xf32, #tpu.memory_space<vmem_shared>>)
        tpu.yield
      }) : () -> ()
      %add3A_76 = arith.constant 128 : i32
      %add3A_77 = arith.addi %mul3A_7, %add3A_76 : i32
      "tpu.region"() ({
        %run_scoped3A = tpu.sem_alloc : memref<!tpu.dma_semaphore, #tpu.memory_space<semaphore_mem>>
        %dma_start3A_108 = arith.constant 0 : i32
        %dma_start3A_109 = tpu.memref_slice %arg10[%add3A_77, %dma_start3A_108] : memref<10256x128xf32, #tpu.memory_space<vmem_shared>> -> memref<32x128xf32, #tpu.memory_space<vmem_shared>>
        %dma_start3A_110 = arith.constant 0 : i32
        %dma_start3A_111 = tpu.memref_slice %arg10[%add3A_77, %dma_start3A_110] : memref<10256x128xf32, #tpu.memory_space<vmem_shared>> -> memref<32x128xf32, #tpu.memory_space<vmem_shared>>
        tpu.enqueue_dma source(%arg9 : memref<32x128xf32, #tpu.memory_space<vmem>>) target(%dma_start3A_111 : memref<32x128xf32, #tpu.memory_space<vmem_shared>>) target_semaphore(%run_scoped3A : memref<!tpu.dma_semaphore, #tpu.memory_space<semaphore_mem>>)
        %dma_wait3A = arith.constant 0 : i32
        %dma_wait3A_112 = tpu.memref_slice %arg10[%add3A_77, %dma_wait3A] : memref<10256x128xf32, #tpu.memory_space<vmem_shared>> -> memref<32x128xf32, #tpu.memory_space<vmem_shared>>
        %dma_wait3A_113 = arith.constant 0 : i32
        %dma_wait3A_114 = tpu.memref_slice %arg10[%add3A_77, %dma_wait3A_113] : memref<10256x128xf32, #tpu.memory_space<vmem_shared>> -> memref<32x128xf32, #tpu.memory_space<vmem_shared>>
        tpu.wait_dma2 semaphore(%run_scoped3A : memref<!tpu.dma_semaphore, #tpu.memory_space<semaphore_mem>>) src(%arg9 : memref<32x128xf32, #tpu.memory_space<vmem>>) dst(%dma_wait3A_114 : memref<32x128xf32, #tpu.memory_space<vmem_shared>>)
        tpu.yield
      }) : () -> ()
      %add3A_78 = arith.constant 160 : i32
      %add3A_79 = arith.addi %mul3A_7, %add3A_78 : i32
      "tpu.region"() ({
        %run_scoped3A = tpu.sem_alloc : memref<!tpu.dma_semaphore, #tpu.memory_space<semaphore_mem>>
        %dma_start3A_108 = arith.constant 0 : i32
        %dma_start3A_109 = tpu.memref_slice %arg10[%add3A_79, %dma_start3A_108] : memref<10256x128xf32, #tpu.memory_space<vmem_shared>> -> memref<32x128xf32, #tpu.memory_space<vmem_shared>>
        %dma_start3A_110 = arith.constant 0 : i32
        %dma_start3A_111 = tpu.memref_slice %arg10[%add3A_79, %dma_start3A_110] : memref<10256x128xf32, #tpu.memory_space<vmem_shared>> -> memref<32x128xf32, #tpu.memory_space<vmem_shared>>
        tpu.enqueue_dma source(%arg9 : memref<32x128xf32, #tpu.memory_space<vmem>>) target(%dma_start3A_111 : memref<32x128xf32, #tpu.memory_space<vmem_shared>>) target_semaphore(%run_scoped3A : memref<!tpu.dma_semaphore, #tpu.memory_space<semaphore_mem>>)
        %dma_wait3A = arith.constant 0 : i32
        %dma_wait3A_112 = tpu.memref_slice %arg10[%add3A_79, %dma_wait3A] : memref<10256x128xf32, #tpu.memory_space<vmem_shared>> -> memref<32x128xf32, #tpu.memory_space<vmem_shared>>
        %dma_wait3A_113 = arith.constant 0 : i32
        %dma_wait3A_114 = tpu.memref_slice %arg10[%add3A_79, %dma_wait3A_113] : memref<10256x128xf32, #tpu.memory_space<vmem_shared>> -> memref<32x128xf32, #tpu.memory_space<vmem_shared>>
        tpu.wait_dma2 semaphore(%run_scoped3A : memref<!tpu.dma_semaphore, #tpu.memory_space<semaphore_mem>>) src(%arg9 : memref<32x128xf32, #tpu.memory_space<vmem>>) dst(%dma_wait3A_114 : memref<32x128xf32, #tpu.memory_space<vmem_shared>>)
        tpu.yield
      }) : () -> ()
      %add3A_80 = arith.constant 192 : i32
      %add3A_81 = arith.addi %mul3A_7, %add3A_80 : i32
      "tpu.region"() ({
        %run_scoped3A = tpu.sem_alloc : memref<!tpu.dma_semaphore, #tpu.memory_space<semaphore_mem>>
        %dma_start3A_108 = arith.constant 0 : i32
        %dma_start3A_109 = tpu.memref_slice %arg10[%add3A_81, %dma_start3A_108] : memref<10256x128xf32, #tpu.memory_space<vmem_shared>> -> memref<32x128xf32, #tpu.memory_space<vmem_shared>>
        %dma_start3A_110 = arith.constant 0 : i32
        %dma_start3A_111 = tpu.memref_slice %arg10[%add3A_81, %dma_start3A_110] : memref<10256x128xf32, #tpu.memory_space<vmem_shared>> -> memref<32x128xf32, #tpu.memory_space<vmem_shared>>
        tpu.enqueue_dma source(%arg9 : memref<32x128xf32, #tpu.memory_space<vmem>>) target(%dma_start3A_111 : memref<32x128xf32, #tpu.memory_space<vmem_shared>>) target_semaphore(%run_scoped3A : memref<!tpu.dma_semaphore, #tpu.memory_space<semaphore_mem>>)
        %dma_wait3A = arith.constant 0 : i32
        %dma_wait3A_112 = tpu.memref_slice %arg10[%add3A_81, %dma_wait3A] : memref<10256x128xf32, #tpu.memory_space<vmem_shared>> -> memref<32x128xf32, #tpu.memory_space<vmem_shared>>
        %dma_wait3A_113 = arith.constant 0 : i32
        %dma_wait3A_114 = tpu.memref_slice %arg10[%add3A_81, %dma_wait3A_113] : memref<10256x128xf32, #tpu.memory_space<vmem_shared>> -> memref<32x128xf32, #tpu.memory_space<vmem_shared>>
        tpu.wait_dma2 semaphore(%run_scoped3A : memref<!tpu.dma_semaphore, #tpu.memory_space<semaphore_mem>>) src(%arg9 : memref<32x128xf32, #tpu.memory_space<vmem>>) dst(%dma_wait3A_114 : memref<32x128xf32, #tpu.memory_space<vmem_shared>>)
        tpu.yield
      }) : () -> ()
      %add3A_82 = arith.constant 224 : i32
      %add3A_83 = arith.addi %mul3A_7, %add3A_82 : i32
      "tpu.region"() ({
        %run_scoped3A = tpu.sem_alloc : memref<!tpu.dma_semaphore, #tpu.memory_space<semaphore_mem>>
        %dma_start3A_108 = arith.constant 0 : i32
        %dma_start3A_109 = tpu.memref_slice %arg10[%add3A_83, %dma_start3A_108] : memref<10256x128xf32, #tpu.memory_space<vmem_shared>> -> memref<32x128xf32, #tpu.memory_space<vmem_shared>>
        %dma_start3A_110 = arith.constant 0 : i32
        %dma_start3A_111 = tpu.memref_slice %arg10[%add3A_83, %dma_start3A_110] : memref<10256x128xf32, #tpu.memory_space<vmem_shared>> -> memref<32x128xf32, #tpu.memory_space<vmem_shared>>
        tpu.enqueue_dma source(%arg9 : memref<32x128xf32, #tpu.memory_space<vmem>>) target(%dma_start3A_111 : memref<32x128xf32, #tpu.memory_space<vmem_shared>>) target_semaphore(%run_scoped3A : memref<!tpu.dma_semaphore, #tpu.memory_space<semaphore_mem>>)
        %dma_wait3A = arith.constant 0 : i32
        %dma_wait3A_112 = tpu.memref_slice %arg10[%add3A_83, %dma_wait3A] : memref<10256x128xf32, #tpu.memory_space<vmem_shared>> -> memref<32x128xf32, #tpu.memory_space<vmem_shared>>
        %dma_wait3A_113 = arith.constant 0 : i32
        %dma_wait3A_114 = tpu.memref_slice %arg10[%add3A_83, %dma_wait3A_113] : memref<10256x128xf32, #tpu.memory_space<vmem_shared>> -> memref<32x128xf32, #tpu.memory_space<vmem_shared>>
        tpu.wait_dma2 semaphore(%run_scoped3A : memref<!tpu.dma_semaphore, #tpu.memory_space<semaphore_mem>>) src(%arg9 : memref<32x128xf32, #tpu.memory_space<vmem>>) dst(%dma_wait3A_114 : memref<32x128xf32, #tpu.memory_space<vmem_shared>>)
        tpu.yield
      }) : () -> ()
      %add3A_84 = arith.constant 256 : i32
      %add3A_85 = arith.addi %mul3A_7, %add3A_84 : i32
      "tpu.region"() ({
        %run_scoped3A = tpu.sem_alloc : memref<!tpu.dma_semaphore, #tpu.memory_space<semaphore_mem>>
        %dma_start3A_108 = arith.constant 0 : i32
        %dma_start3A_109 = tpu.memref_slice %arg10[%add3A_85, %dma_start3A_108] : memref<10256x128xf32, #tpu.memory_space<vmem_shared>> -> memref<32x128xf32, #tpu.memory_space<vmem_shared>>
        %dma_start3A_110 = arith.constant 0 : i32
        %dma_start3A_111 = tpu.memref_slice %arg10[%add3A_85, %dma_start3A_110] : memref<10256x128xf32, #tpu.memory_space<vmem_shared>> -> memref<32x128xf32, #tpu.memory_space<vmem_shared>>
        tpu.enqueue_dma source(%arg9 : memref<32x128xf32, #tpu.memory_space<vmem>>) target(%dma_start3A_111 : memref<32x128xf32, #tpu.memory_space<vmem_shared>>) target_semaphore(%run_scoped3A : memref<!tpu.dma_semaphore, #tpu.memory_space<semaphore_mem>>)
        %dma_wait3A = arith.constant 0 : i32
        %dma_wait3A_112 = tpu.memref_slice %arg10[%add3A_85, %dma_wait3A] : memref<10256x128xf32, #tpu.memory_space<vmem_shared>> -> memref<32x128xf32, #tpu.memory_space<vmem_shared>>
        %dma_wait3A_113 = arith.constant 0 : i32
        %dma_wait3A_114 = tpu.memref_slice %arg10[%add3A_85, %dma_wait3A_113] : memref<10256x128xf32, #tpu.memory_space<vmem_shared>> -> memref<32x128xf32, #tpu.memory_space<vmem_shared>>
        tpu.wait_dma2 semaphore(%run_scoped3A : memref<!tpu.dma_semaphore, #tpu.memory_space<semaphore_mem>>) src(%arg9 : memref<32x128xf32, #tpu.memory_space<vmem>>) dst(%dma_wait3A_114 : memref<32x128xf32, #tpu.memory_space<vmem_shared>>)
        tpu.yield
      }) : () -> ()
      %add3A_86 = arith.constant 288 : i32
      %add3A_87 = arith.addi %mul3A_7, %add3A_86 : i32
      "tpu.region"() ({
        %run_scoped3A = tpu.sem_alloc : memref<!tpu.dma_semaphore, #tpu.memory_space<semaphore_mem>>
        %dma_start3A_108 = arith.constant 0 : i32
        %dma_start3A_109 = tpu.memref_slice %arg10[%add3A_87, %dma_start3A_108] : memref<10256x128xf32, #tpu.memory_space<vmem_shared>> -> memref<32x128xf32, #tpu.memory_space<vmem_shared>>
        %dma_start3A_110 = arith.constant 0 : i32
        %dma_start3A_111 = tpu.memref_slice %arg10[%add3A_87, %dma_start3A_110] : memref<10256x128xf32, #tpu.memory_space<vmem_shared>> -> memref<32x128xf32, #tpu.memory_space<vmem_shared>>
        tpu.enqueue_dma source(%arg9 : memref<32x128xf32, #tpu.memory_space<vmem>>) target(%dma_start3A_111 : memref<32x128xf32, #tpu.memory_space<vmem_shared>>) target_semaphore(%run_scoped3A : memref<!tpu.dma_semaphore, #tpu.memory_space<semaphore_mem>>)
        %dma_wait3A = arith.constant 0 : i32
        %dma_wait3A_112 = tpu.memref_slice %arg10[%add3A_87, %dma_wait3A] : memref<10256x128xf32, #tpu.memory_space<vmem_shared>> -> memref<32x128xf32, #tpu.memory_space<vmem_shared>>
        %dma_wait3A_113 = arith.constant 0 : i32
        %dma_wait3A_114 = tpu.memref_slice %arg10[%add3A_87, %dma_wait3A_113] : memref<10256x128xf32, #tpu.memory_space<vmem_shared>> -> memref<32x128xf32, #tpu.memory_space<vmem_shared>>
        tpu.wait_dma2 semaphore(%run_scoped3A : memref<!tpu.dma_semaphore, #tpu.memory_space<semaphore_mem>>) src(%arg9 : memref<32x128xf32, #tpu.memory_space<vmem>>) dst(%dma_wait3A_114 : memref<32x128xf32, #tpu.memory_space<vmem_shared>>)
        tpu.yield
      }) : () -> ()
      %add3A_88 = arith.constant 320 : i32
      %add3A_89 = arith.addi %mul3A_7, %add3A_88 : i32
      "tpu.region"() ({
        %run_scoped3A = tpu.sem_alloc : memref<!tpu.dma_semaphore, #tpu.memory_space<semaphore_mem>>
        %dma_start3A_108 = arith.constant 0 : i32
        %dma_start3A_109 = tpu.memref_slice %arg10[%add3A_89, %dma_start3A_108] : memref<10256x128xf32, #tpu.memory_space<vmem_shared>> -> memref<32x128xf32, #tpu.memory_space<vmem_shared>>
        %dma_start3A_110 = arith.constant 0 : i32
        %dma_start3A_111 = tpu.memref_slice %arg10[%add3A_89, %dma_start3A_110] : memref<10256x128xf32, #tpu.memory_space<vmem_shared>> -> memref<32x128xf32, #tpu.memory_space<vmem_shared>>
        tpu.enqueue_dma source(%arg9 : memref<32x128xf32, #tpu.memory_space<vmem>>) target(%dma_start3A_111 : memref<32x128xf32, #tpu.memory_space<vmem_shared>>) target_semaphore(%run_scoped3A : memref<!tpu.dma_semaphore, #tpu.memory_space<semaphore_mem>>)
        %dma_wait3A = arith.constant 0 : i32
        %dma_wait3A_112 = tpu.memref_slice %arg10[%add3A_89, %dma_wait3A] : memref<10256x128xf32, #tpu.memory_space<vmem_shared>> -> memref<32x128xf32, #tpu.memory_space<vmem_shared>>
        %dma_wait3A_113 = arith.constant 0 : i32
        %dma_wait3A_114 = tpu.memref_slice %arg10[%add3A_89, %dma_wait3A_113] : memref<10256x128xf32, #tpu.memory_space<vmem_shared>> -> memref<32x128xf32, #tpu.memory_space<vmem_shared>>
        tpu.wait_dma2 semaphore(%run_scoped3A : memref<!tpu.dma_semaphore, #tpu.memory_space<semaphore_mem>>) src(%arg9 : memref<32x128xf32, #tpu.memory_space<vmem>>) dst(%dma_wait3A_114 : memref<32x128xf32, #tpu.memory_space<vmem_shared>>)
        tpu.yield
      }) : () -> ()
      %add3A_90 = arith.constant 352 : i32
      %add3A_91 = arith.addi %mul3A_7, %add3A_90 : i32
      "tpu.region"() ({
        %run_scoped3A = tpu.sem_alloc : memref<!tpu.dma_semaphore, #tpu.memory_space<semaphore_mem>>
        %dma_start3A_108 = arith.constant 0 : i32
        %dma_start3A_109 = tpu.memref_slice %arg10[%add3A_91, %dma_start3A_108] : memref<10256x128xf32, #tpu.memory_space<vmem_shared>> -> memref<32x128xf32, #tpu.memory_space<vmem_shared>>
        %dma_start3A_110 = arith.constant 0 : i32
        %dma_start3A_111 = tpu.memref_slice %arg10[%add3A_91, %dma_start3A_110] : memref<10256x128xf32, #tpu.memory_space<vmem_shared>> -> memref<32x128xf32, #tpu.memory_space<vmem_shared>>
        tpu.enqueue_dma source(%arg9 : memref<32x128xf32, #tpu.memory_space<vmem>>) target(%dma_start3A_111 : memref<32x128xf32, #tpu.memory_space<vmem_shared>>) target_semaphore(%run_scoped3A : memref<!tpu.dma_semaphore, #tpu.memory_space<semaphore_mem>>)
        %dma_wait3A = arith.constant 0 : i32
        %dma_wait3A_112 = tpu.memref_slice %arg10[%add3A_91, %dma_wait3A] : memref<10256x128xf32, #tpu.memory_space<vmem_shared>> -> memref<32x128xf32, #tpu.memory_space<vmem_shared>>
        %dma_wait3A_113 = arith.constant 0 : i32
        %dma_wait3A_114 = tpu.memref_slice %arg10[%add3A_91, %dma_wait3A_113] : memref<10256x128xf32, #tpu.memory_space<vmem_shared>> -> memref<32x128xf32, #tpu.memory_space<vmem_shared>>
        tpu.wait_dma2 semaphore(%run_scoped3A : memref<!tpu.dma_semaphore, #tpu.memory_space<semaphore_mem>>) src(%arg9 : memref<32x128xf32, #tpu.memory_space<vmem>>) dst(%dma_wait3A_114 : memref<32x128xf32, #tpu.memory_space<vmem_shared>>)
        tpu.yield
      }) : () -> ()
      %add3A_92 = arith.constant 384 : i32
      %add3A_93 = arith.addi %mul3A_7, %add3A_92 : i32
      "tpu.region"() ({
        %run_scoped3A = tpu.sem_alloc : memref<!tpu.dma_semaphore, #tpu.memory_space<semaphore_mem>>
        %dma_start3A_108 = arith.constant 0 : i32
        %dma_start3A_109 = tpu.memref_slice %arg10[%add3A_93, %dma_start3A_108] : memref<10256x128xf32, #tpu.memory_space<vmem_shared>> -> memref<32x128xf32, #tpu.memory_space<vmem_shared>>
        %dma_start3A_110 = arith.constant 0 : i32
        %dma_start3A_111 = tpu.memref_slice %arg10[%add3A_93, %dma_start3A_110] : memref<10256x128xf32, #tpu.memory_space<vmem_shared>> -> memref<32x128xf32, #tpu.memory_space<vmem_shared>>
        tpu.enqueue_dma source(%arg9 : memref<32x128xf32, #tpu.memory_space<vmem>>) target(%dma_start3A_111 : memref<32x128xf32, #tpu.memory_space<vmem_shared>>) target_semaphore(%run_scoped3A : memref<!tpu.dma_semaphore, #tpu.memory_space<semaphore_mem>>)
        %dma_wait3A = arith.constant 0 : i32
        %dma_wait3A_112 = tpu.memref_slice %arg10[%add3A_93, %dma_wait3A] : memref<10256x128xf32, #tpu.memory_space<vmem_shared>> -> memref<32x128xf32, #tpu.memory_space<vmem_shared>>
        %dma_wait3A_113 = arith.constant 0 : i32
        %dma_wait3A_114 = tpu.memref_slice %arg10[%add3A_93, %dma_wait3A_113] : memref<10256x128xf32, #tpu.memory_space<vmem_shared>> -> memref<32x128xf32, #tpu.memory_space<vmem_shared>>
        tpu.wait_dma2 semaphore(%run_scoped3A : memref<!tpu.dma_semaphore, #tpu.memory_space<semaphore_mem>>) src(%arg9 : memref<32x128xf32, #tpu.memory_space<vmem>>) dst(%dma_wait3A_114 : memref<32x128xf32, #tpu.memory_space<vmem_shared>>)
        tpu.yield
      }) : () -> ()
      %add3A_94 = arith.constant 416 : i32
      %add3A_95 = arith.addi %mul3A_7, %add3A_94 : i32
      "tpu.region"() ({
        %run_scoped3A = tpu.sem_alloc : memref<!tpu.dma_semaphore, #tpu.memory_space<semaphore_mem>>
        %dma_start3A_108 = arith.constant 0 : i32
        %dma_start3A_109 = tpu.memref_slice %arg10[%add3A_95, %dma_start3A_108] : memref<10256x128xf32, #tpu.memory_space<vmem_shared>> -> memref<32x128xf32, #tpu.memory_space<vmem_shared>>
        %dma_start3A_110 = arith.constant 0 : i32
        %dma_start3A_111 = tpu.memref_slice %arg10[%add3A_95, %dma_start3A_110] : memref<10256x128xf32, #tpu.memory_space<vmem_shared>> -> memref<32x128xf32, #tpu.memory_space<vmem_shared>>
        tpu.enqueue_dma source(%arg9 : memref<32x128xf32, #tpu.memory_space<vmem>>) target(%dma_start3A_111 : memref<32x128xf32, #tpu.memory_space<vmem_shared>>) target_semaphore(%run_scoped3A : memref<!tpu.dma_semaphore, #tpu.memory_space<semaphore_mem>>)
        %dma_wait3A = arith.constant 0 : i32
        %dma_wait3A_112 = tpu.memref_slice %arg10[%add3A_95, %dma_wait3A] : memref<10256x128xf32, #tpu.memory_space<vmem_shared>> -> memref<32x128xf32, #tpu.memory_space<vmem_shared>>
        %dma_wait3A_113 = arith.constant 0 : i32
        %dma_wait3A_114 = tpu.memref_slice %arg10[%add3A_95, %dma_wait3A_113] : memref<10256x128xf32, #tpu.memory_space<vmem_shared>> -> memref<32x128xf32, #tpu.memory_space<vmem_shared>>
        tpu.wait_dma2 semaphore(%run_scoped3A : memref<!tpu.dma_semaphore, #tpu.memory_space<semaphore_mem>>) src(%arg9 : memref<32x128xf32, #tpu.memory_space<vmem>>) dst(%dma_wait3A_114 : memref<32x128xf32, #tpu.memory_space<vmem_shared>>)
        tpu.yield
      }) : () -> ()
      %add3A_96 = arith.constant 448 : i32
      %add3A_97 = arith.addi %mul3A_7, %add3A_96 : i32
      "tpu.region"() ({
        %run_scoped3A = tpu.sem_alloc : memref<!tpu.dma_semaphore, #tpu.memory_space<semaphore_mem>>
        %dma_start3A_108 = arith.constant 0 : i32
        %dma_start3A_109 = tpu.memref_slice %arg10[%add3A_97, %dma_start3A_108] : memref<10256x128xf32, #tpu.memory_space<vmem_shared>> -> memref<32x128xf32, #tpu.memory_space<vmem_shared>>
        %dma_start3A_110 = arith.constant 0 : i32
        %dma_start3A_111 = tpu.memref_slice %arg10[%add3A_97, %dma_start3A_110] : memref<10256x128xf32, #tpu.memory_space<vmem_shared>> -> memref<32x128xf32, #tpu.memory_space<vmem_shared>>
        tpu.enqueue_dma source(%arg9 : memref<32x128xf32, #tpu.memory_space<vmem>>) target(%dma_start3A_111 : memref<32x128xf32, #tpu.memory_space<vmem_shared>>) target_semaphore(%run_scoped3A : memref<!tpu.dma_semaphore, #tpu.memory_space<semaphore_mem>>)
        %dma_wait3A = arith.constant 0 : i32
        %dma_wait3A_112 = tpu.memref_slice %arg10[%add3A_97, %dma_wait3A] : memref<10256x128xf32, #tpu.memory_space<vmem_shared>> -> memref<32x128xf32, #tpu.memory_space<vmem_shared>>
        %dma_wait3A_113 = arith.constant 0 : i32
        %dma_wait3A_114 = tpu.memref_slice %arg10[%add3A_97, %dma_wait3A_113] : memref<10256x128xf32, #tpu.memory_space<vmem_shared>> -> memref<32x128xf32, #tpu.memory_space<vmem_shared>>
        tpu.wait_dma2 semaphore(%run_scoped3A : memref<!tpu.dma_semaphore, #tpu.memory_space<semaphore_mem>>) src(%arg9 : memref<32x128xf32, #tpu.memory_space<vmem>>) dst(%dma_wait3A_114 : memref<32x128xf32, #tpu.memory_space<vmem_shared>>)
        tpu.yield
      }) : () -> ()
      %add3A_98 = arith.constant 480 : i32
      %add3A_99 = arith.addi %mul3A_7, %add3A_98 : i32
      "tpu.region"() ({
        %run_scoped3A = tpu.sem_alloc : memref<!tpu.dma_semaphore, #tpu.memory_space<semaphore_mem>>
        %dma_start3A_108 = arith.constant 0 : i32
        %dma_start3A_109 = tpu.memref_slice %arg10[%add3A_99, %dma_start3A_108] : memref<10256x128xf32, #tpu.memory_space<vmem_shared>> -> memref<32x128xf32, #tpu.memory_space<vmem_shared>>
        %dma_start3A_110 = arith.constant 0 : i32
        %dma_start3A_111 = tpu.memref_slice %arg10[%add3A_99, %dma_start3A_110] : memref<10256x128xf32, #tpu.memory_space<vmem_shared>> -> memref<32x128xf32, #tpu.memory_space<vmem_shared>>
        tpu.enqueue_dma source(%arg9 : memref<32x128xf32, #tpu.memory_space<vmem>>) target(%dma_start3A_111 : memref<32x128xf32, #tpu.memory_space<vmem_shared>>) target_semaphore(%run_scoped3A : memref<!tpu.dma_semaphore, #tpu.memory_space<semaphore_mem>>)
        %dma_wait3A = arith.constant 0 : i32
        %dma_wait3A_112 = tpu.memref_slice %arg10[%add3A_99, %dma_wait3A] : memref<10256x128xf32, #tpu.memory_space<vmem_shared>> -> memref<32x128xf32, #tpu.memory_space<vmem_shared>>
        %dma_wait3A_113 = arith.constant 0 : i32
        %dma_wait3A_114 = tpu.memref_slice %arg10[%add3A_99, %dma_wait3A_113] : memref<10256x128xf32, #tpu.memory_space<vmem_shared>> -> memref<32x128xf32, #tpu.memory_space<vmem_shared>>
        tpu.wait_dma2 semaphore(%run_scoped3A : memref<!tpu.dma_semaphore, #tpu.memory_space<semaphore_mem>>) src(%arg9 : memref<32x128xf32, #tpu.memory_space<vmem>>) dst(%dma_wait3A_114 : memref<32x128xf32, #tpu.memory_space<vmem_shared>>)
        tpu.yield
      }) : () -> ()
      %add3A_100 = arith.constant 512 : i32
      %add3A_101 = arith.addi %mul3A_7, %add3A_100 : i32
      "tpu.region"() ({
        %run_scoped3A = tpu.sem_alloc : memref<!tpu.dma_semaphore, #tpu.memory_space<semaphore_mem>>
        %dma_start3A_108 = arith.constant 0 : i32
        %dma_start3A_109 = tpu.memref_slice %arg10[%add3A_101, %dma_start3A_108] : memref<10256x128xf32, #tpu.memory_space<vmem_shared>> -> memref<32x128xf32, #tpu.memory_space<vmem_shared>>
        %dma_start3A_110 = arith.constant 0 : i32
        %dma_start3A_111 = tpu.memref_slice %arg10[%add3A_101, %dma_start3A_110] : memref<10256x128xf32, #tpu.memory_space<vmem_shared>> -> memref<32x128xf32, #tpu.memory_space<vmem_shared>>
        tpu.enqueue_dma source(%arg9 : memref<32x128xf32, #tpu.memory_space<vmem>>) target(%dma_start3A_111 : memref<32x128xf32, #tpu.memory_space<vmem_shared>>) target_semaphore(%run_scoped3A : memref<!tpu.dma_semaphore, #tpu.memory_space<semaphore_mem>>)
        %dma_wait3A = arith.constant 0 : i32
        %dma_wait3A_112 = tpu.memref_slice %arg10[%add3A_101, %dma_wait3A] : memref<10256x128xf32, #tpu.memory_space<vmem_shared>> -> memref<32x128xf32, #tpu.memory_space<vmem_shared>>
        %dma_wait3A_113 = arith.constant 0 : i32
        %dma_wait3A_114 = tpu.memref_slice %arg10[%add3A_101, %dma_wait3A_113] : memref<10256x128xf32, #tpu.memory_space<vmem_shared>> -> memref<32x128xf32, #tpu.memory_space<vmem_shared>>
        tpu.wait_dma2 semaphore(%run_scoped3A : memref<!tpu.dma_semaphore, #tpu.memory_space<semaphore_mem>>) src(%arg9 : memref<32x128xf32, #tpu.memory_space<vmem>>) dst(%dma_wait3A_114 : memref<32x128xf32, #tpu.memory_space<vmem_shared>>)
        tpu.yield
      }) : () -> ()
      %add3A_102 = arith.constant 544 : i32
      %add3A_103 = arith.addi %mul3A_7, %add3A_102 : i32
      "tpu.region"() ({
        %run_scoped3A = tpu.sem_alloc : memref<!tpu.dma_semaphore, #tpu.memory_space<semaphore_mem>>
        %dma_start3A_108 = arith.constant 0 : i32
        %dma_start3A_109 = tpu.memref_slice %arg10[%add3A_103, %dma_start3A_108] : memref<10256x128xf32, #tpu.memory_space<vmem_shared>> -> memref<32x128xf32, #tpu.memory_space<vmem_shared>>
        %dma_start3A_110 = arith.constant 0 : i32
        %dma_start3A_111 = tpu.memref_slice %arg10[%add3A_103, %dma_start3A_110] : memref<10256x128xf32, #tpu.memory_space<vmem_shared>> -> memref<32x128xf32, #tpu.memory_space<vmem_shared>>
        tpu.enqueue_dma source(%arg9 : memref<32x128xf32, #tpu.memory_space<vmem>>) target(%dma_start3A_111 : memref<32x128xf32, #tpu.memory_space<vmem_shared>>) target_semaphore(%run_scoped3A : memref<!tpu.dma_semaphore, #tpu.memory_space<semaphore_mem>>)
        %dma_wait3A = arith.constant 0 : i32
        %dma_wait3A_112 = tpu.memref_slice %arg10[%add3A_103, %dma_wait3A] : memref<10256x128xf32, #tpu.memory_space<vmem_shared>> -> memref<32x128xf32, #tpu.memory_space<vmem_shared>>
        %dma_wait3A_113 = arith.constant 0 : i32
        %dma_wait3A_114 = tpu.memref_slice %arg10[%add3A_103, %dma_wait3A_113] : memref<10256x128xf32, #tpu.memory_space<vmem_shared>> -> memref<32x128xf32, #tpu.memory_space<vmem_shared>>
        tpu.wait_dma2 semaphore(%run_scoped3A : memref<!tpu.dma_semaphore, #tpu.memory_space<semaphore_mem>>) src(%arg9 : memref<32x128xf32, #tpu.memory_space<vmem>>) dst(%dma_wait3A_114 : memref<32x128xf32, #tpu.memory_space<vmem_shared>>)
        tpu.yield
      }) : () -> ()
      %add3A_104 = arith.constant 576 : i32
      %add3A_105 = arith.addi %mul3A_7, %add3A_104 : i32
      "tpu.region"() ({
        %run_scoped3A = tpu.sem_alloc : memref<!tpu.dma_semaphore, #tpu.memory_space<semaphore_mem>>
        %dma_start3A_108 = arith.constant 0 : i32
        %dma_start3A_109 = tpu.memref_slice %arg10[%add3A_105, %dma_start3A_108] : memref<10256x128xf32, #tpu.memory_space<vmem_shared>> -> memref<32x128xf32, #tpu.memory_space<vmem_shared>>
        %dma_start3A_110 = arith.constant 0 : i32
        %dma_start3A_111 = tpu.memref_slice %arg10[%add3A_105, %dma_start3A_110] : memref<10256x128xf32, #tpu.memory_space<vmem_shared>> -> memref<32x128xf32, #tpu.memory_space<vmem_shared>>
        tpu.enqueue_dma source(%arg9 : memref<32x128xf32, #tpu.memory_space<vmem>>) target(%dma_start3A_111 : memref<32x128xf32, #tpu.memory_space<vmem_shared>>) target_semaphore(%run_scoped3A : memref<!tpu.dma_semaphore, #tpu.memory_space<semaphore_mem>>)
        %dma_wait3A = arith.constant 0 : i32
        %dma_wait3A_112 = tpu.memref_slice %arg10[%add3A_105, %dma_wait3A] : memref<10256x128xf32, #tpu.memory_space<vmem_shared>> -> memref<32x128xf32, #tpu.memory_space<vmem_shared>>
        %dma_wait3A_113 = arith.constant 0 : i32
        %dma_wait3A_114 = tpu.memref_slice %arg10[%add3A_105, %dma_wait3A_113] : memref<10256x128xf32, #tpu.memory_space<vmem_shared>> -> memref<32x128xf32, #tpu.memory_space<vmem_shared>>
        tpu.wait_dma2 semaphore(%run_scoped3A : memref<!tpu.dma_semaphore, #tpu.memory_space<semaphore_mem>>) src(%arg9 : memref<32x128xf32, #tpu.memory_space<vmem>>) dst(%dma_wait3A_114 : memref<32x128xf32, #tpu.memory_space<vmem_shared>>)
        tpu.yield
      }) : () -> ()
      %add3A_106 = arith.constant 608 : i32
      %add3A_107 = arith.addi %mul3A_7, %add3A_106 : i32
      "tpu.region"() ({
        %run_scoped3A = tpu.sem_alloc : memref<!tpu.dma_semaphore, #tpu.memory_space<semaphore_mem>>
        %dma_start3A_108 = arith.constant 0 : i32
        %dma_start3A_109 = tpu.memref_slice %arg10[%add3A_107, %dma_start3A_108] : memref<10256x128xf32, #tpu.memory_space<vmem_shared>> -> memref<32x128xf32, #tpu.memory_space<vmem_shared>>
        %dma_start3A_110 = arith.constant 0 : i32
        %dma_start3A_111 = tpu.memref_slice %arg10[%add3A_107, %dma_start3A_110] : memref<10256x128xf32, #tpu.memory_space<vmem_shared>> -> memref<32x128xf32, #tpu.memory_space<vmem_shared>>
        tpu.enqueue_dma source(%arg9 : memref<32x128xf32, #tpu.memory_space<vmem>>) target(%dma_start3A_111 : memref<32x128xf32, #tpu.memory_space<vmem_shared>>) target_semaphore(%run_scoped3A : memref<!tpu.dma_semaphore, #tpu.memory_space<semaphore_mem>>)
        %dma_wait3A = arith.constant 0 : i32
        %dma_wait3A_112 = tpu.memref_slice %arg10[%add3A_107, %dma_wait3A] : memref<10256x128xf32, #tpu.memory_space<vmem_shared>> -> memref<32x128xf32, #tpu.memory_space<vmem_shared>>
        %dma_wait3A_113 = arith.constant 0 : i32
        %dma_wait3A_114 = tpu.memref_slice %arg10[%add3A_107, %dma_wait3A_113] : memref<10256x128xf32, #tpu.memory_space<vmem_shared>> -> memref<32x128xf32, #tpu.memory_space<vmem_shared>>
        tpu.wait_dma2 semaphore(%run_scoped3A : memref<!tpu.dma_semaphore, #tpu.memory_space<semaphore_mem>>) src(%arg9 : memref<32x128xf32, #tpu.memory_space<vmem>>) dst(%dma_wait3A_114 : memref<32x128xf32, #tpu.memory_space<vmem_shared>>)
        tpu.yield
      }) : () -> ()
    } else {
    }
    %eq3A = arith.constant 15 : i32
    %eq3A_10 = arith.cmpi eq, %arg1, %eq3A : i32
    %convert_element_type3A_11 = arith.extui %eq3A_10 : i1 to i32
    %cond3A_12 = arith.constant 0 : i32
    %cond3A_13 = arith.cmpi ne, %convert_element_type3A_11, %cond3A_12 : i32
    scf.if %cond3A_13 {
      %add3A_68 = arith.constant 0 : i32
      %add3A_69 = arith.addi %mul3A_7, %add3A_68 : i32
      "tpu.region"() ({
        %run_scoped3A = tpu.sem_alloc : memref<!tpu.dma_semaphore, #tpu.memory_space<semaphore_mem>>
        %dma_start3A_111 = arith.constant 0 : i32
        %dma_start3A_112 = tpu.memref_slice %arg10[%add3A_69, %dma_start3A_111] : memref<10256x128xf32, #tpu.memory_space<vmem_shared>> -> memref<32x128xf32, #tpu.memory_space<vmem_shared>>
        %dma_start3A_113 = arith.constant 0 : i32
        %dma_start3A_114 = tpu.memref_slice %arg10[%add3A_69, %dma_start3A_113] : memref<10256x128xf32, #tpu.memory_space<vmem_shared>> -> memref<32x128xf32, #tpu.memory_space<vmem_shared>>
        tpu.enqueue_dma source(%arg9 : memref<32x128xf32, #tpu.memory_space<vmem>>) target(%dma_start3A_114 : memref<32x128xf32, #tpu.memory_space<vmem_shared>>) target_semaphore(%run_scoped3A : memref<!tpu.dma_semaphore, #tpu.memory_space<semaphore_mem>>)
        %dma_wait3A = arith.constant 0 : i32
        %dma_wait3A_115 = tpu.memref_slice %arg10[%add3A_69, %dma_wait3A] : memref<10256x128xf32, #tpu.memory_space<vmem_shared>> -> memref<32x128xf32, #tpu.memory_space<vmem_shared>>
        %dma_wait3A_116 = arith.constant 0 : i32
        %dma_wait3A_117 = tpu.memref_slice %arg10[%add3A_69, %dma_wait3A_116] : memref<10256x128xf32, #tpu.memory_space<vmem_shared>> -> memref<32x128xf32, #tpu.memory_space<vmem_shared>>
        tpu.wait_dma2 semaphore(%run_scoped3A : memref<!tpu.dma_semaphore, #tpu.memory_space<semaphore_mem>>) src(%arg9 : memref<32x128xf32, #tpu.memory_space<vmem>>) dst(%dma_wait3A_117 : memref<32x128xf32, #tpu.memory_space<vmem_shared>>)
        tpu.yield
      }) : () -> ()
      %add3A_70 = arith.constant 32 : i32
      %add3A_71 = arith.addi %mul3A_7, %add3A_70 : i32
      "tpu.region"() ({
        %run_scoped3A = tpu.sem_alloc : memref<!tpu.dma_semaphore, #tpu.memory_space<semaphore_mem>>
        %dma_start3A_111 = arith.constant 0 : i32
        %dma_start3A_112 = tpu.memref_slice %arg10[%add3A_71, %dma_start3A_111] : memref<10256x128xf32, #tpu.memory_space<vmem_shared>> -> memref<32x128xf32, #tpu.memory_space<vmem_shared>>
        %dma_start3A_113 = arith.constant 0 : i32
        %dma_start3A_114 = tpu.memref_slice %arg10[%add3A_71, %dma_start3A_113] : memref<10256x128xf32, #tpu.memory_space<vmem_shared>> -> memref<32x128xf32, #tpu.memory_space<vmem_shared>>
        tpu.enqueue_dma source(%arg9 : memref<32x128xf32, #tpu.memory_space<vmem>>) target(%dma_start3A_114 : memref<32x128xf32, #tpu.memory_space<vmem_shared>>) target_semaphore(%run_scoped3A : memref<!tpu.dma_semaphore, #tpu.memory_space<semaphore_mem>>)
        %dma_wait3A = arith.constant 0 : i32
        %dma_wait3A_115 = tpu.memref_slice %arg10[%add3A_71, %dma_wait3A] : memref<10256x128xf32, #tpu.memory_space<vmem_shared>> -> memref<32x128xf32, #tpu.memory_space<vmem_shared>>
        %dma_wait3A_116 = arith.constant 0 : i32
        %dma_wait3A_117 = tpu.memref_slice %arg10[%add3A_71, %dma_wait3A_116] : memref<10256x128xf32, #tpu.memory_space<vmem_shared>> -> memref<32x128xf32, #tpu.memory_space<vmem_shared>>
        tpu.wait_dma2 semaphore(%run_scoped3A : memref<!tpu.dma_semaphore, #tpu.memory_space<semaphore_mem>>) src(%arg9 : memref<32x128xf32, #tpu.memory_space<vmem>>) dst(%dma_wait3A_117 : memref<32x128xf32, #tpu.memory_space<vmem_shared>>)
        tpu.yield
      }) : () -> ()
      %add3A_72 = arith.constant 64 : i32
      %add3A_73 = arith.addi %mul3A_7, %add3A_72 : i32
      "tpu.region"() ({
        %run_scoped3A = tpu.sem_alloc : memref<!tpu.dma_semaphore, #tpu.memory_space<semaphore_mem>>
        %dma_start3A_111 = arith.constant 0 : i32
        %dma_start3A_112 = tpu.memref_slice %arg10[%add3A_73, %dma_start3A_111] : memref<10256x128xf32, #tpu.memory_space<vmem_shared>> -> memref<32x128xf32, #tpu.memory_space<vmem_shared>>
        %dma_start3A_113 = arith.constant 0 : i32
        %dma_start3A_114 = tpu.memref_slice %arg10[%add3A_73, %dma_start3A_113] : memref<10256x128xf32, #tpu.memory_space<vmem_shared>> -> memref<32x128xf32, #tpu.memory_space<vmem_shared>>
        tpu.enqueue_dma source(%arg9 : memref<32x128xf32, #tpu.memory_space<vmem>>) target(%dma_start3A_114 : memref<32x128xf32, #tpu.memory_space<vmem_shared>>) target_semaphore(%run_scoped3A : memref<!tpu.dma_semaphore, #tpu.memory_space<semaphore_mem>>)
        %dma_wait3A = arith.constant 0 : i32
        %dma_wait3A_115 = tpu.memref_slice %arg10[%add3A_73, %dma_wait3A] : memref<10256x128xf32, #tpu.memory_space<vmem_shared>> -> memref<32x128xf32, #tpu.memory_space<vmem_shared>>
        %dma_wait3A_116 = arith.constant 0 : i32
        %dma_wait3A_117 = tpu.memref_slice %arg10[%add3A_73, %dma_wait3A_116] : memref<10256x128xf32, #tpu.memory_space<vmem_shared>> -> memref<32x128xf32, #tpu.memory_space<vmem_shared>>
        tpu.wait_dma2 semaphore(%run_scoped3A : memref<!tpu.dma_semaphore, #tpu.memory_space<semaphore_mem>>) src(%arg9 : memref<32x128xf32, #tpu.memory_space<vmem>>) dst(%dma_wait3A_117 : memref<32x128xf32, #tpu.memory_space<vmem_shared>>)
        tpu.yield
      }) : () -> ()
      %add3A_74 = arith.constant 96 : i32
      %add3A_75 = arith.addi %mul3A_7, %add3A_74 : i32
      "tpu.region"() ({
        %run_scoped3A = tpu.sem_alloc : memref<!tpu.dma_semaphore, #tpu.memory_space<semaphore_mem>>
        %dma_start3A_111 = arith.constant 0 : i32
        %dma_start3A_112 = tpu.memref_slice %arg10[%add3A_75, %dma_start3A_111] : memref<10256x128xf32, #tpu.memory_space<vmem_shared>> -> memref<32x128xf32, #tpu.memory_space<vmem_shared>>
        %dma_start3A_113 = arith.constant 0 : i32
        %dma_start3A_114 = tpu.memref_slice %arg10[%add3A_75, %dma_start3A_113] : memref<10256x128xf32, #tpu.memory_space<vmem_shared>> -> memref<32x128xf32, #tpu.memory_space<vmem_shared>>
        tpu.enqueue_dma source(%arg9 : memref<32x128xf32, #tpu.memory_space<vmem>>) target(%dma_start3A_114 : memref<32x128xf32, #tpu.memory_space<vmem_shared>>) target_semaphore(%run_scoped3A : memref<!tpu.dma_semaphore, #tpu.memory_space<semaphore_mem>>)
        %dma_wait3A = arith.constant 0 : i32
        %dma_wait3A_115 = tpu.memref_slice %arg10[%add3A_75, %dma_wait3A] : memref<10256x128xf32, #tpu.memory_space<vmem_shared>> -> memref<32x128xf32, #tpu.memory_space<vmem_shared>>
        %dma_wait3A_116 = arith.constant 0 : i32
        %dma_wait3A_117 = tpu.memref_slice %arg10[%add3A_75, %dma_wait3A_116] : memref<10256x128xf32, #tpu.memory_space<vmem_shared>> -> memref<32x128xf32, #tpu.memory_space<vmem_shared>>
        tpu.wait_dma2 semaphore(%run_scoped3A : memref<!tpu.dma_semaphore, #tpu.memory_space<semaphore_mem>>) src(%arg9 : memref<32x128xf32, #tpu.memory_space<vmem>>) dst(%dma_wait3A_117 : memref<32x128xf32, #tpu.memory_space<vmem_shared>>)
        tpu.yield
      }) : () -> ()
      %add3A_76 = arith.constant 128 : i32
      %add3A_77 = arith.addi %mul3A_7, %add3A_76 : i32
      "tpu.region"() ({
        %run_scoped3A = tpu.sem_alloc : memref<!tpu.dma_semaphore, #tpu.memory_space<semaphore_mem>>
        %dma_start3A_111 = arith.constant 0 : i32
        %dma_start3A_112 = tpu.memref_slice %arg10[%add3A_77, %dma_start3A_111] : memref<10256x128xf32, #tpu.memory_space<vmem_shared>> -> memref<32x128xf32, #tpu.memory_space<vmem_shared>>
        %dma_start3A_113 = arith.constant 0 : i32
        %dma_start3A_114 = tpu.memref_slice %arg10[%add3A_77, %dma_start3A_113] : memref<10256x128xf32, #tpu.memory_space<vmem_shared>> -> memref<32x128xf32, #tpu.memory_space<vmem_shared>>
        tpu.enqueue_dma source(%arg9 : memref<32x128xf32, #tpu.memory_space<vmem>>) target(%dma_start3A_114 : memref<32x128xf32, #tpu.memory_space<vmem_shared>>) target_semaphore(%run_scoped3A : memref<!tpu.dma_semaphore, #tpu.memory_space<semaphore_mem>>)
        %dma_wait3A = arith.constant 0 : i32
        %dma_wait3A_115 = tpu.memref_slice %arg10[%add3A_77, %dma_wait3A] : memref<10256x128xf32, #tpu.memory_space<vmem_shared>> -> memref<32x128xf32, #tpu.memory_space<vmem_shared>>
        %dma_wait3A_116 = arith.constant 0 : i32
        %dma_wait3A_117 = tpu.memref_slice %arg10[%add3A_77, %dma_wait3A_116] : memref<10256x128xf32, #tpu.memory_space<vmem_shared>> -> memref<32x128xf32, #tpu.memory_space<vmem_shared>>
        tpu.wait_dma2 semaphore(%run_scoped3A : memref<!tpu.dma_semaphore, #tpu.memory_space<semaphore_mem>>) src(%arg9 : memref<32x128xf32, #tpu.memory_space<vmem>>) dst(%dma_wait3A_117 : memref<32x128xf32, #tpu.memory_space<vmem_shared>>)
        tpu.yield
      }) : () -> ()
      %add3A_78 = arith.constant 160 : i32
      %add3A_79 = arith.addi %mul3A_7, %add3A_78 : i32
      "tpu.region"() ({
        %run_scoped3A = tpu.sem_alloc : memref<!tpu.dma_semaphore, #tpu.memory_space<semaphore_mem>>
        %dma_start3A_111 = arith.constant 0 : i32
        %dma_start3A_112 = tpu.memref_slice %arg10[%add3A_79, %dma_start3A_111] : memref<10256x128xf32, #tpu.memory_space<vmem_shared>> -> memref<32x128xf32, #tpu.memory_space<vmem_shared>>
        %dma_start3A_113 = arith.constant 0 : i32
        %dma_start3A_114 = tpu.memref_slice %arg10[%add3A_79, %dma_start3A_113] : memref<10256x128xf32, #tpu.memory_space<vmem_shared>> -> memref<32x128xf32, #tpu.memory_space<vmem_shared>>
        tpu.enqueue_dma source(%arg9 : memref<32x128xf32, #tpu.memory_space<vmem>>) target(%dma_start3A_114 : memref<32x128xf32, #tpu.memory_space<vmem_shared>>) target_semaphore(%run_scoped3A : memref<!tpu.dma_semaphore, #tpu.memory_space<semaphore_mem>>)
        %dma_wait3A = arith.constant 0 : i32
        %dma_wait3A_115 = tpu.memref_slice %arg10[%add3A_79, %dma_wait3A] : memref<10256x128xf32, #tpu.memory_space<vmem_shared>> -> memref<32x128xf32, #tpu.memory_space<vmem_shared>>
        %dma_wait3A_116 = arith.constant 0 : i32
        %dma_wait3A_117 = tpu.memref_slice %arg10[%add3A_79, %dma_wait3A_116] : memref<10256x128xf32, #tpu.memory_space<vmem_shared>> -> memref<32x128xf32, #tpu.memory_space<vmem_shared>>
        tpu.wait_dma2 semaphore(%run_scoped3A : memref<!tpu.dma_semaphore, #tpu.memory_space<semaphore_mem>>) src(%arg9 : memref<32x128xf32, #tpu.memory_space<vmem>>) dst(%dma_wait3A_117 : memref<32x128xf32, #tpu.memory_space<vmem_shared>>)
        tpu.yield
      }) : () -> ()
      %add3A_80 = arith.constant 192 : i32
      %add3A_81 = arith.addi %mul3A_7, %add3A_80 : i32
      "tpu.region"() ({
        %run_scoped3A = tpu.sem_alloc : memref<!tpu.dma_semaphore, #tpu.memory_space<semaphore_mem>>
        %dma_start3A_111 = arith.constant 0 : i32
        %dma_start3A_112 = tpu.memref_slice %arg10[%add3A_81, %dma_start3A_111] : memref<10256x128xf32, #tpu.memory_space<vmem_shared>> -> memref<32x128xf32, #tpu.memory_space<vmem_shared>>
        %dma_start3A_113 = arith.constant 0 : i32
        %dma_start3A_114 = tpu.memref_slice %arg10[%add3A_81, %dma_start3A_113] : memref<10256x128xf32, #tpu.memory_space<vmem_shared>> -> memref<32x128xf32, #tpu.memory_space<vmem_shared>>
        tpu.enqueue_dma source(%arg9 : memref<32x128xf32, #tpu.memory_space<vmem>>) target(%dma_start3A_114 : memref<32x128xf32, #tpu.memory_space<vmem_shared>>) target_semaphore(%run_scoped3A : memref<!tpu.dma_semaphore, #tpu.memory_space<semaphore_mem>>)
        %dma_wait3A = arith.constant 0 : i32
        %dma_wait3A_115 = tpu.memref_slice %arg10[%add3A_81, %dma_wait3A] : memref<10256x128xf32, #tpu.memory_space<vmem_shared>> -> memref<32x128xf32, #tpu.memory_space<vmem_shared>>
        %dma_wait3A_116 = arith.constant 0 : i32
        %dma_wait3A_117 = tpu.memref_slice %arg10[%add3A_81, %dma_wait3A_116] : memref<10256x128xf32, #tpu.memory_space<vmem_shared>> -> memref<32x128xf32, #tpu.memory_space<vmem_shared>>
        tpu.wait_dma2 semaphore(%run_scoped3A : memref<!tpu.dma_semaphore, #tpu.memory_space<semaphore_mem>>) src(%arg9 : memref<32x128xf32, #tpu.memory_space<vmem>>) dst(%dma_wait3A_117 : memref<32x128xf32, #tpu.memory_space<vmem_shared>>)
        tpu.yield
      }) : () -> ()
      %add3A_82 = arith.constant 224 : i32
      %add3A_83 = arith.addi %mul3A_7, %add3A_82 : i32
      "tpu.region"() ({
        %run_scoped3A = tpu.sem_alloc : memref<!tpu.dma_semaphore, #tpu.memory_space<semaphore_mem>>
        %dma_start3A_111 = arith.constant 0 : i32
        %dma_start3A_112 = tpu.memref_slice %arg10[%add3A_83, %dma_start3A_111] : memref<10256x128xf32, #tpu.memory_space<vmem_shared>> -> memref<32x128xf32, #tpu.memory_space<vmem_shared>>
        %dma_start3A_113 = arith.constant 0 : i32
        %dma_start3A_114 = tpu.memref_slice %arg10[%add3A_83, %dma_start3A_113] : memref<10256x128xf32, #tpu.memory_space<vmem_shared>> -> memref<32x128xf32, #tpu.memory_space<vmem_shared>>
        tpu.enqueue_dma source(%arg9 : memref<32x128xf32, #tpu.memory_space<vmem>>) target(%dma_start3A_114 : memref<32x128xf32, #tpu.memory_space<vmem_shared>>) target_semaphore(%run_scoped3A : memref<!tpu.dma_semaphore, #tpu.memory_space<semaphore_mem>>)
        %dma_wait3A = arith.constant 0 : i32
        %dma_wait3A_115 = tpu.memref_slice %arg10[%add3A_83, %dma_wait3A] : memref<10256x128xf32, #tpu.memory_space<vmem_shared>> -> memref<32x128xf32, #tpu.memory_space<vmem_shared>>
        %dma_wait3A_116 = arith.constant 0 : i32
        %dma_wait3A_117 = tpu.memref_slice %arg10[%add3A_83, %dma_wait3A_116] : memref<10256x128xf32, #tpu.memory_space<vmem_shared>> -> memref<32x128xf32, #tpu.memory_space<vmem_shared>>
        tpu.wait_dma2 semaphore(%run_scoped3A : memref<!tpu.dma_semaphore, #tpu.memory_space<semaphore_mem>>) src(%arg9 : memref<32x128xf32, #tpu.memory_space<vmem>>) dst(%dma_wait3A_117 : memref<32x128xf32, #tpu.memory_space<vmem_shared>>)
        tpu.yield
      }) : () -> ()
      %add3A_84 = arith.constant 256 : i32
      %add3A_85 = arith.addi %mul3A_7, %add3A_84 : i32
      "tpu.region"() ({
        %run_scoped3A = tpu.sem_alloc : memref<!tpu.dma_semaphore, #tpu.memory_space<semaphore_mem>>
        %dma_start3A_111 = arith.constant 0 : i32
        %dma_start3A_112 = tpu.memref_slice %arg10[%add3A_85, %dma_start3A_111] : memref<10256x128xf32, #tpu.memory_space<vmem_shared>> -> memref<32x128xf32, #tpu.memory_space<vmem_shared>>
        %dma_start3A_113 = arith.constant 0 : i32
        %dma_start3A_114 = tpu.memref_slice %arg10[%add3A_85, %dma_start3A_113] : memref<10256x128xf32, #tpu.memory_space<vmem_shared>> -> memref<32x128xf32, #tpu.memory_space<vmem_shared>>
        tpu.enqueue_dma source(%arg9 : memref<32x128xf32, #tpu.memory_space<vmem>>) target(%dma_start3A_114 : memref<32x128xf32, #tpu.memory_space<vmem_shared>>) target_semaphore(%run_scoped3A : memref<!tpu.dma_semaphore, #tpu.memory_space<semaphore_mem>>)
        %dma_wait3A = arith.constant 0 : i32
        %dma_wait3A_115 = tpu.memref_slice %arg10[%add3A_85, %dma_wait3A] : memref<10256x128xf32, #tpu.memory_space<vmem_shared>> -> memref<32x128xf32, #tpu.memory_space<vmem_shared>>
        %dma_wait3A_116 = arith.constant 0 : i32
        %dma_wait3A_117 = tpu.memref_slice %arg10[%add3A_85, %dma_wait3A_116] : memref<10256x128xf32, #tpu.memory_space<vmem_shared>> -> memref<32x128xf32, #tpu.memory_space<vmem_shared>>
        tpu.wait_dma2 semaphore(%run_scoped3A : memref<!tpu.dma_semaphore, #tpu.memory_space<semaphore_mem>>) src(%arg9 : memref<32x128xf32, #tpu.memory_space<vmem>>) dst(%dma_wait3A_117 : memref<32x128xf32, #tpu.memory_space<vmem_shared>>)
        tpu.yield
      }) : () -> ()
      %add3A_86 = arith.constant 288 : i32
      %add3A_87 = arith.addi %mul3A_7, %add3A_86 : i32
      "tpu.region"() ({
        %run_scoped3A = tpu.sem_alloc : memref<!tpu.dma_semaphore, #tpu.memory_space<semaphore_mem>>
        %dma_start3A_111 = arith.constant 0 : i32
        %dma_start3A_112 = tpu.memref_slice %arg10[%add3A_87, %dma_start3A_111] : memref<10256x128xf32, #tpu.memory_space<vmem_shared>> -> memref<32x128xf32, #tpu.memory_space<vmem_shared>>
        %dma_start3A_113 = arith.constant 0 : i32
        %dma_start3A_114 = tpu.memref_slice %arg10[%add3A_87, %dma_start3A_113] : memref<10256x128xf32, #tpu.memory_space<vmem_shared>> -> memref<32x128xf32, #tpu.memory_space<vmem_shared>>
        tpu.enqueue_dma source(%arg9 : memref<32x128xf32, #tpu.memory_space<vmem>>) target(%dma_start3A_114 : memref<32x128xf32, #tpu.memory_space<vmem_shared>>) target_semaphore(%run_scoped3A : memref<!tpu.dma_semaphore, #tpu.memory_space<semaphore_mem>>)
        %dma_wait3A = arith.constant 0 : i32
        %dma_wait3A_115 = tpu.memref_slice %arg10[%add3A_87, %dma_wait3A] : memref<10256x128xf32, #tpu.memory_space<vmem_shared>> -> memref<32x128xf32, #tpu.memory_space<vmem_shared>>
        %dma_wait3A_116 = arith.constant 0 : i32
        %dma_wait3A_117 = tpu.memref_slice %arg10[%add3A_87, %dma_wait3A_116] : memref<10256x128xf32, #tpu.memory_space<vmem_shared>> -> memref<32x128xf32, #tpu.memory_space<vmem_shared>>
        tpu.wait_dma2 semaphore(%run_scoped3A : memref<!tpu.dma_semaphore, #tpu.memory_space<semaphore_mem>>) src(%arg9 : memref<32x128xf32, #tpu.memory_space<vmem>>) dst(%dma_wait3A_117 : memref<32x128xf32, #tpu.memory_space<vmem_shared>>)
        tpu.yield
      }) : () -> ()
      %add3A_88 = arith.constant 320 : i32
      %add3A_89 = arith.addi %mul3A_7, %add3A_88 : i32
      "tpu.region"() ({
        %run_scoped3A = tpu.sem_alloc : memref<!tpu.dma_semaphore, #tpu.memory_space<semaphore_mem>>
        %dma_start3A_111 = arith.constant 0 : i32
        %dma_start3A_112 = tpu.memref_slice %arg10[%add3A_89, %dma_start3A_111] : memref<10256x128xf32, #tpu.memory_space<vmem_shared>> -> memref<32x128xf32, #tpu.memory_space<vmem_shared>>
        %dma_start3A_113 = arith.constant 0 : i32
        %dma_start3A_114 = tpu.memref_slice %arg10[%add3A_89, %dma_start3A_113] : memref<10256x128xf32, #tpu.memory_space<vmem_shared>> -> memref<32x128xf32, #tpu.memory_space<vmem_shared>>
        tpu.enqueue_dma source(%arg9 : memref<32x128xf32, #tpu.memory_space<vmem>>) target(%dma_start3A_114 : memref<32x128xf32, #tpu.memory_space<vmem_shared>>) target_semaphore(%run_scoped3A : memref<!tpu.dma_semaphore, #tpu.memory_space<semaphore_mem>>)
        %dma_wait3A = arith.constant 0 : i32
        %dma_wait3A_115 = tpu.memref_slice %arg10[%add3A_89, %dma_wait3A] : memref<10256x128xf32, #tpu.memory_space<vmem_shared>> -> memref<32x128xf32, #tpu.memory_space<vmem_shared>>
        %dma_wait3A_116 = arith.constant 0 : i32
        %dma_wait3A_117 = tpu.memref_slice %arg10[%add3A_89, %dma_wait3A_116] : memref<10256x128xf32, #tpu.memory_space<vmem_shared>> -> memref<32x128xf32, #tpu.memory_space<vmem_shared>>
        tpu.wait_dma2 semaphore(%run_scoped3A : memref<!tpu.dma_semaphore, #tpu.memory_space<semaphore_mem>>) src(%arg9 : memref<32x128xf32, #tpu.memory_space<vmem>>) dst(%dma_wait3A_117 : memref<32x128xf32, #tpu.memory_space<vmem_shared>>)
        tpu.yield
      }) : () -> ()
      %add3A_90 = arith.constant 352 : i32
      %add3A_91 = arith.addi %mul3A_7, %add3A_90 : i32
      "tpu.region"() ({
        %run_scoped3A = tpu.sem_alloc : memref<!tpu.dma_semaphore, #tpu.memory_space<semaphore_mem>>
        %dma_start3A_111 = arith.constant 0 : i32
        %dma_start3A_112 = tpu.memref_slice %arg10[%add3A_91, %dma_start3A_111] : memref<10256x128xf32, #tpu.memory_space<vmem_shared>> -> memref<32x128xf32, #tpu.memory_space<vmem_shared>>
        %dma_start3A_113 = arith.constant 0 : i32
        %dma_start3A_114 = tpu.memref_slice %arg10[%add3A_91, %dma_start3A_113] : memref<10256x128xf32, #tpu.memory_space<vmem_shared>> -> memref<32x128xf32, #tpu.memory_space<vmem_shared>>
        tpu.enqueue_dma source(%arg9 : memref<32x128xf32, #tpu.memory_space<vmem>>) target(%dma_start3A_114 : memref<32x128xf32, #tpu.memory_space<vmem_shared>>) target_semaphore(%run_scoped3A : memref<!tpu.dma_semaphore, #tpu.memory_space<semaphore_mem>>)
        %dma_wait3A = arith.constant 0 : i32
        %dma_wait3A_115 = tpu.memref_slice %arg10[%add3A_91, %dma_wait3A] : memref<10256x128xf32, #tpu.memory_space<vmem_shared>> -> memref<32x128xf32, #tpu.memory_space<vmem_shared>>
        %dma_wait3A_116 = arith.constant 0 : i32
        %dma_wait3A_117 = tpu.memref_slice %arg10[%add3A_91, %dma_wait3A_116] : memref<10256x128xf32, #tpu.memory_space<vmem_shared>> -> memref<32x128xf32, #tpu.memory_space<vmem_shared>>
        tpu.wait_dma2 semaphore(%run_scoped3A : memref<!tpu.dma_semaphore, #tpu.memory_space<semaphore_mem>>) src(%arg9 : memref<32x128xf32, #tpu.memory_space<vmem>>) dst(%dma_wait3A_117 : memref<32x128xf32, #tpu.memory_space<vmem_shared>>)
        tpu.yield
      }) : () -> ()
      %add3A_92 = arith.constant 384 : i32
      %add3A_93 = arith.addi %mul3A_7, %add3A_92 : i32
      "tpu.region"() ({
        %run_scoped3A = tpu.sem_alloc : memref<!tpu.dma_semaphore, #tpu.memory_space<semaphore_mem>>
        %dma_start3A_111 = arith.constant 0 : i32
        %dma_start3A_112 = tpu.memref_slice %arg10[%add3A_93, %dma_start3A_111] : memref<10256x128xf32, #tpu.memory_space<vmem_shared>> -> memref<32x128xf32, #tpu.memory_space<vmem_shared>>
        %dma_start3A_113 = arith.constant 0 : i32
        %dma_start3A_114 = tpu.memref_slice %arg10[%add3A_93, %dma_start3A_113] : memref<10256x128xf32, #tpu.memory_space<vmem_shared>> -> memref<32x128xf32, #tpu.memory_space<vmem_shared>>
        tpu.enqueue_dma source(%arg9 : memref<32x128xf32, #tpu.memory_space<vmem>>) target(%dma_start3A_114 : memref<32x128xf32, #tpu.memory_space<vmem_shared>>) target_semaphore(%run_scoped3A : memref<!tpu.dma_semaphore, #tpu.memory_space<semaphore_mem>>)
        %dma_wait3A = arith.constant 0 : i32
        %dma_wait3A_115 = tpu.memref_slice %arg10[%add3A_93, %dma_wait3A] : memref<10256x128xf32, #tpu.memory_space<vmem_shared>> -> memref<32x128xf32, #tpu.memory_space<vmem_shared>>
        %dma_wait3A_116 = arith.constant 0 : i32
        %dma_wait3A_117 = tpu.memref_slice %arg10[%add3A_93, %dma_wait3A_116] : memref<10256x128xf32, #tpu.memory_space<vmem_shared>> -> memref<32x128xf32, #tpu.memory_space<vmem_shared>>
        tpu.wait_dma2 semaphore(%run_scoped3A : memref<!tpu.dma_semaphore, #tpu.memory_space<semaphore_mem>>) src(%arg9 : memref<32x128xf32, #tpu.memory_space<vmem>>) dst(%dma_wait3A_117 : memref<32x128xf32, #tpu.memory_space<vmem_shared>>)
        tpu.yield
      }) : () -> ()
      %add3A_94 = arith.constant 416 : i32
      %add3A_95 = arith.addi %mul3A_7, %add3A_94 : i32
      "tpu.region"() ({
        %run_scoped3A = tpu.sem_alloc : memref<!tpu.dma_semaphore, #tpu.memory_space<semaphore_mem>>
        %dma_start3A_111 = arith.constant 0 : i32
        %dma_start3A_112 = tpu.memref_slice %arg10[%add3A_95, %dma_start3A_111] : memref<10256x128xf32, #tpu.memory_space<vmem_shared>> -> memref<32x128xf32, #tpu.memory_space<vmem_shared>>
        %dma_start3A_113 = arith.constant 0 : i32
        %dma_start3A_114 = tpu.memref_slice %arg10[%add3A_95, %dma_start3A_113] : memref<10256x128xf32, #tpu.memory_space<vmem_shared>> -> memref<32x128xf32, #tpu.memory_space<vmem_shared>>
        tpu.enqueue_dma source(%arg9 : memref<32x128xf32, #tpu.memory_space<vmem>>) target(%dma_start3A_114 : memref<32x128xf32, #tpu.memory_space<vmem_shared>>) target_semaphore(%run_scoped3A : memref<!tpu.dma_semaphore, #tpu.memory_space<semaphore_mem>>)
        %dma_wait3A = arith.constant 0 : i32
        %dma_wait3A_115 = tpu.memref_slice %arg10[%add3A_95, %dma_wait3A] : memref<10256x128xf32, #tpu.memory_space<vmem_shared>> -> memref<32x128xf32, #tpu.memory_space<vmem_shared>>
        %dma_wait3A_116 = arith.constant 0 : i32
        %dma_wait3A_117 = tpu.memref_slice %arg10[%add3A_95, %dma_wait3A_116] : memref<10256x128xf32, #tpu.memory_space<vmem_shared>> -> memref<32x128xf32, #tpu.memory_space<vmem_shared>>
        tpu.wait_dma2 semaphore(%run_scoped3A : memref<!tpu.dma_semaphore, #tpu.memory_space<semaphore_mem>>) src(%arg9 : memref<32x128xf32, #tpu.memory_space<vmem>>) dst(%dma_wait3A_117 : memref<32x128xf32, #tpu.memory_space<vmem_shared>>)
        tpu.yield
      }) : () -> ()
      %add3A_96 = arith.constant 448 : i32
      %add3A_97 = arith.addi %mul3A_7, %add3A_96 : i32
      "tpu.region"() ({
        %run_scoped3A = tpu.sem_alloc : memref<!tpu.dma_semaphore, #tpu.memory_space<semaphore_mem>>
        %dma_start3A_111 = arith.constant 0 : i32
        %dma_start3A_112 = tpu.memref_slice %arg10[%add3A_97, %dma_start3A_111] : memref<10256x128xf32, #tpu.memory_space<vmem_shared>> -> memref<32x128xf32, #tpu.memory_space<vmem_shared>>
        %dma_start3A_113 = arith.constant 0 : i32
        %dma_start3A_114 = tpu.memref_slice %arg10[%add3A_97, %dma_start3A_113] : memref<10256x128xf32, #tpu.memory_space<vmem_shared>> -> memref<32x128xf32, #tpu.memory_space<vmem_shared>>
        tpu.enqueue_dma source(%arg9 : memref<32x128xf32, #tpu.memory_space<vmem>>) target(%dma_start3A_114 : memref<32x128xf32, #tpu.memory_space<vmem_shared>>) target_semaphore(%run_scoped3A : memref<!tpu.dma_semaphore, #tpu.memory_space<semaphore_mem>>)
        %dma_wait3A = arith.constant 0 : i32
        %dma_wait3A_115 = tpu.memref_slice %arg10[%add3A_97, %dma_wait3A] : memref<10256x128xf32, #tpu.memory_space<vmem_shared>> -> memref<32x128xf32, #tpu.memory_space<vmem_shared>>
        %dma_wait3A_116 = arith.constant 0 : i32
        %dma_wait3A_117 = tpu.memref_slice %arg10[%add3A_97, %dma_wait3A_116] : memref<10256x128xf32, #tpu.memory_space<vmem_shared>> -> memref<32x128xf32, #tpu.memory_space<vmem_shared>>
        tpu.wait_dma2 semaphore(%run_scoped3A : memref<!tpu.dma_semaphore, #tpu.memory_space<semaphore_mem>>) src(%arg9 : memref<32x128xf32, #tpu.memory_space<vmem>>) dst(%dma_wait3A_117 : memref<32x128xf32, #tpu.memory_space<vmem_shared>>)
        tpu.yield
      }) : () -> ()
      %add3A_98 = arith.constant 480 : i32
      %add3A_99 = arith.addi %mul3A_7, %add3A_98 : i32
      "tpu.region"() ({
        %run_scoped3A = tpu.sem_alloc : memref<!tpu.dma_semaphore, #tpu.memory_space<semaphore_mem>>
        %dma_start3A_111 = arith.constant 0 : i32
        %dma_start3A_112 = tpu.memref_slice %arg10[%add3A_99, %dma_start3A_111] : memref<10256x128xf32, #tpu.memory_space<vmem_shared>> -> memref<32x128xf32, #tpu.memory_space<vmem_shared>>
        %dma_start3A_113 = arith.constant 0 : i32
        %dma_start3A_114 = tpu.memref_slice %arg10[%add3A_99, %dma_start3A_113] : memref<10256x128xf32, #tpu.memory_space<vmem_shared>> -> memref<32x128xf32, #tpu.memory_space<vmem_shared>>
        tpu.enqueue_dma source(%arg9 : memref<32x128xf32, #tpu.memory_space<vmem>>) target(%dma_start3A_114 : memref<32x128xf32, #tpu.memory_space<vmem_shared>>) target_semaphore(%run_scoped3A : memref<!tpu.dma_semaphore, #tpu.memory_space<semaphore_mem>>)
        %dma_wait3A = arith.constant 0 : i32
        %dma_wait3A_115 = tpu.memref_slice %arg10[%add3A_99, %dma_wait3A] : memref<10256x128xf32, #tpu.memory_space<vmem_shared>> -> memref<32x128xf32, #tpu.memory_space<vmem_shared>>
        %dma_wait3A_116 = arith.constant 0 : i32
        %dma_wait3A_117 = tpu.memref_slice %arg10[%add3A_99, %dma_wait3A_116] : memref<10256x128xf32, #tpu.memory_space<vmem_shared>> -> memref<32x128xf32, #tpu.memory_space<vmem_shared>>
        tpu.wait_dma2 semaphore(%run_scoped3A : memref<!tpu.dma_semaphore, #tpu.memory_space<semaphore_mem>>) src(%arg9 : memref<32x128xf32, #tpu.memory_space<vmem>>) dst(%dma_wait3A_117 : memref<32x128xf32, #tpu.memory_space<vmem_shared>>)
        tpu.yield
      }) : () -> ()
      %add3A_100 = arith.constant 512 : i32
      %add3A_101 = arith.addi %mul3A_7, %add3A_100 : i32
      "tpu.region"() ({
        %run_scoped3A = tpu.sem_alloc : memref<!tpu.dma_semaphore, #tpu.memory_space<semaphore_mem>>
        %dma_start3A_111 = arith.constant 0 : i32
        %dma_start3A_112 = tpu.memref_slice %arg10[%add3A_101, %dma_start3A_111] : memref<10256x128xf32, #tpu.memory_space<vmem_shared>> -> memref<32x128xf32, #tpu.memory_space<vmem_shared>>
        %dma_start3A_113 = arith.constant 0 : i32
        %dma_start3A_114 = tpu.memref_slice %arg10[%add3A_101, %dma_start3A_113] : memref<10256x128xf32, #tpu.memory_space<vmem_shared>> -> memref<32x128xf32, #tpu.memory_space<vmem_shared>>
        tpu.enqueue_dma source(%arg9 : memref<32x128xf32, #tpu.memory_space<vmem>>) target(%dma_start3A_114 : memref<32x128xf32, #tpu.memory_space<vmem_shared>>) target_semaphore(%run_scoped3A : memref<!tpu.dma_semaphore, #tpu.memory_space<semaphore_mem>>)
        %dma_wait3A = arith.constant 0 : i32
        %dma_wait3A_115 = tpu.memref_slice %arg10[%add3A_101, %dma_wait3A] : memref<10256x128xf32, #tpu.memory_space<vmem_shared>> -> memref<32x128xf32, #tpu.memory_space<vmem_shared>>
        %dma_wait3A_116 = arith.constant 0 : i32
        %dma_wait3A_117 = tpu.memref_slice %arg10[%add3A_101, %dma_wait3A_116] : memref<10256x128xf32, #tpu.memory_space<vmem_shared>> -> memref<32x128xf32, #tpu.memory_space<vmem_shared>>
        tpu.wait_dma2 semaphore(%run_scoped3A : memref<!tpu.dma_semaphore, #tpu.memory_space<semaphore_mem>>) src(%arg9 : memref<32x128xf32, #tpu.memory_space<vmem>>) dst(%dma_wait3A_117 : memref<32x128xf32, #tpu.memory_space<vmem_shared>>)
        tpu.yield
      }) : () -> ()
      %add3A_102 = arith.constant 544 : i32
      %add3A_103 = arith.addi %mul3A_7, %add3A_102 : i32
      "tpu.region"() ({
        %run_scoped3A = tpu.sem_alloc : memref<!tpu.dma_semaphore, #tpu.memory_space<semaphore_mem>>
        %dma_start3A_111 = arith.constant 0 : i32
        %dma_start3A_112 = tpu.memref_slice %arg10[%add3A_103, %dma_start3A_111] : memref<10256x128xf32, #tpu.memory_space<vmem_shared>> -> memref<32x128xf32, #tpu.memory_space<vmem_shared>>
        %dma_start3A_113 = arith.constant 0 : i32
        %dma_start3A_114 = tpu.memref_slice %arg10[%add3A_103, %dma_start3A_113] : memref<10256x128xf32, #tpu.memory_space<vmem_shared>> -> memref<32x128xf32, #tpu.memory_space<vmem_shared>>
        tpu.enqueue_dma source(%arg9 : memref<32x128xf32, #tpu.memory_space<vmem>>) target(%dma_start3A_114 : memref<32x128xf32, #tpu.memory_space<vmem_shared>>) target_semaphore(%run_scoped3A : memref<!tpu.dma_semaphore, #tpu.memory_space<semaphore_mem>>)
        %dma_wait3A = arith.constant 0 : i32
        %dma_wait3A_115 = tpu.memref_slice %arg10[%add3A_103, %dma_wait3A] : memref<10256x128xf32, #tpu.memory_space<vmem_shared>> -> memref<32x128xf32, #tpu.memory_space<vmem_shared>>
        %dma_wait3A_116 = arith.constant 0 : i32
        %dma_wait3A_117 = tpu.memref_slice %arg10[%add3A_103, %dma_wait3A_116] : memref<10256x128xf32, #tpu.memory_space<vmem_shared>> -> memref<32x128xf32, #tpu.memory_space<vmem_shared>>
        tpu.wait_dma2 semaphore(%run_scoped3A : memref<!tpu.dma_semaphore, #tpu.memory_space<semaphore_mem>>) src(%arg9 : memref<32x128xf32, #tpu.memory_space<vmem>>) dst(%dma_wait3A_117 : memref<32x128xf32, #tpu.memory_space<vmem_shared>>)
        tpu.yield
      }) : () -> ()
      %add3A_104 = arith.constant 576 : i32
      %add3A_105 = arith.addi %mul3A_7, %add3A_104 : i32
      "tpu.region"() ({
        %run_scoped3A = tpu.sem_alloc : memref<!tpu.dma_semaphore, #tpu.memory_space<semaphore_mem>>
        %dma_start3A_111 = arith.constant 0 : i32
        %dma_start3A_112 = tpu.memref_slice %arg10[%add3A_105, %dma_start3A_111] : memref<10256x128xf32, #tpu.memory_space<vmem_shared>> -> memref<32x128xf32, #tpu.memory_space<vmem_shared>>
        %dma_start3A_113 = arith.constant 0 : i32
        %dma_start3A_114 = tpu.memref_slice %arg10[%add3A_105, %dma_start3A_113] : memref<10256x128xf32, #tpu.memory_space<vmem_shared>> -> memref<32x128xf32, #tpu.memory_space<vmem_shared>>
        tpu.enqueue_dma source(%arg9 : memref<32x128xf32, #tpu.memory_space<vmem>>) target(%dma_start3A_114 : memref<32x128xf32, #tpu.memory_space<vmem_shared>>) target_semaphore(%run_scoped3A : memref<!tpu.dma_semaphore, #tpu.memory_space<semaphore_mem>>)
        %dma_wait3A = arith.constant 0 : i32
        %dma_wait3A_115 = tpu.memref_slice %arg10[%add3A_105, %dma_wait3A] : memref<10256x128xf32, #tpu.memory_space<vmem_shared>> -> memref<32x128xf32, #tpu.memory_space<vmem_shared>>
        %dma_wait3A_116 = arith.constant 0 : i32
        %dma_wait3A_117 = tpu.memref_slice %arg10[%add3A_105, %dma_wait3A_116] : memref<10256x128xf32, #tpu.memory_space<vmem_shared>> -> memref<32x128xf32, #tpu.memory_space<vmem_shared>>
        tpu.wait_dma2 semaphore(%run_scoped3A : memref<!tpu.dma_semaphore, #tpu.memory_space<semaphore_mem>>) src(%arg9 : memref<32x128xf32, #tpu.memory_space<vmem>>) dst(%dma_wait3A_117 : memref<32x128xf32, #tpu.memory_space<vmem_shared>>)
        tpu.yield
      }) : () -> ()
      %add3A_106 = arith.constant 608 : i32
      %add3A_107 = arith.addi %mul3A_7, %add3A_106 : i32
      "tpu.region"() ({
        %run_scoped3A = tpu.sem_alloc : memref<!tpu.dma_semaphore, #tpu.memory_space<semaphore_mem>>
        %dma_start3A_111 = arith.constant 0 : i32
        %dma_start3A_112 = tpu.memref_slice %arg10[%add3A_107, %dma_start3A_111] : memref<10256x128xf32, #tpu.memory_space<vmem_shared>> -> memref<32x128xf32, #tpu.memory_space<vmem_shared>>
        %dma_start3A_113 = arith.constant 0 : i32
        %dma_start3A_114 = tpu.memref_slice %arg10[%add3A_107, %dma_start3A_113] : memref<10256x128xf32, #tpu.memory_space<vmem_shared>> -> memref<32x128xf32, #tpu.memory_space<vmem_shared>>
        tpu.enqueue_dma source(%arg9 : memref<32x128xf32, #tpu.memory_space<vmem>>) target(%dma_start3A_114 : memref<32x128xf32, #tpu.memory_space<vmem_shared>>) target_semaphore(%run_scoped3A : memref<!tpu.dma_semaphore, #tpu.memory_space<semaphore_mem>>)
        %dma_wait3A = arith.constant 0 : i32
        %dma_wait3A_115 = tpu.memref_slice %arg10[%add3A_107, %dma_wait3A] : memref<10256x128xf32, #tpu.memory_space<vmem_shared>> -> memref<32x128xf32, #tpu.memory_space<vmem_shared>>
        %dma_wait3A_116 = arith.constant 0 : i32
        %dma_wait3A_117 = tpu.memref_slice %arg10[%add3A_107, %dma_wait3A_116] : memref<10256x128xf32, #tpu.memory_space<vmem_shared>> -> memref<32x128xf32, #tpu.memory_space<vmem_shared>>
        tpu.wait_dma2 semaphore(%run_scoped3A : memref<!tpu.dma_semaphore, #tpu.memory_space<semaphore_mem>>) src(%arg9 : memref<32x128xf32, #tpu.memory_space<vmem>>) dst(%dma_wait3A_117 : memref<32x128xf32, #tpu.memory_space<vmem_shared>>)
        tpu.yield
      }) : () -> ()
      %add3A_108 = arith.constant 656 : i32
      %add3A_109 = arith.addi %mul3A_7, %add3A_108 : i32
      %sub3A = arith.constant 16 : i32
      %sub3A_110 = arith.subi %add3A_109, %sub3A : i32
      "tpu.region"() ({
        %run_scoped3A = tpu.sem_alloc : memref<!tpu.dma_semaphore, #tpu.memory_space<semaphore_mem>>
        %dma_start3A_111 = arith.constant 0 : i32
        %dma_start3A_112 = arith.constant 0 : i32
        %dma_start3A_113 = tpu.memref_slice %arg9[%dma_start3A_111, %dma_start3A_112] : memref<32x128xf32, #tpu.memory_space<vmem>> -> memref<16x128xf32, #tpu.memory_space<vmem>>
        %dma_start3A_114 = arith.constant 0 : i32
        %dma_start3A_115 = tpu.memref_slice %arg10[%sub3A_110, %dma_start3A_114] : memref<10256x128xf32, #tpu.memory_space<vmem_shared>> -> memref<16x128xf32, #tpu.memory_space<vmem_shared>>
        %dma_start3A_116 = arith.constant 0 : i32
        %dma_start3A_117 = tpu.memref_slice %arg10[%sub3A_110, %dma_start3A_116] : memref<10256x128xf32, #tpu.memory_space<vmem_shared>> -> memref<16x128xf32, #tpu.memory_space<vmem_shared>>
        %dma_start3A_118 = arith.constant 0 : i32
        %dma_start3A_119 = arith.constant 0 : i32
        %dma_start3A_120 = tpu.memref_slice %arg9[%dma_start3A_118, %dma_start3A_119] : memref<32x128xf32, #tpu.memory_space<vmem>> -> memref<16x128xf32, #tpu.memory_space<vmem>>
        tpu.enqueue_dma source(%dma_start3A_120 : memref<16x128xf32, #tpu.memory_space<vmem>>) target(%dma_start3A_117 : memref<16x128xf32, #tpu.memory_space<vmem_shared>>) target_semaphore(%run_scoped3A : memref<!tpu.dma_semaphore, #tpu.memory_space<semaphore_mem>>)
        %dma_wait3A = arith.constant 0 : i32
        %dma_wait3A_121 = arith.constant 0 : i32
        %dma_wait3A_122 = tpu.memref_slice %arg9[%dma_wait3A, %dma_wait3A_121] : memref<32x128xf32, #tpu.memory_space<vmem>> -> memref<16x128xf32, #tpu.memory_space<vmem>>
        %dma_wait3A_123 = arith.constant 0 : i32
        %dma_wait3A_124 = tpu.memref_slice %arg10[%sub3A_110, %dma_wait3A_123] : memref<10256x128xf32, #tpu.memory_space<vmem_shared>> -> memref<16x128xf32, #tpu.memory_space<vmem_shared>>
        %dma_wait3A_125 = arith.constant 0 : i32
        %dma_wait3A_126 = tpu.memref_slice %arg10[%sub3A_110, %dma_wait3A_125] : memref<10256x128xf32, #tpu.memory_space<vmem_shared>> -> memref<16x128xf32, #tpu.memory_space<vmem_shared>>
        %dma_wait3A_127 = arith.constant 0 : i32
        %dma_wait3A_128 = arith.constant 0 : i32
        %dma_wait3A_129 = tpu.memref_slice %arg9[%dma_wait3A_127, %dma_wait3A_128] : memref<32x128xf32, #tpu.memory_space<vmem>> -> memref<16x128xf32, #tpu.memory_space<vmem>>
        tpu.wait_dma2 semaphore(%run_scoped3A : memref<!tpu.dma_semaphore, #tpu.memory_space<semaphore_mem>>) src(%dma_wait3A_129 : memref<16x128xf32, #tpu.memory_space<vmem>>) dst(%dma_wait3A_126 : memref<16x128xf32, #tpu.memory_space<vmem_shared>>)
        tpu.yield
      }) : () -> ()
    } else {
    }
    %barrier3A = arith.constant 0 : index
    tpu.barrier barrier_id(%barrier3A)
    %mul3A_14 = arith.constant 80 : i32
    %mul3A_15 = arith.muli %add3A, %mul3A_14 : i32
    %add3A_16 = arith.constant 0 : i32
    %add3A_17 = arith.addi %mul3A_15, %add3A_16 : i32
    "tpu.region"() ({
      %run_scoped3A = tpu.sem_alloc : memref<!tpu.dma_semaphore, #tpu.memory_space<semaphore_mem>>
      %dma_start3A_68 = arith.constant 0 : i32
      %dma_start3A_69 = tpu.memref_slice %arg3[%add3A_17, %dma_start3A_68] : memref<2560x128xi32, #tpu.memory_space<hbm>> -> memref<40x128xi32, #tpu.memory_space<hbm>>
      %dma_start3A_70 = arith.constant 0 : i32
      %dma_start3A_71 = tpu.memref_slice %arg3[%add3A_17, %dma_start3A_70] : memref<2560x128xi32, #tpu.memory_space<hbm>> -> memref<40x128xi32, #tpu.memory_space<hbm>>
      tpu.enqueue_dma source(%dma_start3A_71 : memref<40x128xi32, #tpu.memory_space<hbm>>) target(%arg6 : memref<40x128xi32, #tpu.memory_space<vmem>>) target_semaphore(%run_scoped3A : memref<!tpu.dma_semaphore, #tpu.memory_space<semaphore_mem>>)
      %dma_wait3A = arith.constant 0 : i32
      %dma_wait3A_72 = tpu.memref_slice %arg3[%add3A_17, %dma_wait3A] : memref<2560x128xi32, #tpu.memory_space<hbm>> -> memref<40x128xi32, #tpu.memory_space<hbm>>
      %dma_wait3A_73 = arith.constant 0 : i32
      %dma_wait3A_74 = tpu.memref_slice %arg3[%add3A_17, %dma_wait3A_73] : memref<2560x128xi32, #tpu.memory_space<hbm>> -> memref<40x128xi32, #tpu.memory_space<hbm>>
      tpu.wait_dma2 semaphore(%run_scoped3A : memref<!tpu.dma_semaphore, #tpu.memory_space<semaphore_mem>>) src(%dma_wait3A_74 : memref<40x128xi32, #tpu.memory_space<hbm>>) dst(%arg6 : memref<40x128xi32, #tpu.memory_space<vmem>>)
      tpu.yield
    }) : () -> ()
    %add3A_18 = arith.constant 0 : i32
    %add3A_19 = arith.addi %mul3A_15, %add3A_18 : i32
    "tpu.region"() ({
      %run_scoped3A = tpu.sem_alloc : memref<!tpu.dma_semaphore, #tpu.memory_space<semaphore_mem>>
      %dma_start3A_68 = arith.constant 0 : i32
      %dma_start3A_69 = tpu.memref_slice %arg4[%add3A_19, %dma_start3A_68] : memref<2560x128xi32, #tpu.memory_space<hbm>> -> memref<40x128xi32, #tpu.memory_space<hbm>>
      %dma_start3A_70 = arith.constant 0 : i32
      %dma_start3A_71 = tpu.memref_slice %arg4[%add3A_19, %dma_start3A_70] : memref<2560x128xi32, #tpu.memory_space<hbm>> -> memref<40x128xi32, #tpu.memory_space<hbm>>
      tpu.enqueue_dma source(%dma_start3A_71 : memref<40x128xi32, #tpu.memory_space<hbm>>) target(%arg7 : memref<40x128xi32, #tpu.memory_space<vmem>>) target_semaphore(%run_scoped3A : memref<!tpu.dma_semaphore, #tpu.memory_space<semaphore_mem>>)
      %dma_wait3A = arith.constant 0 : i32
      %dma_wait3A_72 = tpu.memref_slice %arg4[%add3A_19, %dma_wait3A] : memref<2560x128xi32, #tpu.memory_space<hbm>> -> memref<40x128xi32, #tpu.memory_space<hbm>>
      %dma_wait3A_73 = arith.constant 0 : i32
      %dma_wait3A_74 = tpu.memref_slice %arg4[%add3A_19, %dma_wait3A_73] : memref<2560x128xi32, #tpu.memory_space<hbm>> -> memref<40x128xi32, #tpu.memory_space<hbm>>
      tpu.wait_dma2 semaphore(%run_scoped3A : memref<!tpu.dma_semaphore, #tpu.memory_space<semaphore_mem>>) src(%dma_wait3A_74 : memref<40x128xi32, #tpu.memory_space<hbm>>) dst(%arg7 : memref<40x128xi32, #tpu.memory_space<vmem>>)
      tpu.yield
    }) : () -> ()
    %dma_start3A = arith.constant 0 : i32
    %dma_start3A_20 = arith.constant 0 : i32
    %dma_start3A_21 = arith.constant 0 : i32
    %dma_start3A_22 = arith.constant 0 : i32
    %dma_start3A_23 = tpu.memref_slice %arg8[%dma_start3A_20, %dma_start3A_21, %dma_start3A_22] : memref<2x128x128xf32, #tpu.memory_space<vmem>> -> memref<1x128x128xf32, #tpu.memory_space<vmem>>
    %dma_start3A_24 = tpu.memref_squeeze %dma_start3A_23 : memref<1x128x128xf32, #tpu.memory_space<vmem>> -> memref<128x128xf32, #tpu.memory_space<vmem>>
    %dma_start3A_25 = arith.constant 0 : i32
    %dma_start3A_26 = tpu.memref_slice %arg6[%dma_start3A, %dma_start3A_25] : memref<40x128xi32, #tpu.memory_space<vmem>> -> memref<1x128xi32, #tpu.memory_space<vmem>>
    %dma_start3A_27 = tpu.memref_squeeze %dma_start3A_26 : memref<1x128xi32, #tpu.memory_space<vmem>> -> memref<128xi32, #tpu.memory_space<vmem>>
    %dma_start3A_28 = arith.constant 0 : i32
    %dma_start3A_29 = arith.constant 0 : i32
    %dma_start3A_30 = tpu.memref_slice %arg2[%dma_start3A_28, %dma_start3A_29] : memref<10000x128xf32, #tpu.memory_space<hbm>> -> memref<10000x128xf32, #tpu.memory_space<hbm>>
    tpu.enqueue_indirect_dma source(%dma_start3A_30 : memref<10000x128xf32, #tpu.memory_space<hbm>>) target(%dma_start3A_24 : memref<128x128xf32, #tpu.memory_space<vmem>>) offsets(%dma_start3A_27 : memref<128xi32, #tpu.memory_space<vmem>>) semaphore(%arg11 : memref<!tpu.dma_semaphore, #tpu.memory_space<semaphore_mem>>)
    %scan3A_31 = arith.constant 0 : i32
    %scan3A_32 = arith.constant 20 : i32
    %scan3A_33 = arith.addi %scan3A_31, %scan3A_32 : i32
    %scan3A_34 = arith.constant 1 : i32
    scf.for %scan3A_68 = %scan3A_31 to %scan3A_33 step %scan3A_34  : i32 {
      %mul3A_69 = arith.constant 2 : i32
      %mul3A_70 = arith.muli %scan3A_68, %mul3A_69 : i32
      %add3A_71 = arith.constant 0 : i32
      %add3A_72 = arith.addi %add3A_71, %mul3A_70 : i32
      %add3A_73 = arith.constant 1 : i32
      %add3A_74 = arith.addi %add3A_72, %add3A_73 : i32
      %dma_start3A_75 = arith.constant 1 : i32
      %dma_start3A_76 = arith.constant 0 : i32
      %dma_start3A_77 = arith.constant 0 : i32
      %dma_start3A_78 = tpu.memref_slice %arg8[%dma_start3A_75, %dma_start3A_76, %dma_start3A_77] : memref<2x128x128xf32, #tpu.memory_space<vmem>> -> memref<1x128x128xf32, #tpu.memory_space<vmem>>
      %dma_start3A_79 = tpu.memref_squeeze %dma_start3A_78 : memref<1x128x128xf32, #tpu.memory_space<vmem>> -> memref<128x128xf32, #tpu.memory_space<vmem>>
      %dma_start3A_80 = arith.constant 0 : i32
      %dma_start3A_81 = tpu.memref_slice %arg6[%add3A_74, %dma_start3A_80] : memref<40x128xi32, #tpu.memory_space<vmem>> -> memref<1x128xi32, #tpu.memory_space<vmem>>
      %dma_start3A_82 = tpu.memref_squeeze %dma_start3A_81 : memref<1x128xi32, #tpu.memory_space<vmem>> -> memref<128xi32, #tpu.memory_space<vmem>>
      %dma_start3A_83 = arith.constant 0 : i32
      %dma_start3A_84 = arith.constant 0 : i32
      %dma_start3A_85 = tpu.memref_slice %arg2[%dma_start3A_83, %dma_start3A_84] : memref<10000x128xf32, #tpu.memory_space<hbm>> -> memref<10000x128xf32, #tpu.memory_space<hbm>>
      tpu.enqueue_indirect_dma source(%dma_start3A_85 : memref<10000x128xf32, #tpu.memory_space<hbm>>) target(%dma_start3A_79 : memref<128x128xf32, #tpu.memory_space<vmem>>) offsets(%dma_start3A_82 : memref<128xi32, #tpu.memory_space<vmem>>) semaphore(%arg12 : memref<!tpu.dma_semaphore, #tpu.memory_space<semaphore_mem>>)
      %dma_wait3A = arith.constant 0 : i32
      %dma_wait3A_86 = arith.constant 0 : i32
      %dma_wait3A_87 = arith.constant 0 : i32
      %dma_wait3A_88 = tpu.memref_slice %arg8[%dma_wait3A, %dma_wait3A_86, %dma_wait3A_87] : memref<2x128x128xf32, #tpu.memory_space<vmem>> -> memref<1x128x128xf32, #tpu.memory_space<vmem>>
      %dma_wait3A_89 = tpu.memref_squeeze %dma_wait3A_88 : memref<1x128x128xf32, #tpu.memory_space<vmem>> -> memref<128x128xf32, #tpu.memory_space<vmem>>
      %dma_wait3A_90 = arith.constant 0 : i32
      %dma_wait3A_91 = tpu.memref_slice %arg6[%add3A_72, %dma_wait3A_90] : memref<40x128xi32, #tpu.memory_space<vmem>> -> memref<1x128xi32, #tpu.memory_space<vmem>>
      %dma_wait3A_92 = tpu.memref_squeeze %dma_wait3A_91 : memref<1x128xi32, #tpu.memory_space<vmem>> -> memref<128xi32, #tpu.memory_space<vmem>>
      %dma_wait3A_93 = arith.constant 0 : i32
      %dma_wait3A_94 = arith.constant 0 : i32
      %dma_wait3A_95 = tpu.memref_slice %arg2[%dma_wait3A_93, %dma_wait3A_94] : memref<10000x128xf32, #tpu.memory_space<hbm>> -> memref<10000x128xf32, #tpu.memory_space<hbm>>
      tpu.wait_indirect_dma semaphore(%arg11 : memref<!tpu.dma_semaphore, #tpu.memory_space<semaphore_mem>>) src(%dma_wait3A_95 : memref<10000x128xf32, #tpu.memory_space<hbm>>) dst(%dma_wait3A_89 : memref<128x128xf32, #tpu.memory_space<vmem>>)
      %run_scoped3A = arith.constant 0 : i32
      "tpu.region"() ({
        %run_scoped3A_117 = tpu.sem_alloc : memref<!tpu.dma_semaphore, #tpu.memory_space<semaphore_mem>>
        %dma_start3A_118 = arith.constant 0 : i32
        %dma_start3A_119 = arith.constant 0 : i32
        %dma_start3A_120 = tpu.memref_slice %arg8[%run_scoped3A, %dma_start3A_118, %dma_start3A_119] : memref<2x128x128xf32, #tpu.memory_space<vmem>> -> memref<1x128x128xf32, #tpu.memory_space<vmem>>
        %dma_start3A_121 = tpu.memref_squeeze %dma_start3A_120 : memref<1x128x128xf32, #tpu.memory_space<vmem>> -> memref<128x128xf32, #tpu.memory_space<vmem>>
        %dma_start3A_122 = arith.constant 0 : i32
        %dma_start3A_123 = tpu.memref_slice %arg7[%add3A_72, %dma_start3A_122] : memref<40x128xi32, #tpu.memory_space<vmem>> -> memref<1x128xi32, #tpu.memory_space<vmem>>
        %dma_start3A_124 = tpu.memref_squeeze %dma_start3A_123 : memref<1x128xi32, #tpu.memory_space<vmem>> -> memref<128xi32, #tpu.memory_space<vmem>>
        %dma_start3A_125 = arith.constant 0 : i32
        %dma_start3A_126 = arith.constant 0 : i32
        %dma_start3A_127 = tpu.memref_slice %arg10[%dma_start3A_125, %dma_start3A_126] : memref<10256x128xf32, #tpu.memory_space<vmem_shared>> -> memref<10256x128xf32, #tpu.memory_space<vmem_shared>>
        tpu.enqueue_indirect_dma source(%dma_start3A_121 : memref<128x128xf32, #tpu.memory_space<vmem>>) target(%dma_start3A_127 : memref<10256x128xf32, #tpu.memory_space<vmem_shared>>) offsets(%dma_start3A_124 : memref<128xi32, #tpu.memory_space<vmem>>) semaphore(%run_scoped3A_117 : memref<!tpu.dma_semaphore, #tpu.memory_space<semaphore_mem>>) {add = true}
        %dma_wait3A_128 = arith.constant 0 : i32
        %dma_wait3A_129 = arith.constant 0 : i32
        %dma_wait3A_130 = tpu.memref_slice %arg8[%run_scoped3A, %dma_wait3A_128, %dma_wait3A_129] : memref<2x128x128xf32, #tpu.memory_space<vmem>> -> memref<1x128x128xf32, #tpu.memory_space<vmem>>
        %dma_wait3A_131 = tpu.memref_squeeze %dma_wait3A_130 : memref<1x128x128xf32, #tpu.memory_space<vmem>> -> memref<128x128xf32, #tpu.memory_space<vmem>>
        %dma_wait3A_132 = arith.constant 0 : i32
        %dma_wait3A_133 = tpu.memref_slice %arg7[%add3A_72, %dma_wait3A_132] : memref<40x128xi32, #tpu.memory_space<vmem>> -> memref<1x128xi32, #tpu.memory_space<vmem>>
        %dma_wait3A_134 = tpu.memref_squeeze %dma_wait3A_133 : memref<1x128xi32, #tpu.memory_space<vmem>> -> memref<128xi32, #tpu.memory_space<vmem>>
        %dma_wait3A_135 = arith.constant 0 : i32
        %dma_wait3A_136 = arith.constant 0 : i32
        %dma_wait3A_137 = tpu.memref_slice %arg10[%dma_wait3A_135, %dma_wait3A_136] : memref<10256x128xf32, #tpu.memory_space<vmem_shared>> -> memref<10256x128xf32, #tpu.memory_space<vmem_shared>>
        tpu.wait_indirect_dma semaphore(%run_scoped3A_117 : memref<!tpu.dma_semaphore, #tpu.memory_space<semaphore_mem>>) src(%dma_wait3A_131 : memref<128x128xf32, #tpu.memory_space<vmem>>) dst(%dma_wait3A_137 : memref<10256x128xf32, #tpu.memory_space<vmem_shared>>)
        tpu.yield
      }) : () -> ()
      %add3A_96 = arith.constant 2 : i32
      %add3A_97 = arith.addi %add3A_72, %add3A_96 : i32
      %lt3A_98 = arith.constant 40 : i32
      %lt3A_99 = arith.cmpi slt, %add3A_97, %lt3A_98 : i32
      %convert_element_type3A_100 = arith.extui %lt3A_99 : i1 to i32
      %cond3A_101 = arith.constant 0 : i32
      %cond3A_102 = arith.cmpi ne, %convert_element_type3A_100, %cond3A_101 : i32
      scf.if %cond3A_102 {
        %add3A_117 = arith.constant 2 : i32
        %add3A_118 = arith.addi %add3A_72, %add3A_117 : i32
        %dma_start3A_119 = arith.constant 0 : i32
        %dma_start3A_120 = arith.constant 0 : i32
        %dma_start3A_121 = arith.constant 0 : i32
        %dma_start3A_122 = tpu.memref_slice %arg8[%dma_start3A_119, %dma_start3A_120, %dma_start3A_121] : memref<2x128x128xf32, #tpu.memory_space<vmem>> -> memref<1x128x128xf32, #tpu.memory_space<vmem>>
        %dma_start3A_123 = tpu.memref_squeeze %dma_start3A_122 : memref<1x128x128xf32, #tpu.memory_space<vmem>> -> memref<128x128xf32, #tpu.memory_space<vmem>>
        %dma_start3A_124 = arith.constant 0 : i32
        %dma_start3A_125 = tpu.memref_slice %arg6[%add3A_118, %dma_start3A_124] : memref<40x128xi32, #tpu.memory_space<vmem>> -> memref<1x128xi32, #tpu.memory_space<vmem>>
        %dma_start3A_126 = tpu.memref_squeeze %dma_start3A_125 : memref<1x128xi32, #tpu.memory_space<vmem>> -> memref<128xi32, #tpu.memory_space<vmem>>
        %dma_start3A_127 = arith.constant 0 : i32
        %dma_start3A_128 = arith.constant 0 : i32
        %dma_start3A_129 = tpu.memref_slice %arg2[%dma_start3A_127, %dma_start3A_128] : memref<10000x128xf32, #tpu.memory_space<hbm>> -> memref<10000x128xf32, #tpu.memory_space<hbm>>
        tpu.enqueue_indirect_dma source(%dma_start3A_129 : memref<10000x128xf32, #tpu.memory_space<hbm>>) target(%dma_start3A_123 : memref<128x128xf32, #tpu.memory_space<vmem>>) offsets(%dma_start3A_126 : memref<128xi32, #tpu.memory_space<vmem>>) semaphore(%arg11 : memref<!tpu.dma_semaphore, #tpu.memory_space<semaphore_mem>>)
      } else {
      }
      %add3A_103 = arith.constant 1 : i32
      %add3A_104 = arith.addi %add3A_72, %add3A_103 : i32
      %dma_wait3A_105 = arith.constant 1 : i32
      %dma_wait3A_106 = arith.constant 0 : i32
      %dma_wait3A_107 = arith.constant 0 : i32
      %dma_wait3A_108 = tpu.memref_slice %arg8[%dma_wait3A_105, %dma_wait3A_106, %dma_wait3A_107] : memref<2x128x128xf32, #tpu.memory_space<vmem>> -> memref<1x128x128xf32, #tpu.memory_space<vmem>>
      %dma_wait3A_109 = tpu.memref_squeeze %dma_wait3A_108 : memref<1x128x128xf32, #tpu.memory_space<vmem>> -> memref<128x128xf32, #tpu.memory_space<vmem>>
      %dma_wait3A_110 = arith.constant 0 : i32
      %dma_wait3A_111 = tpu.memref_slice %arg6[%add3A_104, %dma_wait3A_110] : memref<40x128xi32, #tpu.memory_space<vmem>> -> memref<1x128xi32, #tpu.memory_space<vmem>>
      %dma_wait3A_112 = tpu.memref_squeeze %dma_wait3A_111 : memref<1x128xi32, #tpu.memory_space<vmem>> -> memref<128xi32, #tpu.memory_space<vmem>>
      %dma_wait3A_113 = arith.constant 0 : i32
      %dma_wait3A_114 = arith.constant 0 : i32
      %dma_wait3A_115 = tpu.memref_slice %arg2[%dma_wait3A_113, %dma_wait3A_114] : memref<10000x128xf32, #tpu.memory_space<hbm>> -> memref<10000x128xf32, #tpu.memory_space<hbm>>
      tpu.wait_indirect_dma semaphore(%arg12 : memref<!tpu.dma_semaphore, #tpu.memory_space<semaphore_mem>>) src(%dma_wait3A_115 : memref<10000x128xf32, #tpu.memory_space<hbm>>) dst(%dma_wait3A_109 : memref<128x128xf32, #tpu.memory_space<vmem>>)
      %run_scoped3A_116 = arith.constant 1 : i32
      "tpu.region"() ({
        %run_scoped3A_117 = tpu.sem_alloc : memref<!tpu.dma_semaphore, #tpu.memory_space<semaphore_mem>>
        %dma_start3A_118 = arith.constant 0 : i32
        %dma_start3A_119 = arith.constant 0 : i32
        %dma_start3A_120 = tpu.memref_slice %arg8[%run_scoped3A_116, %dma_start3A_118, %dma_start3A_119] : memref<2x128x128xf32, #tpu.memory_space<vmem>> -> memref<1x128x128xf32, #tpu.memory_space<vmem>>
        %dma_start3A_121 = tpu.memref_squeeze %dma_start3A_120 : memref<1x128x128xf32, #tpu.memory_space<vmem>> -> memref<128x128xf32, #tpu.memory_space<vmem>>
        %dma_start3A_122 = arith.constant 0 : i32
        %dma_start3A_123 = tpu.memref_slice %arg7[%add3A_104, %dma_start3A_122] : memref<40x128xi32, #tpu.memory_space<vmem>> -> memref<1x128xi32, #tpu.memory_space<vmem>>
        %dma_start3A_124 = tpu.memref_squeeze %dma_start3A_123 : memref<1x128xi32, #tpu.memory_space<vmem>> -> memref<128xi32, #tpu.memory_space<vmem>>
        %dma_start3A_125 = arith.constant 0 : i32
        %dma_start3A_126 = arith.constant 0 : i32
        %dma_start3A_127 = tpu.memref_slice %arg10[%dma_start3A_125, %dma_start3A_126] : memref<10256x128xf32, #tpu.memory_space<vmem_shared>> -> memref<10256x128xf32, #tpu.memory_space<vmem_shared>>
        tpu.enqueue_indirect_dma source(%dma_start3A_121 : memref<128x128xf32, #tpu.memory_space<vmem>>) target(%dma_start3A_127 : memref<10256x128xf32, #tpu.memory_space<vmem_shared>>) offsets(%dma_start3A_124 : memref<128xi32, #tpu.memory_space<vmem>>) semaphore(%run_scoped3A_117 : memref<!tpu.dma_semaphore, #tpu.memory_space<semaphore_mem>>) {add = true}
        %dma_wait3A_128 = arith.constant 0 : i32
        %dma_wait3A_129 = arith.constant 0 : i32
        %dma_wait3A_130 = tpu.memref_slice %arg8[%run_scoped3A_116, %dma_wait3A_128, %dma_wait3A_129] : memref<2x128x128xf32, #tpu.memory_space<vmem>> -> memref<1x128x128xf32, #tpu.memory_space<vmem>>
        %dma_wait3A_131 = tpu.memref_squeeze %dma_wait3A_130 : memref<1x128x128xf32, #tpu.memory_space<vmem>> -> memref<128x128xf32, #tpu.memory_space<vmem>>
        %dma_wait3A_132 = arith.constant 0 : i32
        %dma_wait3A_133 = tpu.memref_slice %arg7[%add3A_104, %dma_wait3A_132] : memref<40x128xi32, #tpu.memory_space<vmem>> -> memref<1x128xi32, #tpu.memory_space<vmem>>
        %dma_wait3A_134 = tpu.memref_squeeze %dma_wait3A_133 : memref<1x128xi32, #tpu.memory_space<vmem>> -> memref<128xi32, #tpu.memory_space<vmem>>
        %dma_wait3A_135 = arith.constant 0 : i32
        %dma_wait3A_136 = arith.constant 0 : i32
        %dma_wait3A_137 = tpu.memref_slice %arg10[%dma_wait3A_135, %dma_wait3A_136] : memref<10256x128xf32, #tpu.memory_space<vmem_shared>> -> memref<10256x128xf32, #tpu.memory_space<vmem_shared>>
        tpu.wait_indirect_dma semaphore(%run_scoped3A_117 : memref<!tpu.dma_semaphore, #tpu.memory_space<semaphore_mem>>) src(%dma_wait3A_131 : memref<128x128xf32, #tpu.memory_space<vmem>>) dst(%dma_wait3A_137 : memref<10256x128xf32, #tpu.memory_space<vmem_shared>>)
        tpu.yield
      }) : () -> ()
    }
    %scan3A_35 = arith.constant 20 : i32
    %add3A_36 = arith.constant 40 : i32
    %add3A_37 = arith.addi %mul3A_15, %add3A_36 : i32
    "tpu.region"() ({
      %run_scoped3A = tpu.sem_alloc : memref<!tpu.dma_semaphore, #tpu.memory_space<semaphore_mem>>
      %dma_start3A_68 = arith.constant 0 : i32
      %dma_start3A_69 = tpu.memref_slice %arg3[%add3A_37, %dma_start3A_68] : memref<2560x128xi32, #tpu.memory_space<hbm>> -> memref<40x128xi32, #tpu.memory_space<hbm>>
      %dma_start3A_70 = arith.constant 0 : i32
      %dma_start3A_71 = tpu.memref_slice %arg3[%add3A_37, %dma_start3A_70] : memref<2560x128xi32, #tpu.memory_space<hbm>> -> memref<40x128xi32, #tpu.memory_space<hbm>>
      tpu.enqueue_dma source(%dma_start3A_71 : memref<40x128xi32, #tpu.memory_space<hbm>>) target(%arg6 : memref<40x128xi32, #tpu.memory_space<vmem>>) target_semaphore(%run_scoped3A : memref<!tpu.dma_semaphore, #tpu.memory_space<semaphore_mem>>)
      %dma_wait3A = arith.constant 0 : i32
      %dma_wait3A_72 = tpu.memref_slice %arg3[%add3A_37, %dma_wait3A] : memref<2560x128xi32, #tpu.memory_space<hbm>> -> memref<40x128xi32, #tpu.memory_space<hbm>>
      %dma_wait3A_73 = arith.constant 0 : i32
      %dma_wait3A_74 = tpu.memref_slice %arg3[%add3A_37, %dma_wait3A_73] : memref<2560x128xi32, #tpu.memory_space<hbm>> -> memref<40x128xi32, #tpu.memory_space<hbm>>
      tpu.wait_dma2 semaphore(%run_scoped3A : memref<!tpu.dma_semaphore, #tpu.memory_space<semaphore_mem>>) src(%dma_wait3A_74 : memref<40x128xi32, #tpu.memory_space<hbm>>) dst(%arg6 : memref<40x128xi32, #tpu.memory_space<vmem>>)
      tpu.yield
    }) : () -> ()
    %add3A_38 = arith.constant 40 : i32
    %add3A_39 = arith.addi %mul3A_15, %add3A_38 : i32
    "tpu.region"() ({
      %run_scoped3A = tpu.sem_alloc : memref<!tpu.dma_semaphore, #tpu.memory_space<semaphore_mem>>
      %dma_start3A_68 = arith.constant 0 : i32
      %dma_start3A_69 = tpu.memref_slice %arg4[%add3A_39, %dma_start3A_68] : memref<2560x128xi32, #tpu.memory_space<hbm>> -> memref<40x128xi32, #tpu.memory_space<hbm>>
      %dma_start3A_70 = arith.constant 0 : i32
      %dma_start3A_71 = tpu.memref_slice %arg4[%add3A_39, %dma_start3A_70] : memref<2560x128xi32, #tpu.memory_space<hbm>> -> memref<40x128xi32, #tpu.memory_space<hbm>>
      tpu.enqueue_dma source(%dma_start3A_71 : memref<40x128xi32, #tpu.memory_space<hbm>>) target(%arg7 : memref<40x128xi32, #tpu.memory_space<vmem>>) target_semaphore(%run_scoped3A : memref<!tpu.dma_semaphore, #tpu.memory_space<semaphore_mem>>)
      %dma_wait3A = arith.constant 0 : i32
      %dma_wait3A_72 = tpu.memref_slice %arg4[%add3A_39, %dma_wait3A] : memref<2560x128xi32, #tpu.memory_space<hbm>> -> memref<40x128xi32, #tpu.memory_space<hbm>>
      %dma_wait3A_73 = arith.constant 0 : i32
      %dma_wait3A_74 = tpu.memref_slice %arg4[%add3A_39, %dma_wait3A_73] : memref<2560x128xi32, #tpu.memory_space<hbm>> -> memref<40x128xi32, #tpu.memory_space<hbm>>
      tpu.wait_dma2 semaphore(%run_scoped3A : memref<!tpu.dma_semaphore, #tpu.memory_space<semaphore_mem>>) src(%dma_wait3A_74 : memref<40x128xi32, #tpu.memory_space<hbm>>) dst(%arg7 : memref<40x128xi32, #tpu.memory_space<vmem>>)
      tpu.yield
    }) : () -> ()
    %dma_start3A_40 = arith.constant 0 : i32
    %dma_start3A_41 = arith.constant 0 : i32
    %dma_start3A_42 = arith.constant 0 : i32
    %dma_start3A_43 = arith.constant 0 : i32
    %dma_start3A_44 = tpu.memref_slice %arg8[%dma_start3A_41, %dma_start3A_42, %dma_start3A_43] : memref<2x128x128xf32, #tpu.memory_space<vmem>> -> memref<1x128x128xf32, #tpu.memory_space<vmem>>
    %dma_start3A_45 = tpu.memref_squeeze %dma_start3A_44 : memref<1x128x128xf32, #tpu.memory_space<vmem>> -> memref<128x128xf32, #tpu.memory_space<vmem>>
    %dma_start3A_46 = arith.constant 0 : i32
    %dma_start3A_47 = tpu.memref_slice %arg6[%dma_start3A_40, %dma_start3A_46] : memref<40x128xi32, #tpu.memory_space<vmem>> -> memref<1x128xi32, #tpu.memory_space<vmem>>
    %dma_start3A_48 = tpu.memref_squeeze %dma_start3A_47 : memref<1x128xi32, #tpu.memory_space<vmem>> -> memref<128xi32, #tpu.memory_space<vmem>>
    %dma_start3A_49 = arith.constant 0 : i32
    %dma_start3A_50 = arith.constant 0 : i32
    %dma_start3A_51 = tpu.memref_slice %arg2[%dma_start3A_49, %dma_start3A_50] : memref<10000x128xf32, #tpu.memory_space<hbm>> -> memref<10000x128xf32, #tpu.memory_space<hbm>>
    tpu.enqueue_indirect_dma source(%dma_start3A_51 : memref<10000x128xf32, #tpu.memory_space<hbm>>) target(%dma_start3A_45 : memref<128x128xf32, #tpu.memory_space<vmem>>) offsets(%dma_start3A_48 : memref<128xi32, #tpu.memory_space<vmem>>) semaphore(%arg11 : memref<!tpu.dma_semaphore, #tpu.memory_space<semaphore_mem>>)
    %scan3A_52 = arith.constant 0 : i32
    %scan3A_53 = arith.constant 20 : i32
    %scan3A_54 = arith.addi %scan3A_52, %scan3A_53 : i32
    %scan3A_55 = arith.constant 1 : i32
    scf.for %scan3A_68 = %scan3A_52 to %scan3A_54 step %scan3A_55  : i32 {
      %mul3A_69 = arith.constant 2 : i32
      %mul3A_70 = arith.muli %scan3A_68, %mul3A_69 : i32
      %add3A_71 = arith.constant 0 : i32
      %add3A_72 = arith.addi %add3A_71, %mul3A_70 : i32
      %add3A_73 = arith.constant 1 : i32
      %add3A_74 = arith.addi %add3A_72, %add3A_73 : i32
      %dma_start3A_75 = arith.constant 1 : i32
      %dma_start3A_76 = arith.constant 0 : i32
      %dma_start3A_77 = arith.constant 0 : i32
      %dma_start3A_78 = tpu.memref_slice %arg8[%dma_start3A_75, %dma_start3A_76, %dma_start3A_77] : memref<2x128x128xf32, #tpu.memory_space<vmem>> -> memref<1x128x128xf32, #tpu.memory_space<vmem>>
      %dma_start3A_79 = tpu.memref_squeeze %dma_start3A_78 : memref<1x128x128xf32, #tpu.memory_space<vmem>> -> memref<128x128xf32, #tpu.memory_space<vmem>>
      %dma_start3A_80 = arith.constant 0 : i32
      %dma_start3A_81 = tpu.memref_slice %arg6[%add3A_74, %dma_start3A_80] : memref<40x128xi32, #tpu.memory_space<vmem>> -> memref<1x128xi32, #tpu.memory_space<vmem>>
      %dma_start3A_82 = tpu.memref_squeeze %dma_start3A_81 : memref<1x128xi32, #tpu.memory_space<vmem>> -> memref<128xi32, #tpu.memory_space<vmem>>
      %dma_start3A_83 = arith.constant 0 : i32
      %dma_start3A_84 = arith.constant 0 : i32
      %dma_start3A_85 = tpu.memref_slice %arg2[%dma_start3A_83, %dma_start3A_84] : memref<10000x128xf32, #tpu.memory_space<hbm>> -> memref<10000x128xf32, #tpu.memory_space<hbm>>
      tpu.enqueue_indirect_dma source(%dma_start3A_85 : memref<10000x128xf32, #tpu.memory_space<hbm>>) target(%dma_start3A_79 : memref<128x128xf32, #tpu.memory_space<vmem>>) offsets(%dma_start3A_82 : memref<128xi32, #tpu.memory_space<vmem>>) semaphore(%arg12 : memref<!tpu.dma_semaphore, #tpu.memory_space<semaphore_mem>>)
      %dma_wait3A = arith.constant 0 : i32
      %dma_wait3A_86 = arith.constant 0 : i32
      %dma_wait3A_87 = arith.constant 0 : i32
      %dma_wait3A_88 = tpu.memref_slice %arg8[%dma_wait3A, %dma_wait3A_86, %dma_wait3A_87] : memref<2x128x128xf32, #tpu.memory_space<vmem>> -> memref<1x128x128xf32, #tpu.memory_space<vmem>>
      %dma_wait3A_89 = tpu.memref_squeeze %dma_wait3A_88 : memref<1x128x128xf32, #tpu.memory_space<vmem>> -> memref<128x128xf32, #tpu.memory_space<vmem>>
      %dma_wait3A_90 = arith.constant 0 : i32
      %dma_wait3A_91 = tpu.memref_slice %arg6[%add3A_72, %dma_wait3A_90] : memref<40x128xi32, #tpu.memory_space<vmem>> -> memref<1x128xi32, #tpu.memory_space<vmem>>
      %dma_wait3A_92 = tpu.memref_squeeze %dma_wait3A_91 : memref<1x128xi32, #tpu.memory_space<vmem>> -> memref<128xi32, #tpu.memory_space<vmem>>
      %dma_wait3A_93 = arith.constant 0 : i32
      %dma_wait3A_94 = arith.constant 0 : i32
      %dma_wait3A_95 = tpu.memref_slice %arg2[%dma_wait3A_93, %dma_wait3A_94] : memref<10000x128xf32, #tpu.memory_space<hbm>> -> memref<10000x128xf32, #tpu.memory_space<hbm>>
      tpu.wait_indirect_dma semaphore(%arg11 : memref<!tpu.dma_semaphore, #tpu.memory_space<semaphore_mem>>) src(%dma_wait3A_95 : memref<10000x128xf32, #tpu.memory_space<hbm>>) dst(%dma_wait3A_89 : memref<128x128xf32, #tpu.memory_space<vmem>>)
      %run_scoped3A = arith.constant 0 : i32
      "tpu.region"() ({
        %run_scoped3A_117 = tpu.sem_alloc : memref<!tpu.dma_semaphore, #tpu.memory_space<semaphore_mem>>
        %dma_start3A_118 = arith.constant 0 : i32
        %dma_start3A_119 = arith.constant 0 : i32
        %dma_start3A_120 = tpu.memref_slice %arg8[%run_scoped3A, %dma_start3A_118, %dma_start3A_119] : memref<2x128x128xf32, #tpu.memory_space<vmem>> -> memref<1x128x128xf32, #tpu.memory_space<vmem>>
        %dma_start3A_121 = tpu.memref_squeeze %dma_start3A_120 : memref<1x128x128xf32, #tpu.memory_space<vmem>> -> memref<128x128xf32, #tpu.memory_space<vmem>>
        %dma_start3A_122 = arith.constant 0 : i32
        %dma_start3A_123 = tpu.memref_slice %arg7[%add3A_72, %dma_start3A_122] : memref<40x128xi32, #tpu.memory_space<vmem>> -> memref<1x128xi32, #tpu.memory_space<vmem>>
        %dma_start3A_124 = tpu.memref_squeeze %dma_start3A_123 : memref<1x128xi32, #tpu.memory_space<vmem>> -> memref<128xi32, #tpu.memory_space<vmem>>
        %dma_start3A_125 = arith.constant 0 : i32
        %dma_start3A_126 = arith.constant 0 : i32
        %dma_start3A_127 = tpu.memref_slice %arg10[%dma_start3A_125, %dma_start3A_126] : memref<10256x128xf32, #tpu.memory_space<vmem_shared>> -> memref<10256x128xf32, #tpu.memory_space<vmem_shared>>
        tpu.enqueue_indirect_dma source(%dma_start3A_121 : memref<128x128xf32, #tpu.memory_space<vmem>>) target(%dma_start3A_127 : memref<10256x128xf32, #tpu.memory_space<vmem_shared>>) offsets(%dma_start3A_124 : memref<128xi32, #tpu.memory_space<vmem>>) semaphore(%run_scoped3A_117 : memref<!tpu.dma_semaphore, #tpu.memory_space<semaphore_mem>>) {add = true}
        %dma_wait3A_128 = arith.constant 0 : i32
        %dma_wait3A_129 = arith.constant 0 : i32
        %dma_wait3A_130 = tpu.memref_slice %arg8[%run_scoped3A, %dma_wait3A_128, %dma_wait3A_129] : memref<2x128x128xf32, #tpu.memory_space<vmem>> -> memref<1x128x128xf32, #tpu.memory_space<vmem>>
        %dma_wait3A_131 = tpu.memref_squeeze %dma_wait3A_130 : memref<1x128x128xf32, #tpu.memory_space<vmem>> -> memref<128x128xf32, #tpu.memory_space<vmem>>
        %dma_wait3A_132 = arith.constant 0 : i32
        %dma_wait3A_133 = tpu.memref_slice %arg7[%add3A_72, %dma_wait3A_132] : memref<40x128xi32, #tpu.memory_space<vmem>> -> memref<1x128xi32, #tpu.memory_space<vmem>>
        %dma_wait3A_134 = tpu.memref_squeeze %dma_wait3A_133 : memref<1x128xi32, #tpu.memory_space<vmem>> -> memref<128xi32, #tpu.memory_space<vmem>>
        %dma_wait3A_135 = arith.constant 0 : i32
        %dma_wait3A_136 = arith.constant 0 : i32
        %dma_wait3A_137 = tpu.memref_slice %arg10[%dma_wait3A_135, %dma_wait3A_136] : memref<10256x128xf32, #tpu.memory_space<vmem_shared>> -> memref<10256x128xf32, #tpu.memory_space<vmem_shared>>
        tpu.wait_indirect_dma semaphore(%run_scoped3A_117 : memref<!tpu.dma_semaphore, #tpu.memory_space<semaphore_mem>>) src(%dma_wait3A_131 : memref<128x128xf32, #tpu.memory_space<vmem>>) dst(%dma_wait3A_137 : memref<10256x128xf32, #tpu.memory_space<vmem_shared>>)
        tpu.yield
      }) : () -> ()
      %add3A_96 = arith.constant 2 : i32
      %add3A_97 = arith.addi %add3A_72, %add3A_96 : i32
      %lt3A_98 = arith.constant 40 : i32
      %lt3A_99 = arith.cmpi slt, %add3A_97, %lt3A_98 : i32
      %convert_element_type3A_100 = arith.extui %lt3A_99 : i1 to i32
      %cond3A_101 = arith.constant 0 : i32
      %cond3A_102 = arith.cmpi ne, %convert_element_type3A_100, %cond3A_101 : i32
      scf.if %cond3A_102 {
        %add3A_117 = arith.constant 2 : i32
        %add3A_118 = arith.addi %add3A_72, %add3A_117 : i32
        %dma_start3A_119 = arith.constant 0 : i32
        %dma_start3A_120 = arith.constant 0 : i32
        %dma_start3A_121 = arith.constant 0 : i32
        %dma_start3A_122 = tpu.memref_slice %arg8[%dma_start3A_119, %dma_start3A_120, %dma_start3A_121] : memref<2x128x128xf32, #tpu.memory_space<vmem>> -> memref<1x128x128xf32, #tpu.memory_space<vmem>>
        %dma_start3A_123 = tpu.memref_squeeze %dma_start3A_122 : memref<1x128x128xf32, #tpu.memory_space<vmem>> -> memref<128x128xf32, #tpu.memory_space<vmem>>
        %dma_start3A_124 = arith.constant 0 : i32
        %dma_start3A_125 = tpu.memref_slice %arg6[%add3A_118, %dma_start3A_124] : memref<40x128xi32, #tpu.memory_space<vmem>> -> memref<1x128xi32, #tpu.memory_space<vmem>>
        %dma_start3A_126 = tpu.memref_squeeze %dma_start3A_125 : memref<1x128xi32, #tpu.memory_space<vmem>> -> memref<128xi32, #tpu.memory_space<vmem>>
        %dma_start3A_127 = arith.constant 0 : i32
        %dma_start3A_128 = arith.constant 0 : i32
        %dma_start3A_129 = tpu.memref_slice %arg2[%dma_start3A_127, %dma_start3A_128] : memref<10000x128xf32, #tpu.memory_space<hbm>> -> memref<10000x128xf32, #tpu.memory_space<hbm>>
        tpu.enqueue_indirect_dma source(%dma_start3A_129 : memref<10000x128xf32, #tpu.memory_space<hbm>>) target(%dma_start3A_123 : memref<128x128xf32, #tpu.memory_space<vmem>>) offsets(%dma_start3A_126 : memref<128xi32, #tpu.memory_space<vmem>>) semaphore(%arg11 : memref<!tpu.dma_semaphore, #tpu.memory_space<semaphore_mem>>)
      } else {
      }
      %add3A_103 = arith.constant 1 : i32
      %add3A_104 = arith.addi %add3A_72, %add3A_103 : i32
      %dma_wait3A_105 = arith.constant 1 : i32
      %dma_wait3A_106 = arith.constant 0 : i32
      %dma_wait3A_107 = arith.constant 0 : i32
      %dma_wait3A_108 = tpu.memref_slice %arg8[%dma_wait3A_105, %dma_wait3A_106, %dma_wait3A_107] : memref<2x128x128xf32, #tpu.memory_space<vmem>> -> memref<1x128x128xf32, #tpu.memory_space<vmem>>
      %dma_wait3A_109 = tpu.memref_squeeze %dma_wait3A_108 : memref<1x128x128xf32, #tpu.memory_space<vmem>> -> memref<128x128xf32, #tpu.memory_space<vmem>>
      %dma_wait3A_110 = arith.constant 0 : i32
      %dma_wait3A_111 = tpu.memref_slice %arg6[%add3A_104, %dma_wait3A_110] : memref<40x128xi32, #tpu.memory_space<vmem>> -> memref<1x128xi32, #tpu.memory_space<vmem>>
      %dma_wait3A_112 = tpu.memref_squeeze %dma_wait3A_111 : memref<1x128xi32, #tpu.memory_space<vmem>> -> memref<128xi32, #tpu.memory_space<vmem>>
      %dma_wait3A_113 = arith.constant 0 : i32
      %dma_wait3A_114 = arith.constant 0 : i32
      %dma_wait3A_115 = tpu.memref_slice %arg2[%dma_wait3A_113, %dma_wait3A_114] : memref<10000x128xf32, #tpu.memory_space<hbm>> -> memref<10000x128xf32, #tpu.memory_space<hbm>>
      tpu.wait_indirect_dma semaphore(%arg12 : memref<!tpu.dma_semaphore, #tpu.memory_space<semaphore_mem>>) src(%dma_wait3A_115 : memref<10000x128xf32, #tpu.memory_space<hbm>>) dst(%dma_wait3A_109 : memref<128x128xf32, #tpu.memory_space<vmem>>)
      %run_scoped3A_116 = arith.constant 1 : i32
      "tpu.region"() ({
        %run_scoped3A_117 = tpu.sem_alloc : memref<!tpu.dma_semaphore, #tpu.memory_space<semaphore_mem>>
        %dma_start3A_118 = arith.constant 0 : i32
        %dma_start3A_119 = arith.constant 0 : i32
        %dma_start3A_120 = tpu.memref_slice %arg8[%run_scoped3A_116, %dma_start3A_118, %dma_start3A_119] : memref<2x128x128xf32, #tpu.memory_space<vmem>> -> memref<1x128x128xf32, #tpu.memory_space<vmem>>
        %dma_start3A_121 = tpu.memref_squeeze %dma_start3A_120 : memref<1x128x128xf32, #tpu.memory_space<vmem>> -> memref<128x128xf32, #tpu.memory_space<vmem>>
        %dma_start3A_122 = arith.constant 0 : i32
        %dma_start3A_123 = tpu.memref_slice %arg7[%add3A_104, %dma_start3A_122] : memref<40x128xi32, #tpu.memory_space<vmem>> -> memref<1x128xi32, #tpu.memory_space<vmem>>
        %dma_start3A_124 = tpu.memref_squeeze %dma_start3A_123 : memref<1x128xi32, #tpu.memory_space<vmem>> -> memref<128xi32, #tpu.memory_space<vmem>>
        %dma_start3A_125 = arith.constant 0 : i32
        %dma_start3A_126 = arith.constant 0 : i32
        %dma_start3A_127 = tpu.memref_slice %arg10[%dma_start3A_125, %dma_start3A_126] : memref<10256x128xf32, #tpu.memory_space<vmem_shared>> -> memref<10256x128xf32, #tpu.memory_space<vmem_shared>>
        tpu.enqueue_indirect_dma source(%dma_start3A_121 : memref<128x128xf32, #tpu.memory_space<vmem>>) target(%dma_start3A_127 : memref<10256x128xf32, #tpu.memory_space<vmem_shared>>) offsets(%dma_start3A_124 : memref<128xi32, #tpu.memory_space<vmem>>) semaphore(%run_scoped3A_117 : memref<!tpu.dma_semaphore, #tpu.memory_space<semaphore_mem>>) {add = true}
        %dma_wait3A_128 = arith.constant 0 : i32
        %dma_wait3A_129 = arith.constant 0 : i32
        %dma_wait3A_130 = tpu.memref_slice %arg8[%run_scoped3A_116, %dma_wait3A_128, %dma_wait3A_129] : memref<2x128x128xf32, #tpu.memory_space<vmem>> -> memref<1x128x128xf32, #tpu.memory_space<vmem>>
        %dma_wait3A_131 = tpu.memref_squeeze %dma_wait3A_130 : memref<1x128x128xf32, #tpu.memory_space<vmem>> -> memref<128x128xf32, #tpu.memory_space<vmem>>
        %dma_wait3A_132 = arith.constant 0 : i32
        %dma_wait3A_133 = tpu.memref_slice %arg7[%add3A_104, %dma_wait3A_132] : memref<40x128xi32, #tpu.memory_space<vmem>> -> memref<1x128xi32, #tpu.memory_space<vmem>>
        %dma_wait3A_134 = tpu.memref_squeeze %dma_wait3A_133 : memref<1x128xi32, #tpu.memory_space<vmem>> -> memref<128xi32, #tpu.memory_space<vmem>>
        %dma_wait3A_135 = arith.constant 0 : i32
        %dma_wait3A_136 = arith.constant 0 : i32
        %dma_wait3A_137 = tpu.memref_slice %arg10[%dma_wait3A_135, %dma_wait3A_136] : memref<10256x128xf32, #tpu.memory_space<vmem_shared>> -> memref<10256x128xf32, #tpu.memory_space<vmem_shared>>
        tpu.wait_indirect_dma semaphore(%run_scoped3A_117 : memref<!tpu.dma_semaphore, #tpu.memory_space<semaphore_mem>>) src(%dma_wait3A_131 : memref<128x128xf32, #tpu.memory_space<vmem>>) dst(%dma_wait3A_137 : memref<10256x128xf32, #tpu.memory_space<vmem_shared>>)
        tpu.yield
      }) : () -> ()
    }
    %scan3A_56 = arith.constant 20 : i32
    %barrier3A_57 = arith.constant 0 : index
    tpu.barrier barrier_id(%barrier3A_57)
    %lt3A_58 = arith.constant 15 : i32
    %lt3A_59 = arith.cmpi slt, %arg1, %lt3A_58 : i32
    %convert_element_type3A_60 = arith.extui %lt3A_59 : i1 to i32
    %cond3A_61 = arith.constant 0 : i32
    %cond3A_62 = arith.cmpi ne, %convert_element_type3A_60, %cond3A_61 : i32
    scf.if %cond3A_62 {
      "tpu.region"() ({
        %run_scoped3A = tpu.sem_alloc : memref<!tpu.dma_semaphore, #tpu.memory_space<semaphore_mem>>
        %dma_start3A_68 = arith.constant 0 : i32
        %dma_start3A_69 = tpu.memref_slice %arg5[%arg0, %mul3A_7, %dma_start3A_68] : memref<2x10000x128xf32, #tpu.memory_space<hbm>> -> memref<1x640x128xf32, #tpu.memory_space<hbm>>
        %dma_start3A_70 = tpu.memref_squeeze %dma_start3A_69 : memref<1x640x128xf32, #tpu.memory_space<hbm>> -> memref<640x128xf32, #tpu.memory_space<hbm>>
        %dma_start3A_71 = arith.constant 0 : i32
        %dma_start3A_72 = tpu.memref_slice %arg10[%mul3A_7, %dma_start3A_71] : memref<10256x128xf32, #tpu.memory_space<vmem_shared>> -> memref<640x128xf32, #tpu.memory_space<vmem_shared>>
        tpu.enqueue_dma source(%dma_start3A_72 : memref<640x128xf32, #tpu.memory_space<vmem_shared>>) target(%dma_start3A_70 : memref<640x128xf32, #tpu.memory_space<hbm>>) target_semaphore(%run_scoped3A : memref<!tpu.dma_semaphore, #tpu.memory_space<semaphore_mem>>)
        %dma_wait3A = arith.constant 0 : i32
        %dma_wait3A_73 = tpu.memref_slice %arg5[%arg0, %mul3A_7, %dma_wait3A] : memref<2x10000x128xf32, #tpu.memory_space<hbm>> -> memref<1x640x128xf32, #tpu.memory_space<hbm>>
        %dma_wait3A_74 = tpu.memref_squeeze %dma_wait3A_73 : memref<1x640x128xf32, #tpu.memory_space<hbm>> -> memref<640x128xf32, #tpu.memory_space<hbm>>
        %dma_wait3A_75 = arith.constant 0 : i32
        %dma_wait3A_76 = tpu.memref_slice %arg10[%mul3A_7, %dma_wait3A_75] : memref<10256x128xf32, #tpu.memory_space<vmem_shared>> -> memref<640x128xf32, #tpu.memory_space<vmem_shared>>
        tpu.wait_dma2 semaphore(%run_scoped3A : memref<!tpu.dma_semaphore, #tpu.memory_space<semaphore_mem>>) src(%dma_wait3A_76 : memref<640x128xf32, #tpu.memory_space<vmem_shared>>) dst(%dma_wait3A_74 : memref<640x128xf32, #tpu.memory_space<hbm>>)
        tpu.yield
      }) : () -> ()
    } else {
    }
    %eq3A_63 = arith.constant 15 : i32
    %eq3A_64 = arith.cmpi eq, %arg1, %eq3A_63 : i32
    %convert_element_type3A_65 = arith.extui %eq3A_64 : i1 to i32
    %cond3A_66 = arith.constant 0 : i32
    %cond3A_67 = arith.cmpi ne, %convert_element_type3A_65, %cond3A_66 : i32
    scf.if %cond3A_67 {
      "tpu.region"() ({
        %run_scoped3A = tpu.sem_alloc : memref<!tpu.dma_semaphore, #tpu.memory_space<semaphore_mem>>
        %dma_start3A_68 = arith.constant 0 : i32
        %dma_start3A_69 = tpu.memref_slice %arg5[%arg0, %mul3A_7, %dma_start3A_68] : memref<2x10000x128xf32, #tpu.memory_space<hbm>> -> memref<1x400x128xf32, #tpu.memory_space<hbm>>
        %dma_start3A_70 = tpu.memref_squeeze %dma_start3A_69 : memref<1x400x128xf32, #tpu.memory_space<hbm>> -> memref<400x128xf32, #tpu.memory_space<hbm>>
        %dma_start3A_71 = arith.constant 0 : i32
        %dma_start3A_72 = tpu.memref_slice %arg10[%mul3A_7, %dma_start3A_71] : memref<10256x128xf32, #tpu.memory_space<vmem_shared>> -> memref<400x128xf32, #tpu.memory_space<vmem_shared>>
        tpu.enqueue_dma source(%dma_start3A_72 : memref<400x128xf32, #tpu.memory_space<vmem_shared>>) target(%dma_start3A_70 : memref<400x128xf32, #tpu.memory_space<hbm>>) target_semaphore(%run_scoped3A : memref<!tpu.dma_semaphore, #tpu.memory_space<semaphore_mem>>)
        %dma_wait3A = arith.constant 0 : i32
        %dma_wait3A_73 = tpu.memref_slice %arg5[%arg0, %mul3A_7, %dma_wait3A] : memref<2x10000x128xf32, #tpu.memory_space<hbm>> -> memref<1x400x128xf32, #tpu.memory_space<hbm>>
        %dma_wait3A_74 = tpu.memref_squeeze %dma_wait3A_73 : memref<1x400x128xf32, #tpu.memory_space<hbm>> -> memref<400x128xf32, #tpu.memory_space<hbm>>
        %dma_wait3A_75 = arith.constant 0 : i32
        %dma_wait3A_76 = tpu.memref_slice %arg10[%mul3A_7, %dma_wait3A_75] : memref<10256x128xf32, #tpu.memory_space<vmem_shared>> -> memref<400x128xf32, #tpu.memory_space<vmem_shared>>
        tpu.wait_dma2 semaphore(%run_scoped3A : memref<!tpu.dma_semaphore, #tpu.memory_space<semaphore_mem>>) src(%dma_wait3A_76 : memref<400x128xf32, #tpu.memory_space<vmem_shared>>) dst(%dma_wait3A_74 : memref<400x128xf32, #tpu.memory_space<hbm>>)
        tpu.yield
      }) : () -> ()
    } else {
    }
    return
  }
}

module attributes {stable_mosaic.version = 14 : i64} {
  func.func @_dense_body(%arg0: i32, %arg1: memref<2x1000x128xf32, #tpu.memory_space<vmem>>, %arg2: memref<1000x128xf32, #tpu.memory_space<vmem>>, %arg3: memref<1000x1xf32, #tpu.memory_space<vmem>>, %arg4: memref<256x128xf32, #tpu.memory_space<vmem>>, %arg5: memref<1x128xf32, #tpu.memory_space<vmem>>, %arg6: memref<1x128xf32, #tpu.memory_space<vmem>>, %arg7: memref<1x128xf32, #tpu.memory_space<vmem>>, %arg8: memref<128x128xf32, #tpu.memory_space<vmem>>, %arg9: memref<1x128xf32, #tpu.memory_space<vmem>>, %arg10: memref<1x128xf32, #tpu.memory_space<vmem>>, %arg11: memref<1x128xf32, #tpu.memory_space<vmem>>, %arg12: memref<1000x128xf32, #tpu.memory_space<vmem>>) attributes {dimension_semantics = [#tpu.dimension_semantics<arbitrary>], iteration_bounds = array<i64: 10>, scalar_prefetch = 0 : i64, scratch_operands = 0 : i64, tpu.core_type = #tpu.core_type<tc>, window_params = [{transform_indices = @transform_0, window_bounds = array<i64: 2, 1000, 128>}, {transform_indices = @transform_1, window_bounds = array<i64: 1000, 128>}, {transform_indices = @transform_2, window_bounds = array<i64: 1000, 1>}, {pipeline_mode = #tpu.pipeline_mode<synchronous>, transform_indices = @transform_3, window_bounds = array<i64: 256, 128>}, {pipeline_mode = #tpu.pipeline_mode<synchronous>, transform_indices = @transform_4, window_bounds = array<i64: 1, 128>}, {pipeline_mode = #tpu.pipeline_mode<synchronous>, transform_indices = @transform_5, window_bounds = array<i64: 1, 128>}, {pipeline_mode = #tpu.pipeline_mode<synchronous>, transform_indices = @transform_6, window_bounds = array<i64: 1, 128>}, {pipeline_mode = #tpu.pipeline_mode<synchronous>, transform_indices = @transform_7, window_bounds = array<i64: 128, 128>}, {pipeline_mode = #tpu.pipeline_mode<synchronous>, transform_indices = @transform_8, window_bounds = array<i64: 1, 128>}, {pipeline_mode = #tpu.pipeline_mode<synchronous>, transform_indices = @transform_9, window_bounds = array<i64: 1, 128>}, {pipeline_mode = #tpu.pipeline_mode<synchronous>, transform_indices = @transform_10, window_bounds = array<i64: 1, 128>}, {transform_indices = @transform_11, window_bounds = array<i64: 1000, 128>}]} {
    %get3A = arith.constant 0 : index
    %get3A_0 = arith.constant 0 : index
    %get3A_1 = vector.load %arg2[%get3A, %get3A_0] : memref<1000x128xf32, #tpu.memory_space<vmem>>, vector<1000x128xf32>
    %get3A_2 = arith.constant 0 : index
    %get3A_3 = arith.constant 0 : index
    %get3A_4 = arith.constant 0 : index
    %get3A_5 = vector.load %arg1[%get3A_2, %get3A_3, %get3A_4] : memref<2x1000x128xf32, #tpu.memory_space<vmem>>, vector<1x1000x128xf32>
    %get3A_6 = vector.shape_cast %get3A_5 : vector<1x1000x128xf32> to vector<1000x128xf32>
    %get3A_7 = arith.constant 1 : index
    %get3A_8 = arith.constant 0 : index
    %get3A_9 = arith.constant 0 : index
    %get3A_10 = vector.load %arg1[%get3A_7, %get3A_8, %get3A_9] : memref<2x1000x128xf32, #tpu.memory_space<vmem>>, vector<1x1000x128xf32>
    %get3A_11 = vector.shape_cast %get3A_10 : vector<1x1000x128xf32> to vector<1000x128xf32>
    %add3A = arith.addf %get3A_6, %get3A_11 : vector<1000x128xf32>
    %sub3A = arith.subf %add3A, %get3A_1 : vector<1000x128xf32>
    %get3A_12 = arith.constant 0 : index
    %get3A_13 = arith.constant 0 : index
    %get3A_14 = vector.load %arg3[%get3A_12, %get3A_13] : memref<1000x1xf32, #tpu.memory_space<vmem>>, vector<1000x1xf32>
    %mul3A = vector.broadcast %get3A_14 : vector<1000x1xf32> to vector<1000x128xf32>
    %mul3A_15 = arith.mulf %sub3A, %mul3A : vector<1000x128xf32>
    %get3A_16 = arith.constant 0 : index
    %get3A_17 = arith.constant 0 : index
    %get3A_18 = vector.load %arg4[%get3A_16, %get3A_17] : memref<256x128xf32, #tpu.memory_space<vmem>>, vector<128x128xf32>
    %dot_general3A = arith.constant dense<0.000000e+00> : vector<1000x128xf32>
    %dot_general3A_19 = tpu.matmul %mul3A_15, %get3A_18, %dot_general3A {dimension_numbers = #tpu.dot_dimension_numbers<[1], [0], [0], [1], [0, 0, 1, 1], [], []>, transpose_lhs_hint = false} : vector<1000x128xf32>, vector<128x128xf32>, vector<1000x128xf32> -> vector<1000x128xf32>
    %get3A_20 = arith.constant 128 : index
    %get3A_21 = arith.constant 0 : index
    %get3A_22 = vector.load %arg4[%get3A_20, %get3A_21] : memref<256x128xf32, #tpu.memory_space<vmem>>, vector<128x128xf32>
    %dot_general3A_23 = arith.constant dense<0.000000e+00> : vector<1000x128xf32>
    %dot_general3A_24 = tpu.matmul %get3A_1, %get3A_22, %dot_general3A_23 {dimension_numbers = #tpu.dot_dimension_numbers<[1], [0], [0], [1], [0, 0, 1, 1], [], []>, transpose_lhs_hint = false} : vector<1000x128xf32>, vector<128x128xf32>, vector<1000x128xf32> -> vector<1000x128xf32>
    %add3A_25 = arith.addf %dot_general3A_19, %dot_general3A_24 : vector<1000x128xf32>
    %get3A_26 = arith.constant 0 : index
    %get3A_27 = arith.constant 0 : index
    %get3A_28 = vector.load %arg5[%get3A_26, %get3A_27] : memref<1x128xf32, #tpu.memory_space<vmem>>, vector<1x128xf32>
    %add3A_29 = vector.broadcast %get3A_28 : vector<1x128xf32> to vector<1000x128xf32>
    %add3A_30 = arith.addf %add3A_25, %add3A_29 : vector<1000x128xf32>
    %get3A_31 = arith.constant 0 : index
    %get3A_32 = arith.constant 0 : index
    %get3A_33 = vector.load %arg6[%get3A_31, %get3A_32] : memref<1x128xf32, #tpu.memory_space<vmem>>, vector<1x128xf32>
    %get3A_34 = arith.constant 0 : index
    %get3A_35 = arith.constant 0 : index
    %get3A_36 = vector.load %arg7[%get3A_34, %get3A_35] : memref<1x128xf32, #tpu.memory_space<vmem>>, vector<1x128xf32>
    %reduce_sum3A = arith.constant dense<0.000000e+00> : vector<1000xf32>
    %reduce_sum3A_37 = vector.multi_reduction <add>, %add3A_30, %reduce_sum3A [1] : vector<1000x128xf32> to vector<1000xf32>
    %broadcast_in_dim3A = vector.shape_cast %reduce_sum3A_37 : vector<1000xf32> to vector<1000x1xf32>
    %div3A = arith.constant 1.280000e+02 : f32
    %div3A_38 = vector.broadcast %div3A : f32 to vector<1000x1xf32>
    %div3A_39 = arith.divf %broadcast_in_dim3A, %div3A_38 : vector<1000x1xf32>
    %sub3A_40 = vector.broadcast %div3A_39 : vector<1000x1xf32> to vector<1000x128xf32>
    %sub3A_41 = arith.subf %add3A_30, %sub3A_40 : vector<1000x128xf32>
    %integer_pow3A = arith.mulf %sub3A_41, %sub3A_41 : vector<1000x128xf32>
    %reduce_sum3A_42 = arith.constant dense<0.000000e+00> : vector<1000xf32>
    %reduce_sum3A_43 = vector.multi_reduction <add>, %integer_pow3A, %reduce_sum3A_42 [1] : vector<1000x128xf32> to vector<1000xf32>
    %broadcast_in_dim3A_44 = vector.shape_cast %reduce_sum3A_43 : vector<1000xf32> to vector<1000x1xf32>
    %div3A_45 = arith.constant 1.280000e+02 : f32
    %div3A_46 = vector.broadcast %div3A_45 : f32 to vector<1000x1xf32>
    %div3A_47 = arith.divf %broadcast_in_dim3A_44, %div3A_46 : vector<1000x1xf32>
    %sub3A_48 = vector.broadcast %div3A_39 : vector<1000x1xf32> to vector<1000x128xf32>
    %sub3A_49 = arith.subf %add3A_30, %sub3A_48 : vector<1000x128xf32>
    %add3A_50 = arith.constant 9.99999974E-6 : f32
    %add3A_51 = vector.broadcast %add3A_50 : f32 to vector<1000x1xf32>
    %add3A_52 = arith.addf %div3A_47, %add3A_51 : vector<1000x1xf32>
    %rsqrt3A = math.rsqrt %add3A_52 : vector<1000x1xf32>
    %mul3A_53 = vector.broadcast %rsqrt3A : vector<1000x1xf32> to vector<1000x128xf32>
    %mul3A_54 = arith.mulf %sub3A_49, %mul3A_53 : vector<1000x128xf32>
    %mul3A_55 = vector.broadcast %get3A_33 : vector<1x128xf32> to vector<1000x128xf32>
    %mul3A_56 = arith.mulf %mul3A_54, %mul3A_55 : vector<1000x128xf32>
    %add3A_57 = vector.broadcast %get3A_36 : vector<1x128xf32> to vector<1000x128xf32>
    %add3A_58 = arith.addf %mul3A_56, %add3A_57 : vector<1000x128xf32>
    %max3A = arith.constant 0.000000e+00 : f32
    %max3A_59 = vector.broadcast %max3A : f32 to vector<1000x128xf32>
    %max3A_60 = arith.maximumf %add3A_58, %max3A_59 : vector<1000x128xf32>
    %get3A_61 = arith.constant 0 : index
    %get3A_62 = arith.constant 0 : index
    %get3A_63 = vector.load %arg8[%get3A_61, %get3A_62] : memref<128x128xf32, #tpu.memory_space<vmem>>, vector<128x128xf32>
    %dot_general3A_64 = arith.constant dense<0.000000e+00> : vector<1000x128xf32>
    %dot_general3A_65 = tpu.matmul %max3A_60, %get3A_63, %dot_general3A_64 {dimension_numbers = #tpu.dot_dimension_numbers<[1], [0], [0], [1], [0, 0, 1, 1], [], []>, transpose_lhs_hint = false} : vector<1000x128xf32>, vector<128x128xf32>, vector<1000x128xf32> -> vector<1000x128xf32>
    %get3A_66 = arith.constant 0 : index
    %get3A_67 = arith.constant 0 : index
    %get3A_68 = vector.load %arg9[%get3A_66, %get3A_67] : memref<1x128xf32, #tpu.memory_space<vmem>>, vector<1x128xf32>
    %add3A_69 = vector.broadcast %get3A_68 : vector<1x128xf32> to vector<1000x128xf32>
    %add3A_70 = arith.addf %dot_general3A_65, %add3A_69 : vector<1000x128xf32>
    %get3A_71 = arith.constant 0 : index
    %get3A_72 = arith.constant 0 : index
    %get3A_73 = vector.load %arg10[%get3A_71, %get3A_72] : memref<1x128xf32, #tpu.memory_space<vmem>>, vector<1x128xf32>
    %get3A_74 = arith.constant 0 : index
    %get3A_75 = arith.constant 0 : index
    %get3A_76 = vector.load %arg11[%get3A_74, %get3A_75] : memref<1x128xf32, #tpu.memory_space<vmem>>, vector<1x128xf32>
    %reduce_sum3A_77 = arith.constant dense<0.000000e+00> : vector<1000xf32>
    %reduce_sum3A_78 = vector.multi_reduction <add>, %add3A_70, %reduce_sum3A_77 [1] : vector<1000x128xf32> to vector<1000xf32>
    %broadcast_in_dim3A_79 = vector.shape_cast %reduce_sum3A_78 : vector<1000xf32> to vector<1000x1xf32>
    %div3A_80 = arith.constant 1.280000e+02 : f32
    %div3A_81 = vector.broadcast %div3A_80 : f32 to vector<1000x1xf32>
    %div3A_82 = arith.divf %broadcast_in_dim3A_79, %div3A_81 : vector<1000x1xf32>
    %sub3A_83 = vector.broadcast %div3A_82 : vector<1000x1xf32> to vector<1000x128xf32>
    %sub3A_84 = arith.subf %add3A_70, %sub3A_83 : vector<1000x128xf32>
    %integer_pow3A_85 = arith.mulf %sub3A_84, %sub3A_84 : vector<1000x128xf32>
    %reduce_sum3A_86 = arith.constant dense<0.000000e+00> : vector<1000xf32>
    %reduce_sum3A_87 = vector.multi_reduction <add>, %integer_pow3A_85, %reduce_sum3A_86 [1] : vector<1000x128xf32> to vector<1000xf32>
    %broadcast_in_dim3A_88 = vector.shape_cast %reduce_sum3A_87 : vector<1000xf32> to vector<1000x1xf32>
    %div3A_89 = arith.constant 1.280000e+02 : f32
    %div3A_90 = vector.broadcast %div3A_89 : f32 to vector<1000x1xf32>
    %div3A_91 = arith.divf %broadcast_in_dim3A_88, %div3A_90 : vector<1000x1xf32>
    %sub3A_92 = vector.broadcast %div3A_82 : vector<1000x1xf32> to vector<1000x128xf32>
    %sub3A_93 = arith.subf %add3A_70, %sub3A_92 : vector<1000x128xf32>
    %add3A_94 = arith.constant 9.99999974E-6 : f32
    %add3A_95 = vector.broadcast %add3A_94 : f32 to vector<1000x1xf32>
    %add3A_96 = arith.addf %div3A_91, %add3A_95 : vector<1000x1xf32>
    %rsqrt3A_97 = math.rsqrt %add3A_96 : vector<1000x1xf32>
    %mul3A_98 = vector.broadcast %rsqrt3A_97 : vector<1000x1xf32> to vector<1000x128xf32>
    %mul3A_99 = arith.mulf %sub3A_93, %mul3A_98 : vector<1000x128xf32>
    %mul3A_100 = vector.broadcast %get3A_73 : vector<1x128xf32> to vector<1000x128xf32>
    %mul3A_101 = arith.mulf %mul3A_99, %mul3A_100 : vector<1000x128xf32>
    %add3A_102 = vector.broadcast %get3A_76 : vector<1x128xf32> to vector<1000x128xf32>
    %add3A_103 = arith.addf %mul3A_101, %add3A_102 : vector<1000x128xf32>
    %max3A_104 = arith.constant 0.000000e+00 : f32
    %max3A_105 = vector.broadcast %max3A_104 : f32 to vector<1000x128xf32>
    %max3A_106 = arith.maximumf %add3A_103, %max3A_105 : vector<1000x128xf32>
    %swap3A = arith.constant 0 : index
    %swap3A_107 = arith.constant 0 : index
    %swap3A_108 = vector.load %arg12[%swap3A, %swap3A_107] : memref<1000x128xf32, #tpu.memory_space<vmem>>, vector<1000x128xf32>
    tpu.vector_store %arg12[%swap3A, %swap3A_107], %max3A_106 {strides = array<i32>} : memref<1000x128xf32, #tpu.memory_space<vmem>>, vector<1000x128xf32>,
    return
  }
  func.func @transform_0(%arg0: i32) -> (i32, i32, i32) {
    %c0_i32 = arith.constant 0 : i32
    %c0_i32_0 = arith.constant 0 : i32
    %c0_i32_1 = arith.constant 0 : i32
    return %c0_i32, %arg0, %c0_i32_0 : i32, i32, i32
  }
  func.func @transform_1(%arg0: i32) -> (i32, i32) {
    %c0_i32 = arith.constant 0 : i32
    %c0_i32_0 = arith.constant 0 : i32
    return %arg0, %c0_i32 : i32, i32
  }
  func.func @transform_2(%arg0: i32) -> (i32, i32) {
    %c0_i32 = arith.constant 0 : i32
    %c0_i32_0 = arith.constant 0 : i32
    return %arg0, %c0_i32 : i32, i32
  }
  func.func @transform_3(%arg0: i32) -> (i32, i32) {
    %c0_i32 = arith.constant 0 : i32
    %c0_i32_0 = arith.constant 0 : i32
    %c0_i32_1 = arith.constant 0 : i32
    return %c0_i32, %c0_i32_0 : i32, i32
  }
  func.func @transform_4(%arg0: i32) -> (i32, i32) {
    %c0_i32 = arith.constant 0 : i32
    %c0_i32_0 = arith.constant 0 : i32
    %c0_i32_1 = arith.constant 0 : i32
    return %c0_i32, %c0_i32_0 : i32, i32
  }
  func.func @transform_5(%arg0: i32) -> (i32, i32) {
    %c0_i32 = arith.constant 0 : i32
    %c0_i32_0 = arith.constant 0 : i32
    %c0_i32_1 = arith.constant 0 : i32
    return %c0_i32, %c0_i32_0 : i32, i32
  }
  func.func @transform_6(%arg0: i32) -> (i32, i32) {
    %c0_i32 = arith.constant 0 : i32
    %c0_i32_0 = arith.constant 0 : i32
    %c0_i32_1 = arith.constant 0 : i32
    return %c0_i32, %c0_i32_0 : i32, i32
  }
  func.func @transform_7(%arg0: i32) -> (i32, i32) {
    %c0_i32 = arith.constant 0 : i32
    %c0_i32_0 = arith.constant 0 : i32
    %c0_i32_1 = arith.constant 0 : i32
    return %c0_i32, %c0_i32_0 : i32, i32
  }
  func.func @transform_8(%arg0: i32) -> (i32, i32) {
    %c0_i32 = arith.constant 0 : i32
    %c0_i32_0 = arith.constant 0 : i32
    %c0_i32_1 = arith.constant 0 : i32
    return %c0_i32, %c0_i32_0 : i32, i32
  }
  func.func @transform_9(%arg0: i32) -> (i32, i32) {
    %c0_i32 = arith.constant 0 : i32
    %c0_i32_0 = arith.constant 0 : i32
    %c0_i32_1 = arith.constant 0 : i32
    return %c0_i32, %c0_i32_0 : i32, i32
  }
  func.func @transform_10(%arg0: i32) -> (i32, i32) {
    %c0_i32 = arith.constant 0 : i32
    %c0_i32_0 = arith.constant 0 : i32
    %c0_i32_1 = arith.constant 0 : i32
    return %c0_i32, %c0_i32_0 : i32, i32
  }
  func.func @transform_11(%arg0: i32) -> (i32, i32) {
    %c0_i32 = arith.constant 0 : i32
    %c0_i32_0 = arith.constant 0 : i32
    return %arg0, %c0_i32 : i32, i32
  }
}

module attributes {stable_mosaic.version = 14 : i64} {
  func.func @_dense_body(%arg0: i32, %arg1: memref<2x1000x128xf32, #tpu.memory_space<vmem>>, %arg2: memref<1000x128xf32, #tpu.memory_space<vmem>>, %arg3: memref<1000x1xf32, #tpu.memory_space<vmem>>, %arg4: memref<256x128xf32, #tpu.memory_space<vmem>>, %arg5: memref<1x128xf32, #tpu.memory_space<vmem>>, %arg6: memref<1x128xf32, #tpu.memory_space<vmem>>, %arg7: memref<1x128xf32, #tpu.memory_space<vmem>>, %arg8: memref<128x128xf32, #tpu.memory_space<vmem>>, %arg9: memref<1x128xf32, #tpu.memory_space<vmem>>, %arg10: memref<1x128xf32, #tpu.memory_space<vmem>>, %arg11: memref<1x128xf32, #tpu.memory_space<vmem>>, %arg12: memref<1000x128xf32, #tpu.memory_space<vmem>>) attributes {dimension_semantics = [#tpu.dimension_semantics<arbitrary>], iteration_bounds = array<i64: 10>, scalar_prefetch = 0 : i64, scratch_operands = 0 : i64, tpu.core_type = #tpu.core_type<tc>, window_params = [{transform_indices = @transform_0, window_bounds = array<i64: 2, 1000, 128>}, {transform_indices = @transform_1, window_bounds = array<i64: 1000, 128>}, {transform_indices = @transform_2, window_bounds = array<i64: 1000, 1>}, {pipeline_mode = #tpu.pipeline_mode<synchronous>, transform_indices = @transform_3, window_bounds = array<i64: 256, 128>}, {pipeline_mode = #tpu.pipeline_mode<synchronous>, transform_indices = @transform_4, window_bounds = array<i64: 1, 128>}, {pipeline_mode = #tpu.pipeline_mode<synchronous>, transform_indices = @transform_5, window_bounds = array<i64: 1, 128>}, {pipeline_mode = #tpu.pipeline_mode<synchronous>, transform_indices = @transform_6, window_bounds = array<i64: 1, 128>}, {pipeline_mode = #tpu.pipeline_mode<synchronous>, transform_indices = @transform_7, window_bounds = array<i64: 128, 128>}, {pipeline_mode = #tpu.pipeline_mode<synchronous>, transform_indices = @transform_8, window_bounds = array<i64: 1, 128>}, {pipeline_mode = #tpu.pipeline_mode<synchronous>, transform_indices = @transform_9, window_bounds = array<i64: 1, 128>}, {pipeline_mode = #tpu.pipeline_mode<synchronous>, transform_indices = @transform_10, window_bounds = array<i64: 1, 128>}, {transform_indices = @transform_11, window_bounds = array<i64: 1000, 128>}]} {
    %get3A = arith.constant 0 : index
    %get3A_0 = arith.constant 0 : index
    %get3A_1 = vector.load %arg2[%get3A, %get3A_0] : memref<1000x128xf32, #tpu.memory_space<vmem>>, vector<1000x128xf32>
    %get3A_2 = arith.constant 0 : index
    %get3A_3 = arith.constant 0 : index
    %get3A_4 = arith.constant 0 : index
    %get3A_5 = vector.load %arg1[%get3A_2, %get3A_3, %get3A_4] : memref<2x1000x128xf32, #tpu.memory_space<vmem>>, vector<1x1000x128xf32>
    %get3A_6 = vector.shape_cast %get3A_5 : vector<1x1000x128xf32> to vector<1000x128xf32>
    %get3A_7 = arith.constant 1 : index
    %get3A_8 = arith.constant 0 : index
    %get3A_9 = arith.constant 0 : index
    %get3A_10 = vector.load %arg1[%get3A_7, %get3A_8, %get3A_9] : memref<2x1000x128xf32, #tpu.memory_space<vmem>>, vector<1x1000x128xf32>
    %get3A_11 = vector.shape_cast %get3A_10 : vector<1x1000x128xf32> to vector<1000x128xf32>
    %add3A = arith.addf %get3A_6, %get3A_11 : vector<1000x128xf32>
    %sub3A = arith.subf %add3A, %get3A_1 : vector<1000x128xf32>
    %get3A_12 = arith.constant 0 : index
    %get3A_13 = arith.constant 0 : index
    %get3A_14 = vector.load %arg3[%get3A_12, %get3A_13] : memref<1000x1xf32, #tpu.memory_space<vmem>>, vector<1000x1xf32>
    %mul3A = vector.broadcast %get3A_14 : vector<1000x1xf32> to vector<1000x128xf32>
    %mul3A_15 = arith.mulf %sub3A, %mul3A : vector<1000x128xf32>
    %get3A_16 = arith.constant 0 : index
    %get3A_17 = arith.constant 0 : index
    %get3A_18 = vector.load %arg4[%get3A_16, %get3A_17] : memref<256x128xf32, #tpu.memory_space<vmem>>, vector<128x128xf32>
    %dot_general3A = arith.constant dense<0.000000e+00> : vector<1000x128xf32>
    %dot_general3A_19 = tpu.matmul %mul3A_15, %get3A_18, %dot_general3A {dimension_numbers = #tpu.dot_dimension_numbers<[1], [0], [0], [1], [0, 0, 1, 1], [], []>, transpose_lhs_hint = false} : vector<1000x128xf32>, vector<128x128xf32>, vector<1000x128xf32> -> vector<1000x128xf32>
    %get3A_20 = arith.constant 128 : index
    %get3A_21 = arith.constant 0 : index
    %get3A_22 = vector.load %arg4[%get3A_20, %get3A_21] : memref<256x128xf32, #tpu.memory_space<vmem>>, vector<128x128xf32>
    %dot_general3A_23 = arith.constant dense<0.000000e+00> : vector<1000x128xf32>
    %dot_general3A_24 = tpu.matmul %get3A_1, %get3A_22, %dot_general3A_23 {dimension_numbers = #tpu.dot_dimension_numbers<[1], [0], [0], [1], [0, 0, 1, 1], [], []>, transpose_lhs_hint = false} : vector<1000x128xf32>, vector<128x128xf32>, vector<1000x128xf32> -> vector<1000x128xf32>
    %add3A_25 = arith.addf %dot_general3A_19, %dot_general3A_24 : vector<1000x128xf32>
    %get3A_26 = arith.constant 0 : index
    %get3A_27 = arith.constant 0 : index
    %get3A_28 = vector.load %arg5[%get3A_26, %get3A_27] : memref<1x128xf32, #tpu.memory_space<vmem>>, vector<1x128xf32>
    %add3A_29 = vector.broadcast %get3A_28 : vector<1x128xf32> to vector<1000x128xf32>
    %add3A_30 = arith.addf %add3A_25, %add3A_29 : vector<1000x128xf32>
    %get3A_31 = arith.constant 0 : index
    %get3A_32 = arith.constant 0 : index
    %get3A_33 = vector.load %arg6[%get3A_31, %get3A_32] : memref<1x128xf32, #tpu.memory_space<vmem>>, vector<1x128xf32>
    %get3A_34 = arith.constant 0 : index
    %get3A_35 = arith.constant 0 : index
    %get3A_36 = vector.load %arg7[%get3A_34, %get3A_35] : memref<1x128xf32, #tpu.memory_space<vmem>>, vector<1x128xf32>
    %reduce_sum3A = arith.constant dense<0.000000e+00> : vector<1000xf32>
    %reduce_sum3A_37 = vector.multi_reduction <add>, %add3A_30, %reduce_sum3A [1] : vector<1000x128xf32> to vector<1000xf32>
    %broadcast_in_dim3A = vector.shape_cast %reduce_sum3A_37 : vector<1000xf32> to vector<1000x1xf32>
    %div3A = arith.constant 1.280000e+02 : f32
    %div3A_38 = vector.broadcast %div3A : f32 to vector<1000x1xf32>
    %div3A_39 = arith.divf %broadcast_in_dim3A, %div3A_38 : vector<1000x1xf32>
    %sub3A_40 = vector.broadcast %div3A_39 : vector<1000x1xf32> to vector<1000x128xf32>
    %sub3A_41 = arith.subf %add3A_30, %sub3A_40 : vector<1000x128xf32>
    %integer_pow3A = arith.mulf %sub3A_41, %sub3A_41 : vector<1000x128xf32>
    %reduce_sum3A_42 = arith.constant dense<0.000000e+00> : vector<1000xf32>
    %reduce_sum3A_43 = vector.multi_reduction <add>, %integer_pow3A, %reduce_sum3A_42 [1] : vector<1000x128xf32> to vector<1000xf32>
    %broadcast_in_dim3A_44 = vector.shape_cast %reduce_sum3A_43 : vector<1000xf32> to vector<1000x1xf32>
    %div3A_45 = arith.constant 1.280000e+02 : f32
    %div3A_46 = vector.broadcast %div3A_45 : f32 to vector<1000x1xf32>
    %div3A_47 = arith.divf %broadcast_in_dim3A_44, %div3A_46 : vector<1000x1xf32>
    %sub3A_48 = vector.broadcast %div3A_39 : vector<1000x1xf32> to vector<1000x128xf32>
    %sub3A_49 = arith.subf %add3A_30, %sub3A_48 : vector<1000x128xf32>
    %add3A_50 = arith.constant 9.99999974E-6 : f32
    %add3A_51 = vector.broadcast %add3A_50 : f32 to vector<1000x1xf32>
    %add3A_52 = arith.addf %div3A_47, %add3A_51 : vector<1000x1xf32>
    %rsqrt3A = math.rsqrt %add3A_52 : vector<1000x1xf32>
    %mul3A_53 = vector.broadcast %rsqrt3A : vector<1000x1xf32> to vector<1000x128xf32>
    %mul3A_54 = arith.mulf %sub3A_49, %mul3A_53 : vector<1000x128xf32>
    %mul3A_55 = vector.broadcast %get3A_33 : vector<1x128xf32> to vector<1000x128xf32>
    %mul3A_56 = arith.mulf %mul3A_54, %mul3A_55 : vector<1000x128xf32>
    %add3A_57 = vector.broadcast %get3A_36 : vector<1x128xf32> to vector<1000x128xf32>
    %add3A_58 = arith.addf %mul3A_56, %add3A_57 : vector<1000x128xf32>
    %max3A = arith.constant 0.000000e+00 : f32
    %max3A_59 = vector.broadcast %max3A : f32 to vector<1000x128xf32>
    %max3A_60 = arith.maximumf %add3A_58, %max3A_59 : vector<1000x128xf32>
    %get3A_61 = arith.constant 0 : index
    %get3A_62 = arith.constant 0 : index
    %get3A_63 = vector.load %arg8[%get3A_61, %get3A_62] : memref<128x128xf32, #tpu.memory_space<vmem>>, vector<128x128xf32>
    %dot_general3A_64 = arith.constant dense<0.000000e+00> : vector<1000x128xf32>
    %dot_general3A_65 = tpu.matmul %max3A_60, %get3A_63, %dot_general3A_64 {dimension_numbers = #tpu.dot_dimension_numbers<[1], [0], [0], [1], [0, 0, 1, 1], [], []>, transpose_lhs_hint = false} : vector<1000x128xf32>, vector<128x128xf32>, vector<1000x128xf32> -> vector<1000x128xf32>
    %get3A_66 = arith.constant 0 : index
    %get3A_67 = arith.constant 0 : index
    %get3A_68 = vector.load %arg9[%get3A_66, %get3A_67] : memref<1x128xf32, #tpu.memory_space<vmem>>, vector<1x128xf32>
    %add3A_69 = vector.broadcast %get3A_68 : vector<1x128xf32> to vector<1000x128xf32>
    %add3A_70 = arith.addf %dot_general3A_65, %add3A_69 : vector<1000x128xf32>
    %swap3A = arith.constant 0 : index
    %swap3A_71 = arith.constant 0 : index
    %swap3A_72 = vector.load %arg12[%swap3A, %swap3A_71] : memref<1000x128xf32, #tpu.memory_space<vmem>>, vector<1000x128xf32>
    tpu.vector_store %arg12[%swap3A, %swap3A_71], %add3A_70 {strides = array<i32>} : memref<1000x128xf32, #tpu.memory_space<vmem>>, vector<1000x128xf32>,
    return
  }
  func.func @transform_0(%arg0: i32) -> (i32, i32, i32) {
    %c0_i32 = arith.constant 0 : i32
    %c0_i32_0 = arith.constant 0 : i32
    %c0_i32_1 = arith.constant 0 : i32
    return %c0_i32, %arg0, %c0_i32_0 : i32, i32, i32
  }
  func.func @transform_1(%arg0: i32) -> (i32, i32) {
    %c0_i32 = arith.constant 0 : i32
    %c0_i32_0 = arith.constant 0 : i32
    return %arg0, %c0_i32 : i32, i32
  }
  func.func @transform_2(%arg0: i32) -> (i32, i32) {
    %c0_i32 = arith.constant 0 : i32
    %c0_i32_0 = arith.constant 0 : i32
    return %arg0, %c0_i32 : i32, i32
  }
  func.func @transform_3(%arg0: i32) -> (i32, i32) {
    %c0_i32 = arith.constant 0 : i32
    %c0_i32_0 = arith.constant 0 : i32
    %c0_i32_1 = arith.constant 0 : i32
    return %c0_i32, %c0_i32_0 : i32, i32
  }
  func.func @transform_4(%arg0: i32) -> (i32, i32) {
    %c0_i32 = arith.constant 0 : i32
    %c0_i32_0 = arith.constant 0 : i32
    %c0_i32_1 = arith.constant 0 : i32
    return %c0_i32, %c0_i32_0 : i32, i32
  }
  func.func @transform_5(%arg0: i32) -> (i32, i32) {
    %c0_i32 = arith.constant 0 : i32
    %c0_i32_0 = arith.constant 0 : i32
    %c0_i32_1 = arith.constant 0 : i32
    return %c0_i32, %c0_i32_0 : i32, i32
  }
  func.func @transform_6(%arg0: i32) -> (i32, i32) {
    %c0_i32 = arith.constant 0 : i32
    %c0_i32_0 = arith.constant 0 : i32
    %c0_i32_1 = arith.constant 0 : i32
    return %c0_i32, %c0_i32_0 : i32, i32
  }
  func.func @transform_7(%arg0: i32) -> (i32, i32) {
    %c0_i32 = arith.constant 0 : i32
    %c0_i32_0 = arith.constant 0 : i32
    %c0_i32_1 = arith.constant 0 : i32
    return %c0_i32, %c0_i32_0 : i32, i32
  }
  func.func @transform_8(%arg0: i32) -> (i32, i32) {
    %c0_i32 = arith.constant 0 : i32
    %c0_i32_0 = arith.constant 0 : i32
    %c0_i32_1 = arith.constant 0 : i32
    return %c0_i32, %c0_i32_0 : i32, i32
  }
  func.func @transform_9(%arg0: i32) -> (i32, i32) {
    %c0_i32 = arith.constant 0 : i32
    %c0_i32_0 = arith.constant 0 : i32
    %c0_i32_1 = arith.constant 0 : i32
    return %c0_i32, %c0_i32_0 : i32, i32
  }
  func.func @transform_10(%arg0: i32) -> (i32, i32) {
    %c0_i32 = arith.constant 0 : i32
    %c0_i32_0 = arith.constant 0 : i32
    %c0_i32_1 = arith.constant 0 : i32
    return %c0_i32, %c0_i32_0 : i32, i32
  }
  func.func @transform_11(%arg0: i32) -> (i32, i32) {
    %c0_i32 = arith.constant 0 : i32
    %c0_i32_0 = arith.constant 0 : i32
    return %arg0, %c0_i32 : i32, i32
  }
}

</mosaic_0001>

<sc_bundles>
// kernel: kernel.6.cloned.1.call-start
scs
__scs_entry_jumppad:
0x0: {  	(pc) =	sbr.rel $0x88, $3  }
0x1: {  	(tag) =	ssettag $0x0;
	lr =	simm.s32 $0x1  }
0x2: {  	[smem:$0x3F90] =	sst lr;
	_ =	strace $0xD0000000  }
0x3: {  	_ = 	snop  }
0x4: {  	_ = 	snop  }
0x5: {  	_ = 	snop  }
0x6: {  	_ = 	snop  }
0x7: {  	_ = 	snop  }
__scs_overlays_trampoline_lowered:
0x8: {  	[smem:$0x3F9F] =	sst s0  }
0x9: {  	[smem:$0x3FA0] =	sst s1  }
0xa: {  	[smem:$0x3FA1] =	sst s2  }
0xb: {  	[smem:$0x3FA2] =	sst s3  }
0xc: {  	[smem:$0x3FA3] =	sst s4  }
0xd: {  	[smem:$0x3FA4] =	sst s5  }
0xe: {  	[smem:$0x3FA5] =	sst s6  }
0xf: {  	[smem:$0x3FA6] =	sst s7  }
0x10: {  	[smem:$0x3FA7] =	sst s8  }
0x11: {  	[smem:$0x3FA8] =	sst s9;
	s0 =	simm.s32 @!p0 $0x0  }
0x12: {  	s1 =	sld [smem:$0x3F8E];
	s0 =	simm.s32 @p0 $0x1  }
0x13: {  	[smem:$0x3FA9] =	sst s0;
	s0 =	simm.s32 @!p1 $0x0  }
0x14: {  	s2 =	sld [smem:$0x3F8D];
	s0 =	simm.s32 @p1 $0x1  }
0x15: {  	[smem:$0x3FAA] =	sst s0;
	s0 =	simm.s32 @!p2 $0x0  }
0x16: {  	s3 =	sld [smem:$0x3FDB];
	s0 =	simm.s32 @p2 $0x1  }
0x17: {  	s4 =	simm.s32 $0x1BF5;
	[smem:$0x3FAC] =	sst s0  }
0x18: {  	s0 =	sld [smem:$0x3F8F];
	_ =	swait.ge [sflag:s4], $0x0  }
0x19: {  	s7 =	sld [smem:$0x3F90]  }
0x1a: {  	s8 =	sadd.s32 $0xFFFFE003, lr  }
0x1b: {  	s9 =	sadd.s32 $0xFFFFFEF7, lr;
	s5 =	simm.s32 $0xFFFFFFFF;
	p2 =	slt.u32 s8, $0xFFFFF086  }
0x1c: {  	p1 =	slt.u32 s9, $0xF7A;
	s5 =	simm.s32 @!p2 $0x0  }
0x1d: {  	s5 =	simm.s32 @p1 $0x1;
	p0 =	seq.s32 s7, s2  }
0x1e: {  	s7 =	smul.u32 @!p0 $0xF7A, s2;
	p2 =	seq.s32 @!p0 s5, $0x0  }
0x1f: {  	s9 =	smul.u32 $0xF7A, s1;
	s8 =	simm.s32 @!p0 $0x1BF5;
	p2 =	por !p2, p0  }
0x20: {  	[sflag:s8] =	ssyncset.s32 @!p0 $0xFFFFF086;
	s6 =	sadd.s32 @!p0 s3, s7;
	s7 =	simm.s32 @!p0 $0x108  }
0x21: {  	s3 =	sadd.s32 s3, s9;
	s6 =	sadd.s32 @!p0 $0x88, s6;
	s7 =	simm.s32 @p2 $0x1082  }
0x22: {  	[simem:s7], [sflag:s8] =	dma.local @!p0 [hbm:s6], $0xF7A  }
0x23: {  	s9 =	sor.u32 $0xD0000000, s2;
	s6 =	simm.s32 $0x108;
	_ =	swait.ge @!p0 [sflag:s8], $0x0  }
0x24: {  	s3 =	sadd.s32 $0x88, s3;
	s6 =	simm.s32 @!p1 $0x1082;
	[sflag:s4] =	ssyncset.s32 $0xFFFFF086  }
0x25: {  	[simem:s6], [sflag:s4] =	dma.local [hbm:s3], $0xF7A  }
0x26: {  	[smem:$0x3F90] =	sst s1;
	(tag) =	ssettag s2;
	_ =	strace s9  }
0x27: {  	s1 =	sld [smem:$0x3FA0]  }
0x28: {  	s2 =	sld [smem:$0x3FA1]  }
0x29: {  	s4 =	sld [smem:$0x3FA3]  }
0x2a: {  	p0 =	seq.s32 s5, $0x0;
	s5 =	sld [smem:$0x3FA4]  }
0x2b: {  	s6 =	sld [smem:$0x3FA5]  }
0x2c: {  	s7 =	sld [smem:$0x3FA6]  }
0x2d: {  	s3 =	simm.s32 $0x108;
	s8 =	sld [smem:$0x3FA7]  }
0x2e: {  	s3 =	simm.s32 @!p0 $0x1082;
	s9 =	sld [smem:$0x3FA8]  }
0x2f: {  	lr =	sadd.s32 s0, s3;
	s0 =	sld [smem:$0x3F9F]  }
0x30: {  	s3 =	sld [smem:$0x3FA2]  }
0x31: {  	[smem:$0x3FAB] =	sst s10  }
0x32: {  	s10 =	sld [smem:$0x3FA9];
	_ =	sdelay $0x3  }
0x33: {  	p0 =	seq.s32 s10, $0x1;
	s10 =	sld [smem:$0x3FAB];
	_ =	sdelay $0x3  }
0x34: {  	[smem:$0x3FAB] =	sst s10  }
0x35: {  	s10 =	sld [smem:$0x3FAA];
	_ =	sdelay $0x3  }
0x36: {  	p1 =	seq.s32 s10, $0x1;
	s10 =	sld [smem:$0x3FAB];
	_ =	sdelay $0x3  }
0x37: {  	[smem:$0x3FAB] =	sst s10  }
0x38: {  	s10 =	sld [smem:$0x3FAC]  }
0x39: {  	_ = 	snop;
	(pc) =	sbr.ind lr, $3  }
0x3a: {  	_ = 	snop  }
0x3b: {  	_ = 	snop  }
0x3c: {  	p2 =	seq.s32 s10, $0x1;
	s10 =	sld [smem:$0x3FAB]  }
0x3d: {  	_ =	shalt  }
0x3e: {  	_ =	shalt  }
0x3f: {  	_ =	shalt  }
0x40: {  	_ =	shalt  }
0x41: {  	_ =	shalt  }
0x42: {  	_ =	shalt  }
0x43: {  	_ =	shalt  }
0x44: {  	_ =	shalt  }
0x45: {  	_ =	shalt  }
0x46: {  	_ =	shalt  }
0x47: {  	_ =	shalt  }
0x48: {  	_ =	shalt  }
0x49: {  	_ =	shalt  }
0x4a: {  	_ =	shalt  }
0x4b: {  	_ =	shalt  }
0x4c: {  	_ =	shalt  }
0x4d: {  	_ =	shalt  }
0x4e: {  	_ =	shalt  }
0x4f: {  	_ =	shalt  }
0x50: {  	_ =	shalt  }
0x51: {  	_ =	shalt  }
0x52: {  	_ =	shalt  }
0x53: {  	_ =	shalt  }
0x54: {  	_ =	shalt  }
0x55: {  	_ =	shalt  }
0x56: {  	_ =	shalt  }
0x57: {  	_ =	shalt  }
0x58: {  	_ =	shalt  }
0x59: {  	_ =	shalt  }
0x5a: {  	_ =	shalt  }
0x5b: {  	_ =	shalt  }
0x5c: {  	_ =	shalt  }
0x5d: {  	_ =	shalt  }
0x5e: {  	_ =	shalt  }
0x5f: {  	_ =	shalt  }
0x60: {  	_ =	shalt  }
0x61: {  	_ =	shalt  }
0x62: {  	_ =	shalt  }
0x63: {  	_ =	shalt  }
0x64: {  	_ =	shalt  }
0x65: {  	_ =	shalt  }
0x66: {  	_ =	shalt  }
0x67: {  	_ =	shalt  }
0x68: {  	_ =	shalt  }
0x69: {  	_ =	shalt  }
0x6a: {  	_ =	shalt  }
0x6b: {  	_ =	shalt  }
0x6c: {  	_ =	shalt  }
0x6d: {  	_ =	shalt  }
0x6e: {  	_ =	shalt  }
0x6f: {  	_ =	shalt  }
0x70: {  	_ =	shalt  }
0x71: {  	_ =	shalt  }
0x72: {  	_ =	shalt  }
0x73: {  	_ =	shalt  }
0x74: {  	_ =	shalt  }
0x75: {  	_ =	shalt  }
0x76: {  	_ =	shalt  }
0x77: {  	_ =	shalt  }
0x78: {  	_ =	shalt  }
0x79: {  	_ =	shalt  }
0x7a: {  	_ =	shalt  }
0x7b: {  	_ =	shalt  }
0x7c: {  	_ =	shalt  }
0x7d: {  	_ =	shalt  }
0x7e: {  	_ =	shalt  }
0x7f: {  	_ =	shalt  }
0x80: {  	_ =	shalt  }
0x81: {  	_ =	shalt  }
0x82: {  	_ =	shalt  }
0x83: {  	_ =	shalt  }
0x84: {  	_ =	shalt  }
0x85: {  	_ =	shalt  }
0x86: {  	_ =	shalt  }
0x87: {  	_ =	shalt  }
.Lfunc_end0:
.L_simem_size_0:
called_computation_lowered:
.L_overlay_start_0:
0x88: {  	s2 =	sld [smem:$0x3FD9]  }
0x89: {  	s3 =	sld [smem:$0x3FFE];
	_ =	sdelay $0x1  }
0x8a: {  	s1 =	srdreg.scid  }
0x8b: {  	s0 =	sand.u32 $0x1, s1  }
0x8c: {  	s17 =	sshll.u32 s0, $0xA;
	s2 =	sadd.s32 s3, s2  }
0x8d: {  	s2 =	sadd.s32 s2, s17  }
0x8e: {  	[smem:$0x3FB7] =	sst s2  }
0x8f: {  	_ = 	snop  }
0x90: {  	s2 =	sld [smem:$0x3FC9];
	(tm) =	ssettm $0x1  }
0x91: {  	s18 =	sld [smem:$0x3FFB];
	_ =	sdelay $0x3  }
0x92: {  	_ =	strace s18  }
0x93: {  	s3 =	sld [smem:$0x3FFC];
	_ =	sdelay $0x3  }
0x94: {  	_ =	strace s3  }
0x95: {  	s3 =	sld [smem:$0x3FFD];
	_ =	sdelay $0x3  }
0x96: {  	_ =	strace s3  }
0x97: {  	_ =	strace $0x8FFFFFFF  }
0x98: {  	s19 =	sld [smem:$0x3FDB];
	_ =	sdelay $0x1  }
0x99: {  	s4 =	simm.s32 $_scs_section_size  }
0x9a: {  	s5 =	simm.s32 $_size__tile_overlayer_lowered;
	s6 =	simm.s32 $_tile_overlayer_lowered  }
0x9b: {  	s22 =	simm.s32 $0x1BFF;
	s21 =	sshll.u32 s6, $0x1;
	s3 =	sadd.s32 s4, s19  }
0x9c: {  	s7 =	simm.s32 $0x0;
	s20 =	sshll.u32 s5, $0x1;
	s5 =	sadd.s32 s21, s3  }
0x9d: {  	[timem:s7], [sflag:s22] =	dma.local [hbm:s5], s20  }
0x9e: {  	_ =	swait.ge [sflag:s22], s20  }
0x9f: {  	s4 =	ssub.s32 $0x0, s20;
	[sflag:s22] =	ssyncset.done $0x0  }
0xa0: {  	[sflag:s22] =	ssyncadd.s32 s4;
	_ =	sdelay $0x1  }
0xa1: {  	s23 =	simm.s32 $0x1B8B  }
0xa2: {  	_ =	swait.ge [sflag:s23], $0x1  }
0xa3: {  	[sflag:s23] =	ssyncset.done $0x0  }
0xa4: {  	s25 =	simm.s32 $0x1B8E;
	s24 =	sld [smem:$0x3FFE];
	[sflag:s23] =	ssyncadd.s32 $0xFFFFFFFF  }
0xa5: {  	s26 =	simm.s32 $execute0_lowered;
	[smem:$0x3FD2] =	sst s25  }
0xa6: {  	s5 =	sshll.u32 s26, $0x1;
	_ =	strace $0x80000046;
	[dreg:$0x1] =	wrdreg $0xFFFFFFFF  }
0xa7: {  	s28 =	simm.s32 $_size_execute0_lowered;
	s3 =	sadd.s32 s3, s5;
	[dreg:$0x0] =	wrdreg $0x0  }
0xa8: {  	s5 =	sshll.u32 s28, $0x1;
	[dreg:$0x2] =	wrdreg s3  }
0xa9: {  	[dreg:$0x3] =	wrdreg s5  }
0xaa: {  	[dreg:$0x4] =	wrdreg $0xC0  }
0xab: {  	_ =	task [dreg:s7], $0x5FFFF  }
0xac: {  	[dreg:$0x1] =	wrdreg $0xFFFFFFFF  }
0xad: {  	[dreg:$0x0] =	wrdreg $0x60  }
0xae: {  	[dreg:$0x2] =	wrdreg s2  }
0xaf: {  	[dreg:$0x3] =	wrdreg s24  }
0xb0: {  	[dreg:$0x4] =	wrdreg $0xB8000  }
0xb1: {  	[dreg:$0x5] =	wrdreg $0x9  }
0xb2: {  	_ =	task.clear_ibuf [dreg:s7], $0x6FFFF;
	_ =	strace $0x90000046  }
0xb3: {  	s29 =	simm.s32 $0x9;
	_ =	strace $0x80000048  }
0xb4: {  	_ =	swait.ge [sflag:s29], $0x1  }
0xb5: {  	[sflag:s29] =	ssyncadd.s32 $0xFFFFFFFF  }
0xb6: {  	_ =	strace $0x90000048  }
0xb7: {  	_ =	sfence  }
0xb8: {  	s30 =	sld [smem:$0x0];
	_ =	sdelay $0x2  }
0xb9: {  	s31 =	sshll.u32 s1, $0xD;
	s1 =	sshrl.u32 s1, $0x2  }
0xba: {  	s3 =	sand.u32 $0x4000, s31;
	s1 =	sadd.s32 s1, s30  }
0xbb: {  	s0 =	sor.u32 s3, s0;
	s1 =	sshll.u32 s1, $0x11  }
0xbc: {  	s0 =	sor.u32 s1, s0  }
0xbd: {  	s0 =	sadd.s32 $0x8F2B, s0  }
0xbe: {  	[sflag:s0] =	ssyncadd.remote.s32 $0x1  }
0xbf: {  	_ =	sfence.sel $0xFFFF  }
0xc0: {  	[dreg:$0x0] =	wrdreg $0xFFFFFFFF;
	(pc) =	sbr.abs _section_cstart, $3  }
0xc1: {  	[dreg:$0x1] =	wrdreg $0xFFFFFFFF  }
0xc2: {  	_ =	task.clear_ibuf [dreg:s7], $0x2FFFF;
	_ =	strace $0x9FFFFFFF  }
0xc3: {  	(tm) =	ssettm $0x7FFFFFFF  }
tec
execute0_lowered:
.L_overlay_start_1:
0x0: {  	(tag) =	ssettag $0x1  }
0x1: {  	s1 =	rddreg [dreg:$0x0]  }
0x2: {  	s0 =	rddreg [dreg:$0x1]  }
0x3: {  	s2 =	rddreg [dreg:$0x2];
	s4 =	simm.s32 $0x0;
	s3 =	srdreg.scid  }
0x4: {  	s12 =	stileid.u32;
	[smem:$0x7FF] =	sst s4  }
0x5: {  	s3 =	sand.u32 $0x1, s3;
	s5 =	smul.u32 $0x50000, s12;
	s10 =	sshll.u32 s12, $0x1  }
0x6: {  	s23 =	smul.u32 $0x14000, s12;
	p0 =	seq.s32 s12, $0xF;
	s12 =	sadd.s32 $0x132000, s2  }
0x7: {  	_ =	strace $0x80000047;
	s8 =	ssub.s32 $0x2, s3;
	s31 =	sor.u32 s3, s10  }
0x8: {  	s3 =	smul.u32 $0x138800, s3;
	s10 =	sadd.s32 $0x130000, s2;
	[dreg:$0x1c] =	wrdreg s12  }
0x9: {  	s5 =	sshrl.u32 s5, $0x2;
	[dreg:$0x1a] =	wrdreg s10  }
0xa: {  	s5 =	sadd.s32 s5, s2;
	s24 =	sadd.s32 s23, s3;
	s23 =	sadd.s32 $0x138000, s2  }
0xb: {  	s13 =	sadd.s32 $0x1000, s5;
	[smem:$0x7F8] =	sst s23  }
0xc: {  	s14 =	sadd.s32 $0x2000, s5;
	[dreg:$0x4] =	wrdreg s13  }
0xd: {  	s15 =	sadd.s32 $0x3000, s5;
	[dreg:$0x5] =	wrdreg s14  }
0xe: {  	s16 =	sadd.s32 $0x4000, s5;
	[dreg:$0x6] =	wrdreg s15  }
0xf: {  	s17 =	sadd.s32 $0x5000, s5;
	[dreg:$0x7] =	wrdreg s16  }
0x10: {  	s11 =	sadd.s32 $0x6000, s5;
	[dreg:$0x8] =	wrdreg s17  }
0x11: {  	s19 =	sadd.s32 $0x7000, s5;
	[dreg:$0x9] =	wrdreg s11  }
0x12: {  	s20 =	sadd.s32 $0x8000, s5;
	[dreg:$0xa] =	wrdreg s19  }
0x13: {  	s21 =	sadd.s32 $0x9000, s5;
	[dreg:$0xb] =	wrdreg s20  }
0x14: {  	s22 =	sadd.s32 $0xA000, s5;
	[dreg:$0xc] =	wrdreg s21  }
0x15: {  	s25 =	sadd.s32 $0xC000, s5;
	[dreg:$0xd] =	wrdreg s22  }
0x16: {  	s26 =	sadd.s32 $0xD000, s5;
	[dreg:$0xf] =	wrdreg s25  }
0x17: {  	s9 =	sshrl.u32 s8, $0x1;
	s28 =	sadd.s32 $0xE000, s5;
	[dreg:$0x10] =	wrdreg s26  }
0x18: {  	s18 =	smul.u32 $0x500, s31;
	s29 =	sadd.s32 $0xF000, s5;
	[dreg:$0x11] =	wrdreg s28  }
0x19: {  	s8 =	ssub.s32 s8, s9;
	s30 =	sadd.s32 $0x10000, s5;
	[dreg:$0x12] =	wrdreg s29  }
0x1a: {  	s9 =	smul.u32 $0x2800, s31;
	s31 =	sadd.s32 $0x11000, s5;
	[dreg:$0x13] =	wrdreg s30  }
0x1b: {  	s13 =	sadd.s32 $0xB000, s5;
	[dreg:$0x14] =	wrdreg s31  }
0x1c: {  	s25 =	smax.u32 s8, $0x1;
	s8 =	sadd.s32 $0x12E000, s2;
	[dreg:$0xe] =	wrdreg s13  }
0x1d: {  	s6 =	sadd.s32 $0x2E00, s0;
	s11 =	sadd.s32 $0x131000, s2;
	[dreg:$0x18] =	wrdreg s8  }
0x1e: {  	s7 =	sadd.s32 $0xCE00, s0;
	s14 =	sadd.s32 $0x134000, s2;
	[dreg:$0x1b] =	wrdreg s11  }
0x1f: {  	s0 =	sadd.s32 $0x16E00, s0;
	s15 =	sadd.s32 $0x135000, s2;
	[dreg:$0x1e] =	wrdreg s14  }
0x20: {  	s12 =	simm.s32 $0x2800;
	s16 =	sadd.s32 $0x136000, s2;
	[dreg:$0x1f] =	wrdreg s15  }
0x21: {  	s10 =	simm.s32 $0x3;
	s21 =	sadd.s32 $0x137000, s2;
	[smem:$0x7F6] =	sst s16  }
0x22: {  	s3 =	sshrl.u32 s3, $0x3;
	s26 =	sadd.s32 $0x139000, s2;
	[smem:$0x7F7] =	sst s21  }
0x23: {  	s23 =	simm.s32 $0x2780;
	s28 =	sadd.s32 $0x13A000, s2;
	[smem:$0x7F9] =	sst s26  }
0x24: {  	s9 =	sshrl.u32 s9, $0x3;
	s29 =	sadd.s32 $0x13B000, s2;
	[smem:$0x7FA] =	sst s28  }
0x25: {  	s17 =	sadd.s32 s6, s18;
	s30 =	sadd.s32 $0x13C000, s2;
	[smem:$0x7FB] =	sst s29  }
0x26: {  	s18 =	sadd.s32 s7, s18;
	s31 =	sadd.s32 $0x13D000, s2;
	[smem:$0x7FC] =	sst s30  }
0x27: {  	s9 =	sadd.s32 $0x280, s9;
	s13 =	sadd.s32 $0x133000, s2;
	[smem:$0x7FD] =	sst s31  }
0x28: {  	s8 =	sadd.s32 $0x140000, s2;
	s11 =	simm.s32 $0x80;
	s14 =	simm.s32 $0x1  }
0x29: {  	s15 =	simm.s32 $0x2;
	s16 =	simm.s32 $0x1380;
	s21 =	simm.s32 $0x2700  }
0x2a: {  	s19 =	sadd.s32 s6, s9;
	s20 =	sadd.s32 s7, s9;
	s6 =	sshrl.u32 s24, $0x3  }
0x2b: {  	s7 =	sadd.s32 $0x12D000, s2;
	s9 =	sadd.s32 $0x12F000, s2;
	[dreg:$0x1d] =	wrdreg s13  }
0x2c: {  	s13 =	simm.s32 $0x6800;
	s22 =	sadd.s32 s0, s6;
	[dreg:$0x17] =	wrdreg s7  }
0x2d: {  	s0 =	sadd.s32 s0, s3;
	s3 =	sadd.s32 $0x12000, s5;
	[dreg:$0x19] =	wrdreg s9  }
0x2e: {  	s6 =	sadd.s32 $0x13000, s5;
	s7 =	sadd.s32 $0x13F000, s2;
	[dreg:$0x15] =	wrdreg s3  }
0x2f: {  	s9 =	simm.s32 $0xA800;
	s24 =	sadd.s32 $0x25800, s0;
	[dreg:$0x16] =	wrdreg s6  }
0x30: {  	v0 =	vimm.f32 $0.0e+00;
	s6 =	sadd.s32 $0x12C000, s2;
	s0 =	sadd.s32 $0x13E000, s2;
	s3 =	simm.s32 $0x1400  }
.LBB2_1:
0x31: {  	s26 =	simm.s32 $0x0;
	s28 =	simm.s32 $0x200  }
.LBB2_2:
0x32: {  	p1 =	sne.s32 s28, $0x3E00;
	[tilespmem:s26+$0xA870] =	vst v0  }
0x33: {  	[tilespmem:s26+$0xA800] =	vst v0  }
0x34: {  	[tilespmem:s26+$0xA810] =	vst v0  }
.Ltmp0:
0x35: {  	[tilespmem:s26+$0xA820] =	vst v0;
	(pc) =	sbr.rel @p1 .LBB2_2-.Ltmp0, $4  }
0x36: {  	[tilespmem:s26+$0xA830] =	vst v0  }
0x37: {  	[tilespmem:s26+$0xA840] =	vst v0  }
0x38: {  	[tilespmem:s26+$0xA850] =	vst v0  }
0x39: {  	[tilespmem:s26+$0xA860] =	vst v0;
	s26 =	sshra.s32 s28, $0x2;
	s28 =	sadd.s32 $0x200, s28  }
0x3a: {  	[tilespmem:s26+$0xA870] =	vst v0  }
0x3b: {  	[tilespmem:s26+$0xA800] =	vst v0  }
0x3c: {  	[tilespmem:s26+$0xA810] =	vst v0  }
.Ltmp1:
0x3d: {  	[tilespmem:s26+$0xA820] =	vst v0;
	(pc) =	sbr.rel @!p0 .LBB2_4-.Ltmp1, $4  }
0x3e: {  	[tilespmem:s26+$0xA830] =	vst v0  }
0x3f: {  	[tilespmem:s26+$0xA840] =	vst v0  }
0x40: {  	[tilespmem:s26+$0xA850] =	vst v0  }
0x41: {  	[tilespmem:s26+$0xA860] =	vst v0  }
0x42: {  	[spmem:s6] =	stream.linear.scatter [tilespmem:s9], [sflag:$0x3], $0x1000, $0x38;
	[tilespmem:$0x1F880] =	vst v63  }
0x43: {  	_ =	swait.ge [sflag:s10], $0x1000  }
0x44: {  	[sflag:s10] =	ssyncset.done $0x0  }
0x45: {  	s26 =	rddreg [dreg:$0x17];
	[sflag:s10] =	ssyncadd.s32 $0xFFFFF000  }
0x46: {  	[spmem:s26] =	stream.linear.scatter [tilespmem:s9], [sflag:$0x3], $0x1000, $0x38;
	[tilespmem:$0x1F880] =	vst v63  }
0x47: {  	_ =	swait.ge [sflag:s10], $0x1000  }
0x48: {  	[sflag:s10] =	ssyncset.done $0x0  }
0x49: {  	s28 =	rddreg [dreg:$0x18];
	[sflag:s10] =	ssyncadd.s32 $0xFFFFF000  }
0x4a: {  	[spmem:s28] =	stream.linear.scatter [tilespmem:s9], [sflag:$0x3], $0x1000, $0x38;
	[tilespmem:$0x1F880] =	vst v63  }
0x4b: {  	_ =	swait.ge [sflag:s10], $0x1000  }
0x4c: {  	[sflag:s10] =	ssyncset.done $0x0  }
0x4d: {  	s29 =	rddreg [dreg:$0x19];
	[sflag:s10] =	ssyncadd.s32 $0xFFFFF000  }
0x4e: {  	[spmem:s29] =	stream.linear.scatter [tilespmem:s9], [sflag:$0x3], $0x1000, $0x38;
	[tilespmem:$0x1F880] =	vst v63  }
0x4f: {  	_ =	swait.ge [sflag:s10], $0x1000  }
0x50: {  	[sflag:s10] =	ssyncset.done $0x0  }
0x51: {  	s30 =	rddreg [dreg:$0x1a];
	[sflag:s10] =	ssyncadd.s32 $0xFFFFF000  }
0x52: {  	[spmem:s30] =	stream.linear.scatter [tilespmem:s9], [sflag:$0x3], $0x1000, $0x38;
	[tilespmem:$0x1F880] =	vst v63  }
0x53: {  	_ =	swait.ge [sflag:s10], $0x1000  }
0x54: {  	[sflag:s10] =	ssyncset.done $0x0  }
0x55: {  	s31 =	rddreg [dreg:$0x1b];
	[sflag:s10] =	ssyncadd.s32 $0xFFFFF000  }
0x56: {  	[spmem:s31] =	stream.linear.scatter [tilespmem:s9], [sflag:$0x3], $0x1000, $0x38;
	[tilespmem:$0x1F880] =	vst v63  }
0x57: {  	_ =	swait.ge [sflag:s10], $0x1000  }
0x58: {  	[sflag:s10] =	ssyncset.done $0x0  }
0x59: {  	s28 =	rddreg [dreg:$0x1c];
	[sflag:s10] =	ssyncadd.s32 $0xFFFFF000  }
0x5a: {  	[spmem:s28] =	stream.linear.scatter [tilespmem:s9], [sflag:$0x3], $0x1000, $0x38;
	[tilespmem:$0x1F880] =	vst v63  }
0x5b: {  	_ =	swait.ge [sflag:s10], $0x1000  }
0x5c: {  	[sflag:s10] =	ssyncset.done $0x0  }
0x5d: {  	s29 =	rddreg [dreg:$0x1d];
	[sflag:s10] =	ssyncadd.s32 $0xFFFFF000  }
0x5e: {  	[spmem:s29] =	stream.linear.scatter [tilespmem:s9], [sflag:$0x3], $0x1000, $0x38;
	[tilespmem:$0x1F880] =	vst v63  }
0x5f: {  	_ =	swait.ge [sflag:s10], $0x1000  }
0x60: {  	[sflag:s10] =	ssyncset.done $0x0  }
0x61: {  	s30 =	rddreg [dreg:$0x1e];
	[sflag:s10] =	ssyncadd.s32 $0xFFFFF000  }
0x62: {  	[spmem:s30] =	stream.linear.scatter [tilespmem:s9], [sflag:$0x3], $0x1000, $0x38;
	[tilespmem:$0x1F880] =	vst v63  }
0x63: {  	_ =	swait.ge [sflag:s10], $0x1000  }
0x64: {  	[sflag:s10] =	ssyncset.done $0x0  }
0x65: {  	s31 =	rddreg [dreg:$0x1f];
	[sflag:s10] =	ssyncadd.s32 $0xFFFFF000  }
0x66: {  	[spmem:s31] =	stream.linear.scatter [tilespmem:s9], [sflag:$0x3], $0x1000, $0x38;
	[tilespmem:$0x1F880] =	vst v63  }
0x67: {  	_ =	swait.ge [sflag:s10], $0x1000  }
0x68: {  	s28 =	sld [smem:$0x7F6]  }
0x69: {  	[sflag:s10] =	ssyncset.done $0x0  }
0x6a: {  	[sflag:s10] =	ssyncadd.s32 $0xFFFFF000  }
0x6b: {  	[spmem:s28] =	stream.linear.scatter [tilespmem:s9], [sflag:$0x3], $0x1000, $0x38;
	[tilespmem:$0x1F880] =	vst v63  }
0x6c: {  	_ =	swait.ge [sflag:s10], $0x1000  }
0x6d: {  	s29 =	sld [smem:$0x7F7]  }
0x6e: {  	[sflag:s10] =	ssyncset.done $0x0  }
0x6f: {  	[sflag:s10] =	ssyncadd.s32 $0xFFFFF000  }
0x70: {  	[spmem:s29] =	stream.linear.scatter [tilespmem:s9], [sflag:$0x3], $0x1000, $0x38;
	[tilespmem:$0x1F880] =	vst v63  }
0x71: {  	_ =	swait.ge [sflag:s10], $0x1000  }
0x72: {  	s30 =	sld [smem:$0x7F8]  }
0x73: {  	[sflag:s10] =	ssyncset.done $0x0  }
0x74: {  	[sflag:s10] =	ssyncadd.s32 $0xFFFFF000  }
0x75: {  	[spmem:s30] =	stream.linear.scatter [tilespmem:s9], [sflag:$0x3], $0x1000, $0x38;
	[tilespmem:$0x1F880] =	vst v63  }
0x76: {  	_ =	swait.ge [sflag:s10], $0x1000  }
0x77: {  	s31 =	sld [smem:$0x7F9]  }
0x78: {  	[sflag:s10] =	ssyncset.done $0x0  }
0x79: {  	[sflag:s10] =	ssyncadd.s32 $0xFFFFF000  }
0x7a: {  	[spmem:s31] =	stream.linear.scatter [tilespmem:s9], [sflag:$0x3], $0x1000, $0x38;
	[tilespmem:$0x1F880] =	vst v63  }
0x7b: {  	_ =	swait.ge [sflag:s10], $0x1000  }
0x7c: {  	s28 =	sld [smem:$0x7FA]  }
0x7d: {  	[sflag:s10] =	ssyncset.done $0x0  }
0x7e: {  	[sflag:s10] =	ssyncadd.s32 $0xFFFFF000  }
0x7f: {  	[spmem:s28] =	stream.linear.scatter [tilespmem:s9], [sflag:$0x3], $0x1000, $0x38;
	[tilespmem:$0x1F880] =	vst v63  }
0x80: {  	_ =	swait.ge [sflag:s10], $0x1000  }
0x81: {  	s29 =	sld [smem:$0x7FB]  }
0x82: {  	[sflag:s10] =	ssyncset.done $0x0  }
0x83: {  	[sflag:s10] =	ssyncadd.s32 $0xFFFFF000  }
0x84: {  	[spmem:s29] =	stream.linear.scatter [tilespmem:s9], [sflag:$0x3], $0x1000, $0x38;
	[tilespmem:$0x1F880] =	vst v63  }
0x85: {  	_ =	swait.ge [sflag:s10], $0x1000  }
0x86: {  	s30 =	sld [smem:$0x7FC]  }
0x87: {  	[sflag:s10] =	ssyncset.done $0x0  }
0x88: {  	[sflag:s10] =	ssyncadd.s32 $0xFFFFF000  }
0x89: {  	[spmem:s30] =	stream.linear.scatter [tilespmem:s9], [sflag:$0x3], $0x1000, $0x38;
	[tilespmem:$0x1F880] =	vst v63  }
0x8a: {  	_ =	swait.ge [sflag:s10], $0x1000  }
0x8b: {  	s31 =	sld [smem:$0x7FD]  }
0x8c: {  	[sflag:s10] =	ssyncset.done $0x0  }
0x8d: {  	[sflag:s10] =	ssyncadd.s32 $0xFFFFF000  }
0x8e: {  	[spmem:s31] =	stream.linear.scatter [tilespmem:s9], [sflag:$0x3], $0x1000, $0x38;
	[tilespmem:$0x1F880] =	vst v63  }
0x8f: {  	_ =	swait.ge [sflag:s10], $0x1000  }
0x90: {  	[sflag:s10] =	ssyncset.done $0x0  }
0x91: {  	[sflag:s10] =	ssyncadd.s32 $0xFFFFF000  }
0x92: {  	[spmem:s0] =	stream.linear.scatter [tilespmem:s9], [sflag:$0x3], $0x1000, $0x38;
	[tilespmem:$0x1F880] =	vst v63  }
0x93: {  	_ =	swait.ge [sflag:s10], $0x1000  }
0x94: {  	[sflag:s10] =	ssyncset.done $0x0  }
0x95: {  	[sflag:s10] =	ssyncadd.s32 $0xFFFFF000  }
0x96: {  	[spmem:s7] =	stream.linear.scatter [tilespmem:s9], [sflag:$0x3], $0x1000, $0x38;
	[tilespmem:$0x1F880] =	vst v63  }
0x97: {  	_ =	swait.ge [sflag:s10], $0x1000  }
0x98: {  	[sflag:s10] =	ssyncset.done $0x0  }
.Ltmp2:
0x99: {  	[sflag:s10] =	ssyncadd.s32 $0xFFFFF000;
	(pc) =	sbr.rel .LBB2_6-.Ltmp2, $4  }
0x9a: {  	[spmem:s8] =	stream.linear.scatter [tilespmem:s9], [sflag:$0x3], $0x800, $0x38;
	[tilespmem:$0x1F880] =	vst v63  }
0x9b: {  	_ =	swait.ge [sflag:s10], $0x800  }
0x9c: {  	[sflag:s10] =	ssyncset.done $0x0  }
0x9d: {  	[sflag:s10] =	ssyncadd.s32 $0xFFFFF800  }
.LBB2_4:
0x9e: {  	[spmem:s5] =	stream.linear.scatter [tilespmem:s9], [sflag:$0x3], $0x1000, $0x38;
	[tilespmem:$0x1F880] =	vst v63  }
0x9f: {  	_ =	swait.ge [sflag:s10], $0x1000  }
0xa0: {  	[sflag:s10] =	ssyncset.done $0x0  }
0xa1: {  	s26 =	rddreg [dreg:$0x4];
	[sflag:s10] =	ssyncadd.s32 $0xFFFFF000  }
0xa2: {  	[spmem:s26] =	stream.linear.scatter [tilespmem:s9], [sflag:$0x3], $0x1000, $0x38;
	[tilespmem:$0x1F880] =	vst v63  }
0xa3: {  	_ =	swait.ge [sflag:s10], $0x1000  }
0xa4: {  	[sflag:s10] =	ssyncset.done $0x0  }
0xa5: {  	s30 =	rddreg [dreg:$0x5];
	[sflag:s10] =	ssyncadd.s32 $0xFFFFF000  }
0xa6: {  	[spmem:s30] =	stream.linear.scatter [tilespmem:s9], [sflag:$0x3], $0x1000, $0x38;
	[tilespmem:$0x1F880] =	vst v63  }
0xa7: {  	_ =	swait.ge [sflag:s10], $0x1000  }
0xa8: {  	[sflag:s10] =	ssyncset.done $0x0  }
0xa9: {  	s31 =	rddreg [dreg:$0x6];
	[sflag:s10] =	ssyncadd.s32 $0xFFFFF000  }
0xaa: {  	[spmem:s31] =	stream.linear.scatter [tilespmem:s9], [sflag:$0x3], $0x1000, $0x38;
	[tilespmem:$0x1F880] =	vst v63  }
0xab: {  	_ =	swait.ge [sflag:s10], $0x1000  }
0xac: {  	[sflag:s10] =	ssyncset.done $0x0  }
0xad: {  	s28 =	rddreg [dreg:$0x7];
	[sflag:s10] =	ssyncadd.s32 $0xFFFFF000  }
0xae: {  	[spmem:s28] =	stream.linear.scatter [tilespmem:s9], [sflag:$0x3], $0x1000, $0x38;
	[tilespmem:$0x1F880] =	vst v63  }
0xaf: {  	_ =	swait.ge [sflag:s10], $0x1000  }
0xb0: {  	[sflag:s10] =	ssyncset.done $0x0  }
0xb1: {  	s29 =	rddreg [dreg:$0x8];
	[sflag:s10] =	ssyncadd.s32 $0xFFFFF000  }
0xb2: {  	[spmem:s29] =	stream.linear.scatter [tilespmem:s9], [sflag:$0x3], $0x1000, $0x38;
	[tilespmem:$0x1F880] =	vst v63  }
0xb3: {  	_ =	swait.ge [sflag:s10], $0x1000  }
0xb4: {  	[sflag:s10] =	ssyncset.done $0x0  }
0xb5: {  	s30 =	rddreg [dreg:$0x9];
	[sflag:s10] =	ssyncadd.s32 $0xFFFFF000  }
0xb6: {  	[spmem:s30] =	stream.linear.scatter [tilespmem:s9], [sflag:$0x3], $0x1000, $0x38;
	[tilespmem:$0x1F880] =	vst v63  }
0xb7: {  	_ =	swait.ge [sflag:s10], $0x1000  }
0xb8: {  	[sflag:s10] =	ssyncset.done $0x0  }
0xb9: {  	s31 =	rddreg [dreg:$0xa];
	[sflag:s10] =	ssyncadd.s32 $0xFFFFF000  }
0xba: {  	[spmem:s31] =	stream.linear.scatter [tilespmem:s9], [sflag:$0x3], $0x1000, $0x38;
	[tilespmem:$0x1F880] =	vst v63  }
0xbb: {  	_ =	swait.ge [sflag:s10], $0x1000  }
0xbc: {  	[sflag:s10] =	ssyncset.done $0x0  }
0xbd: {  	s28 =	rddreg [dreg:$0xb];
	[sflag:s10] =	ssyncadd.s32 $0xFFFFF000  }
0xbe: {  	[spmem:s28] =	stream.linear.scatter [tilespmem:s9], [sflag:$0x3], $0x1000, $0x38;
	[tilespmem:$0x1F880] =	vst v63  }
0xbf: {  	_ =	swait.ge [sflag:s10], $0x1000  }
0xc0: {  	[sflag:s10] =	ssyncset.done $0x0  }
0xc1: {  	s29 =	rddreg [dreg:$0xc];
	[sflag:s10] =	ssyncadd.s32 $0xFFFFF000  }
0xc2: {  	[spmem:s29] =	stream.linear.scatter [tilespmem:s9], [sflag:$0x3], $0x1000, $0x38;
	[tilespmem:$0x1F880] =	vst v63  }
0xc3: {  	_ =	swait.ge [sflag:s10], $0x1000  }
0xc4: {  	[sflag:s10] =	ssyncset.done $0x0  }
0xc5: {  	s30 =	rddreg [dreg:$0xd];
	[sflag:s10] =	ssyncadd.s32 $0xFFFFF000  }
0xc6: {  	[spmem:s30] =	stream.linear.scatter [tilespmem:s9], [sflag:$0x3], $0x1000, $0x38;
	[tilespmem:$0x1F880] =	vst v63  }
0xc7: {  	_ =	swait.ge [sflag:s10], $0x1000  }
0xc8: {  	[sflag:s10] =	ssyncset.done $0x0  }
0xc9: {  	s31 =	rddreg [dreg:$0xe];
	[sflag:s10] =	ssyncadd.s32 $0xFFFFF000  }
0xca: {  	[spmem:s31] =	stream.linear.scatter [tilespmem:s9], [sflag:$0x3], $0x1000, $0x38;
	[tilespmem:$0x1F880] =	vst v63  }
0xcb: {  	_ =	swait.ge [sflag:s10], $0x1000  }
0xcc: {  	[sflag:s10] =	ssyncset.done $0x0  }
0xcd: {  	s28 =	rddreg [dreg:$0xf];
	[sflag:s10] =	ssyncadd.s32 $0xFFFFF000  }
0xce: {  	[spmem:s28] =	stream.linear.scatter [tilespmem:s9], [sflag:$0x3], $0x1000, $0x38;
	[tilespmem:$0x1F880] =	vst v63  }
0xcf: {  	_ =	swait.ge [sflag:s10], $0x1000  }
0xd0: {  	[sflag:s10] =	ssyncset.done $0x0  }
0xd1: {  	s29 =	rddreg [dreg:$0x10];
	[sflag:s10] =	ssyncadd.s32 $0xFFFFF000  }
0xd2: {  	[spmem:s29] =	stream.linear.scatter [tilespmem:s9], [sflag:$0x3], $0x1000, $0x38;
	[tilespmem:$0x1F880] =	vst v63  }
0xd3: {  	_ =	swait.ge [sflag:s10], $0x1000  }
0xd4: {  	[sflag:s10] =	ssyncset.done $0x0  }
0xd5: {  	s30 =	rddreg [dreg:$0x11];
	[sflag:s10] =	ssyncadd.s32 $0xFFFFF000  }
0xd6: {  	[spmem:s30] =	stream.linear.scatter [tilespmem:s9], [sflag:$0x3], $0x1000, $0x38;
	[tilespmem:$0x1F880] =	vst v63  }
0xd7: {  	_ =	swait.ge [sflag:s10], $0x1000  }
0xd8: {  	[sflag:s10] =	ssyncset.done $0x0  }
0xd9: {  	s31 =	rddreg [dreg:$0x12];
	[sflag:s10] =	ssyncadd.s32 $0xFFFFF000  }
0xda: {  	[spmem:s31] =	stream.linear.scatter [tilespmem:s9], [sflag:$0x3], $0x1000, $0x38;
	[tilespmem:$0x1F880] =	vst v63  }
0xdb: {  	_ =	swait.ge [sflag:s10], $0x1000  }
0xdc: {  	[sflag:s10] =	ssyncset.done $0x0  }
0xdd: {  	s28 =	rddreg [dreg:$0x13];
	[sflag:s10] =	ssyncadd.s32 $0xFFFFF000  }
0xde: {  	[spmem:s28] =	stream.linear.scatter [tilespmem:s9], [sflag:$0x3], $0x1000, $0x38;
	[tilespmem:$0x1F880] =	vst v63  }
0xdf: {  	_ =	swait.ge [sflag:s10], $0x1000  }
0xe0: {  	[sflag:s10] =	ssyncset.done $0x0  }
0xe1: {  	s29 =	rddreg [dreg:$0x14];
	[sflag:s10] =	ssyncadd.s32 $0xFFFFF000  }
0xe2: {  	[spmem:s29] =	stream.linear.scatter [tilespmem:s9], [sflag:$0x3], $0x1000, $0x38;
	[tilespmem:$0x1F880] =	vst v63  }
0xe3: {  	_ =	swait.ge [sflag:s10], $0x1000  }
0xe4: {  	[sflag:s10] =	ssyncset.done $0x0  }
0xe5: {  	s30 =	rddreg [dreg:$0x15];
	[sflag:s10] =	ssyncadd.s32 $0xFFFFF000  }
0xe6: {  	[spmem:s30] =	stream.linear.scatter [tilespmem:s9], [sflag:$0x3], $0x1000, $0x38;
	[tilespmem:$0x1F880] =	vst v63  }
0xe7: {  	_ =	swait.ge [sflag:s10], $0x1000  }
0xe8: {  	[sflag:s10] =	ssyncset.done $0x0  }
0xe9: {  	s31 =	rddreg [dreg:$0x16];
	[sflag:s10] =	ssyncadd.s32 $0xFFFFF000  }
0xea: {  	[spmem:s31] =	stream.linear.scatter [tilespmem:s9], [sflag:$0x3], $0x1000, $0x38;
	[tilespmem:$0x1F880] =	vst v63  }
0xeb: {  	_ =	swait.ge [sflag:s10], $0x1000  }
0xec: {  	[sflag:s10] =	ssyncset.done $0x0  }
0xed: {  	[sflag:s10] =	ssyncadd.s32 $0xFFFFF000  }
.LBB2_6:
0xee: {  	[bflag:$0x0] =	sbarrier.arrive $0xFFFF;
	s26 =	simm.s32 $0x0  }
0xef: {  	[tilespmem:s26], [sflag:$0x3] =	stream.linear.gather [hbm4b:s17+s26], $0x1400, $0x38;
	[tilespmem:$0x1F880] =	vst v63  }
0xf0: {  	_ =	swait.ge [sflag:s10], $0x1400  }
0xf1: {  	[sflag:s10] =	ssyncset.done $0x0  }
0xf2: {  	[sflag:s10] =	ssyncadd.s32 $0xFFFFEC00  }
0xf3: {  	[tilespmem:s3], [sflag:$0x3] =	stream.linear.gather [hbm4b:s18+s26], $0x1400, $0x38;
	[tilespmem:$0x1F880] =	vst v63  }
0xf4: {  	_ =	swait.ge [sflag:s10], $0x1400  }
0xf5: {  	[sflag:s10] =	ssyncset.done $0x0  }
0xf6: {  	[sflag:s10] =	ssyncadd.s32 $0xFFFFEC00  }
0xf7: {  	[tilespmem:s12], [sflag:$0x1] =	stream.indirect.gather [hbm4b:s1+s11], $0x80, s26, s11, $0xb8;
	[tilespmem:$0x1F880] =	vst v63  }
0xf8: {  	s31 =	simm.s32 $0x80  }
0xf9: {  	[tilespmem:s13], [sflag:$0x2] =	stream.indirect.gather [hbm4b:s1+s11], $0x80, s31, s11, $0xb8;
	[tilespmem:$0x1F880] =	vst v63  }
0xfa: {  	_ =	swait.ge [sflag:s14], $0x4000  }
0xfb: {  	[sflag:s14] =	ssyncset.done $0x0  }
0xfc: {  	s29 =	simm.s32 $0x1400;
	[sflag:s14] =	ssyncadd.s32 $0xFFFFC000  }
0xfd: {  	[spmem:s2] =	stream.indirect.scatter.add.f32 [tilespmem:s12], [sflag:$0x3], $0x80, s29, s11, $0xb8;
	[tilespmem:$0x1F880] =	vst v63  }
0xfe: {  	_ =	swait.ge [sflag:s10], $0x4000  }
0xff: {  	[sflag:s10] =	ssyncset.done $0x0  }
0x100: {  	s30 =	simm.s32 $0x100;
	[sflag:s10] =	ssyncadd.s32 $0xFFFFC000  }
0x101: {  	[tilespmem:s12], [sflag:$0x1] =	stream.indirect.gather [hbm4b:s1+s11], $0x80, s30, s11, $0xb8;
	[tilespmem:$0x1F880] =	vst v63  }
0x102: {  	_ =	swait.ge [sflag:s15], $0x4000  }
0x103: {  	[sflag:s15] =	ssyncset.done $0x0  }
0x104: {  	s31 =	simm.s32 $0x1480;
	[sflag:s15] =	ssyncadd.s32 $0xFFFFC000  }
0x105: {  	[spmem:s2] =	stream.indirect.scatter.add.f32 [tilespmem:s13], [sflag:$0x3], $0x80, s31, s11, $0xb8;
	[tilespmem:$0x1F880] =	vst v63  }
0x106: {  	_ =	swait.ge [sflag:s10], $0x4000  }
0x107: {  	s28 =	simm.s32 $0x800;
	s26 =	simm.s32 $0x100;
	[sflag:s10] =	ssyncset.done $0x0  }
.LBB2_7:
0x108: {  	s29 =	sadd.s32 $0x80, s26  }
0x109: {  	[sflag:s10] =	ssyncadd.s32 $0xFFFFC000;
	s30 =	smov.u32 s28;
	s31 =	sadd.s32 $0x400, s28  }
0x10a: {  	[tilespmem:s13], [sflag:$0x2] =	stream.indirect.gather [hbm4b:s1+s11], $0x80, s29, s11, $0xb8;
	[tilespmem:$0x1F880] =	vst v63  }
0x10b: {  	p1 =	sne.s32 s28, $0x4800;
	_ =	swait.ge [sflag:s14], $0x4000  }
0x10c: {  	[sflag:s14] =	ssyncset.done $0x0  }
0x10d: {  	s28 =	sadd.s32 $0x1400, s26;
	[sflag:s14] =	ssyncadd.s32 $0xFFFFC000  }
0x10e: {  	[spmem:s2] =	stream.indirect.scatter.add.f32 [tilespmem:s12], [sflag:$0x3], $0x80, s28, s11, $0xb8;
	[tilespmem:$0x1F880] =	vst v63  }
0x10f: {  	_ =	swait.ge [sflag:s10], $0x4000  }
0x110: {  	[sflag:s10] =	ssyncset.done $0x0  }
0x111: {  	s28 =	sadd.s32 $0x100, s26;
	[sflag:s10] =	ssyncadd.s32 $0xFFFFC000  }
0x112: {  	[tilespmem:s12], [sflag:$0x1] =	stream.indirect.gather [hbm4b:s1+s11], $0x80, s28, s11, $0xb8;
	[tilespmem:$0x1F880] =	vst v63  }
0x113: {  	_ =	swait.ge [sflag:s15], $0x4000  }
.Ltmp3:
0x114: {  	[sflag:s15] =	ssyncset.done $0x0;
	(pc) =	sbr.rel @p1 .LBB2_7-.Ltmp3, $4  }
0x115: {  	s26 =	sadd.s32 $0x1480, s26;
	[sflag:s15] =	ssyncadd.s32 $0xFFFFC000  }
0x116: {  	[spmem:s2] =	stream.indirect.scatter.add.f32 [tilespmem:s13], [sflag:$0x3], $0x80, s26, s11, $0xb8;
	[tilespmem:$0x1F880] =	vst v63  }
0x117: {  	_ =	swait.ge [sflag:s10], $0x4000  }
0x118: {  	s28 =	smov.u32 s31;
	s26 =	sshra.s32 s30, $0x2;
	[sflag:s10] =	ssyncset.done $0x0  }
0x119: {  	s28 =	sadd.s32 $0x80, s26;
	[sflag:s10] =	ssyncadd.s32 $0xFFFFC000  }
0x11a: {  	[tilespmem:s13], [sflag:$0x2] =	stream.indirect.gather [hbm4b:s1+s11], $0x80, s28, s11, $0xb8;
	[tilespmem:$0x1F880] =	vst v63  }
0x11b: {  	_ =	swait.ge [sflag:s14], $0x4000  }
0x11c: {  	[sflag:s14] =	ssyncset.done $0x0  }
0x11d: {  	s28 =	sadd.s32 $0x1400, s26;
	[sflag:s14] =	ssyncadd.s32 $0xFFFFC000  }
0x11e: {  	[spmem:s2] =	stream.indirect.scatter.add.f32 [tilespmem:s12], [sflag:$0x3], $0x80, s28, s11, $0xb8;
	[tilespmem:$0x1F880] =	vst v63  }
0x11f: {  	_ =	swait.ge [sflag:s10], $0x4000  }
0x120: {  	[sflag:s10] =	ssyncset.done $0x0  }
0x121: {  	s28 =	sadd.s32 $0x100, s26;
	[sflag:s10] =	ssyncadd.s32 $0xFFFFC000  }
0x122: {  	[tilespmem:s12], [sflag:$0x1] =	stream.indirect.gather [hbm4b:s1+s11], $0x80, s28, s11, $0xb8;
	[tilespmem:$0x1F880] =	vst v63  }
0x123: {  	_ =	swait.ge [sflag:s15], $0x4000  }
0x124: {  	[sflag:s15] =	ssyncset.done $0x0  }
0x125: {  	s29 =	sadd.s32 $0x1480, s26;
	[sflag:s15] =	ssyncadd.s32 $0xFFFFC000  }
0x126: {  	[spmem:s2] =	stream.indirect.scatter.add.f32 [tilespmem:s13], [sflag:$0x3], $0x80, s29, s11, $0xb8;
	[tilespmem:$0x1F880] =	vst v63  }
0x127: {  	_ =	swait.ge [sflag:s10], $0x4000  }
0x128: {  	[sflag:s10] =	ssyncset.done $0x0  }
0x129: {  	[sflag:s10] =	ssyncadd.s32 $0xFFFFC000  }
0x12a: {  	[tilespmem:s13], [sflag:$0x2] =	stream.indirect.gather [hbm4b:s1+s11], $0x80, s16, s11, $0xb8;
	[tilespmem:$0x1F880] =	vst v63  }
0x12b: {  	_ =	swait.ge [sflag:s14], $0x4000  }
0x12c: {  	[sflag:s14] =	ssyncset.done $0x0  }
0x12d: {  	[sflag:s14] =	ssyncadd.s32 $0xFFFFC000  }
0x12e: {  	[spmem:s2] =	stream.indirect.scatter.add.f32 [tilespmem:s12], [sflag:$0x3], $0x80, s21, s11, $0xb8;
	[tilespmem:$0x1F880] =	vst v63  }
0x12f: {  	_ =	swait.ge [sflag:s10], $0x4000  }
0x130: {  	[sflag:s10] =	ssyncset.done $0x0  }
0x131: {  	[sflag:s10] =	ssyncadd.s32 $0xFFFFC000  }
0x132: {  	_ =	swait.ge [sflag:s15], $0x4000  }
0x133: {  	[sflag:s15] =	ssyncset.done $0x0  }
0x134: {  	[sflag:s15] =	ssyncadd.s32 $0xFFFFC000  }
0x135: {  	[spmem:s2] =	stream.indirect.scatter.add.f32 [tilespmem:s13], [sflag:$0x3], $0x80, s23, s11, $0xb8;
	[tilespmem:$0x1F880] =	vst v63  }
0x136: {  	_ =	swait.ge [sflag:s10], $0x4000  }
0x137: {  	[sflag:s10] =	ssyncset.done $0x0  }
0x138: {  	s30 =	simm.s32 $0x0;
	[sflag:s10] =	ssyncadd.s32 $0xFFFFC000  }
0x139: {  	[tilespmem:s30], [sflag:$0x3] =	stream.linear.gather [hbm4b:s19+s30], $0x1400, $0x38;
	[tilespmem:$0x1F880] =	vst v63  }
0x13a: {  	_ =	swait.ge [sflag:s10], $0x1400  }
0x13b: {  	[sflag:s10] =	ssyncset.done $0x0  }
0x13c: {  	[sflag:s10] =	ssyncadd.s32 $0xFFFFEC00  }
0x13d: {  	[tilespmem:s3], [sflag:$0x3] =	stream.linear.gather [hbm4b:s20+s30], $0x1400, $0x38;
	[tilespmem:$0x1F880] =	vst v63  }
0x13e: {  	_ =	swait.ge [sflag:s10], $0x1400  }
0x13f: {  	[sflag:s10] =	ssyncset.done $0x0  }
0x140: {  	[sflag:s10] =	ssyncadd.s32 $0xFFFFEC00  }
0x141: {  	[tilespmem:s12], [sflag:$0x1] =	stream.indirect.gather [hbm4b:s1+s11], $0x80, s30, s11, $0xb8;
	[tilespmem:$0x1F880] =	vst v63  }
0x142: {  	s31 =	simm.s32 $0x80  }
0x143: {  	[tilespmem:s13], [sflag:$0x2] =	stream.indirect.gather [hbm4b:s1+s11], $0x80, s31, s11, $0xb8;
	[tilespmem:$0x1F880] =	vst v63  }
0x144: {  	_ =	swait.ge [sflag:s14], $0x4000  }
0x145: {  	[sflag:s14] =	ssyncset.done $0x0  }
0x146: {  	s29 =	simm.s32 $0x1400;
	[sflag:s14] =	ssyncadd.s32 $0xFFFFC000  }
0x147: {  	[spmem:s2] =	stream.indirect.scatter.add.f32 [tilespmem:s12], [sflag:$0x3], $0x80, s29, s11, $0xb8;
	[tilespmem:$0x1F880] =	vst v63  }
0x148: {  	_ =	swait.ge [sflag:s10], $0x4000  }
0x149: {  	[sflag:s10] =	ssyncset.done $0x0  }
0x14a: {  	s30 =	simm.s32 $0x100;
	[sflag:s10] =	ssyncadd.s32 $0xFFFFC000  }
0x14b: {  	[tilespmem:s12], [sflag:$0x1] =	stream.indirect.gather [hbm4b:s1+s11], $0x80, s30, s11, $0xb8;
	[tilespmem:$0x1F880] =	vst v63  }
0x14c: {  	_ =	swait.ge [sflag:s15], $0x4000  }
0x14d: {  	[sflag:s15] =	ssyncset.done $0x0  }
0x14e: {  	s31 =	simm.s32 $0x1480;
	[sflag:s15] =	ssyncadd.s32 $0xFFFFC000  }
0x14f: {  	[spmem:s2] =	stream.indirect.scatter.add.f32 [tilespmem:s13], [sflag:$0x3], $0x80, s31, s11, $0xb8;
	[tilespmem:$0x1F880] =	vst v63  }
0x150: {  	_ =	swait.ge [sflag:s10], $0x4000  }
0x151: {  	s26 =	simm.s32 $0x100;
	s28 =	simm.s32 $0x800;
	[sflag:s10] =	ssyncset.done $0x0  }
.LBB2_9:
0x152: {  	s29 =	sadd.s32 $0x80, s26  }
0x153: {  	[sflag:s10] =	ssyncadd.s32 $0xFFFFC000;
	s30 =	smov.u32 s28;
	s31 =	sadd.s32 $0x400, s28  }
0x154: {  	[tilespmem:s13], [sflag:$0x2] =	stream.indirect.gather [hbm4b:s1+s11], $0x80, s29, s11, $0xb8;
	[tilespmem:$0x1F880] =	vst v63  }
0x155: {  	p1 =	sne.s32 s28, $0x4800;
	_ =	swait.ge [sflag:s14], $0x4000  }
0x156: {  	[sflag:s14] =	ssyncset.done $0x0  }
0x157: {  	s28 =	sadd.s32 $0x1400, s26;
	[sflag:s14] =	ssyncadd.s32 $0xFFFFC000  }
0x158: {  	[spmem:s2] =	stream.indirect.scatter.add.f32 [tilespmem:s12], [sflag:$0x3], $0x80, s28, s11, $0xb8;
	[tilespmem:$0x1F880] =	vst v63  }
0x159: {  	_ =	swait.ge [sflag:s10], $0x4000  }
0x15a: {  	[sflag:s10] =	ssyncset.done $0x0  }
0x15b: {  	s28 =	sadd.s32 $0x100, s26;
	[sflag:s10] =	ssyncadd.s32 $0xFFFFC000  }
0x15c: {  	[tilespmem:s12], [sflag:$0x1] =	stream.indirect.gather [hbm4b:s1+s11], $0x80, s28, s11, $0xb8;
	[tilespmem:$0x1F880] =	vst v63  }
0x15d: {  	_ =	swait.ge [sflag:s15], $0x4000  }
.Ltmp4:
0x15e: {  	[sflag:s15] =	ssyncset.done $0x0;
	(pc) =	sbr.rel @p1 .LBB2_9-.Ltmp4, $4  }
0x15f: {  	s26 =	sadd.s32 $0x1480, s26;
	[sflag:s15] =	ssyncadd.s32 $0xFFFFC000  }
0x160: {  	[spmem:s2] =	stream.indirect.scatter.add.f32 [tilespmem:s13], [sflag:$0x3], $0x80, s26, s11, $0xb8;
	[tilespmem:$0x1F880] =	vst v63  }
0x161: {  	_ =	swait.ge [sflag:s10], $0x4000  }
0x162: {  	s28 =	smov.u32 s31;
	s26 =	sshra.s32 s30, $0x2;
	[sflag:s10] =	ssyncset.done $0x0  }
0x163: {  	s28 =	sadd.s32 $0x80, s26;
	[sflag:s10] =	ssyncadd.s32 $0xFFFFC000  }
0x164: {  	[tilespmem:s13], [sflag:$0x2] =	stream.indirect.gather [hbm4b:s1+s11], $0x80, s28, s11, $0xb8;
	[tilespmem:$0x1F880] =	vst v63  }
0x165: {  	_ =	swait.ge [sflag:s14], $0x4000  }
0x166: {  	[sflag:s14] =	ssyncset.done $0x0  }
0x167: {  	s29 =	sadd.s32 $0x1400, s26;
	[sflag:s14] =	ssyncadd.s32 $0xFFFFC000  }
0x168: {  	[spmem:s2] =	stream.indirect.scatter.add.f32 [tilespmem:s12], [sflag:$0x3], $0x80, s29, s11, $0xb8;
	[tilespmem:$0x1F880] =	vst v63  }
0x169: {  	_ =	swait.ge [sflag:s10], $0x4000  }
0x16a: {  	[sflag:s10] =	ssyncset.done $0x0  }
0x16b: {  	s30 =	sadd.s32 $0x100, s26;
	[sflag:s10] =	ssyncadd.s32 $0xFFFFC000  }
0x16c: {  	[tilespmem:s12], [sflag:$0x1] =	stream.indirect.gather [hbm4b:s1+s11], $0x80, s30, s11, $0xb8;
	[tilespmem:$0x1F880] =	vst v63  }
0x16d: {  	_ =	swait.ge [sflag:s15], $0x4000  }
0x16e: {  	[sflag:s15] =	ssyncset.done $0x0  }
0x16f: {  	s31 =	sadd.s32 $0x1480, s26;
	[sflag:s15] =	ssyncadd.s32 $0xFFFFC000  }
0x170: {  	[spmem:s2] =	stream.indirect.scatter.add.f32 [tilespmem:s13], [sflag:$0x3], $0x80, s31, s11, $0xb8;
	[tilespmem:$0x1F880] =	vst v63  }
0x171: {  	_ =	swait.ge [sflag:s10], $0x4000  }
0x172: {  	[sflag:s10] =	ssyncset.done $0x0  }
0x173: {  	[sflag:s10] =	ssyncadd.s32 $0xFFFFC000  }
0x174: {  	[tilespmem:s13], [sflag:$0x2] =	stream.indirect.gather [hbm4b:s1+s11], $0x80, s16, s11, $0xb8;
	[tilespmem:$0x1F880] =	vst v63  }
0x175: {  	_ =	swait.ge [sflag:s14], $0x4000  }
0x176: {  	[sflag:s14] =	ssyncset.done $0x0  }
0x177: {  	[sflag:s14] =	ssyncadd.s32 $0xFFFFC000  }
0x178: {  	[spmem:s2] =	stream.indirect.scatter.add.f32 [tilespmem:s12], [sflag:$0x3], $0x80, s21, s11, $0xb8;
	[tilespmem:$0x1F880] =	vst v63  }
0x179: {  	_ =	swait.ge [sflag:s10], $0x4000  }
0x17a: {  	[sflag:s10] =	ssyncset.done $0x0  }
0x17b: {  	[sflag:s10] =	ssyncadd.s32 $0xFFFFC000  }
0x17c: {  	_ =	swait.ge [sflag:s15], $0x4000  }
0x17d: {  	[sflag:s15] =	ssyncset.done $0x0  }
0x17e: {  	[sflag:s15] =	ssyncadd.s32 $0xFFFFC000  }
0x17f: {  	[spmem:s2] =	stream.indirect.scatter.add.f32 [tilespmem:s13], [sflag:$0x3], $0x80, s23, s11, $0xb8;
	[tilespmem:$0x1F880] =	vst v63  }
0x180: {  	_ =	swait.ge [sflag:s10], $0x4000  }
0x181: {  	[sflag:s10] =	ssyncset.done $0x0  }
0x182: {  	[sflag:s10] =	ssyncadd.s32 $0xFFFFC000  }
0x183: {  	s26 =	sshrl.u32 @p0 s6, $0x3;
	s28 =	simm.s32 @p0 $0x1FC3;
	[bflag:$0x0] =	sbarrier.arrive $0xFFFF  }
0x184: {  	[hbm:s24], [sflag:s28] =	dma.local @p0 [spmem:s26], $0x1900  }
0x185: {  	s26 =	simm.s32 @p0 $0x3  }
0x186: {  	s4 =	sadd.s32 $0x1, s4;
	s28 =	stileid.u32;
	_ =	swait.ge @p0 [sflag:s26], $0x1900  }
0x187: {  	p1 =	sne.s32 s4, s25;
	s28 =	sshll.u32 @!p0 s28, $0x6;
	[sflag:s26] =	ssyncset.done @p0 $0x0  }
0x188: {  	[sflag:s26] =	ssyncadd.s32 @p0 $0xFFFFE700;
	s26 =	sor.u32 @!p0 $0x1C03, s28;
	s28 =	sshrl.u32 @!p0 s5, $0x3  }
0x189: {  	[hbm:s22], [sflag:s26] =	dma.local @!p0 [spmem:s28], $0x2800  }
.Ltmp5:
0x18a: {  	_ = 	snop;
	(pc) =	sbr.rel @p1 .LBB2_1-.Ltmp5, $4  }
0x18b: {  	s26 =	simm.s32 @!p0 $0x3  }
0x18c: {  	_ =	swait.ge @!p0 [sflag:s26], $0x2800  }
0x18d: {  	[sflag:s26] =	ssyncset.done @!p0 $0x0  }
0x18e: {  	[sflag:s26] =	ssyncadd.s32 @!p0 $0xFFFFD800  }
0x18f: {  	_ =	sfence.sel $0x180000  }
0x190: {  	[bflag:$0x0] =	sbarrier.arrive $0xFFFF  }
0x191: {  	_ =	strace $0x90000047  }
0x192: {  	s0 =	stileid.u32;
	[bflag:$0x2] =	sbarrier.arrive $0xFFFF  }
0x193: {  	p0 =	sne.s32 s0, $0x0;
	s0 =	rddreg [dreg:$0x3]  }
0x194: {  	s0 =	sadd.s32 @!p0 $0x100000, s0  }
0x195: {  	[sflag:s0] =	ssyncadd.tile.s32 @!p0 $0x1;
	_ =	shalt  }
.Lfunc_end2:
_tile_overlayer_lowered:
.L_overlay_start_2:
0x196: {  	(tag) =	ssettag $0x2  }
0x197: {  	s0 =	rddreg [dreg:$0x0];
	s2 =	stileid.u32  }
0x198: {  	s1 =	rddreg [dreg:$0x1];
	p0 =	sne.s32 s2, $0x0  }
0x199: {  	s3 =	rddreg [dreg:$0x2];
	[bflag:$0x3] =	sbarrier.arrive $0xFFFF;
	s2 =	simm.s32 @!p0 $0x1C03  }
0x19a: {  	[timem:s3], [sflag:s2] =	dma.local @!p0 [hbm:s0], s1  }
0x19b: {  	s0 =	simm.s32 @!p0 $0x3  }
0x19c: {  	_ =	swait.ge @!p0 [sflag:s0], s1  }
0x19d: {  	s1 =	ssub.s32 @!p0 $0x0, s1;
	[sflag:s0] =	ssyncset.done @!p0 $0x0  }
0x19e: {  	[sflag:s0] =	ssyncadd.s32 @!p0 s1  }
0x19f: {  	[bflag:$0x3] =	sbarrier.arrive $0xFFFF  }
0x1a0: {  	_ =	shalt  }

// kernel: kernel.9.cloned.1.call-start
scs
__scs_entry_jumppad:
0x0: {  	(pc) =	sbr.rel $0x88, $3  }
0x1: {  	(tag) =	ssettag $0x0;
	lr =	simm.s32 $0x1  }
0x2: {  	[smem:$0x3F90] =	sst lr;
	_ =	strace $0xD0000000  }
0x3: {  	_ = 	snop  }
0x4: {  	_ = 	snop  }
0x5: {  	_ = 	snop  }
0x6: {  	_ = 	snop  }
0x7: {  	_ = 	snop  }
__scs_overlays_trampoline_lowered:
0x8: {  	[smem:$0x3F9F] =	sst s0  }
0x9: {  	[smem:$0x3FA0] =	sst s1  }
0xa: {  	[smem:$0x3FA1] =	sst s2  }
0xb: {  	[smem:$0x3FA2] =	sst s3  }
0xc: {  	[smem:$0x3FA3] =	sst s4  }
0xd: {  	[smem:$0x3FA4] =	sst s5  }
0xe: {  	[smem:$0x3FA5] =	sst s6  }
0xf: {  	[smem:$0x3FA6] =	sst s7  }
0x10: {  	[smem:$0x3FA7] =	sst s8  }
0x11: {  	[smem:$0x3FA8] =	sst s9;
	s0 =	simm.s32 @!p0 $0x0  }
0x12: {  	s1 =	sld [smem:$0x3F8E];
	s0 =	simm.s32 @p0 $0x1  }
0x13: {  	[smem:$0x3FA9] =	sst s0;
	s0 =	simm.s32 @!p1 $0x0  }
0x14: {  	s2 =	sld [smem:$0x3F8D];
	s0 =	simm.s32 @p1 $0x1  }
0x15: {  	[smem:$0x3FAA] =	sst s0;
	s0 =	simm.s32 @!p2 $0x0  }
0x16: {  	s3 =	sld [smem:$0x3FDB];
	s0 =	simm.s32 @p2 $0x1  }
0x17: {  	s4 =	simm.s32 $0x1BF5;
	[smem:$0x3FAC] =	sst s0  }
0x18: {  	s0 =	sld [smem:$0x3F8F];
	_ =	swait.ge [sflag:s4], $0x0  }
0x19: {  	s7 =	sld [smem:$0x3F90]  }
0x1a: {  	s8 =	sadd.s32 $0xFFFFE003, lr  }
0x1b: {  	s9 =	sadd.s32 $0xFFFFFEF7, lr;
	s5 =	simm.s32 $0xFFFFFFFF;
	p2 =	slt.u32 s8, $0xFFFFF086  }
0x1c: {  	p1 =	slt.u32 s9, $0xF7A;
	s5 =	simm.s32 @!p2 $0x0  }
0x1d: {  	s5 =	simm.s32 @p1 $0x1;
	p0 =	seq.s32 s7, s2  }
0x1e: {  	s7 =	smul.u32 @!p0 $0xF7A, s2;
	p2 =	seq.s32 @!p0 s5, $0x0  }
0x1f: {  	s9 =	smul.u32 $0xF7A, s1;
	s8 =	simm.s32 @!p0 $0x1BF5;
	p2 =	por !p2, p0  }
0x20: {  	[sflag:s8] =	ssyncset.s32 @!p0 $0xFFFFF086;
	s6 =	sadd.s32 @!p0 s3, s7;
	s7 =	simm.s32 @!p0 $0x108  }
0x21: {  	s3 =	sadd.s32 s3, s9;
	s6 =	sadd.s32 @!p0 $0x88, s6;
	s7 =	simm.s32 @p2 $0x1082  }
0x22: {  	[simem:s7], [sflag:s8] =	dma.local @!p0 [hbm:s6], $0xF7A  }
0x23: {  	s9 =	sor.u32 $0xD0000000, s2;
	s6 =	simm.s32 $0x108;
	_ =	swait.ge @!p0 [sflag:s8], $0x0  }
0x24: {  	s3 =	sadd.s32 $0x88, s3;
	s6 =	simm.s32 @!p1 $0x1082;
	[sflag:s4] =	ssyncset.s32 $0xFFFFF086  }
0x25: {  	[simem:s6], [sflag:s4] =	dma.local [hbm:s3], $0xF7A  }
0x26: {  	[smem:$0x3F90] =	sst s1;
	(tag) =	ssettag s2;
	_ =	strace s9  }
0x27: {  	s1 =	sld [smem:$0x3FA0]  }
0x28: {  	s2 =	sld [smem:$0x3FA1]  }
0x29: {  	s4 =	sld [smem:$0x3FA3]  }
0x2a: {  	p0 =	seq.s32 s5, $0x0;
	s5 =	sld [smem:$0x3FA4]  }
0x2b: {  	s6 =	sld [smem:$0x3FA5]  }
0x2c: {  	s7 =	sld [smem:$0x3FA6]  }
0x2d: {  	s3 =	simm.s32 $0x108;
	s8 =	sld [smem:$0x3FA7]  }
0x2e: {  	s3 =	simm.s32 @!p0 $0x1082;
	s9 =	sld [smem:$0x3FA8]  }
0x2f: {  	lr =	sadd.s32 s0, s3;
	s0 =	sld [smem:$0x3F9F]  }
0x30: {  	s3 =	sld [smem:$0x3FA2]  }
0x31: {  	[smem:$0x3FAB] =	sst s10  }
0x32: {  	s10 =	sld [smem:$0x3FA9];
	_ =	sdelay $0x3  }
0x33: {  	p0 =	seq.s32 s10, $0x1;
	s10 =	sld [smem:$0x3FAB];
	_ =	sdelay $0x3  }
0x34: {  	[smem:$0x3FAB] =	sst s10  }
0x35: {  	s10 =	sld [smem:$0x3FAA];
	_ =	sdelay $0x3  }
0x36: {  	p1 =	seq.s32 s10, $0x1;
	s10 =	sld [smem:$0x3FAB];
	_ =	sdelay $0x3  }
0x37: {  	[smem:$0x3FAB] =	sst s10  }
0x38: {  	s10 =	sld [smem:$0x3FAC]  }
0x39: {  	_ = 	snop;
	(pc) =	sbr.ind lr, $3  }
0x3a: {  	_ = 	snop  }
0x3b: {  	_ = 	snop  }
0x3c: {  	p2 =	seq.s32 s10, $0x1;
	s10 =	sld [smem:$0x3FAB]  }
0x3d: {  	_ =	shalt  }
0x3e: {  	_ =	shalt  }
0x3f: {  	_ =	shalt  }
0x40: {  	_ =	shalt  }
0x41: {  	_ =	shalt  }
0x42: {  	_ =	shalt  }
0x43: {  	_ =	shalt  }
0x44: {  	_ =	shalt  }
0x45: {  	_ =	shalt  }
0x46: {  	_ =	shalt  }
0x47: {  	_ =	shalt  }
0x48: {  	_ =	shalt  }
0x49: {  	_ =	shalt  }
0x4a: {  	_ =	shalt  }
0x4b: {  	_ =	shalt  }
0x4c: {  	_ =	shalt  }
0x4d: {  	_ =	shalt  }
0x4e: {  	_ =	shalt  }
0x4f: {  	_ =	shalt  }
0x50: {  	_ =	shalt  }
0x51: {  	_ =	shalt  }
0x52: {  	_ =	shalt  }
0x53: {  	_ =	shalt  }
0x54: {  	_ =	shalt  }
0x55: {  	_ =	shalt  }
0x56: {  	_ =	shalt  }
0x57: {  	_ =	shalt  }
0x58: {  	_ =	shalt  }
0x59: {  	_ =	shalt  }
0x5a: {  	_ =	shalt  }
0x5b: {  	_ =	shalt  }
0x5c: {  	_ =	shalt  }
0x5d: {  	_ =	shalt  }
0x5e: {  	_ =	shalt  }
0x5f: {  	_ =	shalt  }
0x60: {  	_ =	shalt  }
0x61: {  	_ =	shalt  }
0x62: {  	_ =	shalt  }
0x63: {  	_ =	shalt  }
0x64: {  	_ =	shalt  }
0x65: {  	_ =	shalt  }
0x66: {  	_ =	shalt  }
0x67: {  	_ =	shalt  }
0x68: {  	_ =	shalt  }
0x69: {  	_ =	shalt  }
0x6a: {  	_ =	shalt  }
0x6b: {  	_ =	shalt  }
0x6c: {  	_ =	shalt  }
0x6d: {  	_ =	shalt  }
0x6e: {  	_ =	shalt  }
0x6f: {  	_ =	shalt  }
0x70: {  	_ =	shalt  }
0x71: {  	_ =	shalt  }
0x72: {  	_ =	shalt  }
0x73: {  	_ =	shalt  }
0x74: {  	_ =	shalt  }
0x75: {  	_ =	shalt  }
0x76: {  	_ =	shalt  }
0x77: {  	_ =	shalt  }
0x78: {  	_ =	shalt  }
0x79: {  	_ =	shalt  }
0x7a: {  	_ =	shalt  }
0x7b: {  	_ =	shalt  }
0x7c: {  	_ =	shalt  }
0x7d: {  	_ =	shalt  }
0x7e: {  	_ =	shalt  }
0x7f: {  	_ =	shalt  }
0x80: {  	_ =	shalt  }
0x81: {  	_ =	shalt  }
0x82: {  	_ =	shalt  }
0x83: {  	_ =	shalt  }
0x84: {  	_ =	shalt  }
0x85: {  	_ =	shalt  }
0x86: {  	_ =	shalt  }
0x87: {  	_ =	shalt  }
.Lfunc_end0:
.L_simem_size_0:
called_computation.1_lowered:
.L_overlay_start_0:
0x88: {  	s2 =	sld [smem:$0x3FD9]  }
0x89: {  	s3 =	sld [smem:$0x3FFE];
	_ =	sdelay $0x1  }
0x8a: {  	s1 =	srdreg.scid  }
0x8b: {  	s0 =	sand.u32 $0x1, s1  }
0x8c: {  	s17 =	sshll.u32 s0, $0xA;
	s2 =	sadd.s32 s3, s2  }
0x8d: {  	s2 =	sadd.s32 s2, s17  }
0x8e: {  	[smem:$0x3FB7] =	sst s2  }
0x8f: {  	_ = 	snop  }
0x90: {  	s2 =	sld [smem:$0x3FD0];
	(tm) =	ssettm $0x1  }
0x91: {  	s18 =	sld [smem:$0x3FFB];
	_ =	sdelay $0x3  }
0x92: {  	_ =	strace s18  }
0x93: {  	s3 =	sld [smem:$0x3FFC];
	_ =	sdelay $0x3  }
0x94: {  	_ =	strace s3  }
0x95: {  	s3 =	sld [smem:$0x3FFD];
	_ =	sdelay $0x3  }
0x96: {  	_ =	strace s3  }
0x97: {  	_ =	strace $0x8FFFFFFF  }
0x98: {  	s19 =	sld [smem:$0x3FDB];
	_ =	sdelay $0x1  }
0x99: {  	s4 =	simm.s32 $_scs_section_size  }
0x9a: {  	s5 =	simm.s32 $_size__tile_overlayer_lowered;
	s6 =	simm.s32 $_tile_overlayer_lowered  }
0x9b: {  	s22 =	simm.s32 $0x1BFF;
	s21 =	sshll.u32 s6, $0x1;
	s3 =	sadd.s32 s4, s19  }
0x9c: {  	s7 =	simm.s32 $0x0;
	s20 =	sshll.u32 s5, $0x1;
	s5 =	sadd.s32 s21, s3  }
0x9d: {  	[timem:s7], [sflag:s22] =	dma.local [hbm:s5], s20  }
0x9e: {  	_ =	swait.ge [sflag:s22], s20  }
0x9f: {  	s4 =	ssub.s32 $0x0, s20;
	[sflag:s22] =	ssyncset.done $0x0  }
0xa0: {  	[sflag:s22] =	ssyncadd.s32 s4;
	_ =	sdelay $0x1  }
0xa1: {  	s23 =	simm.s32 $0x1B8B  }
0xa2: {  	_ =	swait.ge [sflag:s23], $0x1  }
0xa3: {  	[sflag:s23] =	ssyncset.done $0x0  }
0xa4: {  	s25 =	simm.s32 $0x1B8E;
	s24 =	sld [smem:$0x3FFE];
	[sflag:s23] =	ssyncadd.s32 $0xFFFFFFFF  }
0xa5: {  	s26 =	simm.s32 $execute0_lowered;
	[smem:$0x3FD2] =	sst s25  }
0xa6: {  	s5 =	sshll.u32 s26, $0x1;
	_ =	strace $0x80000049;
	[dreg:$0x1] =	wrdreg $0xFFFFFFFF  }
0xa7: {  	s28 =	simm.s32 $_size_execute0_lowered;
	s3 =	sadd.s32 s3, s5;
	[dreg:$0x0] =	wrdreg $0x0  }
0xa8: {  	s5 =	sshll.u32 s28, $0x1;
	[dreg:$0x2] =	wrdreg s3  }
0xa9: {  	[dreg:$0x3] =	wrdreg s5  }
0xaa: {  	[dreg:$0x4] =	wrdreg $0xC0  }
0xab: {  	_ =	task [dreg:s7], $0x5FFFF  }
0xac: {  	[dreg:$0x1] =	wrdreg $0xFFFFFFFF  }
0xad: {  	[dreg:$0x0] =	wrdreg $0x60  }
0xae: {  	[dreg:$0x2] =	wrdreg s2  }
0xaf: {  	[dreg:$0x3] =	wrdreg s24  }
0xb0: {  	[dreg:$0x4] =	wrdreg $0xB8000  }
0xb1: {  	[dreg:$0x5] =	wrdreg $0x9  }
0xb2: {  	_ =	task.clear_ibuf [dreg:s7], $0x6FFFF;
	_ =	strace $0x90000049  }
0xb3: {  	s29 =	simm.s32 $0x9;
	_ =	strace $0x8000004B  }
0xb4: {  	_ =	swait.ge [sflag:s29], $0x1  }
0xb5: {  	[sflag:s29] =	ssyncadd.s32 $0xFFFFFFFF  }
0xb6: {  	_ =	strace $0x9000004B  }
0xb7: {  	_ =	sfence  }
0xb8: {  	s30 =	sld [smem:$0x0];
	_ =	sdelay $0x2  }
0xb9: {  	s31 =	sshll.u32 s1, $0xD;
	s1 =	sshrl.u32 s1, $0x2  }
0xba: {  	s3 =	sand.u32 $0x4000, s31;
	s1 =	sadd.s32 s1, s30  }
0xbb: {  	s0 =	sor.u32 s3, s0;
	s1 =	sshll.u32 s1, $0x11  }
0xbc: {  	s0 =	sor.u32 s1, s0  }
0xbd: {  	s0 =	sadd.s32 $0x8F2B, s0  }
0xbe: {  	[sflag:s0] =	ssyncadd.remote.s32 $0x1  }
0xbf: {  	_ =	sfence.sel $0xFFFF  }
0xc0: {  	[dreg:$0x0] =	wrdreg $0xFFFFFFFF;
	(pc) =	sbr.abs _section_cstart, $3  }
0xc1: {  	[dreg:$0x1] =	wrdreg $0xFFFFFFFF  }
0xc2: {  	_ =	task.clear_ibuf [dreg:s7], $0x2FFFF;
	_ =	strace $0x9FFFFFFF  }
0xc3: {  	(tm) =	ssettm $0x7FFFFFFF  }
tec
execute0_lowered:
.L_overlay_start_1:
0x0: {  	(tag) =	ssettag $0x1  }
0x1: {  	s1 =	rddreg [dreg:$0x0]  }
0x2: {  	s0 =	rddreg [dreg:$0x1]  }
0x3: {  	s2 =	rddreg [dreg:$0x2];
	s4 =	simm.s32 $0x0;
	s3 =	srdreg.scid  }
0x4: {  	s12 =	stileid.u32;
	[smem:$0x7FF] =	sst s4  }
0x5: {  	s3 =	sand.u32 $0x1, s3;
	s5 =	smul.u32 $0x50000, s12;
	s10 =	sshll.u32 s12, $0x1  }
0x6: {  	s23 =	smul.u32 $0x14000, s12;
	p0 =	seq.s32 s12, $0xF;
	s12 =	sadd.s32 $0x132000, s2  }
0x7: {  	_ =	strace $0x8000004A;
	s8 =	ssub.s32 $0x2, s3;
	s31 =	sor.u32 s3, s10  }
0x8: {  	s3 =	smul.u32 $0x138800, s3;
	s10 =	sadd.s32 $0x130000, s2;
	[dreg:$0x1c] =	wrdreg s12  }
0x9: {  	s5 =	sshrl.u32 s5, $0x2;
	[dreg:$0x1a] =	wrdreg s10  }
0xa: {  	s5 =	sadd.s32 s5, s2;
	s24 =	sadd.s32 s23, s3;
	s23 =	sadd.s32 $0x138000, s2  }
0xb: {  	s13 =	sadd.s32 $0x1000, s5;
	[smem:$0x7F8] =	sst s23  }
0xc: {  	s14 =	sadd.s32 $0x2000, s5;
	[dreg:$0x4] =	wrdreg s13  }
0xd: {  	s15 =	sadd.s32 $0x3000, s5;
	[dreg:$0x5] =	wrdreg s14  }
0xe: {  	s16 =	sadd.s32 $0x4000, s5;
	[dreg:$0x6] =	wrdreg s15  }
0xf: {  	s17 =	sadd.s32 $0x5000, s5;
	[dreg:$0x7] =	wrdreg s16  }
0x10: {  	s11 =	sadd.s32 $0x6000, s5;
	[dreg:$0x8] =	wrdreg s17  }
0x11: {  	s19 =	sadd.s32 $0x7000, s5;
	[dreg:$0x9] =	wrdreg s11  }
0x12: {  	s20 =	sadd.s32 $0x8000, s5;
	[dreg:$0xa] =	wrdreg s19  }
0x13: {  	s21 =	sadd.s32 $0x9000, s5;
	[dreg:$0xb] =	wrdreg s20  }
0x14: {  	s22 =	sadd.s32 $0xA000, s5;
	[dreg:$0xc] =	wrdreg s21  }
0x15: {  	s25 =	sadd.s32 $0xC000, s5;
	[dreg:$0xd] =	wrdreg s22  }
0x16: {  	s26 =	sadd.s32 $0xD000, s5;
	[dreg:$0xf] =	wrdreg s25  }
0x17: {  	s9 =	sshrl.u32 s8, $0x1;
	s28 =	sadd.s32 $0xE000, s5;
	[dreg:$0x10] =	wrdreg s26  }
0x18: {  	s18 =	smul.u32 $0x500, s31;
	s29 =	sadd.s32 $0xF000, s5;
	[dreg:$0x11] =	wrdreg s28  }
0x19: {  	s8 =	ssub.s32 s8, s9;
	s30 =	sadd.s32 $0x10000, s5;
	[dreg:$0x12] =	wrdreg s29  }
0x1a: {  	s9 =	smul.u32 $0x2800, s31;
	s31 =	sadd.s32 $0x11000, s5;
	[dreg:$0x13] =	wrdreg s30  }
0x1b: {  	s13 =	sadd.s32 $0xB000, s5;
	[dreg:$0x14] =	wrdreg s31  }
0x1c: {  	s25 =	smax.u32 s8, $0x1;
	s8 =	sadd.s32 $0x12E000, s2;
	[dreg:$0xe] =	wrdreg s13  }
0x1d: {  	s6 =	sadd.s32 $0x2E00, s0;
	s11 =	sadd.s32 $0x131000, s2;
	[dreg:$0x18] =	wrdreg s8  }
0x1e: {  	s7 =	sadd.s32 $0xCE00, s0;
	s14 =	sadd.s32 $0x134000, s2;
	[dreg:$0x1b] =	wrdreg s11  }
0x1f: {  	s0 =	sadd.s32 $0x16E00, s0;
	s15 =	sadd.s32 $0x135000, s2;
	[dreg:$0x1e] =	wrdreg s14  }
0x20: {  	s12 =	simm.s32 $0x2800;
	s16 =	sadd.s32 $0x136000, s2;
	[dreg:$0x1f] =	wrdreg s15  }
0x21: {  	s10 =	simm.s32 $0x3;
	s21 =	sadd.s32 $0x137000, s2;
	[smem:$0x7F6] =	sst s16  }
0x22: {  	s3 =	sshrl.u32 s3, $0x3;
	s26 =	sadd.s32 $0x139000, s2;
	[smem:$0x7F7] =	sst s21  }
0x23: {  	s23 =	simm.s32 $0x2780;
	s28 =	sadd.s32 $0x13A000, s2;
	[smem:$0x7F9] =	sst s26  }
0x24: {  	s9 =	sshrl.u32 s9, $0x3;
	s29 =	sadd.s32 $0x13B000, s2;
	[smem:$0x7FA] =	sst s28  }
0x25: {  	s17 =	sadd.s32 s6, s18;
	s30 =	sadd.s32 $0x13C000, s2;
	[smem:$0x7FB] =	sst s29  }
0x26: {  	s18 =	sadd.s32 s7, s18;
	s31 =	sadd.s32 $0x13D000, s2;
	[smem:$0x7FC] =	sst s30  }
0x27: {  	s9 =	sadd.s32 $0x280, s9;
	s13 =	sadd.s32 $0x133000, s2;
	[smem:$0x7FD] =	sst s31  }
0x28: {  	s8 =	sadd.s32 $0x140000, s2;
	s11 =	simm.s32 $0x80;
	s14 =	simm.s32 $0x1  }
0x29: {  	s15 =	simm.s32 $0x2;
	s16 =	simm.s32 $0x1380;
	s21 =	simm.s32 $0x2700  }
0x2a: {  	s19 =	sadd.s32 s6, s9;
	s20 =	sadd.s32 s7, s9;
	s6 =	sshrl.u32 s24, $0x3  }
0x2b: {  	s7 =	sadd.s32 $0x12D000, s2;
	s9 =	sadd.s32 $0x12F000, s2;
	[dreg:$0x1d] =	wrdreg s13  }
0x2c: {  	s13 =	simm.s32 $0x6800;
	s22 =	sadd.s32 s0, s6;
	[dreg:$0x17] =	wrdreg s7  }
0x2d: {  	s0 =	sadd.s32 s0, s3;
	s3 =	sadd.s32 $0x12000, s5;
	[dreg:$0x19] =	wrdreg s9  }
0x2e: {  	s6 =	sadd.s32 $0x13000, s5;
	s7 =	sadd.s32 $0x13F000, s2;
	[dreg:$0x15] =	wrdreg s3  }
0x2f: {  	s9 =	simm.s32 $0xA800;
	s24 =	sadd.s32 $0x25800, s0;
	[dreg:$0x16] =	wrdreg s6  }
0x30: {  	v0 =	vimm.f32 $0.0e+00;
	s6 =	sadd.s32 $0x12C000, s2;
	s0 =	sadd.s32 $0x13E000, s2;
	s3 =	simm.s32 $0x1400  }
.LBB2_1:
0x31: {  	s26 =	simm.s32 $0x0;
	s28 =	simm.s32 $0x200  }
.LBB2_2:
0x32: {  	p1 =	sne.s32 s28, $0x3E00;
	[tilespmem:s26+$0xA870] =	vst v0  }
0x33: {  	[tilespmem:s26+$0xA800] =	vst v0  }
0x34: {  	[tilespmem:s26+$0xA810] =	vst v0  }
.Ltmp0:
0x35: {  	[tilespmem:s26+$0xA820] =	vst v0;
	(pc) =	sbr.rel @p1 .LBB2_2-.Ltmp0, $4  }
0x36: {  	[tilespmem:s26+$0xA830] =	vst v0  }
0x37: {  	[tilespmem:s26+$0xA840] =	vst v0  }
0x38: {  	[tilespmem:s26+$0xA850] =	vst v0  }
0x39: {  	[tilespmem:s26+$0xA860] =	vst v0;
	s26 =	sshra.s32 s28, $0x2;
	s28 =	sadd.s32 $0x200, s28  }
0x3a: {  	[tilespmem:s26+$0xA870] =	vst v0  }
0x3b: {  	[tilespmem:s26+$0xA800] =	vst v0  }
0x3c: {  	[tilespmem:s26+$0xA810] =	vst v0  }
.Ltmp1:
0x3d: {  	[tilespmem:s26+$0xA820] =	vst v0;
	(pc) =	sbr.rel @!p0 .LBB2_4-.Ltmp1, $4  }
0x3e: {  	[tilespmem:s26+$0xA830] =	vst v0  }
0x3f: {  	[tilespmem:s26+$0xA840] =	vst v0  }
0x40: {  	[tilespmem:s26+$0xA850] =	vst v0  }
0x41: {  	[tilespmem:s26+$0xA860] =	vst v0  }
0x42: {  	[spmem:s6] =	stream.linear.scatter [tilespmem:s9], [sflag:$0x3], $0x1000, $0x38;
	[tilespmem:$0x1F880] =	vst v63  }
0x43: {  	_ =	swait.ge [sflag:s10], $0x1000  }
0x44: {  	[sflag:s10] =	ssyncset.done $0x0  }
0x45: {  	s26 =	rddreg [dreg:$0x17];
	[sflag:s10] =	ssyncadd.s32 $0xFFFFF000  }
0x46: {  	[spmem:s26] =	stream.linear.scatter [tilespmem:s9], [sflag:$0x3], $0x1000, $0x38;
	[tilespmem:$0x1F880] =	vst v63  }
0x47: {  	_ =	swait.ge [sflag:s10], $0x1000  }
0x48: {  	[sflag:s10] =	ssyncset.done $0x0  }
0x49: {  	s28 =	rddreg [dreg:$0x18];
	[sflag:s10] =	ssyncadd.s32 $0xFFFFF000  }
0x4a: {  	[spmem:s28] =	stream.linear.scatter [tilespmem:s9], [sflag:$0x3], $0x1000, $0x38;
	[tilespmem:$0x1F880] =	vst v63  }
0x4b: {  	_ =	swait.ge [sflag:s10], $0x1000  }
0x4c: {  	[sflag:s10] =	ssyncset.done $0x0  }
0x4d: {  	s29 =	rddreg [dreg:$0x19];
	[sflag:s10] =	ssyncadd.s32 $0xFFFFF000  }
0x4e: {  	[spmem:s29] =	stream.linear.scatter [tilespmem:s9], [sflag:$0x3], $0x1000, $0x38;
	[tilespmem:$0x1F880] =	vst v63  }
0x4f: {  	_ =	swait.ge [sflag:s10], $0x1000  }
0x50: {  	[sflag:s10] =	ssyncset.done $0x0  }
0x51: {  	s30 =	rddreg [dreg:$0x1a];
	[sflag:s10] =	ssyncadd.s32 $0xFFFFF000  }
0x52: {  	[spmem:s30] =	stream.linear.scatter [tilespmem:s9], [sflag:$0x3], $0x1000, $0x38;
	[tilespmem:$0x1F880] =	vst v63  }
0x53: {  	_ =	swait.ge [sflag:s10], $0x1000  }
0x54: {  	[sflag:s10] =	ssyncset.done $0x0  }
0x55: {  	s31 =	rddreg [dreg:$0x1b];
	[sflag:s10] =	ssyncadd.s32 $0xFFFFF000  }
0x56: {  	[spmem:s31] =	stream.linear.scatter [tilespmem:s9], [sflag:$0x3], $0x1000, $0x38;
	[tilespmem:$0x1F880] =	vst v63  }
0x57: {  	_ =	swait.ge [sflag:s10], $0x1000  }
0x58: {  	[sflag:s10] =	ssyncset.done $0x0  }
0x59: {  	s28 =	rddreg [dreg:$0x1c];
	[sflag:s10] =	ssyncadd.s32 $0xFFFFF000  }
0x5a: {  	[spmem:s28] =	stream.linear.scatter [tilespmem:s9], [sflag:$0x3], $0x1000, $0x38;
	[tilespmem:$0x1F880] =	vst v63  }
0x5b: {  	_ =	swait.ge [sflag:s10], $0x1000  }
0x5c: {  	[sflag:s10] =	ssyncset.done $0x0  }
0x5d: {  	s29 =	rddreg [dreg:$0x1d];
	[sflag:s10] =	ssyncadd.s32 $0xFFFFF000  }
0x5e: {  	[spmem:s29] =	stream.linear.scatter [tilespmem:s9], [sflag:$0x3], $0x1000, $0x38;
	[tilespmem:$0x1F880] =	vst v63  }
0x5f: {  	_ =	swait.ge [sflag:s10], $0x1000  }
0x60: {  	[sflag:s10] =	ssyncset.done $0x0  }
0x61: {  	s30 =	rddreg [dreg:$0x1e];
	[sflag:s10] =	ssyncadd.s32 $0xFFFFF000  }
0x62: {  	[spmem:s30] =	stream.linear.scatter [tilespmem:s9], [sflag:$0x3], $0x1000, $0x38;
	[tilespmem:$0x1F880] =	vst v63  }
0x63: {  	_ =	swait.ge [sflag:s10], $0x1000  }
0x64: {  	[sflag:s10] =	ssyncset.done $0x0  }
0x65: {  	s31 =	rddreg [dreg:$0x1f];
	[sflag:s10] =	ssyncadd.s32 $0xFFFFF000  }
0x66: {  	[spmem:s31] =	stream.linear.scatter [tilespmem:s9], [sflag:$0x3], $0x1000, $0x38;
	[tilespmem:$0x1F880] =	vst v63  }
0x67: {  	_ =	swait.ge [sflag:s10], $0x1000  }
0x68: {  	s28 =	sld [smem:$0x7F6]  }
0x69: {  	[sflag:s10] =	ssyncset.done $0x0  }
0x6a: {  	[sflag:s10] =	ssyncadd.s32 $0xFFFFF000  }
0x6b: {  	[spmem:s28] =	stream.linear.scatter [tilespmem:s9], [sflag:$0x3], $0x1000, $0x38;
	[tilespmem:$0x1F880] =	vst v63  }
0x6c: {  	_ =	swait.ge [sflag:s10], $0x1000  }
0x6d: {  	s29 =	sld [smem:$0x7F7]  }
0x6e: {  	[sflag:s10] =	ssyncset.done $0x0  }
0x6f: {  	[sflag:s10] =	ssyncadd.s32 $0xFFFFF000  }
0x70: {  	[spmem:s29] =	stream.linear.scatter [tilespmem:s9], [sflag:$0x3], $0x1000, $0x38;
	[tilespmem:$0x1F880] =	vst v63  }
0x71: {  	_ =	swait.ge [sflag:s10], $0x1000  }
0x72: {  	s30 =	sld [smem:$0x7F8]  }
0x73: {  	[sflag:s10] =	ssyncset.done $0x0  }
0x74: {  	[sflag:s10] =	ssyncadd.s32 $0xFFFFF000  }
0x75: {  	[spmem:s30] =	stream.linear.scatter [tilespmem:s9], [sflag:$0x3], $0x1000, $0x38;
	[tilespmem:$0x1F880] =	vst v63  }
0x76: {  	_ =	swait.ge [sflag:s10], $0x1000  }
0x77: {  	s31 =	sld [smem:$0x7F9]  }
0x78: {  	[sflag:s10] =	ssyncset.done $0x0  }
0x79: {  	[sflag:s10] =	ssyncadd.s32 $0xFFFFF000  }
0x7a: {  	[spmem:s31] =	stream.linear.scatter [tilespmem:s9], [sflag:$0x3], $0x1000, $0x38;
	[tilespmem:$0x1F880] =	vst v63  }
0x7b: {  	_ =	swait.ge [sflag:s10], $0x1000  }
0x7c: {  	s28 =	sld [smem:$0x7FA]  }
0x7d: {  	[sflag:s10] =	ssyncset.done $0x0  }
0x7e: {  	[sflag:s10] =	ssyncadd.s32 $0xFFFFF000  }
0x7f: {  	[spmem:s28] =	stream.linear.scatter [tilespmem:s9], [sflag:$0x3], $0x1000, $0x38;
	[tilespmem:$0x1F880] =	vst v63  }
0x80: {  	_ =	swait.ge [sflag:s10], $0x1000  }
0x81: {  	s29 =	sld [smem:$0x7FB]  }
0x82: {  	[sflag:s10] =	ssyncset.done $0x0  }
0x83: {  	[sflag:s10] =	ssyncadd.s32 $0xFFFFF000  }
0x84: {  	[spmem:s29] =	stream.linear.scatter [tilespmem:s9], [sflag:$0x3], $0x1000, $0x38;
	[tilespmem:$0x1F880] =	vst v63  }
0x85: {  	_ =	swait.ge [sflag:s10], $0x1000  }
0x86: {  	s30 =	sld [smem:$0x7FC]  }
0x87: {  	[sflag:s10] =	ssyncset.done $0x0  }
0x88: {  	[sflag:s10] =	ssyncadd.s32 $0xFFFFF000  }
0x89: {  	[spmem:s30] =	stream.linear.scatter [tilespmem:s9], [sflag:$0x3], $0x1000, $0x38;
	[tilespmem:$0x1F880] =	vst v63  }
0x8a: {  	_ =	swait.ge [sflag:s10], $0x1000  }
0x8b: {  	s31 =	sld [smem:$0x7FD]  }
0x8c: {  	[sflag:s10] =	ssyncset.done $0x0  }
0x8d: {  	[sflag:s10] =	ssyncadd.s32 $0xFFFFF000  }
0x8e: {  	[spmem:s31] =	stream.linear.scatter [tilespmem:s9], [sflag:$0x3], $0x1000, $0x38;
	[tilespmem:$0x1F880] =	vst v63  }
0x8f: {  	_ =	swait.ge [sflag:s10], $0x1000  }
0x90: {  	[sflag:s10] =	ssyncset.done $0x0  }
0x91: {  	[sflag:s10] =	ssyncadd.s32 $0xFFFFF000  }
0x92: {  	[spmem:s0] =	stream.linear.scatter [tilespmem:s9], [sflag:$0x3], $0x1000, $0x38;
	[tilespmem:$0x1F880] =	vst v63  }
0x93: {  	_ =	swait.ge [sflag:s10], $0x1000  }
0x94: {  	[sflag:s10] =	ssyncset.done $0x0  }
0x95: {  	[sflag:s10] =	ssyncadd.s32 $0xFFFFF000  }
0x96: {  	[spmem:s7] =	stream.linear.scatter [tilespmem:s9], [sflag:$0x3], $0x1000, $0x38;
	[tilespmem:$0x1F880] =	vst v63  }
0x97: {  	_ =	swait.ge [sflag:s10], $0x1000  }
0x98: {  	[sflag:s10] =	ssyncset.done $0x0  }
.Ltmp2:
0x99: {  	[sflag:s10] =	ssyncadd.s32 $0xFFFFF000;
	(pc) =	sbr.rel .LBB2_6-.Ltmp2, $4  }
0x9a: {  	[spmem:s8] =	stream.linear.scatter [tilespmem:s9], [sflag:$0x3], $0x800, $0x38;
	[tilespmem:$0x1F880] =	vst v63  }
0x9b: {  	_ =	swait.ge [sflag:s10], $0x800  }
0x9c: {  	[sflag:s10] =	ssyncset.done $0x0  }
0x9d: {  	[sflag:s10] =	ssyncadd.s32 $0xFFFFF800  }
.LBB2_4:
0x9e: {  	[spmem:s5] =	stream.linear.scatter [tilespmem:s9], [sflag:$0x3], $0x1000, $0x38;
	[tilespmem:$0x1F880] =	vst v63  }
0x9f: {  	_ =	swait.ge [sflag:s10], $0x1000  }
0xa0: {  	[sflag:s10] =	ssyncset.done $0x0  }
0xa1: {  	s26 =	rddreg [dreg:$0x4];
	[sflag:s10] =	ssyncadd.s32 $0xFFFFF000  }
0xa2: {  	[spmem:s26] =	stream.linear.scatter [tilespmem:s9], [sflag:$0x3], $0x1000, $0x38;
	[tilespmem:$0x1F880] =	vst v63  }
0xa3: {  	_ =	swait.ge [sflag:s10], $0x1000  }
0xa4: {  	[sflag:s10] =	ssyncset.done $0x0  }
0xa5: {  	s30 =	rddreg [dreg:$0x5];
	[sflag:s10] =	ssyncadd.s32 $0xFFFFF000  }
0xa6: {  	[spmem:s30] =	stream.linear.scatter [tilespmem:s9], [sflag:$0x3], $0x1000, $0x38;
	[tilespmem:$0x1F880] =	vst v63  }
0xa7: {  	_ =	swait.ge [sflag:s10], $0x1000  }
0xa8: {  	[sflag:s10] =	ssyncset.done $0x0  }
0xa9: {  	s31 =	rddreg [dreg:$0x6];
	[sflag:s10] =	ssyncadd.s32 $0xFFFFF000  }
0xaa: {  	[spmem:s31] =	stream.linear.scatter [tilespmem:s9], [sflag:$0x3], $0x1000, $0x38;
	[tilespmem:$0x1F880] =	vst v63  }
0xab: {  	_ =	swait.ge [sflag:s10], $0x1000  }
0xac: {  	[sflag:s10] =	ssyncset.done $0x0  }
0xad: {  	s28 =	rddreg [dreg:$0x7];
	[sflag:s10] =	ssyncadd.s32 $0xFFFFF000  }
0xae: {  	[spmem:s28] =	stream.linear.scatter [tilespmem:s9], [sflag:$0x3], $0x1000, $0x38;
	[tilespmem:$0x1F880] =	vst v63  }
0xaf: {  	_ =	swait.ge [sflag:s10], $0x1000  }
0xb0: {  	[sflag:s10] =	ssyncset.done $0x0  }
0xb1: {  	s29 =	rddreg [dreg:$0x8];
	[sflag:s10] =	ssyncadd.s32 $0xFFFFF000  }
0xb2: {  	[spmem:s29] =	stream.linear.scatter [tilespmem:s9], [sflag:$0x3], $0x1000, $0x38;
	[tilespmem:$0x1F880] =	vst v63  }
0xb3: {  	_ =	swait.ge [sflag:s10], $0x1000  }
0xb4: {  	[sflag:s10] =	ssyncset.done $0x0  }
0xb5: {  	s30 =	rddreg [dreg:$0x9];
	[sflag:s10] =	ssyncadd.s32 $0xFFFFF000  }
0xb6: {  	[spmem:s30] =	stream.linear.scatter [tilespmem:s9], [sflag:$0x3], $0x1000, $0x38;
	[tilespmem:$0x1F880] =	vst v63  }
0xb7: {  	_ =	swait.ge [sflag:s10], $0x1000  }
0xb8: {  	[sflag:s10] =	ssyncset.done $0x0  }
0xb9: {  	s31 =	rddreg [dreg:$0xa];
	[sflag:s10] =	ssyncadd.s32 $0xFFFFF000  }
0xba: {  	[spmem:s31] =	stream.linear.scatter [tilespmem:s9], [sflag:$0x3], $0x1000, $0x38;
	[tilespmem:$0x1F880] =	vst v63  }
0xbb: {  	_ =	swait.ge [sflag:s10], $0x1000  }
0xbc: {  	[sflag:s10] =	ssyncset.done $0x0  }
0xbd: {  	s28 =	rddreg [dreg:$0xb];
	[sflag:s10] =	ssyncadd.s32 $0xFFFFF000  }
0xbe: {  	[spmem:s28] =	stream.linear.scatter [tilespmem:s9], [sflag:$0x3], $0x1000, $0x38;
	[tilespmem:$0x1F880] =	vst v63  }
0xbf: {  	_ =	swait.ge [sflag:s10], $0x1000  }
0xc0: {  	[sflag:s10] =	ssyncset.done $0x0  }
0xc1: {  	s29 =	rddreg [dreg:$0xc];
	[sflag:s10] =	ssyncadd.s32 $0xFFFFF000  }
0xc2: {  	[spmem:s29] =	stream.linear.scatter [tilespmem:s9], [sflag:$0x3], $0x1000, $0x38;
	[tilespmem:$0x1F880] =	vst v63  }
0xc3: {  	_ =	swait.ge [sflag:s10], $0x1000  }
0xc4: {  	[sflag:s10] =	ssyncset.done $0x0  }
0xc5: {  	s30 =	rddreg [dreg:$0xd];
	[sflag:s10] =	ssyncadd.s32 $0xFFFFF000  }
0xc6: {  	[spmem:s30] =	stream.linear.scatter [tilespmem:s9], [sflag:$0x3], $0x1000, $0x38;
	[tilespmem:$0x1F880] =	vst v63  }
0xc7: {  	_ =	swait.ge [sflag:s10], $0x1000  }
0xc8: {  	[sflag:s10] =	ssyncset.done $0x0  }
0xc9: {  	s31 =	rddreg [dreg:$0xe];
	[sflag:s10] =	ssyncadd.s32 $0xFFFFF000  }
0xca: {  	[spmem:s31] =	stream.linear.scatter [tilespmem:s9], [sflag:$0x3], $0x1000, $0x38;
	[tilespmem:$0x1F880] =	vst v63  }
0xcb: {  	_ =	swait.ge [sflag:s10], $0x1000  }
0xcc: {  	[sflag:s10] =	ssyncset.done $0x0  }
0xcd: {  	s28 =	rddreg [dreg:$0xf];
	[sflag:s10] =	ssyncadd.s32 $0xFFFFF000  }
0xce: {  	[spmem:s28] =	stream.linear.scatter [tilespmem:s9], [sflag:$0x3], $0x1000, $0x38;
	[tilespmem:$0x1F880] =	vst v63  }
0xcf: {  	_ =	swait.ge [sflag:s10], $0x1000  }
0xd0: {  	[sflag:s10] =	ssyncset.done $0x0  }
0xd1: {  	s29 =	rddreg [dreg:$0x10];
	[sflag:s10] =	ssyncadd.s32 $0xFFFFF000  }
0xd2: {  	[spmem:s29] =	stream.linear.scatter [tilespmem:s9], [sflag:$0x3], $0x1000, $0x38;
	[tilespmem:$0x1F880] =	vst v63  }
0xd3: {  	_ =	swait.ge [sflag:s10], $0x1000  }
0xd4: {  	[sflag:s10] =	ssyncset.done $0x0  }
0xd5: {  	s30 =	rddreg [dreg:$0x11];
	[sflag:s10] =	ssyncadd.s32 $0xFFFFF000  }
0xd6: {  	[spmem:s30] =	stream.linear.scatter [tilespmem:s9], [sflag:$0x3], $0x1000, $0x38;
	[tilespmem:$0x1F880] =	vst v63  }
0xd7: {  	_ =	swait.ge [sflag:s10], $0x1000  }
0xd8: {  	[sflag:s10] =	ssyncset.done $0x0  }
0xd9: {  	s31 =	rddreg [dreg:$0x12];
	[sflag:s10] =	ssyncadd.s32 $0xFFFFF000  }
0xda: {  	[spmem:s31] =	stream.linear.scatter [tilespmem:s9], [sflag:$0x3], $0x1000, $0x38;
	[tilespmem:$0x1F880] =	vst v63  }
0xdb: {  	_ =	swait.ge [sflag:s10], $0x1000  }
0xdc: {  	[sflag:s10] =	ssyncset.done $0x0  }
0xdd: {  	s28 =	rddreg [dreg:$0x13];
	[sflag:s10] =	ssyncadd.s32 $0xFFFFF000  }
0xde: {  	[spmem:s28] =	stream.linear.scatter [tilespmem:s9], [sflag:$0x3], $0x1000, $0x38;
	[tilespmem:$0x1F880] =	vst v63  }
0xdf: {  	_ =	swait.ge [sflag:s10], $0x1000  }
0xe0: {  	[sflag:s10] =	ssyncset.done $0x0  }
0xe1: {  	s29 =	rddreg [dreg:$0x14];
	[sflag:s10] =	ssyncadd.s32 $0xFFFFF000  }
0xe2: {  	[spmem:s29] =	stream.linear.scatter [tilespmem:s9], [sflag:$0x3], $0x1000, $0x38;
	[tilespmem:$0x1F880] =	vst v63  }
0xe3: {  	_ =	swait.ge [sflag:s10], $0x1000  }
0xe4: {  	[sflag:s10] =	ssyncset.done $0x0  }
0xe5: {  	s30 =	rddreg [dreg:$0x15];
	[sflag:s10] =	ssyncadd.s32 $0xFFFFF000  }
0xe6: {  	[spmem:s30] =	stream.linear.scatter [tilespmem:s9], [sflag:$0x3], $0x1000, $0x38;
	[tilespmem:$0x1F880] =	vst v63  }
0xe7: {  	_ =	swait.ge [sflag:s10], $0x1000  }
0xe8: {  	[sflag:s10] =	ssyncset.done $0x0  }
0xe9: {  	s31 =	rddreg [dreg:$0x16];
	[sflag:s10] =	ssyncadd.s32 $0xFFFFF000  }
0xea: {  	[spmem:s31] =	stream.linear.scatter [tilespmem:s9], [sflag:$0x3], $0x1000, $0x38;
	[tilespmem:$0x1F880] =	vst v63  }
0xeb: {  	_ =	swait.ge [sflag:s10], $0x1000  }
0xec: {  	[sflag:s10] =	ssyncset.done $0x0  }
0xed: {  	[sflag:s10] =	ssyncadd.s32 $0xFFFFF000  }
.LBB2_6:
0xee: {  	[bflag:$0x0] =	sbarrier.arrive $0xFFFF;
	s26 =	simm.s32 $0x0  }
0xef: {  	[tilespmem:s26], [sflag:$0x3] =	stream.linear.gather [hbm4b:s17+s26], $0x1400, $0x38;
	[tilespmem:$0x1F880] =	vst v63  }
0xf0: {  	_ =	swait.ge [sflag:s10], $0x1400  }
0xf1: {  	[sflag:s10] =	ssyncset.done $0x0  }
0xf2: {  	[sflag:s10] =	ssyncadd.s32 $0xFFFFEC00  }
0xf3: {  	[tilespmem:s3], [sflag:$0x3] =	stream.linear.gather [hbm4b:s18+s26], $0x1400, $0x38;
	[tilespmem:$0x1F880] =	vst v63  }
0xf4: {  	_ =	swait.ge [sflag:s10], $0x1400  }
0xf5: {  	[sflag:s10] =	ssyncset.done $0x0  }
0xf6: {  	[sflag:s10] =	ssyncadd.s32 $0xFFFFEC00  }
0xf7: {  	[tilespmem:s12], [sflag:$0x1] =	stream.indirect.gather [hbm4b:s1+s11], $0x80, s26, s11, $0xb8;
	[tilespmem:$0x1F880] =	vst v63  }
0xf8: {  	s31 =	simm.s32 $0x80  }
0xf9: {  	[tilespmem:s13], [sflag:$0x2] =	stream.indirect.gather [hbm4b:s1+s11], $0x80, s31, s11, $0xb8;
	[tilespmem:$0x1F880] =	vst v63  }
0xfa: {  	_ =	swait.ge [sflag:s14], $0x4000  }
0xfb: {  	[sflag:s14] =	ssyncset.done $0x0  }
0xfc: {  	s29 =	simm.s32 $0x1400;
	[sflag:s14] =	ssyncadd.s32 $0xFFFFC000  }
0xfd: {  	[spmem:s2] =	stream.indirect.scatter.add.f32 [tilespmem:s12], [sflag:$0x3], $0x80, s29, s11, $0xb8;
	[tilespmem:$0x1F880] =	vst v63  }
0xfe: {  	_ =	swait.ge [sflag:s10], $0x4000  }
0xff: {  	[sflag:s10] =	ssyncset.done $0x0  }
0x100: {  	s30 =	simm.s32 $0x100;
	[sflag:s10] =	ssyncadd.s32 $0xFFFFC000  }
0x101: {  	[tilespmem:s12], [sflag:$0x1] =	stream.indirect.gather [hbm4b:s1+s11], $0x80, s30, s11, $0xb8;
	[tilespmem:$0x1F880] =	vst v63  }
0x102: {  	_ =	swait.ge [sflag:s15], $0x4000  }
0x103: {  	[sflag:s15] =	ssyncset.done $0x0  }
0x104: {  	s31 =	simm.s32 $0x1480;
	[sflag:s15] =	ssyncadd.s32 $0xFFFFC000  }
0x105: {  	[spmem:s2] =	stream.indirect.scatter.add.f32 [tilespmem:s13], [sflag:$0x3], $0x80, s31, s11, $0xb8;
	[tilespmem:$0x1F880] =	vst v63  }
0x106: {  	_ =	swait.ge [sflag:s10], $0x4000  }
0x107: {  	s28 =	simm.s32 $0x800;
	s26 =	simm.s32 $0x100;
	[sflag:s10] =	ssyncset.done $0x0  }
.LBB2_7:
0x108: {  	s29 =	sadd.s32 $0x80, s26  }
0x109: {  	[sflag:s10] =	ssyncadd.s32 $0xFFFFC000;
	s30 =	smov.u32 s28;
	s31 =	sadd.s32 $0x400, s28  }
0x10a: {  	[tilespmem:s13], [sflag:$0x2] =	stream.indirect.gather [hbm4b:s1+s11], $0x80, s29, s11, $0xb8;
	[tilespmem:$0x1F880] =	vst v63  }
0x10b: {  	p1 =	sne.s32 s28, $0x4800;
	_ =	swait.ge [sflag:s14], $0x4000  }
0x10c: {  	[sflag:s14] =	ssyncset.done $0x0  }
0x10d: {  	s28 =	sadd.s32 $0x1400, s26;
	[sflag:s14] =	ssyncadd.s32 $0xFFFFC000  }
0x10e: {  	[spmem:s2] =	stream.indirect.scatter.add.f32 [tilespmem:s12], [sflag:$0x3], $0x80, s28, s11, $0xb8;
	[tilespmem:$0x1F880] =	vst v63  }
0x10f: {  	_ =	swait.ge [sflag:s10], $0x4000  }
0x110: {  	[sflag:s10] =	ssyncset.done $0x0  }
0x111: {  	s28 =	sadd.s32 $0x100, s26;
	[sflag:s10] =	ssyncadd.s32 $0xFFFFC000  }
0x112: {  	[tilespmem:s12], [sflag:$0x1] =	stream.indirect.gather [hbm4b:s1+s11], $0x80, s28, s11, $0xb8;
	[tilespmem:$0x1F880] =	vst v63  }
0x113: {  	_ =	swait.ge [sflag:s15], $0x4000  }
.Ltmp3:
0x114: {  	[sflag:s15] =	ssyncset.done $0x0;
	(pc) =	sbr.rel @p1 .LBB2_7-.Ltmp3, $4  }
0x115: {  	s26 =	sadd.s32 $0x1480, s26;
	[sflag:s15] =	ssyncadd.s32 $0xFFFFC000  }
0x116: {  	[spmem:s2] =	stream.indirect.scatter.add.f32 [tilespmem:s13], [sflag:$0x3], $0x80, s26, s11, $0xb8;
	[tilespmem:$0x1F880] =	vst v63  }
0x117: {  	_ =	swait.ge [sflag:s10], $0x4000  }
0x118: {  	s28 =	smov.u32 s31;
	s26 =	sshra.s32 s30, $0x2;
	[sflag:s10] =	ssyncset.done $0x0  }
0x119: {  	s28 =	sadd.s32 $0x80, s26;
	[sflag:s10] =	ssyncadd.s32 $0xFFFFC000  }
0x11a: {  	[tilespmem:s13], [sflag:$0x2] =	stream.indirect.gather [hbm4b:s1+s11], $0x80, s28, s11, $0xb8;
	[tilespmem:$0x1F880] =	vst v63  }
0x11b: {  	_ =	swait.ge [sflag:s14], $0x4000  }
0x11c: {  	[sflag:s14] =	ssyncset.done $0x0  }
0x11d: {  	s28 =	sadd.s32 $0x1400, s26;
	[sflag:s14] =	ssyncadd.s32 $0xFFFFC000  }
0x11e: {  	[spmem:s2] =	stream.indirect.scatter.add.f32 [tilespmem:s12], [sflag:$0x3], $0x80, s28, s11, $0xb8;
	[tilespmem:$0x1F880] =	vst v63  }
0x11f: {  	_ =	swait.ge [sflag:s10], $0x4000  }
0x120: {  	[sflag:s10] =	ssyncset.done $0x0  }
0x121: {  	s28 =	sadd.s32 $0x100, s26;
	[sflag:s10] =	ssyncadd.s32 $0xFFFFC000  }
0x122: {  	[tilespmem:s12], [sflag:$0x1] =	stream.indirect.gather [hbm4b:s1+s11], $0x80, s28, s11, $0xb8;
	[tilespmem:$0x1F880] =	vst v63  }
0x123: {  	_ =	swait.ge [sflag:s15], $0x4000  }
0x124: {  	[sflag:s15] =	ssyncset.done $0x0  }
0x125: {  	s29 =	sadd.s32 $0x1480, s26;
	[sflag:s15] =	ssyncadd.s32 $0xFFFFC000  }
0x126: {  	[spmem:s2] =	stream.indirect.scatter.add.f32 [tilespmem:s13], [sflag:$0x3], $0x80, s29, s11, $0xb8;
	[tilespmem:$0x1F880] =	vst v63  }
0x127: {  	_ =	swait.ge [sflag:s10], $0x4000  }
0x128: {  	[sflag:s10] =	ssyncset.done $0x0  }
0x129: {  	[sflag:s10] =	ssyncadd.s32 $0xFFFFC000  }
0x12a: {  	[tilespmem:s13], [sflag:$0x2] =	stream.indirect.gather [hbm4b:s1+s11], $0x80, s16, s11, $0xb8;
	[tilespmem:$0x1F880] =	vst v63  }
0x12b: {  	_ =	swait.ge [sflag:s14], $0x4000  }
0x12c: {  	[sflag:s14] =	ssyncset.done $0x0  }
0x12d: {  	[sflag:s14] =	ssyncadd.s32 $0xFFFFC000  }
0x12e: {  	[spmem:s2] =	stream.indirect.scatter.add.f32 [tilespmem:s12], [sflag:$0x3], $0x80, s21, s11, $0xb8;
	[tilespmem:$0x1F880] =	vst v63  }
0x12f: {  	_ =	swait.ge [sflag:s10], $0x4000  }
0x130: {  	[sflag:s10] =	ssyncset.done $0x0  }
0x131: {  	[sflag:s10] =	ssyncadd.s32 $0xFFFFC000  }
0x132: {  	_ =	swait.ge [sflag:s15], $0x4000  }
0x133: {  	[sflag:s15] =	ssyncset.done $0x0  }
0x134: {  	[sflag:s15] =	ssyncadd.s32 $0xFFFFC000  }
0x135: {  	[spmem:s2] =	stream.indirect.scatter.add.f32 [tilespmem:s13], [sflag:$0x3], $0x80, s23, s11, $0xb8;
	[tilespmem:$0x1F880] =	vst v63  }
0x136: {  	_ =	swait.ge [sflag:s10], $0x4000  }
0x137: {  	[sflag:s10] =	ssyncset.done $0x0  }
0x138: {  	s30 =	simm.s32 $0x0;
	[sflag:s10] =	ssyncadd.s32 $0xFFFFC000  }
0x139: {  	[tilespmem:s30], [sflag:$0x3] =	stream.linear.gather [hbm4b:s19+s30], $0x1400, $0x38;
	[tilespmem:$0x1F880] =	vst v63  }
0x13a: {  	_ =	swait.ge [sflag:s10], $0x1400  }
0x13b: {  	[sflag:s10] =	ssyncset.done $0x0  }
0x13c: {  	[sflag:s10] =	ssyncadd.s32 $0xFFFFEC00  }
0x13d: {  	[tilespmem:s3], [sflag:$0x3] =	stream.linear.gather [hbm4b:s20+s30], $0x1400, $0x38;
	[tilespmem:$0x1F880] =	vst v63  }
0x13e: {  	_ =	swait.ge [sflag:s10], $0x1400  }
0x13f: {  	[sflag:s10] =	ssyncset.done $0x0  }
0x140: {  	[sflag:s10] =	ssyncadd.s32 $0xFFFFEC00  }
0x141: {  	[tilespmem:s12], [sflag:$0x1] =	stream.indirect.gather [hbm4b:s1+s11], $0x80, s30, s11, $0xb8;
	[tilespmem:$0x1F880] =	vst v63  }
0x142: {  	s31 =	simm.s32 $0x80  }
0x143: {  	[tilespmem:s13], [sflag:$0x2] =	stream.indirect.gather [hbm4b:s1+s11], $0x80, s31, s11, $0xb8;
	[tilespmem:$0x1F880] =	vst v63  }
0x144: {  	_ =	swait.ge [sflag:s14], $0x4000  }
0x145: {  	[sflag:s14] =	ssyncset.done $0x0  }
0x146: {  	s29 =	simm.s32 $0x1400;
	[sflag:s14] =	ssyncadd.s32 $0xFFFFC000  }
0x147: {  	[spmem:s2] =	stream.indirect.scatter.add.f32 [tilespmem:s12], [sflag:$0x3], $0x80, s29, s11, $0xb8;
	[tilespmem:$0x1F880] =	vst v63  }
0x148: {  	_ =	swait.ge [sflag:s10], $0x4000  }
0x149: {  	[sflag:s10] =	ssyncset.done $0x0  }
0x14a: {  	s30 =	simm.s32 $0x100;
	[sflag:s10] =	ssyncadd.s32 $0xFFFFC000  }
0x14b: {  	[tilespmem:s12], [sflag:$0x1] =	stream.indirect.gather [hbm4b:s1+s11], $0x80, s30, s11, $0xb8;
	[tilespmem:$0x1F880] =	vst v63  }
0x14c: {  	_ =	swait.ge [sflag:s15], $0x4000  }
0x14d: {  	[sflag:s15] =	ssyncset.done $0x0  }
0x14e: {  	s31 =	simm.s32 $0x1480;
	[sflag:s15] =	ssyncadd.s32 $0xFFFFC000  }
0x14f: {  	[spmem:s2] =	stream.indirect.scatter.add.f32 [tilespmem:s13], [sflag:$0x3], $0x80, s31, s11, $0xb8;
	[tilespmem:$0x1F880] =	vst v63  }
0x150: {  	_ =	swait.ge [sflag:s10], $0x4000  }
0x151: {  	s26 =	simm.s32 $0x100;
	s28 =	simm.s32 $0x800;
	[sflag:s10] =	ssyncset.done $0x0  }
.LBB2_9:
0x152: {  	s29 =	sadd.s32 $0x80, s26  }
0x153: {  	[sflag:s10] =	ssyncadd.s32 $0xFFFFC000;
	s30 =	smov.u32 s28;
	s31 =	sadd.s32 $0x400, s28  }
0x154: {  	[tilespmem:s13], [sflag:$0x2] =	stream.indirect.gather [hbm4b:s1+s11], $0x80, s29, s11, $0xb8;
	[tilespmem:$0x1F880] =	vst v63  }
0x155: {  	p1 =	sne.s32 s28, $0x4800;
	_ =	swait.ge [sflag:s14], $0x4000  }
0x156: {  	[sflag:s14] =	ssyncset.done $0x0  }
0x157: {  	s28 =	sadd.s32 $0x1400, s26;
	[sflag:s14] =	ssyncadd.s32 $0xFFFFC000  }
0x158: {  	[spmem:s2] =	stream.indirect.scatter.add.f32 [tilespmem:s12], [sflag:$0x3], $0x80, s28, s11, $0xb8;
	[tilespmem:$0x1F880] =	vst v63  }
0x159: {  	_ =	swait.ge [sflag:s10], $0x4000  }
0x15a: {  	[sflag:s10] =	ssyncset.done $0x0  }
0x15b: {  	s28 =	sadd.s32 $0x100, s26;
	[sflag:s10] =	ssyncadd.s32 $0xFFFFC000  }
0x15c: {  	[tilespmem:s12], [sflag:$0x1] =	stream.indirect.gather [hbm4b:s1+s11], $0x80, s28, s11, $0xb8;
	[tilespmem:$0x1F880] =	vst v63  }
0x15d: {  	_ =	swait.ge [sflag:s15], $0x4000  }
.Ltmp4:
0x15e: {  	[sflag:s15] =	ssyncset.done $0x0;
	(pc) =	sbr.rel @p1 .LBB2_9-.Ltmp4, $4  }
0x15f: {  	s26 =	sadd.s32 $0x1480, s26;
	[sflag:s15] =	ssyncadd.s32 $0xFFFFC000  }
0x160: {  	[spmem:s2] =	stream.indirect.scatter.add.f32 [tilespmem:s13], [sflag:$0x3], $0x80, s26, s11, $0xb8;
	[tilespmem:$0x1F880] =	vst v63  }
0x161: {  	_ =	swait.ge [sflag:s10], $0x4000  }
0x162: {  	s28 =	smov.u32 s31;
	s26 =	sshra.s32 s30, $0x2;
	[sflag:s10] =	ssyncset.done $0x0  }
0x163: {  	s28 =	sadd.s32 $0x80, s26;
	[sflag:s10] =	ssyncadd.s32 $0xFFFFC000  }
0x164: {  	[tilespmem:s13], [sflag:$0x2] =	stream.indirect.gather [hbm4b:s1+s11], $0x80, s28, s11, $0xb8;
	[tilespmem:$0x1F880] =	vst v63  }
0x165: {  	_ =	swait.ge [sflag:s14], $0x4000  }
0x166: {  	[sflag:s14] =	ssyncset.done $0x0  }
0x167: {  	s29 =	sadd.s32 $0x1400, s26;
	[sflag:s14] =	ssyncadd.s32 $0xFFFFC000  }
0x168: {  	[spmem:s2] =	stream.indirect.scatter.add.f32 [tilespmem:s12], [sflag:$0x3], $0x80, s29, s11, $0xb8;
	[tilespmem:$0x1F880] =	vst v63  }
0x169: {  	_ =	swait.ge [sflag:s10], $0x4000  }
0x16a: {  	[sflag:s10] =	ssyncset.done $0x0  }
0x16b: {  	s30 =	sadd.s32 $0x100, s26;
	[sflag:s10] =	ssyncadd.s32 $0xFFFFC000  }
0x16c: {  	[tilespmem:s12], [sflag:$0x1] =	stream.indirect.gather [hbm4b:s1+s11], $0x80, s30, s11, $0xb8;
	[tilespmem:$0x1F880] =	vst v63  }
0x16d: {  	_ =	swait.ge [sflag:s15], $0x4000  }
0x16e: {  	[sflag:s15] =	ssyncset.done $0x0  }
0x16f: {  	s31 =	sadd.s32 $0x1480, s26;
	[sflag:s15] =	ssyncadd.s32 $0xFFFFC000  }
0x170: {  	[spmem:s2] =	stream.indirect.scatter.add.f32 [tilespmem:s13], [sflag:$0x3], $0x80, s31, s11, $0xb8;
	[tilespmem:$0x1F880] =	vst v63  }
0x171: {  	_ =	swait.ge [sflag:s10], $0x4000  }
0x172: {  	[sflag:s10] =	ssyncset.done $0x0  }
0x173: {  	[sflag:s10] =	ssyncadd.s32 $0xFFFFC000  }
0x174: {  	[tilespmem:s13], [sflag:$0x2] =	stream.indirect.gather [hbm4b:s1+s11], $0x80, s16, s11, $0xb8;
	[tilespmem:$0x1F880] =	vst v63  }
0x175: {  	_ =	swait.ge [sflag:s14], $0x4000  }
0x176: {  	[sflag:s14] =	ssyncset.done $0x0  }
0x177: {  	[sflag:s14] =	ssyncadd.s32 $0xFFFFC000  }
0x178: {  	[spmem:s2] =	stream.indirect.scatter.add.f32 [tilespmem:s12], [sflag:$0x3], $0x80, s21, s11, $0xb8;
	[tilespmem:$0x1F880] =	vst v63  }
0x179: {  	_ =	swait.ge [sflag:s10], $0x4000  }
0x17a: {  	[sflag:s10] =	ssyncset.done $0x0  }
0x17b: {  	[sflag:s10] =	ssyncadd.s32 $0xFFFFC000  }
0x17c: {  	_ =	swait.ge [sflag:s15], $0x4000  }
0x17d: {  	[sflag:s15] =	ssyncset.done $0x0  }
0x17e: {  	[sflag:s15] =	ssyncadd.s32 $0xFFFFC000  }
0x17f: {  	[spmem:s2] =	stream.indirect.scatter.add.f32 [tilespmem:s13], [sflag:$0x3], $0x80, s23, s11, $0xb8;
	[tilespmem:$0x1F880] =	vst v63  }
0x180: {  	_ =	swait.ge [sflag:s10], $0x4000  }
0x181: {  	[sflag:s10] =	ssyncset.done $0x0  }
0x182: {  	[sflag:s10] =	ssyncadd.s32 $0xFFFFC000  }
0x183: {  	s26 =	sshrl.u32 @p0 s6, $0x3;
	s28 =	simm.s32 @p0 $0x1FC3;
	[bflag:$0x0] =	sbarrier.arrive $0xFFFF  }
0x184: {  	[hbm:s24], [sflag:s28] =	dma.local @p0 [spmem:s26], $0x1900  }
0x185: {  	s26 =	simm.s32 @p0 $0x3  }
0x186: {  	s4 =	sadd.s32 $0x1, s4;
	s28 =	stileid.u32;
	_ =	swait.ge @p0 [sflag:s26], $0x1900  }
0x187: {  	p1 =	sne.s32 s4, s25;
	s28 =	sshll.u32 @!p0 s28, $0x6;
	[sflag:s26] =	ssyncset.done @p0 $0x0  }
0x188: {  	[sflag:s26] =	ssyncadd.s32 @p0 $0xFFFFE700;
	s26 =	sor.u32 @!p0 $0x1C03, s28;
	s28 =	sshrl.u32 @!p0 s5, $0x3  }
0x189: {  	[hbm:s22], [sflag:s26] =	dma.local @!p0 [spmem:s28], $0x2800  }
.Ltmp5:
0x18a: {  	_ = 	snop;
	(pc) =	sbr.rel @p1 .LBB2_1-.Ltmp5, $4  }
0x18b: {  	s26 =	simm.s32 @!p0 $0x3  }
0x18c: {  	_ =	swait.ge @!p0 [sflag:s26], $0x2800  }
0x18d: {  	[sflag:s26] =	ssyncset.done @!p0 $0x0  }
0x18e: {  	[sflag:s26] =	ssyncadd.s32 @!p0 $0xFFFFD800  }
0x18f: {  	_ =	sfence.sel $0x180000  }
0x190: {  	[bflag:$0x0] =	sbarrier.arrive $0xFFFF  }
0x191: {  	_ =	strace $0x9000004A  }
0x192: {  	s0 =	stileid.u32;
	[bflag:$0x2] =	sbarrier.arrive $0xFFFF  }
0x193: {  	p0 =	sne.s32 s0, $0x0;
	s0 =	rddreg [dreg:$0x3]  }
0x194: {  	s0 =	sadd.s32 @!p0 $0x100000, s0  }
0x195: {  	[sflag:s0] =	ssyncadd.tile.s32 @!p0 $0x1;
	_ =	shalt  }
.Lfunc_end2:
_tile_overlayer_lowered:
.L_overlay_start_2:
0x196: {  	(tag) =	ssettag $0x2  }
0x197: {  	s0 =	rddreg [dreg:$0x0];
	s2 =	stileid.u32  }
0x198: {  	s1 =	rddreg [dreg:$0x1];
	p0 =	sne.s32 s2, $0x0  }
0x199: {  	s3 =	rddreg [dreg:$0x2];
	[bflag:$0x3] =	sbarrier.arrive $0xFFFF;
	s2 =	simm.s32 @!p0 $0x1C03  }
0x19a: {  	[timem:s3], [sflag:s2] =	dma.local @!p0 [hbm:s0], s1  }
0x19b: {  	s0 =	simm.s32 @!p0 $0x3  }
0x19c: {  	_ =	swait.ge @!p0 [sflag:s0], s1  }
0x19d: {  	s1 =	ssub.s32 @!p0 $0x0, s1;
	[sflag:s0] =	ssyncset.done @!p0 $0x0  }
0x19e: {  	[sflag:s0] =	ssyncadd.s32 @!p0 s1  }
0x19f: {  	[bflag:$0x3] =	sbarrier.arrive $0xFFFF  }
0x1a0: {  	_ =	shalt  }

</sc_bundles>
